<compile_context>
chip_gen: v7x
topology: tpu7x:2x2x1
jax: 0.10.2.dev20260603
libtpu: 0.0.44.dev20260713+nightly
codegen_flags: <defaults>
</compile_context>

<pallas_src>
import functools

import jax
import jax.numpy as jnp
from jax import lax
from jax.experimental import pallas as pl
from jax.experimental.pallas import tpu as pltpu
from jax.experimental.pallas import tpu_sc as plsc

NNODES = 10000
NEDGES = 320000
DIN = 128
DHID = 16
NCLS = 64

NC, NS = 2, 16
NW = NC * NS
RPAD = 10240
EROWS = 2560
NREAL = NEDGES // 128
WROWS = EROWS // NW
WIN = 4
NWIN = WROWS // WIN
NBUF = 4
SLC = RPAD // NS

import numpy as _np
_pi = _np.arange((EROWS - NREAL) * 128, dtype=_np.int32)
_EPAD_CONST = _np.stack([
    (_pi * 37) % NNODES,
    NNODES + _pi % (RPAD - NNODES),
]).reshape(2, EROWS - NREAL, 128)

_BLK = 512
_GRID = RPAD // _BLK


def _hist_body(edges, deg_out, idx_v, ones_v, zer_v, acc_sh, sem):
    cid = lax.axis_index("c")
    sid = lax.axis_index("s")
    wid = sid * NC + cid

    @pl.loop(0, 8)
    def _(i):
        ones_v[pl.ds(i * 16, 16)] = jnp.ones((16,), jnp.float32)

    @pl.loop(0, SLC // 16)
    def _(i):
        zer_v[pl.ds(i * 16, 16)] = jnp.zeros((16,), jnp.float32)

    pltpu.sync_copy(edges.at[1, pl.ds(wid * WROWS, WROWS)], idx_v)
    pltpu.sync_copy(zer_v, acc_sh.at[pl.ds(sid * SLC, SLC)])
    plsc.subcore_barrier()

    @pl.loop(0, WROWS // 8)
    def _(t):
        for j in range(8):
            pltpu.async_copy(ones_v, acc_sh.at[idx_v.at[t * 8 + j]], sem,
                             add=True)

    pltpu.make_async_copy(edges.at[1, pl.ds(0, WROWS)], idx_v, sem).wait()
    plsc.subcore_barrier()
    pltpu.sync_copy(acc_sh.at[pl.ds(sid * SLC, SLC)],
                    deg_out.at[cid, pl.ds(sid * SLC, SLC)])


@functools.lru_cache(maxsize=None)
def _hist_call():
    mesh = plsc.VectorSubcoreMesh(core_axis_name="c", subcore_axis_name="s",
                                  num_cores=NC, num_subcores=NS)
    return pl.kernel(
        _hist_body,
        out_type=jax.ShapeDtypeStruct((NC, RPAD), jnp.float32),
        mesh=mesh,
        scratch_types=[
            pltpu.VMEM((WROWS, 128), jnp.int32),
            pltpu.VMEM((128,), jnp.float32),
            pltpu.VMEM((SLC,), jnp.float32),
            pltpu.VMEM_SHARED((RPAD,), jnp.float32),
            pltpu.SemaphoreType.DMA,
        ],
    )


def _agg_body(edges, table, part_out,
              sidx_v, didx_v, rows_v, zer_v, table_sh, acc_sh,
              gsem0, gsem1, gsem2, gsem3, ssem):
    cid = lax.axis_index("c")
    sid = lax.axis_index("s")
    wid = sid * NC + cid
    wedge = WIN * 128
    gsems = [gsem0, gsem1, gsem2, gsem3]

    @pl.loop(0, SLC)
    def _(i):
        zer_v[i, :] = jnp.zeros((DHID,), jnp.float32)

    pltpu.sync_copy(zer_v, acc_sh.at[pl.ds(sid * SLC, SLC)])
    pltpu.sync_copy(table.at[pl.ds(sid * SLC, SLC)],
                    table_sh.at[pl.ds(sid * SLC, SLC)])
    pltpu.sync_copy(edges.at[0, pl.ds(wid * WROWS, WROWS)], sidx_v)
    pltpu.sync_copy(edges.at[1, pl.ds(wid * WROWS, WROWS)], didx_v)
    plsc.subcore_barrier()

    def fire_gathers(w, b):
        for j in range(WIN):
            pltpu.async_copy(table_sh.at[sidx_v.at[w * WIN + j]],
                             rows_v.at[b, pl.ds(j * 128, 128)], gsems[b])

    def drain(sem):
        pltpu.make_async_copy(part_out.at[0, pl.ds(0, wedge)],
                              rows_v.at[0], sem).wait()

    fire_gathers(0, 0)
    fire_gathers(1, 1)
    fire_gathers(2, 2)

    @pl.loop(0, NWIN // NBUF)
    def _(t):
        for k in range(NBUF):
            w = NBUF * t + k
            drain(gsems[k])
            for j in range(WIN):
                pltpu.async_copy(rows_v.at[k, pl.ds(j * 128, 128)],
                                 acc_sh.at[didx_v.at[w * WIN + j]], ssem,
                                 add=True)

            @pl.when(w >= 1)
            def _():
                drain(ssem)

            @pl.when(w + 3 <= NWIN - 1)
            def _():
                fire_gathers(w + 3, (k + 3) % NBUF)

    drain(ssem)
    plsc.subcore_barrier()
    pltpu.sync_copy(acc_sh.at[pl.ds(sid * SLC, SLC)],
                    part_out.at[cid, pl.ds(sid * SLC, SLC)])


@functools.lru_cache(maxsize=None)
def _agg_call():
    mesh = plsc.VectorSubcoreMesh(core_axis_name="c", subcore_axis_name="s",
                                  num_cores=NC, num_subcores=NS)
    return pl.kernel(
        _agg_body,
        out_type=jax.ShapeDtypeStruct((NC, RPAD, DHID), jnp.float32),
        mesh=mesh,
        compiler_params=pltpu.CompilerParams(use_tc_tiling_on_sc=False),
        scratch_types=[
            pltpu.VMEM((WROWS, 128), jnp.int32),
            pltpu.VMEM((WROWS, 128), jnp.int32),
            pltpu.VMEM((NBUF, WIN * 128, DHID), jnp.float32),
            pltpu.VMEM((SLC, DHID), jnp.float32),
            pltpu.VMEM_SHARED((RPAD, DHID), jnp.float32),
            pltpu.VMEM_SHARED((RPAD, DHID), jnp.float32),
            pltpu.SemaphoreType.DMA,
            pltpu.SemaphoreType.DMA,
            pltpu.SemaphoreType.DMA,
            pltpu.SemaphoreType.DMA,
            pltpu.SemaphoreType.DMA,
        ],
    )


def _tc1_body(deg_ref, x_ref, w1_ref, hp_ref, dis_ref):
    d = deg_ref[...]
    dis = lax.rsqrt(d[0:1, :] + d[1:2, :] + 1.0)
    dis = dis.reshape(RPAD, 1)
    m = jnp.dot(x_ref[...], w1_ref[...],
                preferred_element_type=jnp.float32)
    hp_ref[...] = m * dis
    dis_ref[...] = dis


def _tc2_body(p1a_ref, p1b_ref, hp_ref, dis_ref, b1_ref, g_ref):
    hp = hp_ref[...]
    agg = p1a_ref[0] + p1b_ref[0] + hp
    dis = dis_ref[...]
    pre = agg * dis + b1_ref[...]
    g_ref[...] = jnp.maximum(pre, 0.0) * dis


def _tc3_body(p2a_ref, p2b_ref, g_ref, dis_ref, w2_ref, b2_ref, out_ref):
    g = g_ref[...]
    dis = dis_ref[...]
    agg = (p2a_ref[0] + p2b_ref[0] + g) * dis
    z = jnp.dot(agg, w2_ref[...],
                preferred_element_type=jnp.float32) + b2_ref[...]
    m = jnp.max(z, axis=1, keepdims=True)
    lse = m + jnp.log(jnp.sum(jnp.exp(z - m), axis=1, keepdims=True))
    out_ref[...] = z - lse


def _row_spec(shape):
    return pl.BlockSpec((RPAD,) + shape, lambda i: (0,) + (0,) * len(shape))


def _part_spec(core):
    return pl.BlockSpec((1, RPAD, DHID), lambda i, c=core: (c, 0, 0))


def _full_spec(shape):
    return pl.BlockSpec(shape, lambda i: (0,) * len(shape))


_deg_spec = _full_spec((2, RPAD))

_tc1_call = pl.pallas_call(
    _tc1_body,
    grid=(1,),
    in_specs=[_deg_spec, _row_spec((DIN,)), _full_spec((DIN, DHID))],
    out_specs=[_row_spec((DHID,)), _row_spec((1,))],
    out_shape=[
        jax.ShapeDtypeStruct((RPAD, DHID), jnp.float32),
        jax.ShapeDtypeStruct((RPAD, 1), jnp.float32),
    ],
)

_tc2_call = pl.pallas_call(
    _tc2_body,
    grid=(1,),
    in_specs=[_part_spec(0), _part_spec(1), _row_spec((DHID,)),
              _row_spec((1,)), _full_spec((1, DHID))],
    out_specs=[_row_spec((DHID,))],
    out_shape=[jax.ShapeDtypeStruct((RPAD, DHID), jnp.float32)],
)

_tc3_call = pl.pallas_call(
    _tc3_body,
    grid=(1,),
    in_specs=[_part_spec(0), _part_spec(1), _row_spec((DHID,)),
              _row_spec((1,)), _full_spec((DHID, NCLS)), _full_spec((1, NCLS))],
    out_specs=[_row_spec((NCLS,))],
    out_shape=[jax.ShapeDtypeStruct((RPAD, NCLS), jnp.float32)],
)


def kernel(x, edge_index, W1, b1, W2, b2):
    edges = jnp.concatenate(
        [edge_index.astype(jnp.int32).reshape(2, NREAL, 128),
         jnp.asarray(_EPAD_CONST)], axis=1)

    deg = _hist_call()(edges)
    hp, dis = _tc1_call(deg, x, W1)
    p1 = _agg_call()(edges, hp)
    (g,) = _tc2_call(p1, p1, hp, dis, b1.reshape(1, DHID))
    p2 = _agg_call()(edges, g)
    (out,) = _tc3_call(p2, p2, g, dis, W2, b2.reshape(1, NCLS))
    return out[:NNODES]

# --- scband reference (transcript-rebuilt; emitter-appended) ---
"""Pipeline reference for scband-gcn-25159918420108 (READ-ONLY COPY).

The authoritative reference and input builder live on the scoring server;
editing this copy changes nothing except your own understanding.
"""

import jax, jax.numpy as jnp
import numpy as np

N_NODES = 10000
N_EDGES = 320000
D_IN = 128
D_HID = 16
N_CLASSES = 64


def setup_inputs(seed: int = 0) -> dict:
    key = jax.random.key(seed)
    k1, k2, k3, k4, k5, k6 = jax.random.split(key, 6)
    x = jax.random.normal(k1, (N_NODES, D_IN), dtype=jnp.float32)
    edge_index = jax.random.randint(k2, (2, N_EDGES), 0, N_NODES, dtype=jnp.int64)
    # glorot-style init for GCNConv weights, zeros bias (PyG default)
    s1 = float(np.sqrt(6.0 / (D_IN + D_HID)))
    W1 = jax.random.uniform(k3, (D_IN, D_HID), dtype=jnp.float32, minval=-s1, maxval=s1)
    b1 = jnp.zeros((D_HID,), dtype=jnp.float32)
    s2 = float(np.sqrt(6.0 / (D_HID + N_CLASSES)))
    W2 = jax.random.uniform(k4, (D_HID, N_CLASSES), dtype=jnp.float32, minval=-s2, maxval=s2)
    b2 = jnp.zeros((N_CLASSES,), dtype=jnp.float32)
    return {"x": x, "edge_index": edge_index, "W1": W1, "b1": b1, "W2": W2, "b2": b2}


def gcn_conv(x, edge_index, W, b, num_nodes):
    # x' = D^{-1/2} (A + I) D^{-1/2} X W + b  (PyG GCNConv with add_self_loops)
    h = x @ W
    src = edge_index[0]
    dst = edge_index[1]
    loop = jnp.arange(num_nodes, dtype=src.dtype)
    src = jnp.concatenate([src, loop])
    dst = jnp.concatenate([dst, loop])
    ones = jnp.ones(src.shape[0], dtype=h.dtype)
    deg = jnp.zeros((num_nodes,), dtype=h.dtype).at[dst].add(ones)
    deg_inv_sqrt = jnp.where(deg > 0, jax.lax.rsqrt(deg), 0.0)
    norm = deg_inv_sqrt[src] * deg_inv_sqrt[dst]
    msg = h[src] * norm[:, None]
    out = jax.ops.segment_sum(msg, dst, num_segments=num_nodes)
    return out + b


def reference(x, edge_index, W1, b1, W2, b2):
    h = gcn_conv(x, edge_index, W1, b1, N_NODES)
    h = jax.nn.relu(h)
    # F.dropout(training=self.training): identity in eval mode
    h = gcn_conv(h, edge_index, W2, b2, N_NODES)
    return jax.nn.log_softmax(h, axis=1)

if __name__ == "__main__":
    import jax
    _d = setup_inputs()
    print(jax.jit(kernel)(*tuple(_d.values())))

</pallas_src>

<mosaic_0001>
#map = affine_map<(d0, d1) -> (0, 0, 0)>
#map1 = affine_map<(d0, d1) -> (0, 0)>
module attributes {stable_mosaic.version = 14 : i64} {
  func.func @_agg_body(%arg0: i32, %arg1: i32, %arg2: memref<2x2560x128xi32, #tpu.memory_space<hbm>>, %arg3: memref<10240x16xf32, #tpu.memory_space<hbm>>, %arg4: memref<2x10240x16xf32, #tpu.memory_space<hbm>>, %arg5: memref<80x128xi32, #tpu.memory_space<vmem>>, %arg6: memref<80x128xi32, #tpu.memory_space<vmem>>, %arg7: memref<4x512x16xf32, #tpu.memory_space<vmem>>, %arg8: memref<640x16xf32, #tpu.memory_space<vmem>>, %arg9: memref<10240x16xf32, #tpu.memory_space<vmem_shared>>, %arg10: memref<10240x16xf32, #tpu.memory_space<vmem_shared>>, %arg11: memref<!tpu.dma_semaphore, #tpu.memory_space<semaphore_mem>>, %arg12: memref<!tpu.dma_semaphore, #tpu.memory_space<semaphore_mem>>, %arg13: memref<!tpu.dma_semaphore, #tpu.memory_space<semaphore_mem>>, %arg14: memref<!tpu.dma_semaphore, #tpu.memory_space<semaphore_mem>>, %arg15: memref<!tpu.dma_semaphore, #tpu.memory_space<semaphore_mem>>) attributes {dimension_semantics = [#tpu.dimension_semantics<core_parallel>, #tpu.dimension_semantics<subcore_parallel>], iteration_bounds = array<i64: 2, 16>, scalar_prefetch = 0 : i64, scratch_operands = 11 : i64, tpu.core_type = #tpu.core_type<sc_vector_subcore>, window_params = [{transform_indices = #map}, {transform_indices = #map1}, {transform_indices = #map}]} {
    %mul3A = arith.constant 2 : i32
    %mul3A_0 = arith.muli %arg1, %mul3A : i32
    %add3A = arith.addi %mul3A_0, %arg0 : i32
    %scan3A = arith.constant 0 : i32
    %scan3A_1 = arith.constant 640 : i32
    %scan3A_2 = arith.addi %scan3A, %scan3A_1 : i32
    %scan3A_3 = arith.constant 1 : i32
    scf.for %scan3A_186 = %scan3A to %scan3A_2 step %scan3A_3  : i32 {
      %mul3A_187 = arith.constant 1 : i32
      %mul3A_188 = arith.muli %scan3A_186, %mul3A_187 : i32
      %add3A_189 = arith.constant 0 : i32
      %add3A_190 = arith.addi %add3A_189, %mul3A_188 : i32
      %broadcast_in_dim3A = arith.constant 0.000000e+00 : f32
      %broadcast_in_dim3A_191 = vector.broadcast %broadcast_in_dim3A : f32 to vector<16xf32>
      %swap3A = arith.index_cast %add3A_190 : i32 to index
      %swap3A_192 = arith.constant 0 : index
      %swap3A_193 = tpu.vector_load %arg8[%swap3A, %swap3A_192] {strides = array<i32>} : memref<640x16xf32, #tpu.memory_space<vmem>>, vector<1x16xf32>,
      %swap3A_194 = vector.shape_cast %swap3A_193 : vector<1x16xf32> to vector<16xf32>
      %swap3A_195 = vector.shape_cast %broadcast_in_dim3A_191 : vector<16xf32> to vector<1x16xf32>
      tpu.vector_store %arg8[%swap3A, %swap3A_192], %swap3A_195 {strides = array<i32>} : memref<640x16xf32, #tpu.memory_space<vmem>>, vector<1x16xf32>,
    }
    %scan3A_4 = arith.constant 640 : i32
    %mul3A_5 = arith.constant 640 : i32
    %mul3A_6 = arith.muli %arg1, %mul3A_5 : i32
    "tpu.region"() ({
      %run_scoped3A_186 = tpu.sem_alloc : memref<!tpu.dma_semaphore, #tpu.memory_space<semaphore_mem>>
      %dma_start3A_187 = arith.constant 0 : i32
      %dma_start3A_188 = tpu.memref_slice %arg10[%mul3A_6, %dma_start3A_187] : memref<10240x16xf32, #tpu.memory_space<vmem_shared>> -> memref<640x16xf32, #tpu.memory_space<vmem_shared>>
      %dma_start3A_189 = arith.constant 0 : i32
      %dma_start3A_190 = tpu.memref_slice %arg10[%mul3A_6, %dma_start3A_189] : memref<10240x16xf32, #tpu.memory_space<vmem_shared>> -> memref<640x16xf32, #tpu.memory_space<vmem_shared>>
      tpu.enqueue_dma source(%arg8 : memref<640x16xf32, #tpu.memory_space<vmem>>) target(%dma_start3A_190 : memref<640x16xf32, #tpu.memory_space<vmem_shared>>) target_semaphore(%run_scoped3A_186 : memref<!tpu.dma_semaphore, #tpu.memory_space<semaphore_mem>>)
      %dma_wait3A_191 = arith.constant 0 : i32
      %dma_wait3A_192 = tpu.memref_slice %arg10[%mul3A_6, %dma_wait3A_191] : memref<10240x16xf32, #tpu.memory_space<vmem_shared>> -> memref<640x16xf32, #tpu.memory_space<vmem_shared>>
      %dma_wait3A_193 = arith.constant 0 : i32
      %dma_wait3A_194 = tpu.memref_slice %arg10[%mul3A_6, %dma_wait3A_193] : memref<10240x16xf32, #tpu.memory_space<vmem_shared>> -> memref<640x16xf32, #tpu.memory_space<vmem_shared>>
      tpu.wait_dma2 semaphore(%run_scoped3A_186 : memref<!tpu.dma_semaphore, #tpu.memory_space<semaphore_mem>>) src(%arg8 : memref<640x16xf32, #tpu.memory_space<vmem>>) dst(%dma_wait3A_194 : memref<640x16xf32, #tpu.memory_space<vmem_shared>>)
      tpu.yield
    }) : () -> ()
    %mul3A_7 = arith.constant 640 : i32
    %mul3A_8 = arith.muli %arg1, %mul3A_7 : i32
    %mul3A_9 = arith.constant 640 : i32
    %mul3A_10 = arith.muli %arg1, %mul3A_9 : i32
    "tpu.region"() ({
      %run_scoped3A_186 = tpu.sem_alloc : memref<!tpu.dma_semaphore, #tpu.memory_space<semaphore_mem>>
      %dma_start3A_187 = arith.constant 0 : i32
      %dma_start3A_188 = tpu.memref_slice %arg9[%mul3A_10, %dma_start3A_187] : memref<10240x16xf32, #tpu.memory_space<vmem_shared>> -> memref<640x16xf32, #tpu.memory_space<vmem_shared>>
      %dma_start3A_189 = arith.constant 0 : i32
      %dma_start3A_190 = tpu.memref_slice %arg3[%mul3A_8, %dma_start3A_189] : memref<10240x16xf32, #tpu.memory_space<hbm>> -> memref<640x16xf32, #tpu.memory_space<hbm>>
      tpu.enqueue_dma source(%dma_start3A_190 : memref<640x16xf32, #tpu.memory_space<hbm>>) target(%dma_start3A_188 : memref<640x16xf32, #tpu.memory_space<vmem_shared>>) target_semaphore(%run_scoped3A_186 : memref<!tpu.dma_semaphore, #tpu.memory_space<semaphore_mem>>)
      %dma_wait3A_191 = arith.constant 0 : i32
      %dma_wait3A_192 = tpu.memref_slice %arg9[%mul3A_10, %dma_wait3A_191] : memref<10240x16xf32, #tpu.memory_space<vmem_shared>> -> memref<640x16xf32, #tpu.memory_space<vmem_shared>>
      %dma_wait3A_193 = arith.constant 0 : i32
      %dma_wait3A_194 = tpu.memref_slice %arg3[%mul3A_8, %dma_wait3A_193] : memref<10240x16xf32, #tpu.memory_space<hbm>> -> memref<640x16xf32, #tpu.memory_space<hbm>>
      tpu.wait_dma2 semaphore(%run_scoped3A_186 : memref<!tpu.dma_semaphore, #tpu.memory_space<semaphore_mem>>) src(%dma_wait3A_194 : memref<640x16xf32, #tpu.memory_space<hbm>>) dst(%dma_wait3A_192 : memref<640x16xf32, #tpu.memory_space<vmem_shared>>)
      tpu.yield
    }) : () -> ()
    %mul3A_11 = arith.constant 80 : i32
    %mul3A_12 = arith.muli %add3A, %mul3A_11 : i32
    %run_scoped3A = arith.constant 0 : i32
    "tpu.region"() ({
      %run_scoped3A_186 = tpu.sem_alloc : memref<!tpu.dma_semaphore, #tpu.memory_space<semaphore_mem>>
      %dma_start3A_187 = arith.constant 0 : i32
      %dma_start3A_188 = tpu.memref_slice %arg2[%run_scoped3A, %mul3A_12, %dma_start3A_187] : memref<2x2560x128xi32, #tpu.memory_space<hbm>> -> memref<1x80x128xi32, #tpu.memory_space<hbm>>
      %dma_start3A_189 = tpu.memref_squeeze %dma_start3A_188 : memref<1x80x128xi32, #tpu.memory_space<hbm>> -> memref<80x128xi32, #tpu.memory_space<hbm>>
      %dma_start3A_190 = arith.constant 0 : i32
      %dma_start3A_191 = tpu.memref_slice %arg2[%run_scoped3A, %mul3A_12, %dma_start3A_190] : memref<2x2560x128xi32, #tpu.memory_space<hbm>> -> memref<1x80x128xi32, #tpu.memory_space<hbm>>
      %dma_start3A_192 = tpu.memref_squeeze %dma_start3A_191 : memref<1x80x128xi32, #tpu.memory_space<hbm>> -> memref<80x128xi32, #tpu.memory_space<hbm>>
      tpu.enqueue_dma source(%dma_start3A_192 : memref<80x128xi32, #tpu.memory_space<hbm>>) target(%arg5 : memref<80x128xi32, #tpu.memory_space<vmem>>) target_semaphore(%run_scoped3A_186 : memref<!tpu.dma_semaphore, #tpu.memory_space<semaphore_mem>>)
      %dma_wait3A_193 = arith.constant 0 : i32
      %dma_wait3A_194 = tpu.memref_slice %arg2[%run_scoped3A, %mul3A_12, %dma_wait3A_193] : memref<2x2560x128xi32, #tpu.memory_space<hbm>> -> memref<1x80x128xi32, #tpu.memory_space<hbm>>
      %dma_wait3A_195 = tpu.memref_squeeze %dma_wait3A_194 : memref<1x80x128xi32, #tpu.memory_space<hbm>> -> memref<80x128xi32, #tpu.memory_space<hbm>>
      %dma_wait3A_196 = arith.constant 0 : i32
      %dma_wait3A_197 = tpu.memref_slice %arg2[%run_scoped3A, %mul3A_12, %dma_wait3A_196] : memref<2x2560x128xi32, #tpu.memory_space<hbm>> -> memref<1x80x128xi32, #tpu.memory_space<hbm>>
      %dma_wait3A_198 = tpu.memref_squeeze %dma_wait3A_197 : memref<1x80x128xi32, #tpu.memory_space<hbm>> -> memref<80x128xi32, #tpu.memory_space<hbm>>
      tpu.wait_dma2 semaphore(%run_scoped3A_186 : memref<!tpu.dma_semaphore, #tpu.memory_space<semaphore_mem>>) src(%dma_wait3A_198 : memref<80x128xi32, #tpu.memory_space<hbm>>) dst(%arg5 : memref<80x128xi32, #tpu.memory_space<vmem>>)
      tpu.yield
    }) : () -> ()
    %mul3A_13 = arith.constant 80 : i32
    %mul3A_14 = arith.muli %add3A, %mul3A_13 : i32
    %run_scoped3A_15 = arith.constant 1 : i32
    "tpu.region"() ({
      %run_scoped3A_186 = tpu.sem_alloc : memref<!tpu.dma_semaphore, #tpu.memory_space<semaphore_mem>>
      %dma_start3A_187 = arith.constant 0 : i32
      %dma_start3A_188 = tpu.memref_slice %arg2[%run_scoped3A_15, %mul3A_14, %dma_start3A_187] : memref<2x2560x128xi32, #tpu.memory_space<hbm>> -> memref<1x80x128xi32, #tpu.memory_space<hbm>>
      %dma_start3A_189 = tpu.memref_squeeze %dma_start3A_188 : memref<1x80x128xi32, #tpu.memory_space<hbm>> -> memref<80x128xi32, #tpu.memory_space<hbm>>
      %dma_start3A_190 = arith.constant 0 : i32
      %dma_start3A_191 = tpu.memref_slice %arg2[%run_scoped3A_15, %mul3A_14, %dma_start3A_190] : memref<2x2560x128xi32, #tpu.memory_space<hbm>> -> memref<1x80x128xi32, #tpu.memory_space<hbm>>
      %dma_start3A_192 = tpu.memref_squeeze %dma_start3A_191 : memref<1x80x128xi32, #tpu.memory_space<hbm>> -> memref<80x128xi32, #tpu.memory_space<hbm>>
      tpu.enqueue_dma source(%dma_start3A_192 : memref<80x128xi32, #tpu.memory_space<hbm>>) target(%arg6 : memref<80x128xi32, #tpu.memory_space<vmem>>) target_semaphore(%run_scoped3A_186 : memref<!tpu.dma_semaphore, #tpu.memory_space<semaphore_mem>>)
      %dma_wait3A_193 = arith.constant 0 : i32
      %dma_wait3A_194 = tpu.memref_slice %arg2[%run_scoped3A_15, %mul3A_14, %dma_wait3A_193] : memref<2x2560x128xi32, #tpu.memory_space<hbm>> -> memref<1x80x128xi32, #tpu.memory_space<hbm>>
      %dma_wait3A_195 = tpu.memref_squeeze %dma_wait3A_194 : memref<1x80x128xi32, #tpu.memory_space<hbm>> -> memref<80x128xi32, #tpu.memory_space<hbm>>
      %dma_wait3A_196 = arith.constant 0 : i32
      %dma_wait3A_197 = tpu.memref_slice %arg2[%run_scoped3A_15, %mul3A_14, %dma_wait3A_196] : memref<2x2560x128xi32, #tpu.memory_space<hbm>> -> memref<1x80x128xi32, #tpu.memory_space<hbm>>
      %dma_wait3A_198 = tpu.memref_squeeze %dma_wait3A_197 : memref<1x80x128xi32, #tpu.memory_space<hbm>> -> memref<80x128xi32, #tpu.memory_space<hbm>>
      tpu.wait_dma2 semaphore(%run_scoped3A_186 : memref<!tpu.dma_semaphore, #tpu.memory_space<semaphore_mem>>) src(%dma_wait3A_198 : memref<80x128xi32, #tpu.memory_space<hbm>>) dst(%arg6 : memref<80x128xi32, #tpu.memory_space<vmem>>)
      tpu.yield
    }) : () -> ()
    %barrier3A = arith.constant 0 : index
    tpu.barrier barrier_id(%barrier3A)
    %dma_start3A = arith.constant 0 : i32
    %dma_start3A_16 = arith.constant 0 : i32
    %dma_start3A_17 = arith.constant 0 : i32
    %dma_start3A_18 = arith.constant 0 : i32
    %dma_start3A_19 = tpu.memref_slice %arg7[%dma_start3A_16, %dma_start3A_17, %dma_start3A_18] : memref<4x512x16xf32, #tpu.memory_space<vmem>> -> memref<1x128x16xf32, #tpu.memory_space<vmem>>
    %dma_start3A_20 = tpu.memref_squeeze %dma_start3A_19 : memref<1x128x16xf32, #tpu.memory_space<vmem>> -> memref<128x16xf32, #tpu.memory_space<vmem>>
    %dma_start3A_21 = arith.constant 0 : i32
    %dma_start3A_22 = tpu.memref_slice %arg5[%dma_start3A, %dma_start3A_21] : memref<80x128xi32, #tpu.memory_space<vmem>> -> memref<1x128xi32, #tpu.memory_space<vmem>>
    %dma_start3A_23 = tpu.memref_squeeze %dma_start3A_22 : memref<1x128xi32, #tpu.memory_space<vmem>> -> memref<128xi32, #tpu.memory_space<vmem>>
    %dma_start3A_24 = arith.constant 0 : i32
    %dma_start3A_25 = arith.constant 0 : i32
    %dma_start3A_26 = tpu.memref_slice %arg9[%dma_start3A_24, %dma_start3A_25] : memref<10240x16xf32, #tpu.memory_space<vmem_shared>> -> memref<10240x16xf32, #tpu.memory_space<vmem_shared>>
    tpu.enqueue_indirect_dma source(%dma_start3A_26 : memref<10240x16xf32, #tpu.memory_space<vmem_shared>>) target(%dma_start3A_20 : memref<128x16xf32, #tpu.memory_space<vmem>>) offsets(%dma_start3A_23 : memref<128xi32, #tpu.memory_space<vmem>>) semaphore(%arg11 : memref<!tpu.dma_semaphore, #tpu.memory_space<semaphore_mem>>)
    %dma_start3A_27 = arith.constant 1 : i32
    %dma_start3A_28 = arith.constant 0 : i32
    %dma_start3A_29 = arith.constant 128 : i32
    %dma_start3A_30 = arith.constant 0 : i32
    %dma_start3A_31 = tpu.memref_slice %arg7[%dma_start3A_28, %dma_start3A_29, %dma_start3A_30] : memref<4x512x16xf32, #tpu.memory_space<vmem>> -> memref<1x128x16xf32, #tpu.memory_space<vmem>>
    %dma_start3A_32 = tpu.memref_squeeze %dma_start3A_31 : memref<1x128x16xf32, #tpu.memory_space<vmem>> -> memref<128x16xf32, #tpu.memory_space<vmem>>
    %dma_start3A_33 = arith.constant 0 : i32
    %dma_start3A_34 = tpu.memref_slice %arg5[%dma_start3A_27, %dma_start3A_33] : memref<80x128xi32, #tpu.memory_space<vmem>> -> memref<1x128xi32, #tpu.memory_space<vmem>>
    %dma_start3A_35 = tpu.memref_squeeze %dma_start3A_34 : memref<1x128xi32, #tpu.memory_space<vmem>> -> memref<128xi32, #tpu.memory_space<vmem>>
    %dma_start3A_36 = arith.constant 0 : i32
    %dma_start3A_37 = arith.constant 0 : i32
    %dma_start3A_38 = tpu.memref_slice %arg9[%dma_start3A_36, %dma_start3A_37] : memref<10240x16xf32, #tpu.memory_space<vmem_shared>> -> memref<10240x16xf32, #tpu.memory_space<vmem_shared>>
    tpu.enqueue_indirect_dma source(%dma_start3A_38 : memref<10240x16xf32, #tpu.memory_space<vmem_shared>>) target(%dma_start3A_32 : memref<128x16xf32, #tpu.memory_space<vmem>>) offsets(%dma_start3A_35 : memref<128xi32, #tpu.memory_space<vmem>>) semaphore(%arg11 : memref<!tpu.dma_semaphore, #tpu.memory_space<semaphore_mem>>)
    %dma_start3A_39 = arith.constant 2 : i32
    %dma_start3A_40 = arith.constant 0 : i32
    %dma_start3A_41 = arith.constant 256 : i32
    %dma_start3A_42 = arith.constant 0 : i32
    %dma_start3A_43 = tpu.memref_slice %arg7[%dma_start3A_40, %dma_start3A_41, %dma_start3A_42] : memref<4x512x16xf32, #tpu.memory_space<vmem>> -> memref<1x128x16xf32, #tpu.memory_space<vmem>>
    %dma_start3A_44 = tpu.memref_squeeze %dma_start3A_43 : memref<1x128x16xf32, #tpu.memory_space<vmem>> -> memref<128x16xf32, #tpu.memory_space<vmem>>
    %dma_start3A_45 = arith.constant 0 : i32
    %dma_start3A_46 = tpu.memref_slice %arg5[%dma_start3A_39, %dma_start3A_45] : memref<80x128xi32, #tpu.memory_space<vmem>> -> memref<1x128xi32, #tpu.memory_space<vmem>>
    %dma_start3A_47 = tpu.memref_squeeze %dma_start3A_46 : memref<1x128xi32, #tpu.memory_space<vmem>> -> memref<128xi32, #tpu.memory_space<vmem>>
    %dma_start3A_48 = arith.constant 0 : i32
    %dma_start3A_49 = arith.constant 0 : i32
    %dma_start3A_50 = tpu.memref_slice %arg9[%dma_start3A_48, %dma_start3A_49] : memref<10240x16xf32, #tpu.memory_space<vmem_shared>> -> memref<10240x16xf32, #tpu.memory_space<vmem_shared>>
    tpu.enqueue_indirect_dma source(%dma_start3A_50 : memref<10240x16xf32, #tpu.memory_space<vmem_shared>>) target(%dma_start3A_44 : memref<128x16xf32, #tpu.memory_space<vmem>>) offsets(%dma_start3A_47 : memref<128xi32, #tpu.memory_space<vmem>>) semaphore(%arg11 : memref<!tpu.dma_semaphore, #tpu.memory_space<semaphore_mem>>)
    %dma_start3A_51 = arith.constant 3 : i32
    %dma_start3A_52 = arith.constant 0 : i32
    %dma_start3A_53 = arith.constant 384 : i32
    %dma_start3A_54 = arith.constant 0 : i32
    %dma_start3A_55 = tpu.memref_slice %arg7[%dma_start3A_52, %dma_start3A_53, %dma_start3A_54] : memref<4x512x16xf32, #tpu.memory_space<vmem>> -> memref<1x128x16xf32, #tpu.memory_space<vmem>>
    %dma_start3A_56 = tpu.memref_squeeze %dma_start3A_55 : memref<1x128x16xf32, #tpu.memory_space<vmem>> -> memref<128x16xf32, #tpu.memory_space<vmem>>
    %dma_start3A_57 = arith.constant 0 : i32
    %dma_start3A_58 = tpu.memref_slice %arg5[%dma_start3A_51, %dma_start3A_57] : memref<80x128xi32, #tpu.memory_space<vmem>> -> memref<1x128xi32, #tpu.memory_space<vmem>>
    %dma_start3A_59 = tpu.memref_squeeze %dma_start3A_58 : memref<1x128xi32, #tpu.memory_space<vmem>> -> memref<128xi32, #tpu.memory_space<vmem>>
    %dma_start3A_60 = arith.constant 0 : i32
    %dma_start3A_61 = arith.constant 0 : i32
    %dma_start3A_62 = tpu.memref_slice %arg9[%dma_start3A_60, %dma_start3A_61] : memref<10240x16xf32, #tpu.memory_space<vmem_shared>> -> memref<10240x16xf32, #tpu.memory_space<vmem_shared>>
    tpu.enqueue_indirect_dma source(%dma_start3A_62 : memref<10240x16xf32, #tpu.memory_space<vmem_shared>>) target(%dma_start3A_56 : memref<128x16xf32, #tpu.memory_space<vmem>>) offsets(%dma_start3A_59 : memref<128xi32, #tpu.memory_space<vmem>>) semaphore(%arg11 : memref<!tpu.dma_semaphore, #tpu.memory_space<semaphore_mem>>)
    %dma_start3A_63 = arith.constant 4 : i32
    %dma_start3A_64 = arith.constant 1 : i32
    %dma_start3A_65 = arith.constant 0 : i32
    %dma_start3A_66 = arith.constant 0 : i32
    %dma_start3A_67 = tpu.memref_slice %arg7[%dma_start3A_64, %dma_start3A_65, %dma_start3A_66] : memref<4x512x16xf32, #tpu.memory_space<vmem>> -> memref<1x128x16xf32, #tpu.memory_space<vmem>>
    %dma_start3A_68 = tpu.memref_squeeze %dma_start3A_67 : memref<1x128x16xf32, #tpu.memory_space<vmem>> -> memref<128x16xf32, #tpu.memory_space<vmem>>
    %dma_start3A_69 = arith.constant 0 : i32
    %dma_start3A_70 = tpu.memref_slice %arg5[%dma_start3A_63, %dma_start3A_69] : memref<80x128xi32, #tpu.memory_space<vmem>> -> memref<1x128xi32, #tpu.memory_space<vmem>>
    %dma_start3A_71 = tpu.memref_squeeze %dma_start3A_70 : memref<1x128xi32, #tpu.memory_space<vmem>> -> memref<128xi32, #tpu.memory_space<vmem>>
    %dma_start3A_72 = arith.constant 0 : i32
    %dma_start3A_73 = arith.constant 0 : i32
    %dma_start3A_74 = tpu.memref_slice %arg9[%dma_start3A_72, %dma_start3A_73] : memref<10240x16xf32, #tpu.memory_space<vmem_shared>> -> memref<10240x16xf32, #tpu.memory_space<vmem_shared>>
    tpu.enqueue_indirect_dma source(%dma_start3A_74 : memref<10240x16xf32, #tpu.memory_space<vmem_shared>>) target(%dma_start3A_68 : memref<128x16xf32, #tpu.memory_space<vmem>>) offsets(%dma_start3A_71 : memref<128xi32, #tpu.memory_space<vmem>>) semaphore(%arg12 : memref<!tpu.dma_semaphore, #tpu.memory_space<semaphore_mem>>)
    %dma_start3A_75 = arith.constant 5 : i32
    %dma_start3A_76 = arith.constant 1 : i32
    %dma_start3A_77 = arith.constant 128 : i32
    %dma_start3A_78 = arith.constant 0 : i32
    %dma_start3A_79 = tpu.memref_slice %arg7[%dma_start3A_76, %dma_start3A_77, %dma_start3A_78] : memref<4x512x16xf32, #tpu.memory_space<vmem>> -> memref<1x128x16xf32, #tpu.memory_space<vmem>>
    %dma_start3A_80 = tpu.memref_squeeze %dma_start3A_79 : memref<1x128x16xf32, #tpu.memory_space<vmem>> -> memref<128x16xf32, #tpu.memory_space<vmem>>
    %dma_start3A_81 = arith.constant 0 : i32
    %dma_start3A_82 = tpu.memref_slice %arg5[%dma_start3A_75, %dma_start3A_81] : memref<80x128xi32, #tpu.memory_space<vmem>> -> memref<1x128xi32, #tpu.memory_space<vmem>>
    %dma_start3A_83 = tpu.memref_squeeze %dma_start3A_82 : memref<1x128xi32, #tpu.memory_space<vmem>> -> memref<128xi32, #tpu.memory_space<vmem>>
    %dma_start3A_84 = arith.constant 0 : i32
    %dma_start3A_85 = arith.constant 0 : i32
    %dma_start3A_86 = tpu.memref_slice %arg9[%dma_start3A_84, %dma_start3A_85] : memref<10240x16xf32, #tpu.memory_space<vmem_shared>> -> memref<10240x16xf32, #tpu.memory_space<vmem_shared>>
    tpu.enqueue_indirect_dma source(%dma_start3A_86 : memref<10240x16xf32, #tpu.memory_space<vmem_shared>>) target(%dma_start3A_80 : memref<128x16xf32, #tpu.memory_space<vmem>>) offsets(%dma_start3A_83 : memref<128xi32, #tpu.memory_space<vmem>>) semaphore(%arg12 : memref<!tpu.dma_semaphore, #tpu.memory_space<semaphore_mem>>)
    %dma_start3A_87 = arith.constant 6 : i32
    %dma_start3A_88 = arith.constant 1 : i32
    %dma_start3A_89 = arith.constant 256 : i32
    %dma_start3A_90 = arith.constant 0 : i32
    %dma_start3A_91 = tpu.memref_slice %arg7[%dma_start3A_88, %dma_start3A_89, %dma_start3A_90] : memref<4x512x16xf32, #tpu.memory_space<vmem>> -> memref<1x128x16xf32, #tpu.memory_space<vmem>>
    %dma_start3A_92 = tpu.memref_squeeze %dma_start3A_91 : memref<1x128x16xf32, #tpu.memory_space<vmem>> -> memref<128x16xf32, #tpu.memory_space<vmem>>
    %dma_start3A_93 = arith.constant 0 : i32
    %dma_start3A_94 = tpu.memref_slice %arg5[%dma_start3A_87, %dma_start3A_93] : memref<80x128xi32, #tpu.memory_space<vmem>> -> memref<1x128xi32, #tpu.memory_space<vmem>>
    %dma_start3A_95 = tpu.memref_squeeze %dma_start3A_94 : memref<1x128xi32, #tpu.memory_space<vmem>> -> memref<128xi32, #tpu.memory_space<vmem>>
    %dma_start3A_96 = arith.constant 0 : i32
    %dma_start3A_97 = arith.constant 0 : i32
    %dma_start3A_98 = tpu.memref_slice %arg9[%dma_start3A_96, %dma_start3A_97] : memref<10240x16xf32, #tpu.memory_space<vmem_shared>> -> memref<10240x16xf32, #tpu.memory_space<vmem_shared>>
    tpu.enqueue_indirect_dma source(%dma_start3A_98 : memref<10240x16xf32, #tpu.memory_space<vmem_shared>>) target(%dma_start3A_92 : memref<128x16xf32, #tpu.memory_space<vmem>>) offsets(%dma_start3A_95 : memref<128xi32, #tpu.memory_space<vmem>>) semaphore(%arg12 : memref<!tpu.dma_semaphore, #tpu.memory_space<semaphore_mem>>)
    %dma_start3A_99 = arith.constant 7 : i32
    %dma_start3A_100 = arith.constant 1 : i32
    %dma_start3A_101 = arith.constant 384 : i32
    %dma_start3A_102 = arith.constant 0 : i32
    %dma_start3A_103 = tpu.memref_slice %arg7[%dma_start3A_100, %dma_start3A_101, %dma_start3A_102] : memref<4x512x16xf32, #tpu.memory_space<vmem>> -> memref<1x128x16xf32, #tpu.memory_space<vmem>>
    %dma_start3A_104 = tpu.memref_squeeze %dma_start3A_103 : memref<1x128x16xf32, #tpu.memory_space<vmem>> -> memref<128x16xf32, #tpu.memory_space<vmem>>
    %dma_start3A_105 = arith.constant 0 : i32
    %dma_start3A_106 = tpu.memref_slice %arg5[%dma_start3A_99, %dma_start3A_105] : memref<80x128xi32, #tpu.memory_space<vmem>> -> memref<1x128xi32, #tpu.memory_space<vmem>>
    %dma_start3A_107 = tpu.memref_squeeze %dma_start3A_106 : memref<1x128xi32, #tpu.memory_space<vmem>> -> memref<128xi32, #tpu.memory_space<vmem>>
    %dma_start3A_108 = arith.constant 0 : i32
    %dma_start3A_109 = arith.constant 0 : i32
    %dma_start3A_110 = tpu.memref_slice %arg9[%dma_start3A_108, %dma_start3A_109] : memref<10240x16xf32, #tpu.memory_space<vmem_shared>> -> memref<10240x16xf32, #tpu.memory_space<vmem_shared>>
    tpu.enqueue_indirect_dma source(%dma_start3A_110 : memref<10240x16xf32, #tpu.memory_space<vmem_shared>>) target(%dma_start3A_104 : memref<128x16xf32, #tpu.memory_space<vmem>>) offsets(%dma_start3A_107 : memref<128xi32, #tpu.memory_space<vmem>>) semaphore(%arg12 : memref<!tpu.dma_semaphore, #tpu.memory_space<semaphore_mem>>)
    %dma_start3A_111 = arith.constant 8 : i32
    %dma_start3A_112 = arith.constant 2 : i32
    %dma_start3A_113 = arith.constant 0 : i32
    %dma_start3A_114 = arith.constant 0 : i32
    %dma_start3A_115 = tpu.memref_slice %arg7[%dma_start3A_112, %dma_start3A_113, %dma_start3A_114] : memref<4x512x16xf32, #tpu.memory_space<vmem>> -> memref<1x128x16xf32, #tpu.memory_space<vmem>>
    %dma_start3A_116 = tpu.memref_squeeze %dma_start3A_115 : memref<1x128x16xf32, #tpu.memory_space<vmem>> -> memref<128x16xf32, #tpu.memory_space<vmem>>
    %dma_start3A_117 = arith.constant 0 : i32
    %dma_start3A_118 = tpu.memref_slice %arg5[%dma_start3A_111, %dma_start3A_117] : memref<80x128xi32, #tpu.memory_space<vmem>> -> memref<1x128xi32, #tpu.memory_space<vmem>>
    %dma_start3A_119 = tpu.memref_squeeze %dma_start3A_118 : memref<1x128xi32, #tpu.memory_space<vmem>> -> memref<128xi32, #tpu.memory_space<vmem>>
    %dma_start3A_120 = arith.constant 0 : i32
    %dma_start3A_121 = arith.constant 0 : i32
    %dma_start3A_122 = tpu.memref_slice %arg9[%dma_start3A_120, %dma_start3A_121] : memref<10240x16xf32, #tpu.memory_space<vmem_shared>> -> memref<10240x16xf32, #tpu.memory_space<vmem_shared>>
    tpu.enqueue_indirect_dma source(%dma_start3A_122 : memref<10240x16xf32, #tpu.memory_space<vmem_shared>>) target(%dma_start3A_116 : memref<128x16xf32, #tpu.memory_space<vmem>>) offsets(%dma_start3A_119 : memref<128xi32, #tpu.memory_space<vmem>>) semaphore(%arg13 : memref<!tpu.dma_semaphore, #tpu.memory_space<semaphore_mem>>)
    %dma_start3A_123 = arith.constant 9 : i32
    %dma_start3A_124 = arith.constant 2 : i32
    %dma_start3A_125 = arith.constant 128 : i32
    %dma_start3A_126 = arith.constant 0 : i32
    %dma_start3A_127 = tpu.memref_slice %arg7[%dma_start3A_124, %dma_start3A_125, %dma_start3A_126] : memref<4x512x16xf32, #tpu.memory_space<vmem>> -> memref<1x128x16xf32, #tpu.memory_space<vmem>>
    %dma_start3A_128 = tpu.memref_squeeze %dma_start3A_127 : memref<1x128x16xf32, #tpu.memory_space<vmem>> -> memref<128x16xf32, #tpu.memory_space<vmem>>
    %dma_start3A_129 = arith.constant 0 : i32
    %dma_start3A_130 = tpu.memref_slice %arg5[%dma_start3A_123, %dma_start3A_129] : memref<80x128xi32, #tpu.memory_space<vmem>> -> memref<1x128xi32, #tpu.memory_space<vmem>>
    %dma_start3A_131 = tpu.memref_squeeze %dma_start3A_130 : memref<1x128xi32, #tpu.memory_space<vmem>> -> memref<128xi32, #tpu.memory_space<vmem>>
    %dma_start3A_132 = arith.constant 0 : i32
    %dma_start3A_133 = arith.constant 0 : i32
    %dma_start3A_134 = tpu.memref_slice %arg9[%dma_start3A_132, %dma_start3A_133] : memref<10240x16xf32, #tpu.memory_space<vmem_shared>> -> memref<10240x16xf32, #tpu.memory_space<vmem_shared>>
    tpu.enqueue_indirect_dma source(%dma_start3A_134 : memref<10240x16xf32, #tpu.memory_space<vmem_shared>>) target(%dma_start3A_128 : memref<128x16xf32, #tpu.memory_space<vmem>>) offsets(%dma_start3A_131 : memref<128xi32, #tpu.memory_space<vmem>>) semaphore(%arg13 : memref<!tpu.dma_semaphore, #tpu.memory_space<semaphore_mem>>)
    %dma_start3A_135 = arith.constant 10 : i32
    %dma_start3A_136 = arith.constant 2 : i32
    %dma_start3A_137 = arith.constant 256 : i32
    %dma_start3A_138 = arith.constant 0 : i32
    %dma_start3A_139 = tpu.memref_slice %arg7[%dma_start3A_136, %dma_start3A_137, %dma_start3A_138] : memref<4x512x16xf32, #tpu.memory_space<vmem>> -> memref<1x128x16xf32, #tpu.memory_space<vmem>>
    %dma_start3A_140 = tpu.memref_squeeze %dma_start3A_139 : memref<1x128x16xf32, #tpu.memory_space<vmem>> -> memref<128x16xf32, #tpu.memory_space<vmem>>
    %dma_start3A_141 = arith.constant 0 : i32
    %dma_start3A_142 = tpu.memref_slice %arg5[%dma_start3A_135, %dma_start3A_141] : memref<80x128xi32, #tpu.memory_space<vmem>> -> memref<1x128xi32, #tpu.memory_space<vmem>>
    %dma_start3A_143 = tpu.memref_squeeze %dma_start3A_142 : memref<1x128xi32, #tpu.memory_space<vmem>> -> memref<128xi32, #tpu.memory_space<vmem>>
    %dma_start3A_144 = arith.constant 0 : i32
    %dma_start3A_145 = arith.constant 0 : i32
    %dma_start3A_146 = tpu.memref_slice %arg9[%dma_start3A_144, %dma_start3A_145] : memref<10240x16xf32, #tpu.memory_space<vmem_shared>> -> memref<10240x16xf32, #tpu.memory_space<vmem_shared>>
    tpu.enqueue_indirect_dma source(%dma_start3A_146 : memref<10240x16xf32, #tpu.memory_space<vmem_shared>>) target(%dma_start3A_140 : memref<128x16xf32, #tpu.memory_space<vmem>>) offsets(%dma_start3A_143 : memref<128xi32, #tpu.memory_space<vmem>>) semaphore(%arg13 : memref<!tpu.dma_semaphore, #tpu.memory_space<semaphore_mem>>)
    %dma_start3A_147 = arith.constant 11 : i32
    %dma_start3A_148 = arith.constant 2 : i32
    %dma_start3A_149 = arith.constant 384 : i32
    %dma_start3A_150 = arith.constant 0 : i32
    %dma_start3A_151 = tpu.memref_slice %arg7[%dma_start3A_148, %dma_start3A_149, %dma_start3A_150] : memref<4x512x16xf32, #tpu.memory_space<vmem>> -> memref<1x128x16xf32, #tpu.memory_space<vmem>>
    %dma_start3A_152 = tpu.memref_squeeze %dma_start3A_151 : memref<1x128x16xf32, #tpu.memory_space<vmem>> -> memref<128x16xf32, #tpu.memory_space<vmem>>
    %dma_start3A_153 = arith.constant 0 : i32
    %dma_start3A_154 = tpu.memref_slice %arg5[%dma_start3A_147, %dma_start3A_153] : memref<80x128xi32, #tpu.memory_space<vmem>> -> memref<1x128xi32, #tpu.memory_space<vmem>>
    %dma_start3A_155 = tpu.memref_squeeze %dma_start3A_154 : memref<1x128xi32, #tpu.memory_space<vmem>> -> memref<128xi32, #tpu.memory_space<vmem>>
    %dma_start3A_156 = arith.constant 0 : i32
    %dma_start3A_157 = arith.constant 0 : i32
    %dma_start3A_158 = tpu.memref_slice %arg9[%dma_start3A_156, %dma_start3A_157] : memref<10240x16xf32, #tpu.memory_space<vmem_shared>> -> memref<10240x16xf32, #tpu.memory_space<vmem_shared>>
    tpu.enqueue_indirect_dma source(%dma_start3A_158 : memref<10240x16xf32, #tpu.memory_space<vmem_shared>>) target(%dma_start3A_152 : memref<128x16xf32, #tpu.memory_space<vmem>>) offsets(%dma_start3A_155 : memref<128xi32, #tpu.memory_space<vmem>>) semaphore(%arg13 : memref<!tpu.dma_semaphore, #tpu.memory_space<semaphore_mem>>)
    %scan3A_159 = arith.constant 0 : i32
    %scan3A_160 = arith.constant 5 : i32
    %scan3A_161 = arith.addi %scan3A_159, %scan3A_160 : i32
    %scan3A_162 = arith.constant 1 : i32
    scf.for %scan3A_186 = %scan3A_159 to %scan3A_161 step %scan3A_162  : i32 {
      %mul3A_187 = arith.constant 1 : i32
      %mul3A_188 = arith.muli %scan3A_186, %mul3A_187 : i32
      %add3A_189 = arith.constant 0 : i32
      %add3A_190 = arith.addi %add3A_189, %mul3A_188 : i32
      %mul3A_191 = arith.constant 4 : i32
      %mul3A_192 = arith.muli %mul3A_191, %add3A_190 : i32
      %add3A_193 = arith.constant 0 : i32
      %add3A_194 = arith.addi %mul3A_192, %add3A_193 : i32
      %dma_wait3A_195 = arith.constant 0 : i32
      %dma_wait3A_196 = arith.constant 0 : i32
      %dma_wait3A_197 = arith.constant 0 : i32
      %dma_wait3A_198 = arith.constant 0 : i32
      %dma_wait3A_199 = tpu.memref_slice %arg7[%dma_wait3A_196, %dma_wait3A_197, %dma_wait3A_198] : memref<4x512x16xf32, #tpu.memory_space<vmem>> -> memref<1x512x16xf32, #tpu.memory_space<vmem>>
      %dma_wait3A_200 = tpu.memref_squeeze %dma_wait3A_199 : memref<1x512x16xf32, #tpu.memory_space<vmem>> -> memref<512x16xf32, #tpu.memory_space<vmem>>
      %dma_wait3A_201 = arith.constant 0 : i32
      %dma_wait3A_202 = arith.constant 0 : i32
      %dma_wait3A_203 = tpu.memref_slice %arg4[%dma_wait3A_195, %dma_wait3A_201, %dma_wait3A_202] : memref<2x10240x16xf32, #tpu.memory_space<hbm>> -> memref<1x512x16xf32, #tpu.memory_space<hbm>>
      %dma_wait3A_204 = tpu.memref_squeeze %dma_wait3A_203 : memref<1x512x16xf32, #tpu.memory_space<hbm>> -> memref<512x16xf32, #tpu.memory_space<hbm>>
      %dma_wait3A_205 = arith.constant 0 : i32
      %dma_wait3A_206 = arith.constant 0 : i32
      %dma_wait3A_207 = tpu.memref_slice %arg7[%dma_wait3A_196, %dma_wait3A_205, %dma_wait3A_206] : memref<4x512x16xf32, #tpu.memory_space<vmem>> -> memref<1x512x16xf32, #tpu.memory_space<vmem>>
      %dma_wait3A_208 = tpu.memref_squeeze %dma_wait3A_207 : memref<1x512x16xf32, #tpu.memory_space<vmem>> -> memref<512x16xf32, #tpu.memory_space<vmem>>
      %dma_wait3A_209 = arith.constant 0 : i32
      %dma_wait3A_210 = arith.constant 0 : i32
      %dma_wait3A_211 = tpu.memref_slice %arg4[%dma_wait3A_195, %dma_wait3A_209, %dma_wait3A_210] : memref<2x10240x16xf32, #tpu.memory_space<hbm>> -> memref<1x512x16xf32, #tpu.memory_space<hbm>>
      %dma_wait3A_212 = tpu.memref_squeeze %dma_wait3A_211 : memref<1x512x16xf32, #tpu.memory_space<hbm>> -> memref<512x16xf32, #tpu.memory_space<hbm>>
      tpu.wait_dma2 semaphore(%arg11 : memref<!tpu.dma_semaphore, #tpu.memory_space<semaphore_mem>>) src(%dma_wait3A_212 : memref<512x16xf32, #tpu.memory_space<hbm>>) dst(%dma_wait3A_208 : memref<512x16xf32, #tpu.memory_space<vmem>>)
      %mul3A_213 = arith.constant 4 : i32
      %mul3A_214 = arith.muli %add3A_194, %mul3A_213 : i32
      %add3A_215 = arith.constant 0 : i32
      %add3A_216 = arith.addi %mul3A_214, %add3A_215 : i32
      %dma_start3A_217 = arith.constant 0 : i32
      %dma_start3A_218 = arith.constant 0 : i32
      %dma_start3A_219 = arith.constant 0 : i32
      %dma_start3A_220 = tpu.memref_slice %arg7[%dma_start3A_217, %dma_start3A_218, %dma_start3A_219] : memref<4x512x16xf32, #tpu.memory_space<vmem>> -> memref<1x128x16xf32, #tpu.memory_space<vmem>>
      %dma_start3A_221 = tpu.memref_squeeze %dma_start3A_220 : memref<1x128x16xf32, #tpu.memory_space<vmem>> -> memref<128x16xf32, #tpu.memory_space<vmem>>
      %dma_start3A_222 = arith.constant 0 : i32
      %dma_start3A_223 = tpu.memref_slice %arg6[%add3A_216, %dma_start3A_222] : memref<80x128xi32, #tpu.memory_space<vmem>> -> memref<1x128xi32, #tpu.memory_space<vmem>>
      %dma_start3A_224 = tpu.memref_squeeze %dma_start3A_223 : memref<1x128xi32, #tpu.memory_space<vmem>> -> memref<128xi32, #tpu.memory_space<vmem>>
      %dma_start3A_225 = arith.constant 0 : i32
      %dma_start3A_226 = arith.constant 0 : i32
      %dma_start3A_227 = tpu.memref_slice %arg10[%dma_start3A_225, %dma_start3A_226] : memref<10240x16xf32, #tpu.memory_space<vmem_shared>> -> memref<10240x16xf32, #tpu.memory_space<vmem_shared>>
      tpu.enqueue_indirect_dma source(%dma_start3A_221 : memref<128x16xf32, #tpu.memory_space<vmem>>) target(%dma_start3A_227 : memref<10240x16xf32, #tpu.memory_space<vmem_shared>>) offsets(%dma_start3A_224 : memref<128xi32, #tpu.memory_space<vmem>>) semaphore(%arg15 : memref<!tpu.dma_semaphore, #tpu.memory_space<semaphore_mem>>) {add = true}
      %mul3A_228 = arith.constant 4 : i32
      %mul3A_229 = arith.muli %add3A_194, %mul3A_228 : i32
      %add3A_230 = arith.constant 1 : i32
      %add3A_231 = arith.addi %mul3A_229, %add3A_230 : i32
      %dma_start3A_232 = arith.constant 0 : i32
      %dma_start3A_233 = arith.constant 128 : i32
      %dma_start3A_234 = arith.constant 0 : i32
      %dma_start3A_235 = tpu.memref_slice %arg7[%dma_start3A_232, %dma_start3A_233, %dma_start3A_234] : memref<4x512x16xf32, #tpu.memory_space<vmem>> -> memref<1x128x16xf32, #tpu.memory_space<vmem>>
      %dma_start3A_236 = tpu.memref_squeeze %dma_start3A_235 : memref<1x128x16xf32, #tpu.memory_space<vmem>> -> memref<128x16xf32, #tpu.memory_space<vmem>>
      %dma_start3A_237 = arith.constant 0 : i32
      %dma_start3A_238 = tpu.memref_slice %arg6[%add3A_231, %dma_start3A_237] : memref<80x128xi32, #tpu.memory_space<vmem>> -> memref<1x128xi32, #tpu.memory_space<vmem>>
      %dma_start3A_239 = tpu.memref_squeeze %dma_start3A_238 : memref<1x128xi32, #tpu.memory_space<vmem>> -> memref<128xi32, #tpu.memory_space<vmem>>
      %dma_start3A_240 = arith.constant 0 : i32
      %dma_start3A_241 = arith.constant 0 : i32
      %dma_start3A_242 = tpu.memref_slice %arg10[%dma_start3A_240, %dma_start3A_241] : memref<10240x16xf32, #tpu.memory_space<vmem_shared>> -> memref<10240x16xf32, #tpu.memory_space<vmem_shared>>
      tpu.enqueue_indirect_dma source(%dma_start3A_236 : memref<128x16xf32, #tpu.memory_space<vmem>>) target(%dma_start3A_242 : memref<10240x16xf32, #tpu.memory_space<vmem_shared>>) offsets(%dma_start3A_239 : memref<128xi32, #tpu.memory_space<vmem>>) semaphore(%arg15 : memref<!tpu.dma_semaphore, #tpu.memory_space<semaphore_mem>>) {add = true}
      %mul3A_243 = arith.constant 4 : i32
      %mul3A_244 = arith.muli %add3A_194, %mul3A_243 : i32
      %add3A_245 = arith.constant 2 : i32
      %add3A_246 = arith.addi %mul3A_244, %add3A_245 : i32
      %dma_start3A_247 = arith.constant 0 : i32
      %dma_start3A_248 = arith.constant 256 : i32
      %dma_start3A_249 = arith.constant 0 : i32
      %dma_start3A_250 = tpu.memref_slice %arg7[%dma_start3A_247, %dma_start3A_248, %dma_start3A_249] : memref<4x512x16xf32, #tpu.memory_space<vmem>> -> memref<1x128x16xf32, #tpu.memory_space<vmem>>
      %dma_start3A_251 = tpu.memref_squeeze %dma_start3A_250 : memref<1x128x16xf32, #tpu.memory_space<vmem>> -> memref<128x16xf32, #tpu.memory_space<vmem>>
      %dma_start3A_252 = arith.constant 0 : i32
      %dma_start3A_253 = tpu.memref_slice %arg6[%add3A_246, %dma_start3A_252] : memref<80x128xi32, #tpu.memory_space<vmem>> -> memref<1x128xi32, #tpu.memory_space<vmem>>
      %dma_start3A_254 = tpu.memref_squeeze %dma_start3A_253 : memref<1x128xi32, #tpu.memory_space<vmem>> -> memref<128xi32, #tpu.memory_space<vmem>>
      %dma_start3A_255 = arith.constant 0 : i32
      %dma_start3A_256 = arith.constant 0 : i32
      %dma_start3A_257 = tpu.memref_slice %arg10[%dma_start3A_255, %dma_start3A_256] : memref<10240x16xf32, #tpu.memory_space<vmem_shared>> -> memref<10240x16xf32, #tpu.memory_space<vmem_shared>>
      tpu.enqueue_indirect_dma source(%dma_start3A_251 : memref<128x16xf32, #tpu.memory_space<vmem>>) target(%dma_start3A_257 : memref<10240x16xf32, #tpu.memory_space<vmem_shared>>) offsets(%dma_start3A_254 : memref<128xi32, #tpu.memory_space<vmem>>) semaphore(%arg15 : memref<!tpu.dma_semaphore, #tpu.memory_space<semaphore_mem>>) {add = true}
      %mul3A_258 = arith.constant 4 : i32
      %mul3A_259 = arith.muli %add3A_194, %mul3A_258 : i32
      %add3A_260 = arith.constant 3 : i32
      %add3A_261 = arith.addi %mul3A_259, %add3A_260 : i32
      %dma_start3A_262 = arith.constant 0 : i32
      %dma_start3A_263 = arith.constant 384 : i32
      %dma_start3A_264 = arith.constant 0 : i32
      %dma_start3A_265 = tpu.memref_slice %arg7[%dma_start3A_262, %dma_start3A_263, %dma_start3A_264] : memref<4x512x16xf32, #tpu.memory_space<vmem>> -> memref<1x128x16xf32, #tpu.memory_space<vmem>>
      %dma_start3A_266 = tpu.memref_squeeze %dma_start3A_265 : memref<1x128x16xf32, #tpu.memory_space<vmem>> -> memref<128x16xf32, #tpu.memory_space<vmem>>
      %dma_start3A_267 = arith.constant 0 : i32
      %dma_start3A_268 = tpu.memref_slice %arg6[%add3A_261, %dma_start3A_267] : memref<80x128xi32, #tpu.memory_space<vmem>> -> memref<1x128xi32, #tpu.memory_space<vmem>>
      %dma_start3A_269 = tpu.memref_squeeze %dma_start3A_268 : memref<1x128xi32, #tpu.memory_space<vmem>> -> memref<128xi32, #tpu.memory_space<vmem>>
      %dma_start3A_270 = arith.constant 0 : i32
      %dma_start3A_271 = arith.constant 0 : i32
      %dma_start3A_272 = tpu.memref_slice %arg10[%dma_start3A_270, %dma_start3A_271] : memref<10240x16xf32, #tpu.memory_space<vmem_shared>> -> memref<10240x16xf32, #tpu.memory_space<vmem_shared>>
      tpu.enqueue_indirect_dma source(%dma_start3A_266 : memref<128x16xf32, #tpu.memory_space<vmem>>) target(%dma_start3A_272 : memref<10240x16xf32, #tpu.memory_space<vmem_shared>>) offsets(%dma_start3A_269 : memref<128xi32, #tpu.memory_space<vmem>>) semaphore(%arg15 : memref<!tpu.dma_semaphore, #tpu.memory_space<semaphore_mem>>) {add = true}
      %ge3A = arith.constant 1 : i32
      %ge3A_273 = arith.cmpi sge, %add3A_194, %ge3A : i32
      %convert_element_type3A = arith.extui %ge3A_273 : i1 to i32
      %cond3A = arith.constant 0 : i32
      %cond3A_274 = arith.cmpi ne, %convert_element_type3A, %cond3A : i32
      scf.if %cond3A_274 {
        %dma_wait3A_563 = arith.constant 0 : i32
        %dma_wait3A_564 = arith.constant 0 : i32
        %dma_wait3A_565 = arith.constant 0 : i32
        %dma_wait3A_566 = arith.constant 0 : i32
        %dma_wait3A_567 = tpu.memref_slice %arg7[%dma_wait3A_564, %dma_wait3A_565, %dma_wait3A_566] : memref<4x512x16xf32, #tpu.memory_space<vmem>> -> memref<1x512x16xf32, #tpu.memory_space<vmem>>
        %dma_wait3A_568 = tpu.memref_squeeze %dma_wait3A_567 : memref<1x512x16xf32, #tpu.memory_space<vmem>> -> memref<512x16xf32, #tpu.memory_space<vmem>>
        %dma_wait3A_569 = arith.constant 0 : i32
        %dma_wait3A_570 = arith.constant 0 : i32
        %dma_wait3A_571 = tpu.memref_slice %arg4[%dma_wait3A_563, %dma_wait3A_569, %dma_wait3A_570] : memref<2x10240x16xf32, #tpu.memory_space<hbm>> -> memref<1x512x16xf32, #tpu.memory_space<hbm>>
        %dma_wait3A_572 = tpu.memref_squeeze %dma_wait3A_571 : memref<1x512x16xf32, #tpu.memory_space<hbm>> -> memref<512x16xf32, #tpu.memory_space<hbm>>
        %dma_wait3A_573 = arith.constant 0 : i32
        %dma_wait3A_574 = arith.constant 0 : i32
        %dma_wait3A_575 = tpu.memref_slice %arg7[%dma_wait3A_564, %dma_wait3A_573, %dma_wait3A_574] : memref<4x512x16xf32, #tpu.memory_space<vmem>> -> memref<1x512x16xf32, #tpu.memory_space<vmem>>
        %dma_wait3A_576 = tpu.memref_squeeze %dma_wait3A_575 : memref<1x512x16xf32, #tpu.memory_space<vmem>> -> memref<512x16xf32, #tpu.memory_space<vmem>>
        %dma_wait3A_577 = arith.constant 0 : i32
        %dma_wait3A_578 = arith.constant 0 : i32
        %dma_wait3A_579 = tpu.memref_slice %arg4[%dma_wait3A_563, %dma_wait3A_577, %dma_wait3A_578] : memref<2x10240x16xf32, #tpu.memory_space<hbm>> -> memref<1x512x16xf32, #tpu.memory_space<hbm>>
        %dma_wait3A_580 = tpu.memref_squeeze %dma_wait3A_579 : memref<1x512x16xf32, #tpu.memory_space<hbm>> -> memref<512x16xf32, #tpu.memory_space<hbm>>
        tpu.wait_dma2 semaphore(%arg15 : memref<!tpu.dma_semaphore, #tpu.memory_space<semaphore_mem>>) src(%dma_wait3A_580 : memref<512x16xf32, #tpu.memory_space<hbm>>) dst(%dma_wait3A_576 : memref<512x16xf32, #tpu.memory_space<vmem>>)
      } else {
      }
      %add3A_275 = arith.constant 3 : i32
      %add3A_276 = arith.addi %add3A_194, %add3A_275 : i32
      %le3A = arith.constant 19 : i32
      %le3A_277 = arith.cmpi sle, %add3A_276, %le3A : i32
      %convert_element_type3A_278 = arith.extui %le3A_277 : i1 to i32
      %cond3A_279 = arith.constant 0 : i32
      %cond3A_280 = arith.cmpi ne, %convert_element_type3A_278, %cond3A_279 : i32
      scf.if %cond3A_280 {
        %add3A_563 = arith.constant 3 : i32
        %add3A_564 = arith.addi %add3A_194, %add3A_563 : i32
        %mul3A_565 = arith.constant 4 : i32
        %mul3A_566 = arith.muli %add3A_564, %mul3A_565 : i32
        %add3A_567 = arith.constant 0 : i32
        %add3A_568 = arith.addi %mul3A_566, %add3A_567 : i32
        %dma_start3A_569 = arith.constant 3 : i32
        %dma_start3A_570 = arith.constant 0 : i32
        %dma_start3A_571 = arith.constant 0 : i32
        %dma_start3A_572 = tpu.memref_slice %arg7[%dma_start3A_569, %dma_start3A_570, %dma_start3A_571] : memref<4x512x16xf32, #tpu.memory_space<vmem>> -> memref<1x128x16xf32, #tpu.memory_space<vmem>>
        %dma_start3A_573 = tpu.memref_squeeze %dma_start3A_572 : memref<1x128x16xf32, #tpu.memory_space<vmem>> -> memref<128x16xf32, #tpu.memory_space<vmem>>
        %dma_start3A_574 = arith.constant 0 : i32
        %dma_start3A_575 = tpu.memref_slice %arg5[%add3A_568, %dma_start3A_574] : memref<80x128xi32, #tpu.memory_space<vmem>> -> memref<1x128xi32, #tpu.memory_space<vmem>>
        %dma_start3A_576 = tpu.memref_squeeze %dma_start3A_575 : memref<1x128xi32, #tpu.memory_space<vmem>> -> memref<128xi32, #tpu.memory_space<vmem>>
        %dma_start3A_577 = arith.constant 0 : i32
        %dma_start3A_578 = arith.constant 0 : i32
        %dma_start3A_579 = tpu.memref_slice %arg9[%dma_start3A_577, %dma_start3A_578] : memref<10240x16xf32, #tpu.memory_space<vmem_shared>> -> memref<10240x16xf32, #tpu.memory_space<vmem_shared>>
        tpu.enqueue_indirect_dma source(%dma_start3A_579 : memref<10240x16xf32, #tpu.memory_space<vmem_shared>>) target(%dma_start3A_573 : memref<128x16xf32, #tpu.memory_space<vmem>>) offsets(%dma_start3A_576 : memref<128xi32, #tpu.memory_space<vmem>>) semaphore(%arg14 : memref<!tpu.dma_semaphore, #tpu.memory_space<semaphore_mem>>)
        %mul3A_580 = arith.constant 4 : i32
        %mul3A_581 = arith.muli %add3A_564, %mul3A_580 : i32
        %add3A_582 = arith.constant 1 : i32
        %add3A_583 = arith.addi %mul3A_581, %add3A_582 : i32
        %dma_start3A_584 = arith.constant 3 : i32
        %dma_start3A_585 = arith.constant 128 : i32
        %dma_start3A_586 = arith.constant 0 : i32
        %dma_start3A_587 = tpu.memref_slice %arg7[%dma_start3A_584, %dma_start3A_585, %dma_start3A_586] : memref<4x512x16xf32, #tpu.memory_space<vmem>> -> memref<1x128x16xf32, #tpu.memory_space<vmem>>
        %dma_start3A_588 = tpu.memref_squeeze %dma_start3A_587 : memref<1x128x16xf32, #tpu.memory_space<vmem>> -> memref<128x16xf32, #tpu.memory_space<vmem>>
        %dma_start3A_589 = arith.constant 0 : i32
        %dma_start3A_590 = tpu.memref_slice %arg5[%add3A_583, %dma_start3A_589] : memref<80x128xi32, #tpu.memory_space<vmem>> -> memref<1x128xi32, #tpu.memory_space<vmem>>
        %dma_start3A_591 = tpu.memref_squeeze %dma_start3A_590 : memref<1x128xi32, #tpu.memory_space<vmem>> -> memref<128xi32, #tpu.memory_space<vmem>>
        %dma_start3A_592 = arith.constant 0 : i32
        %dma_start3A_593 = arith.constant 0 : i32
        %dma_start3A_594 = tpu.memref_slice %arg9[%dma_start3A_592, %dma_start3A_593] : memref<10240x16xf32, #tpu.memory_space<vmem_shared>> -> memref<10240x16xf32, #tpu.memory_space<vmem_shared>>
        tpu.enqueue_indirect_dma source(%dma_start3A_594 : memref<10240x16xf32, #tpu.memory_space<vmem_shared>>) target(%dma_start3A_588 : memref<128x16xf32, #tpu.memory_space<vmem>>) offsets(%dma_start3A_591 : memref<128xi32, #tpu.memory_space<vmem>>) semaphore(%arg14 : memref<!tpu.dma_semaphore, #tpu.memory_space<semaphore_mem>>)
        %mul3A_595 = arith.constant 4 : i32
        %mul3A_596 = arith.muli %add3A_564, %mul3A_595 : i32
        %add3A_597 = arith.constant 2 : i32
        %add3A_598 = arith.addi %mul3A_596, %add3A_597 : i32
        %dma_start3A_599 = arith.constant 3 : i32
        %dma_start3A_600 = arith.constant 256 : i32
        %dma_start3A_601 = arith.constant 0 : i32
        %dma_start3A_602 = tpu.memref_slice %arg7[%dma_start3A_599, %dma_start3A_600, %dma_start3A_601] : memref<4x512x16xf32, #tpu.memory_space<vmem>> -> memref<1x128x16xf32, #tpu.memory_space<vmem>>
        %dma_start3A_603 = tpu.memref_squeeze %dma_start3A_602 : memref<1x128x16xf32, #tpu.memory_space<vmem>> -> memref<128x16xf32, #tpu.memory_space<vmem>>
        %dma_start3A_604 = arith.constant 0 : i32
        %dma_start3A_605 = tpu.memref_slice %arg5[%add3A_598, %dma_start3A_604] : memref<80x128xi32, #tpu.memory_space<vmem>> -> memref<1x128xi32, #tpu.memory_space<vmem>>
        %dma_start3A_606 = tpu.memref_squeeze %dma_start3A_605 : memref<1x128xi32, #tpu.memory_space<vmem>> -> memref<128xi32, #tpu.memory_space<vmem>>
        %dma_start3A_607 = arith.constant 0 : i32
        %dma_start3A_608 = arith.constant 0 : i32
        %dma_start3A_609 = tpu.memref_slice %arg9[%dma_start3A_607, %dma_start3A_608] : memref<10240x16xf32, #tpu.memory_space<vmem_shared>> -> memref<10240x16xf32, #tpu.memory_space<vmem_shared>>
        tpu.enqueue_indirect_dma source(%dma_start3A_609 : memref<10240x16xf32, #tpu.memory_space<vmem_shared>>) target(%dma_start3A_603 : memref<128x16xf32, #tpu.memory_space<vmem>>) offsets(%dma_start3A_606 : memref<128xi32, #tpu.memory_space<vmem>>) semaphore(%arg14 : memref<!tpu.dma_semaphore, #tpu.memory_space<semaphore_mem>>)
        %mul3A_610 = arith.constant 4 : i32
        %mul3A_611 = arith.muli %add3A_564, %mul3A_610 : i32
        %add3A_612 = arith.constant 3 : i32
        %add3A_613 = arith.addi %mul3A_611, %add3A_612 : i32
        %dma_start3A_614 = arith.constant 3 : i32
        %dma_start3A_615 = arith.constant 384 : i32
        %dma_start3A_616 = arith.constant 0 : i32
        %dma_start3A_617 = tpu.memref_slice %arg7[%dma_start3A_614, %dma_start3A_615, %dma_start3A_616] : memref<4x512x16xf32, #tpu.memory_space<vmem>> -> memref<1x128x16xf32, #tpu.memory_space<vmem>>
        %dma_start3A_618 = tpu.memref_squeeze %dma_start3A_617 : memref<1x128x16xf32, #tpu.memory_space<vmem>> -> memref<128x16xf32, #tpu.memory_space<vmem>>
        %dma_start3A_619 = arith.constant 0 : i32
        %dma_start3A_620 = tpu.memref_slice %arg5[%add3A_613, %dma_start3A_619] : memref<80x128xi32, #tpu.memory_space<vmem>> -> memref<1x128xi32, #tpu.memory_space<vmem>>
        %dma_start3A_621 = tpu.memref_squeeze %dma_start3A_620 : memref<1x128xi32, #tpu.memory_space<vmem>> -> memref<128xi32, #tpu.memory_space<vmem>>
        %dma_start3A_622 = arith.constant 0 : i32
        %dma_start3A_623 = arith.constant 0 : i32
        %dma_start3A_624 = tpu.memref_slice %arg9[%dma_start3A_622, %dma_start3A_623] : memref<10240x16xf32, #tpu.memory_space<vmem_shared>> -> memref<10240x16xf32, #tpu.memory_space<vmem_shared>>
        tpu.enqueue_indirect_dma source(%dma_start3A_624 : memref<10240x16xf32, #tpu.memory_space<vmem_shared>>) target(%dma_start3A_618 : memref<128x16xf32, #tpu.memory_space<vmem>>) offsets(%dma_start3A_621 : memref<128xi32, #tpu.memory_space<vmem>>) semaphore(%arg14 : memref<!tpu.dma_semaphore, #tpu.memory_space<semaphore_mem>>)
      } else {
      }
      %mul3A_281 = arith.constant 4 : i32
      %mul3A_282 = arith.muli %mul3A_281, %add3A_190 : i32
      %add3A_283 = arith.constant 1 : i32
      %add3A_284 = arith.addi %mul3A_282, %add3A_283 : i32
      %dma_wait3A_285 = arith.constant 0 : i32
      %dma_wait3A_286 = arith.constant 0 : i32
      %dma_wait3A_287 = arith.constant 0 : i32
      %dma_wait3A_288 = arith.constant 0 : i32
      %dma_wait3A_289 = tpu.memref_slice %arg7[%dma_wait3A_286, %dma_wait3A_287, %dma_wait3A_288] : memref<4x512x16xf32, #tpu.memory_space<vmem>> -> memref<1x512x16xf32, #tpu.memory_space<vmem>>
      %dma_wait3A_290 = tpu.memref_squeeze %dma_wait3A_289 : memref<1x512x16xf32, #tpu.memory_space<vmem>> -> memref<512x16xf32, #tpu.memory_space<vmem>>
      %dma_wait3A_291 = arith.constant 0 : i32
      %dma_wait3A_292 = arith.constant 0 : i32
      %dma_wait3A_293 = tpu.memref_slice %arg4[%dma_wait3A_285, %dma_wait3A_291, %dma_wait3A_292] : memref<2x10240x16xf32, #tpu.memory_space<hbm>> -> memref<1x512x16xf32, #tpu.memory_space<hbm>>
      %dma_wait3A_294 = tpu.memref_squeeze %dma_wait3A_293 : memref<1x512x16xf32, #tpu.memory_space<hbm>> -> memref<512x16xf32, #tpu.memory_space<hbm>>
      %dma_wait3A_295 = arith.constant 0 : i32
      %dma_wait3A_296 = arith.constant 0 : i32
      %dma_wait3A_297 = tpu.memref_slice %arg7[%dma_wait3A_286, %dma_wait3A_295, %dma_wait3A_296] : memref<4x512x16xf32, #tpu.memory_space<vmem>> -> memref<1x512x16xf32, #tpu.memory_space<vmem>>
      %dma_wait3A_298 = tpu.memref_squeeze %dma_wait3A_297 : memref<1x512x16xf32, #tpu.memory_space<vmem>> -> memref<512x16xf32, #tpu.memory_space<vmem>>
      %dma_wait3A_299 = arith.constant 0 : i32
      %dma_wait3A_300 = arith.constant 0 : i32
      %dma_wait3A_301 = tpu.memref_slice %arg4[%dma_wait3A_285, %dma_wait3A_299, %dma_wait3A_300] : memref<2x10240x16xf32, #tpu.memory_space<hbm>> -> memref<1x512x16xf32, #tpu.memory_space<hbm>>
      %dma_wait3A_302 = tpu.memref_squeeze %dma_wait3A_301 : memref<1x512x16xf32, #tpu.memory_space<hbm>> -> memref<512x16xf32, #tpu.memory_space<hbm>>
      tpu.wait_dma2 semaphore(%arg12 : memref<!tpu.dma_semaphore, #tpu.memory_space<semaphore_mem>>) src(%dma_wait3A_302 : memref<512x16xf32, #tpu.memory_space<hbm>>) dst(%dma_wait3A_298 : memref<512x16xf32, #tpu.memory_space<vmem>>)
      %mul3A_303 = arith.constant 4 : i32
      %mul3A_304 = arith.muli %add3A_284, %mul3A_303 : i32
      %add3A_305 = arith.constant 0 : i32
      %add3A_306 = arith.addi %mul3A_304, %add3A_305 : i32
      %dma_start3A_307 = arith.constant 1 : i32
      %dma_start3A_308 = arith.constant 0 : i32
      %dma_start3A_309 = arith.constant 0 : i32
      %dma_start3A_310 = tpu.memref_slice %arg7[%dma_start3A_307, %dma_start3A_308, %dma_start3A_309] : memref<4x512x16xf32, #tpu.memory_space<vmem>> -> memref<1x128x16xf32, #tpu.memory_space<vmem>>
      %dma_start3A_311 = tpu.memref_squeeze %dma_start3A_310 : memref<1x128x16xf32, #tpu.memory_space<vmem>> -> memref<128x16xf32, #tpu.memory_space<vmem>>
      %dma_start3A_312 = arith.constant 0 : i32
      %dma_start3A_313 = tpu.memref_slice %arg6[%add3A_306, %dma_start3A_312] : memref<80x128xi32, #tpu.memory_space<vmem>> -> memref<1x128xi32, #tpu.memory_space<vmem>>
      %dma_start3A_314 = tpu.memref_squeeze %dma_start3A_313 : memref<1x128xi32, #tpu.memory_space<vmem>> -> memref<128xi32, #tpu.memory_space<vmem>>
      %dma_start3A_315 = arith.constant 0 : i32
      %dma_start3A_316 = arith.constant 0 : i32
      %dma_start3A_317 = tpu.memref_slice %arg10[%dma_start3A_315, %dma_start3A_316] : memref<10240x16xf32, #tpu.memory_space<vmem_shared>> -> memref<10240x16xf32, #tpu.memory_space<vmem_shared>>
      tpu.enqueue_indirect_dma source(%dma_start3A_311 : memref<128x16xf32, #tpu.memory_space<vmem>>) target(%dma_start3A_317 : memref<10240x16xf32, #tpu.memory_space<vmem_shared>>) offsets(%dma_start3A_314 : memref<128xi32, #tpu.memory_space<vmem>>) semaphore(%arg15 : memref<!tpu.dma_semaphore, #tpu.memory_space<semaphore_mem>>) {add = true}
      %mul3A_318 = arith.constant 4 : i32
      %mul3A_319 = arith.muli %add3A_284, %mul3A_318 : i32
      %add3A_320 = arith.constant 1 : i32
      %add3A_321 = arith.addi %mul3A_319, %add3A_320 : i32
      %dma_start3A_322 = arith.constant 1 : i32
      %dma_start3A_323 = arith.constant 128 : i32
      %dma_start3A_324 = arith.constant 0 : i32
      %dma_start3A_325 = tpu.memref_slice %arg7[%dma_start3A_322, %dma_start3A_323, %dma_start3A_324] : memref<4x512x16xf32, #tpu.memory_space<vmem>> -> memref<1x128x16xf32, #tpu.memory_space<vmem>>
      %dma_start3A_326 = tpu.memref_squeeze %dma_start3A_325 : memref<1x128x16xf32, #tpu.memory_space<vmem>> -> memref<128x16xf32, #tpu.memory_space<vmem>>
      %dma_start3A_327 = arith.constant 0 : i32
      %dma_start3A_328 = tpu.memref_slice %arg6[%add3A_321, %dma_start3A_327] : memref<80x128xi32, #tpu.memory_space<vmem>> -> memref<1x128xi32, #tpu.memory_space<vmem>>
      %dma_start3A_329 = tpu.memref_squeeze %dma_start3A_328 : memref<1x128xi32, #tpu.memory_space<vmem>> -> memref<128xi32, #tpu.memory_space<vmem>>
      %dma_start3A_330 = arith.constant 0 : i32
      %dma_start3A_331 = arith.constant 0 : i32
      %dma_start3A_332 = tpu.memref_slice %arg10[%dma_start3A_330, %dma_start3A_331] : memref<10240x16xf32, #tpu.memory_space<vmem_shared>> -> memref<10240x16xf32, #tpu.memory_space<vmem_shared>>
      tpu.enqueue_indirect_dma source(%dma_start3A_326 : memref<128x16xf32, #tpu.memory_space<vmem>>) target(%dma_start3A_332 : memref<10240x16xf32, #tpu.memory_space<vmem_shared>>) offsets(%dma_start3A_329 : memref<128xi32, #tpu.memory_space<vmem>>) semaphore(%arg15 : memref<!tpu.dma_semaphore, #tpu.memory_space<semaphore_mem>>) {add = true}
      %mul3A_333 = arith.constant 4 : i32
      %mul3A_334 = arith.muli %add3A_284, %mul3A_333 : i32
      %add3A_335 = arith.constant 2 : i32
      %add3A_336 = arith.addi %mul3A_334, %add3A_335 : i32
      %dma_start3A_337 = arith.constant 1 : i32
      %dma_start3A_338 = arith.constant 256 : i32
      %dma_start3A_339 = arith.constant 0 : i32
      %dma_start3A_340 = tpu.memref_slice %arg7[%dma_start3A_337, %dma_start3A_338, %dma_start3A_339] : memref<4x512x16xf32, #tpu.memory_space<vmem>> -> memref<1x128x16xf32, #tpu.memory_space<vmem>>
      %dma_start3A_341 = tpu.memref_squeeze %dma_start3A_340 : memref<1x128x16xf32, #tpu.memory_space<vmem>> -> memref<128x16xf32, #tpu.memory_space<vmem>>
      %dma_start3A_342 = arith.constant 0 : i32
      %dma_start3A_343 = tpu.memref_slice %arg6[%add3A_336, %dma_start3A_342] : memref<80x128xi32, #tpu.memory_space<vmem>> -> memref<1x128xi32, #tpu.memory_space<vmem>>
      %dma_start3A_344 = tpu.memref_squeeze %dma_start3A_343 : memref<1x128xi32, #tpu.memory_space<vmem>> -> memref<128xi32, #tpu.memory_space<vmem>>
      %dma_start3A_345 = arith.constant 0 : i32
      %dma_start3A_346 = arith.constant 0 : i32
      %dma_start3A_347 = tpu.memref_slice %arg10[%dma_start3A_345, %dma_start3A_346] : memref<10240x16xf32, #tpu.memory_space<vmem_shared>> -> memref<10240x16xf32, #tpu.memory_space<vmem_shared>>
      tpu.enqueue_indirect_dma source(%dma_start3A_341 : memref<128x16xf32, #tpu.memory_space<vmem>>) target(%dma_start3A_347 : memref<10240x16xf32, #tpu.memory_space<vmem_shared>>) offsets(%dma_start3A_344 : memref<128xi32, #tpu.memory_space<vmem>>) semaphore(%arg15 : memref<!tpu.dma_semaphore, #tpu.memory_space<semaphore_mem>>) {add = true}
      %mul3A_348 = arith.constant 4 : i32
      %mul3A_349 = arith.muli %add3A_284, %mul3A_348 : i32
      %add3A_350 = arith.constant 3 : i32
      %add3A_351 = arith.addi %mul3A_349, %add3A_350 : i32
      %dma_start3A_352 = arith.constant 1 : i32
      %dma_start3A_353 = arith.constant 384 : i32
      %dma_start3A_354 = arith.constant 0 : i32
      %dma_start3A_355 = tpu.memref_slice %arg7[%dma_start3A_352, %dma_start3A_353, %dma_start3A_354] : memref<4x512x16xf32, #tpu.memory_space<vmem>> -> memref<1x128x16xf32, #tpu.memory_space<vmem>>
      %dma_start3A_356 = tpu.memref_squeeze %dma_start3A_355 : memref<1x128x16xf32, #tpu.memory_space<vmem>> -> memref<128x16xf32, #tpu.memory_space<vmem>>
      %dma_start3A_357 = arith.constant 0 : i32
      %dma_start3A_358 = tpu.memref_slice %arg6[%add3A_351, %dma_start3A_357] : memref<80x128xi32, #tpu.memory_space<vmem>> -> memref<1x128xi32, #tpu.memory_space<vmem>>
      %dma_start3A_359 = tpu.memref_squeeze %dma_start3A_358 : memref<1x128xi32, #tpu.memory_space<vmem>> -> memref<128xi32, #tpu.memory_space<vmem>>
      %dma_start3A_360 = arith.constant 0 : i32
      %dma_start3A_361 = arith.constant 0 : i32
      %dma_start3A_362 = tpu.memref_slice %arg10[%dma_start3A_360, %dma_start3A_361] : memref<10240x16xf32, #tpu.memory_space<vmem_shared>> -> memref<10240x16xf32, #tpu.memory_space<vmem_shared>>
      tpu.enqueue_indirect_dma source(%dma_start3A_356 : memref<128x16xf32, #tpu.memory_space<vmem>>) target(%dma_start3A_362 : memref<10240x16xf32, #tpu.memory_space<vmem_shared>>) offsets(%dma_start3A_359 : memref<128xi32, #tpu.memory_space<vmem>>) semaphore(%arg15 : memref<!tpu.dma_semaphore, #tpu.memory_space<semaphore_mem>>) {add = true}
      %ge3A_363 = arith.constant 1 : i32
      %ge3A_364 = arith.cmpi sge, %add3A_284, %ge3A_363 : i32
      %convert_element_type3A_365 = arith.extui %ge3A_364 : i1 to i32
      %cond3A_366 = arith.constant 0 : i32
      %cond3A_367 = arith.cmpi ne, %convert_element_type3A_365, %cond3A_366 : i32
      scf.if %cond3A_367 {
        %dma_wait3A_563 = arith.constant 0 : i32
        %dma_wait3A_564 = arith.constant 0 : i32
        %dma_wait3A_565 = arith.constant 0 : i32
        %dma_wait3A_566 = arith.constant 0 : i32
        %dma_wait3A_567 = tpu.memref_slice %arg7[%dma_wait3A_564, %dma_wait3A_565, %dma_wait3A_566] : memref<4x512x16xf32, #tpu.memory_space<vmem>> -> memref<1x512x16xf32, #tpu.memory_space<vmem>>
        %dma_wait3A_568 = tpu.memref_squeeze %dma_wait3A_567 : memref<1x512x16xf32, #tpu.memory_space<vmem>> -> memref<512x16xf32, #tpu.memory_space<vmem>>
        %dma_wait3A_569 = arith.constant 0 : i32
        %dma_wait3A_570 = arith.constant 0 : i32
        %dma_wait3A_571 = tpu.memref_slice %arg4[%dma_wait3A_563, %dma_wait3A_569, %dma_wait3A_570] : memref<2x10240x16xf32, #tpu.memory_space<hbm>> -> memref<1x512x16xf32, #tpu.memory_space<hbm>>
        %dma_wait3A_572 = tpu.memref_squeeze %dma_wait3A_571 : memref<1x512x16xf32, #tpu.memory_space<hbm>> -> memref<512x16xf32, #tpu.memory_space<hbm>>
        %dma_wait3A_573 = arith.constant 0 : i32
        %dma_wait3A_574 = arith.constant 0 : i32
        %dma_wait3A_575 = tpu.memref_slice %arg7[%dma_wait3A_564, %dma_wait3A_573, %dma_wait3A_574] : memref<4x512x16xf32, #tpu.memory_space<vmem>> -> memref<1x512x16xf32, #tpu.memory_space<vmem>>
        %dma_wait3A_576 = tpu.memref_squeeze %dma_wait3A_575 : memref<1x512x16xf32, #tpu.memory_space<vmem>> -> memref<512x16xf32, #tpu.memory_space<vmem>>
        %dma_wait3A_577 = arith.constant 0 : i32
        %dma_wait3A_578 = arith.constant 0 : i32
        %dma_wait3A_579 = tpu.memref_slice %arg4[%dma_wait3A_563, %dma_wait3A_577, %dma_wait3A_578] : memref<2x10240x16xf32, #tpu.memory_space<hbm>> -> memref<1x512x16xf32, #tpu.memory_space<hbm>>
        %dma_wait3A_580 = tpu.memref_squeeze %dma_wait3A_579 : memref<1x512x16xf32, #tpu.memory_space<hbm>> -> memref<512x16xf32, #tpu.memory_space<hbm>>
        tpu.wait_dma2 semaphore(%arg15 : memref<!tpu.dma_semaphore, #tpu.memory_space<semaphore_mem>>) src(%dma_wait3A_580 : memref<512x16xf32, #tpu.memory_space<hbm>>) dst(%dma_wait3A_576 : memref<512x16xf32, #tpu.memory_space<vmem>>)
      } else {
      }
      %add3A_368 = arith.constant 3 : i32
      %add3A_369 = arith.addi %add3A_284, %add3A_368 : i32
      %le3A_370 = arith.constant 19 : i32
      %le3A_371 = arith.cmpi sle, %add3A_369, %le3A_370 : i32
      %convert_element_type3A_372 = arith.extui %le3A_371 : i1 to i32
      %cond3A_373 = arith.constant 0 : i32
      %cond3A_374 = arith.cmpi ne, %convert_element_type3A_372, %cond3A_373 : i32
      scf.if %cond3A_374 {
        %add3A_563 = arith.constant 3 : i32
        %add3A_564 = arith.addi %add3A_284, %add3A_563 : i32
        %mul3A_565 = arith.constant 4 : i32
        %mul3A_566 = arith.muli %add3A_564, %mul3A_565 : i32
        %add3A_567 = arith.constant 0 : i32
        %add3A_568 = arith.addi %mul3A_566, %add3A_567 : i32
        %dma_start3A_569 = arith.constant 0 : i32
        %dma_start3A_570 = arith.constant 0 : i32
        %dma_start3A_571 = arith.constant 0 : i32
        %dma_start3A_572 = tpu.memref_slice %arg7[%dma_start3A_569, %dma_start3A_570, %dma_start3A_571] : memref<4x512x16xf32, #tpu.memory_space<vmem>> -> memref<1x128x16xf32, #tpu.memory_space<vmem>>
        %dma_start3A_573 = tpu.memref_squeeze %dma_start3A_572 : memref<1x128x16xf32, #tpu.memory_space<vmem>> -> memref<128x16xf32, #tpu.memory_space<vmem>>
        %dma_start3A_574 = arith.constant 0 : i32
        %dma_start3A_575 = tpu.memref_slice %arg5[%add3A_568, %dma_start3A_574] : memref<80x128xi32, #tpu.memory_space<vmem>> -> memref<1x128xi32, #tpu.memory_space<vmem>>
        %dma_start3A_576 = tpu.memref_squeeze %dma_start3A_575 : memref<1x128xi32, #tpu.memory_space<vmem>> -> memref<128xi32, #tpu.memory_space<vmem>>
        %dma_start3A_577 = arith.constant 0 : i32
        %dma_start3A_578 = arith.constant 0 : i32
        %dma_start3A_579 = tpu.memref_slice %arg9[%dma_start3A_577, %dma_start3A_578] : memref<10240x16xf32, #tpu.memory_space<vmem_shared>> -> memref<10240x16xf32, #tpu.memory_space<vmem_shared>>
        tpu.enqueue_indirect_dma source(%dma_start3A_579 : memref<10240x16xf32, #tpu.memory_space<vmem_shared>>) target(%dma_start3A_573 : memref<128x16xf32, #tpu.memory_space<vmem>>) offsets(%dma_start3A_576 : memref<128xi32, #tpu.memory_space<vmem>>) semaphore(%arg11 : memref<!tpu.dma_semaphore, #tpu.memory_space<semaphore_mem>>)
        %mul3A_580 = arith.constant 4 : i32
        %mul3A_581 = arith.muli %add3A_564, %mul3A_580 : i32
        %add3A_582 = arith.constant 1 : i32
        %add3A_583 = arith.addi %mul3A_581, %add3A_582 : i32
        %dma_start3A_584 = arith.constant 0 : i32
        %dma_start3A_585 = arith.constant 128 : i32
        %dma_start3A_586 = arith.constant 0 : i32
        %dma_start3A_587 = tpu.memref_slice %arg7[%dma_start3A_584, %dma_start3A_585, %dma_start3A_586] : memref<4x512x16xf32, #tpu.memory_space<vmem>> -> memref<1x128x16xf32, #tpu.memory_space<vmem>>
        %dma_start3A_588 = tpu.memref_squeeze %dma_start3A_587 : memref<1x128x16xf32, #tpu.memory_space<vmem>> -> memref<128x16xf32, #tpu.memory_space<vmem>>
        %dma_start3A_589 = arith.constant 0 : i32
        %dma_start3A_590 = tpu.memref_slice %arg5[%add3A_583, %dma_start3A_589] : memref<80x128xi32, #tpu.memory_space<vmem>> -> memref<1x128xi32, #tpu.memory_space<vmem>>
        %dma_start3A_591 = tpu.memref_squeeze %dma_start3A_590 : memref<1x128xi32, #tpu.memory_space<vmem>> -> memref<128xi32, #tpu.memory_space<vmem>>
        %dma_start3A_592 = arith.constant 0 : i32
        %dma_start3A_593 = arith.constant 0 : i32
        %dma_start3A_594 = tpu.memref_slice %arg9[%dma_start3A_592, %dma_start3A_593] : memref<10240x16xf32, #tpu.memory_space<vmem_shared>> -> memref<10240x16xf32, #tpu.memory_space<vmem_shared>>
        tpu.enqueue_indirect_dma source(%dma_start3A_594 : memref<10240x16xf32, #tpu.memory_space<vmem_shared>>) target(%dma_start3A_588 : memref<128x16xf32, #tpu.memory_space<vmem>>) offsets(%dma_start3A_591 : memref<128xi32, #tpu.memory_space<vmem>>) semaphore(%arg11 : memref<!tpu.dma_semaphore, #tpu.memory_space<semaphore_mem>>)
        %mul3A_595 = arith.constant 4 : i32
        %mul3A_596 = arith.muli %add3A_564, %mul3A_595 : i32
        %add3A_597 = arith.constant 2 : i32
        %add3A_598 = arith.addi %mul3A_596, %add3A_597 : i32
        %dma_start3A_599 = arith.constant 0 : i32
        %dma_start3A_600 = arith.constant 256 : i32
        %dma_start3A_601 = arith.constant 0 : i32
        %dma_start3A_602 = tpu.memref_slice %arg7[%dma_start3A_599, %dma_start3A_600, %dma_start3A_601] : memref<4x512x16xf32, #tpu.memory_space<vmem>> -> memref<1x128x16xf32, #tpu.memory_space<vmem>>
        %dma_start3A_603 = tpu.memref_squeeze %dma_start3A_602 : memref<1x128x16xf32, #tpu.memory_space<vmem>> -> memref<128x16xf32, #tpu.memory_space<vmem>>
        %dma_start3A_604 = arith.constant 0 : i32
        %dma_start3A_605 = tpu.memref_slice %arg5[%add3A_598, %dma_start3A_604] : memref<80x128xi32, #tpu.memory_space<vmem>> -> memref<1x128xi32, #tpu.memory_space<vmem>>
        %dma_start3A_606 = tpu.memref_squeeze %dma_start3A_605 : memref<1x128xi32, #tpu.memory_space<vmem>> -> memref<128xi32, #tpu.memory_space<vmem>>
        %dma_start3A_607 = arith.constant 0 : i32
        %dma_start3A_608 = arith.constant 0 : i32
        %dma_start3A_609 = tpu.memref_slice %arg9[%dma_start3A_607, %dma_start3A_608] : memref<10240x16xf32, #tpu.memory_space<vmem_shared>> -> memref<10240x16xf32, #tpu.memory_space<vmem_shared>>
        tpu.enqueue_indirect_dma source(%dma_start3A_609 : memref<10240x16xf32, #tpu.memory_space<vmem_shared>>) target(%dma_start3A_603 : memref<128x16xf32, #tpu.memory_space<vmem>>) offsets(%dma_start3A_606 : memref<128xi32, #tpu.memory_space<vmem>>) semaphore(%arg11 : memref<!tpu.dma_semaphore, #tpu.memory_space<semaphore_mem>>)
        %mul3A_610 = arith.constant 4 : i32
        %mul3A_611 = arith.muli %add3A_564, %mul3A_610 : i32
        %add3A_612 = arith.constant 3 : i32
        %add3A_613 = arith.addi %mul3A_611, %add3A_612 : i32
        %dma_start3A_614 = arith.constant 0 : i32
        %dma_start3A_615 = arith.constant 384 : i32
        %dma_start3A_616 = arith.constant 0 : i32
        %dma_start3A_617 = tpu.memref_slice %arg7[%dma_start3A_614, %dma_start3A_615, %dma_start3A_616] : memref<4x512x16xf32, #tpu.memory_space<vmem>> -> memref<1x128x16xf32, #tpu.memory_space<vmem>>
        %dma_start3A_618 = tpu.memref_squeeze %dma_start3A_617 : memref<1x128x16xf32, #tpu.memory_space<vmem>> -> memref<128x16xf32, #tpu.memory_space<vmem>>
        %dma_start3A_619 = arith.constant 0 : i32
        %dma_start3A_620 = tpu.memref_slice %arg5[%add3A_613, %dma_start3A_619] : memref<80x128xi32, #tpu.memory_space<vmem>> -> memref<1x128xi32, #tpu.memory_space<vmem>>
        %dma_start3A_621 = tpu.memref_squeeze %dma_start3A_620 : memref<1x128xi32, #tpu.memory_space<vmem>> -> memref<128xi32, #tpu.memory_space<vmem>>
        %dma_start3A_622 = arith.constant 0 : i32
        %dma_start3A_623 = arith.constant 0 : i32
        %dma_start3A_624 = tpu.memref_slice %arg9[%dma_start3A_622, %dma_start3A_623] : memref<10240x16xf32, #tpu.memory_space<vmem_shared>> -> memref<10240x16xf32, #tpu.memory_space<vmem_shared>>
        tpu.enqueue_indirect_dma source(%dma_start3A_624 : memref<10240x16xf32, #tpu.memory_space<vmem_shared>>) target(%dma_start3A_618 : memref<128x16xf32, #tpu.memory_space<vmem>>) offsets(%dma_start3A_621 : memref<128xi32, #tpu.memory_space<vmem>>) semaphore(%arg11 : memref<!tpu.dma_semaphore, #tpu.memory_space<semaphore_mem>>)
      } else {
      }
      %mul3A_375 = arith.constant 4 : i32
      %mul3A_376 = arith.muli %mul3A_375, %add3A_190 : i32
      %add3A_377 = arith.constant 2 : i32
      %add3A_378 = arith.addi %mul3A_376, %add3A_377 : i32
      %dma_wait3A_379 = arith.constant 0 : i32
      %dma_wait3A_380 = arith.constant 0 : i32
      %dma_wait3A_381 = arith.constant 0 : i32
      %dma_wait3A_382 = arith.constant 0 : i32
      %dma_wait3A_383 = tpu.memref_slice %arg7[%dma_wait3A_380, %dma_wait3A_381, %dma_wait3A_382] : memref<4x512x16xf32, #tpu.memory_space<vmem>> -> memref<1x512x16xf32, #tpu.memory_space<vmem>>
      %dma_wait3A_384 = tpu.memref_squeeze %dma_wait3A_383 : memref<1x512x16xf32, #tpu.memory_space<vmem>> -> memref<512x16xf32, #tpu.memory_space<vmem>>
      %dma_wait3A_385 = arith.constant 0 : i32
      %dma_wait3A_386 = arith.constant 0 : i32
      %dma_wait3A_387 = tpu.memref_slice %arg4[%dma_wait3A_379, %dma_wait3A_385, %dma_wait3A_386] : memref<2x10240x16xf32, #tpu.memory_space<hbm>> -> memref<1x512x16xf32, #tpu.memory_space<hbm>>
      %dma_wait3A_388 = tpu.memref_squeeze %dma_wait3A_387 : memref<1x512x16xf32, #tpu.memory_space<hbm>> -> memref<512x16xf32, #tpu.memory_space<hbm>>
      %dma_wait3A_389 = arith.constant 0 : i32
      %dma_wait3A_390 = arith.constant 0 : i32
      %dma_wait3A_391 = tpu.memref_slice %arg7[%dma_wait3A_380, %dma_wait3A_389, %dma_wait3A_390] : memref<4x512x16xf32, #tpu.memory_space<vmem>> -> memref<1x512x16xf32, #tpu.memory_space<vmem>>
      %dma_wait3A_392 = tpu.memref_squeeze %dma_wait3A_391 : memref<1x512x16xf32, #tpu.memory_space<vmem>> -> memref<512x16xf32, #tpu.memory_space<vmem>>
      %dma_wait3A_393 = arith.constant 0 : i32
      %dma_wait3A_394 = arith.constant 0 : i32
      %dma_wait3A_395 = tpu.memref_slice %arg4[%dma_wait3A_379, %dma_wait3A_393, %dma_wait3A_394] : memref<2x10240x16xf32, #tpu.memory_space<hbm>> -> memref<1x512x16xf32, #tpu.memory_space<hbm>>
      %dma_wait3A_396 = tpu.memref_squeeze %dma_wait3A_395 : memref<1x512x16xf32, #tpu.memory_space<hbm>> -> memref<512x16xf32, #tpu.memory_space<hbm>>
      tpu.wait_dma2 semaphore(%arg13 : memref<!tpu.dma_semaphore, #tpu.memory_space<semaphore_mem>>) src(%dma_wait3A_396 : memref<512x16xf32, #tpu.memory_space<hbm>>) dst(%dma_wait3A_392 : memref<512x16xf32, #tpu.memory_space<vmem>>)
      %mul3A_397 = arith.constant 4 : i32
      %mul3A_398 = arith.muli %add3A_378, %mul3A_397 : i32
      %add3A_399 = arith.constant 0 : i32
      %add3A_400 = arith.addi %mul3A_398, %add3A_399 : i32
      %dma_start3A_401 = arith.constant 2 : i32
      %dma_start3A_402 = arith.constant 0 : i32
      %dma_start3A_403 = arith.constant 0 : i32
      %dma_start3A_404 = tpu.memref_slice %arg7[%dma_start3A_401, %dma_start3A_402, %dma_start3A_403] : memref<4x512x16xf32, #tpu.memory_space<vmem>> -> memref<1x128x16xf32, #tpu.memory_space<vmem>>
      %dma_start3A_405 = tpu.memref_squeeze %dma_start3A_404 : memref<1x128x16xf32, #tpu.memory_space<vmem>> -> memref<128x16xf32, #tpu.memory_space<vmem>>
      %dma_start3A_406 = arith.constant 0 : i32
      %dma_start3A_407 = tpu.memref_slice %arg6[%add3A_400, %dma_start3A_406] : memref<80x128xi32, #tpu.memory_space<vmem>> -> memref<1x128xi32, #tpu.memory_space<vmem>>
      %dma_start3A_408 = tpu.memref_squeeze %dma_start3A_407 : memref<1x128xi32, #tpu.memory_space<vmem>> -> memref<128xi32, #tpu.memory_space<vmem>>
      %dma_start3A_409 = arith.constant 0 : i32
      %dma_start3A_410 = arith.constant 0 : i32
      %dma_start3A_411 = tpu.memref_slice %arg10[%dma_start3A_409, %dma_start3A_410] : memref<10240x16xf32, #tpu.memory_space<vmem_shared>> -> memref<10240x16xf32, #tpu.memory_space<vmem_shared>>
      tpu.enqueue_indirect_dma source(%dma_start3A_405 : memref<128x16xf32, #tpu.memory_space<vmem>>) target(%dma_start3A_411 : memref<10240x16xf32, #tpu.memory_space<vmem_shared>>) offsets(%dma_start3A_408 : memref<128xi32, #tpu.memory_space<vmem>>) semaphore(%arg15 : memref<!tpu.dma_semaphore, #tpu.memory_space<semaphore_mem>>) {add = true}
      %mul3A_412 = arith.constant 4 : i32
      %mul3A_413 = arith.muli %add3A_378, %mul3A_412 : i32
      %add3A_414 = arith.constant 1 : i32
      %add3A_415 = arith.addi %mul3A_413, %add3A_414 : i32
      %dma_start3A_416 = arith.constant 2 : i32
      %dma_start3A_417 = arith.constant 128 : i32
      %dma_start3A_418 = arith.constant 0 : i32
      %dma_start3A_419 = tpu.memref_slice %arg7[%dma_start3A_416, %dma_start3A_417, %dma_start3A_418] : memref<4x512x16xf32, #tpu.memory_space<vmem>> -> memref<1x128x16xf32, #tpu.memory_space<vmem>>
      %dma_start3A_420 = tpu.memref_squeeze %dma_start3A_419 : memref<1x128x16xf32, #tpu.memory_space<vmem>> -> memref<128x16xf32, #tpu.memory_space<vmem>>
      %dma_start3A_421 = arith.constant 0 : i32
      %dma_start3A_422 = tpu.memref_slice %arg6[%add3A_415, %dma_start3A_421] : memref<80x128xi32, #tpu.memory_space<vmem>> -> memref<1x128xi32, #tpu.memory_space<vmem>>
      %dma_start3A_423 = tpu.memref_squeeze %dma_start3A_422 : memref<1x128xi32, #tpu.memory_space<vmem>> -> memref<128xi32, #tpu.memory_space<vmem>>
      %dma_start3A_424 = arith.constant 0 : i32
      %dma_start3A_425 = arith.constant 0 : i32
      %dma_start3A_426 = tpu.memref_slice %arg10[%dma_start3A_424, %dma_start3A_425] : memref<10240x16xf32, #tpu.memory_space<vmem_shared>> -> memref<10240x16xf32, #tpu.memory_space<vmem_shared>>
      tpu.enqueue_indirect_dma source(%dma_start3A_420 : memref<128x16xf32, #tpu.memory_space<vmem>>) target(%dma_start3A_426 : memref<10240x16xf32, #tpu.memory_space<vmem_shared>>) offsets(%dma_start3A_423 : memref<128xi32, #tpu.memory_space<vmem>>) semaphore(%arg15 : memref<!tpu.dma_semaphore, #tpu.memory_space<semaphore_mem>>) {add = true}
      %mul3A_427 = arith.constant 4 : i32
      %mul3A_428 = arith.muli %add3A_378, %mul3A_427 : i32
      %add3A_429 = arith.constant 2 : i32
      %add3A_430 = arith.addi %mul3A_428, %add3A_429 : i32
      %dma_start3A_431 = arith.constant 2 : i32
      %dma_start3A_432 = arith.constant 256 : i32
      %dma_start3A_433 = arith.constant 0 : i32
      %dma_start3A_434 = tpu.memref_slice %arg7[%dma_start3A_431, %dma_start3A_432, %dma_start3A_433] : memref<4x512x16xf32, #tpu.memory_space<vmem>> -> memref<1x128x16xf32, #tpu.memory_space<vmem>>
      %dma_start3A_435 = tpu.memref_squeeze %dma_start3A_434 : memref<1x128x16xf32, #tpu.memory_space<vmem>> -> memref<128x16xf32, #tpu.memory_space<vmem>>
      %dma_start3A_436 = arith.constant 0 : i32
      %dma_start3A_437 = tpu.memref_slice %arg6[%add3A_430, %dma_start3A_436] : memref<80x128xi32, #tpu.memory_space<vmem>> -> memref<1x128xi32, #tpu.memory_space<vmem>>
      %dma_start3A_438 = tpu.memref_squeeze %dma_start3A_437 : memref<1x128xi32, #tpu.memory_space<vmem>> -> memref<128xi32, #tpu.memory_space<vmem>>
      %dma_start3A_439 = arith.constant 0 : i32
      %dma_start3A_440 = arith.constant 0 : i32
      %dma_start3A_441 = tpu.memref_slice %arg10[%dma_start3A_439, %dma_start3A_440] : memref<10240x16xf32, #tpu.memory_space<vmem_shared>> -> memref<10240x16xf32, #tpu.memory_space<vmem_shared>>
      tpu.enqueue_indirect_dma source(%dma_start3A_435 : memref<128x16xf32, #tpu.memory_space<vmem>>) target(%dma_start3A_441 : memref<10240x16xf32, #tpu.memory_space<vmem_shared>>) offsets(%dma_start3A_438 : memref<128xi32, #tpu.memory_space<vmem>>) semaphore(%arg15 : memref<!tpu.dma_semaphore, #tpu.memory_space<semaphore_mem>>) {add = true}
      %mul3A_442 = arith.constant 4 : i32
      %mul3A_443 = arith.muli %add3A_378, %mul3A_442 : i32
      %add3A_444 = arith.constant 3 : i32
      %add3A_445 = arith.addi %mul3A_443, %add3A_444 : i32
      %dma_start3A_446 = arith.constant 2 : i32
      %dma_start3A_447 = arith.constant 384 : i32
      %dma_start3A_448 = arith.constant 0 : i32
      %dma_start3A_449 = tpu.memref_slice %arg7[%dma_start3A_446, %dma_start3A_447, %dma_start3A_448] : memref<4x512x16xf32, #tpu.memory_space<vmem>> -> memref<1x128x16xf32, #tpu.memory_space<vmem>>
      %dma_start3A_450 = tpu.memref_squeeze %dma_start3A_449 : memref<1x128x16xf32, #tpu.memory_space<vmem>> -> memref<128x16xf32, #tpu.memory_space<vmem>>
      %dma_start3A_451 = arith.constant 0 : i32
      %dma_start3A_452 = tpu.memref_slice %arg6[%add3A_445, %dma_start3A_451] : memref<80x128xi32, #tpu.memory_space<vmem>> -> memref<1x128xi32, #tpu.memory_space<vmem>>
      %dma_start3A_453 = tpu.memref_squeeze %dma_start3A_452 : memref<1x128xi32, #tpu.memory_space<vmem>> -> memref<128xi32, #tpu.memory_space<vmem>>
      %dma_start3A_454 = arith.constant 0 : i32
      %dma_start3A_455 = arith.constant 0 : i32
      %dma_start3A_456 = tpu.memref_slice %arg10[%dma_start3A_454, %dma_start3A_455] : memref<10240x16xf32, #tpu.memory_space<vmem_shared>> -> memref<10240x16xf32, #tpu.memory_space<vmem_shared>>
      tpu.enqueue_indirect_dma source(%dma_start3A_450 : memref<128x16xf32, #tpu.memory_space<vmem>>) target(%dma_start3A_456 : memref<10240x16xf32, #tpu.memory_space<vmem_shared>>) offsets(%dma_start3A_453 : memref<128xi32, #tpu.memory_space<vmem>>) semaphore(%arg15 : memref<!tpu.dma_semaphore, #tpu.memory_space<semaphore_mem>>) {add = true}
      %ge3A_457 = arith.constant 1 : i32
      %ge3A_458 = arith.cmpi sge, %add3A_378, %ge3A_457 : i32
      %convert_element_type3A_459 = arith.extui %ge3A_458 : i1 to i32
      %cond3A_460 = arith.constant 0 : i32
      %cond3A_461 = arith.cmpi ne, %convert_element_type3A_459, %cond3A_460 : i32
      scf.if %cond3A_461 {
        %dma_wait3A_563 = arith.constant 0 : i32
        %dma_wait3A_564 = arith.constant 0 : i32
        %dma_wait3A_565 = arith.constant 0 : i32
        %dma_wait3A_566 = arith.constant 0 : i32
        %dma_wait3A_567 = tpu.memref_slice %arg7[%dma_wait3A_564, %dma_wait3A_565, %dma_wait3A_566] : memref<4x512x16xf32, #tpu.memory_space<vmem>> -> memref<1x512x16xf32, #tpu.memory_space<vmem>>
        %dma_wait3A_568 = tpu.memref_squeeze %dma_wait3A_567 : memref<1x512x16xf32, #tpu.memory_space<vmem>> -> memref<512x16xf32, #tpu.memory_space<vmem>>
        %dma_wait3A_569 = arith.constant 0 : i32
        %dma_wait3A_570 = arith.constant 0 : i32
        %dma_wait3A_571 = tpu.memref_slice %arg4[%dma_wait3A_563, %dma_wait3A_569, %dma_wait3A_570] : memref<2x10240x16xf32, #tpu.memory_space<hbm>> -> memref<1x512x16xf32, #tpu.memory_space<hbm>>
        %dma_wait3A_572 = tpu.memref_squeeze %dma_wait3A_571 : memref<1x512x16xf32, #tpu.memory_space<hbm>> -> memref<512x16xf32, #tpu.memory_space<hbm>>
        %dma_wait3A_573 = arith.constant 0 : i32
        %dma_wait3A_574 = arith.constant 0 : i32
        %dma_wait3A_575 = tpu.memref_slice %arg7[%dma_wait3A_564, %dma_wait3A_573, %dma_wait3A_574] : memref<4x512x16xf32, #tpu.memory_space<vmem>> -> memref<1x512x16xf32, #tpu.memory_space<vmem>>
        %dma_wait3A_576 = tpu.memref_squeeze %dma_wait3A_575 : memref<1x512x16xf32, #tpu.memory_space<vmem>> -> memref<512x16xf32, #tpu.memory_space<vmem>>
        %dma_wait3A_577 = arith.constant 0 : i32
        %dma_wait3A_578 = arith.constant 0 : i32
        %dma_wait3A_579 = tpu.memref_slice %arg4[%dma_wait3A_563, %dma_wait3A_577, %dma_wait3A_578] : memref<2x10240x16xf32, #tpu.memory_space<hbm>> -> memref<1x512x16xf32, #tpu.memory_space<hbm>>
        %dma_wait3A_580 = tpu.memref_squeeze %dma_wait3A_579 : memref<1x512x16xf32, #tpu.memory_space<hbm>> -> memref<512x16xf32, #tpu.memory_space<hbm>>
        tpu.wait_dma2 semaphore(%arg15 : memref<!tpu.dma_semaphore, #tpu.memory_space<semaphore_mem>>) src(%dma_wait3A_580 : memref<512x16xf32, #tpu.memory_space<hbm>>) dst(%dma_wait3A_576 : memref<512x16xf32, #tpu.memory_space<vmem>>)
      } else {
      }
      %add3A_462 = arith.constant 3 : i32
      %add3A_463 = arith.addi %add3A_378, %add3A_462 : i32
      %le3A_464 = arith.constant 19 : i32
      %le3A_465 = arith.cmpi sle, %add3A_463, %le3A_464 : i32
      %convert_element_type3A_466 = arith.extui %le3A_465 : i1 to i32
      %cond3A_467 = arith.constant 0 : i32
      %cond3A_468 = arith.cmpi ne, %convert_element_type3A_466, %cond3A_467 : i32
      scf.if %cond3A_468 {
        %add3A_563 = arith.constant 3 : i32
        %add3A_564 = arith.addi %add3A_378, %add3A_563 : i32
        %mul3A_565 = arith.constant 4 : i32
        %mul3A_566 = arith.muli %add3A_564, %mul3A_565 : i32
        %add3A_567 = arith.constant 0 : i32
        %add3A_568 = arith.addi %mul3A_566, %add3A_567 : i32
        %dma_start3A_569 = arith.constant 1 : i32
        %dma_start3A_570 = arith.constant 0 : i32
        %dma_start3A_571 = arith.constant 0 : i32
        %dma_start3A_572 = tpu.memref_slice %arg7[%dma_start3A_569, %dma_start3A_570, %dma_start3A_571] : memref<4x512x16xf32, #tpu.memory_space<vmem>> -> memref<1x128x16xf32, #tpu.memory_space<vmem>>
        %dma_start3A_573 = tpu.memref_squeeze %dma_start3A_572 : memref<1x128x16xf32, #tpu.memory_space<vmem>> -> memref<128x16xf32, #tpu.memory_space<vmem>>
        %dma_start3A_574 = arith.constant 0 : i32
        %dma_start3A_575 = tpu.memref_slice %arg5[%add3A_568, %dma_start3A_574] : memref<80x128xi32, #tpu.memory_space<vmem>> -> memref<1x128xi32, #tpu.memory_space<vmem>>
        %dma_start3A_576 = tpu.memref_squeeze %dma_start3A_575 : memref<1x128xi32, #tpu.memory_space<vmem>> -> memref<128xi32, #tpu.memory_space<vmem>>
        %dma_start3A_577 = arith.constant 0 : i32
        %dma_start3A_578 = arith.constant 0 : i32
        %dma_start3A_579 = tpu.memref_slice %arg9[%dma_start3A_577, %dma_start3A_578] : memref<10240x16xf32, #tpu.memory_space<vmem_shared>> -> memref<10240x16xf32, #tpu.memory_space<vmem_shared>>
        tpu.enqueue_indirect_dma source(%dma_start3A_579 : memref<10240x16xf32, #tpu.memory_space<vmem_shared>>) target(%dma_start3A_573 : memref<128x16xf32, #tpu.memory_space<vmem>>) offsets(%dma_start3A_576 : memref<128xi32, #tpu.memory_space<vmem>>) semaphore(%arg12 : memref<!tpu.dma_semaphore, #tpu.memory_space<semaphore_mem>>)
        %mul3A_580 = arith.constant 4 : i32
        %mul3A_581 = arith.muli %add3A_564, %mul3A_580 : i32
        %add3A_582 = arith.constant 1 : i32
        %add3A_583 = arith.addi %mul3A_581, %add3A_582 : i32
        %dma_start3A_584 = arith.constant 1 : i32
        %dma_start3A_585 = arith.constant 128 : i32
        %dma_start3A_586 = arith.constant 0 : i32
        %dma_start3A_587 = tpu.memref_slice %arg7[%dma_start3A_584, %dma_start3A_585, %dma_start3A_586] : memref<4x512x16xf32, #tpu.memory_space<vmem>> -> memref<1x128x16xf32, #tpu.memory_space<vmem>>
        %dma_start3A_588 = tpu.memref_squeeze %dma_start3A_587 : memref<1x128x16xf32, #tpu.memory_space<vmem>> -> memref<128x16xf32, #tpu.memory_space<vmem>>
        %dma_start3A_589 = arith.constant 0 : i32
        %dma_start3A_590 = tpu.memref_slice %arg5[%add3A_583, %dma_start3A_589] : memref<80x128xi32, #tpu.memory_space<vmem>> -> memref<1x128xi32, #tpu.memory_space<vmem>>
        %dma_start3A_591 = tpu.memref_squeeze %dma_start3A_590 : memref<1x128xi32, #tpu.memory_space<vmem>> -> memref<128xi32, #tpu.memory_space<vmem>>
        %dma_start3A_592 = arith.constant 0 : i32
        %dma_start3A_593 = arith.constant 0 : i32
        %dma_start3A_594 = tpu.memref_slice %arg9[%dma_start3A_592, %dma_start3A_593] : memref<10240x16xf32, #tpu.memory_space<vmem_shared>> -> memref<10240x16xf32, #tpu.memory_space<vmem_shared>>
        tpu.enqueue_indirect_dma source(%dma_start3A_594 : memref<10240x16xf32, #tpu.memory_space<vmem_shared>>) target(%dma_start3A_588 : memref<128x16xf32, #tpu.memory_space<vmem>>) offsets(%dma_start3A_591 : memref<128xi32, #tpu.memory_space<vmem>>) semaphore(%arg12 : memref<!tpu.dma_semaphore, #tpu.memory_space<semaphore_mem>>)
        %mul3A_595 = arith.constant 4 : i32
        %mul3A_596 = arith.muli %add3A_564, %mul3A_595 : i32
        %add3A_597 = arith.constant 2 : i32
        %add3A_598 = arith.addi %mul3A_596, %add3A_597 : i32
        %dma_start3A_599 = arith.constant 1 : i32
        %dma_start3A_600 = arith.constant 256 : i32
        %dma_start3A_601 = arith.constant 0 : i32
        %dma_start3A_602 = tpu.memref_slice %arg7[%dma_start3A_599, %dma_start3A_600, %dma_start3A_601] : memref<4x512x16xf32, #tpu.memory_space<vmem>> -> memref<1x128x16xf32, #tpu.memory_space<vmem>>
        %dma_start3A_603 = tpu.memref_squeeze %dma_start3A_602 : memref<1x128x16xf32, #tpu.memory_space<vmem>> -> memref<128x16xf32, #tpu.memory_space<vmem>>
        %dma_start3A_604 = arith.constant 0 : i32
        %dma_start3A_605 = tpu.memref_slice %arg5[%add3A_598, %dma_start3A_604] : memref<80x128xi32, #tpu.memory_space<vmem>> -> memref<1x128xi32, #tpu.memory_space<vmem>>
        %dma_start3A_606 = tpu.memref_squeeze %dma_start3A_605 : memref<1x128xi32, #tpu.memory_space<vmem>> -> memref<128xi32, #tpu.memory_space<vmem>>
        %dma_start3A_607 = arith.constant 0 : i32
        %dma_start3A_608 = arith.constant 0 : i32
        %dma_start3A_609 = tpu.memref_slice %arg9[%dma_start3A_607, %dma_start3A_608] : memref<10240x16xf32, #tpu.memory_space<vmem_shared>> -> memref<10240x16xf32, #tpu.memory_space<vmem_shared>>
        tpu.enqueue_indirect_dma source(%dma_start3A_609 : memref<10240x16xf32, #tpu.memory_space<vmem_shared>>) target(%dma_start3A_603 : memref<128x16xf32, #tpu.memory_space<vmem>>) offsets(%dma_start3A_606 : memref<128xi32, #tpu.memory_space<vmem>>) semaphore(%arg12 : memref<!tpu.dma_semaphore, #tpu.memory_space<semaphore_mem>>)
        %mul3A_610 = arith.constant 4 : i32
        %mul3A_611 = arith.muli %add3A_564, %mul3A_610 : i32
        %add3A_612 = arith.constant 3 : i32
        %add3A_613 = arith.addi %mul3A_611, %add3A_612 : i32
        %dma_start3A_614 = arith.constant 1 : i32
        %dma_start3A_615 = arith.constant 384 : i32
        %dma_start3A_616 = arith.constant 0 : i32
        %dma_start3A_617 = tpu.memref_slice %arg7[%dma_start3A_614, %dma_start3A_615, %dma_start3A_616] : memref<4x512x16xf32, #tpu.memory_space<vmem>> -> memref<1x128x16xf32, #tpu.memory_space<vmem>>
        %dma_start3A_618 = tpu.memref_squeeze %dma_start3A_617 : memref<1x128x16xf32, #tpu.memory_space<vmem>> -> memref<128x16xf32, #tpu.memory_space<vmem>>
        %dma_start3A_619 = arith.constant 0 : i32
        %dma_start3A_620 = tpu.memref_slice %arg5[%add3A_613, %dma_start3A_619] : memref<80x128xi32, #tpu.memory_space<vmem>> -> memref<1x128xi32, #tpu.memory_space<vmem>>
        %dma_start3A_621 = tpu.memref_squeeze %dma_start3A_620 : memref<1x128xi32, #tpu.memory_space<vmem>> -> memref<128xi32, #tpu.memory_space<vmem>>
        %dma_start3A_622 = arith.constant 0 : i32
        %dma_start3A_623 = arith.constant 0 : i32
        %dma_start3A_624 = tpu.memref_slice %arg9[%dma_start3A_622, %dma_start3A_623] : memref<10240x16xf32, #tpu.memory_space<vmem_shared>> -> memref<10240x16xf32, #tpu.memory_space<vmem_shared>>
        tpu.enqueue_indirect_dma source(%dma_start3A_624 : memref<10240x16xf32, #tpu.memory_space<vmem_shared>>) target(%dma_start3A_618 : memref<128x16xf32, #tpu.memory_space<vmem>>) offsets(%dma_start3A_621 : memref<128xi32, #tpu.memory_space<vmem>>) semaphore(%arg12 : memref<!tpu.dma_semaphore, #tpu.memory_space<semaphore_mem>>)
      } else {
      }
      %mul3A_469 = arith.constant 4 : i32
      %mul3A_470 = arith.muli %mul3A_469, %add3A_190 : i32
      %add3A_471 = arith.constant 3 : i32
      %add3A_472 = arith.addi %mul3A_470, %add3A_471 : i32
      %dma_wait3A_473 = arith.constant 0 : i32
      %dma_wait3A_474 = arith.constant 0 : i32
      %dma_wait3A_475 = arith.constant 0 : i32
      %dma_wait3A_476 = arith.constant 0 : i32
      %dma_wait3A_477 = tpu.memref_slice %arg7[%dma_wait3A_474, %dma_wait3A_475, %dma_wait3A_476] : memref<4x512x16xf32, #tpu.memory_space<vmem>> -> memref<1x512x16xf32, #tpu.memory_space<vmem>>
      %dma_wait3A_478 = tpu.memref_squeeze %dma_wait3A_477 : memref<1x512x16xf32, #tpu.memory_space<vmem>> -> memref<512x16xf32, #tpu.memory_space<vmem>>
      %dma_wait3A_479 = arith.constant 0 : i32
      %dma_wait3A_480 = arith.constant 0 : i32
      %dma_wait3A_481 = tpu.memref_slice %arg4[%dma_wait3A_473, %dma_wait3A_479, %dma_wait3A_480] : memref<2x10240x16xf32, #tpu.memory_space<hbm>> -> memref<1x512x16xf32, #tpu.memory_space<hbm>>
      %dma_wait3A_482 = tpu.memref_squeeze %dma_wait3A_481 : memref<1x512x16xf32, #tpu.memory_space<hbm>> -> memref<512x16xf32, #tpu.memory_space<hbm>>
      %dma_wait3A_483 = arith.constant 0 : i32
      %dma_wait3A_484 = arith.constant 0 : i32
      %dma_wait3A_485 = tpu.memref_slice %arg7[%dma_wait3A_474, %dma_wait3A_483, %dma_wait3A_484] : memref<4x512x16xf32, #tpu.memory_space<vmem>> -> memref<1x512x16xf32, #tpu.memory_space<vmem>>
      %dma_wait3A_486 = tpu.memref_squeeze %dma_wait3A_485 : memref<1x512x16xf32, #tpu.memory_space<vmem>> -> memref<512x16xf32, #tpu.memory_space<vmem>>
      %dma_wait3A_487 = arith.constant 0 : i32
      %dma_wait3A_488 = arith.constant 0 : i32
      %dma_wait3A_489 = tpu.memref_slice %arg4[%dma_wait3A_473, %dma_wait3A_487, %dma_wait3A_488] : memref<2x10240x16xf32, #tpu.memory_space<hbm>> -> memref<1x512x16xf32, #tpu.memory_space<hbm>>
      %dma_wait3A_490 = tpu.memref_squeeze %dma_wait3A_489 : memref<1x512x16xf32, #tpu.memory_space<hbm>> -> memref<512x16xf32, #tpu.memory_space<hbm>>
      tpu.wait_dma2 semaphore(%arg14 : memref<!tpu.dma_semaphore, #tpu.memory_space<semaphore_mem>>) src(%dma_wait3A_490 : memref<512x16xf32, #tpu.memory_space<hbm>>) dst(%dma_wait3A_486 : memref<512x16xf32, #tpu.memory_space<vmem>>)
      %mul3A_491 = arith.constant 4 : i32
      %mul3A_492 = arith.muli %add3A_472, %mul3A_491 : i32
      %add3A_493 = arith.constant 0 : i32
      %add3A_494 = arith.addi %mul3A_492, %add3A_493 : i32
      %dma_start3A_495 = arith.constant 3 : i32
      %dma_start3A_496 = arith.constant 0 : i32
      %dma_start3A_497 = arith.constant 0 : i32
      %dma_start3A_498 = tpu.memref_slice %arg7[%dma_start3A_495, %dma_start3A_496, %dma_start3A_497] : memref<4x512x16xf32, #tpu.memory_space<vmem>> -> memref<1x128x16xf32, #tpu.memory_space<vmem>>
      %dma_start3A_499 = tpu.memref_squeeze %dma_start3A_498 : memref<1x128x16xf32, #tpu.memory_space<vmem>> -> memref<128x16xf32, #tpu.memory_space<vmem>>
      %dma_start3A_500 = arith.constant 0 : i32
      %dma_start3A_501 = tpu.memref_slice %arg6[%add3A_494, %dma_start3A_500] : memref<80x128xi32, #tpu.memory_space<vmem>> -> memref<1x128xi32, #tpu.memory_space<vmem>>
      %dma_start3A_502 = tpu.memref_squeeze %dma_start3A_501 : memref<1x128xi32, #tpu.memory_space<vmem>> -> memref<128xi32, #tpu.memory_space<vmem>>
      %dma_start3A_503 = arith.constant 0 : i32
      %dma_start3A_504 = arith.constant 0 : i32
      %dma_start3A_505 = tpu.memref_slice %arg10[%dma_start3A_503, %dma_start3A_504] : memref<10240x16xf32, #tpu.memory_space<vmem_shared>> -> memref<10240x16xf32, #tpu.memory_space<vmem_shared>>
      tpu.enqueue_indirect_dma source(%dma_start3A_499 : memref<128x16xf32, #tpu.memory_space<vmem>>) target(%dma_start3A_505 : memref<10240x16xf32, #tpu.memory_space<vmem_shared>>) offsets(%dma_start3A_502 : memref<128xi32, #tpu.memory_space<vmem>>) semaphore(%arg15 : memref<!tpu.dma_semaphore, #tpu.memory_space<semaphore_mem>>) {add = true}
      %mul3A_506 = arith.constant 4 : i32
      %mul3A_507 = arith.muli %add3A_472, %mul3A_506 : i32
      %add3A_508 = arith.constant 1 : i32
      %add3A_509 = arith.addi %mul3A_507, %add3A_508 : i32
      %dma_start3A_510 = arith.constant 3 : i32
      %dma_start3A_511 = arith.constant 128 : i32
      %dma_start3A_512 = arith.constant 0 : i32
      %dma_start3A_513 = tpu.memref_slice %arg7[%dma_start3A_510, %dma_start3A_511, %dma_start3A_512] : memref<4x512x16xf32, #tpu.memory_space<vmem>> -> memref<1x128x16xf32, #tpu.memory_space<vmem>>
      %dma_start3A_514 = tpu.memref_squeeze %dma_start3A_513 : memref<1x128x16xf32, #tpu.memory_space<vmem>> -> memref<128x16xf32, #tpu.memory_space<vmem>>
      %dma_start3A_515 = arith.constant 0 : i32
      %dma_start3A_516 = tpu.memref_slice %arg6[%add3A_509, %dma_start3A_515] : memref<80x128xi32, #tpu.memory_space<vmem>> -> memref<1x128xi32, #tpu.memory_space<vmem>>
      %dma_start3A_517 = tpu.memref_squeeze %dma_start3A_516 : memref<1x128xi32, #tpu.memory_space<vmem>> -> memref<128xi32, #tpu.memory_space<vmem>>
      %dma_start3A_518 = arith.constant 0 : i32
      %dma_start3A_519 = arith.constant 0 : i32
      %dma_start3A_520 = tpu.memref_slice %arg10[%dma_start3A_518, %dma_start3A_519] : memref<10240x16xf32, #tpu.memory_space<vmem_shared>> -> memref<10240x16xf32, #tpu.memory_space<vmem_shared>>
      tpu.enqueue_indirect_dma source(%dma_start3A_514 : memref<128x16xf32, #tpu.memory_space<vmem>>) target(%dma_start3A_520 : memref<10240x16xf32, #tpu.memory_space<vmem_shared>>) offsets(%dma_start3A_517 : memref<128xi32, #tpu.memory_space<vmem>>) semaphore(%arg15 : memref<!tpu.dma_semaphore, #tpu.memory_space<semaphore_mem>>) {add = true}
      %mul3A_521 = arith.constant 4 : i32
      %mul3A_522 = arith.muli %add3A_472, %mul3A_521 : i32
      %add3A_523 = arith.constant 2 : i32
      %add3A_524 = arith.addi %mul3A_522, %add3A_523 : i32
      %dma_start3A_525 = arith.constant 3 : i32
      %dma_start3A_526 = arith.constant 256 : i32
      %dma_start3A_527 = arith.constant 0 : i32
      %dma_start3A_528 = tpu.memref_slice %arg7[%dma_start3A_525, %dma_start3A_526, %dma_start3A_527] : memref<4x512x16xf32, #tpu.memory_space<vmem>> -> memref<1x128x16xf32, #tpu.memory_space<vmem>>
      %dma_start3A_529 = tpu.memref_squeeze %dma_start3A_528 : memref<1x128x16xf32, #tpu.memory_space<vmem>> -> memref<128x16xf32, #tpu.memory_space<vmem>>
      %dma_start3A_530 = arith.constant 0 : i32
      %dma_start3A_531 = tpu.memref_slice %arg6[%add3A_524, %dma_start3A_530] : memref<80x128xi32, #tpu.memory_space<vmem>> -> memref<1x128xi32, #tpu.memory_space<vmem>>
      %dma_start3A_532 = tpu.memref_squeeze %dma_start3A_531 : memref<1x128xi32, #tpu.memory_space<vmem>> -> memref<128xi32, #tpu.memory_space<vmem>>
      %dma_start3A_533 = arith.constant 0 : i32
      %dma_start3A_534 = arith.constant 0 : i32
      %dma_start3A_535 = tpu.memref_slice %arg10[%dma_start3A_533, %dma_start3A_534] : memref<10240x16xf32, #tpu.memory_space<vmem_shared>> -> memref<10240x16xf32, #tpu.memory_space<vmem_shared>>
      tpu.enqueue_indirect_dma source(%dma_start3A_529 : memref<128x16xf32, #tpu.memory_space<vmem>>) target(%dma_start3A_535 : memref<10240x16xf32, #tpu.memory_space<vmem_shared>>) offsets(%dma_start3A_532 : memref<128xi32, #tpu.memory_space<vmem>>) semaphore(%arg15 : memref<!tpu.dma_semaphore, #tpu.memory_space<semaphore_mem>>) {add = true}
      %mul3A_536 = arith.constant 4 : i32
      %mul3A_537 = arith.muli %add3A_472, %mul3A_536 : i32
      %add3A_538 = arith.constant 3 : i32
      %add3A_539 = arith.addi %mul3A_537, %add3A_538 : i32
      %dma_start3A_540 = arith.constant 3 : i32
      %dma_start3A_541 = arith.constant 384 : i32
      %dma_start3A_542 = arith.constant 0 : i32
      %dma_start3A_543 = tpu.memref_slice %arg7[%dma_start3A_540, %dma_start3A_541, %dma_start3A_542] : memref<4x512x16xf32, #tpu.memory_space<vmem>> -> memref<1x128x16xf32, #tpu.memory_space<vmem>>
      %dma_start3A_544 = tpu.memref_squeeze %dma_start3A_543 : memref<1x128x16xf32, #tpu.memory_space<vmem>> -> memref<128x16xf32, #tpu.memory_space<vmem>>
      %dma_start3A_545 = arith.constant 0 : i32
      %dma_start3A_546 = tpu.memref_slice %arg6[%add3A_539, %dma_start3A_545] : memref<80x128xi32, #tpu.memory_space<vmem>> -> memref<1x128xi32, #tpu.memory_space<vmem>>
      %dma_start3A_547 = tpu.memref_squeeze %dma_start3A_546 : memref<1x128xi32, #tpu.memory_space<vmem>> -> memref<128xi32, #tpu.memory_space<vmem>>
      %dma_start3A_548 = arith.constant 0 : i32
      %dma_start3A_549 = arith.constant 0 : i32
      %dma_start3A_550 = tpu.memref_slice %arg10[%dma_start3A_548, %dma_start3A_549] : memref<10240x16xf32, #tpu.memory_space<vmem_shared>> -> memref<10240x16xf32, #tpu.memory_space<vmem_shared>>
      tpu.enqueue_indirect_dma source(%dma_start3A_544 : memref<128x16xf32, #tpu.memory_space<vmem>>) target(%dma_start3A_550 : memref<10240x16xf32, #tpu.memory_space<vmem_shared>>) offsets(%dma_start3A_547 : memref<128xi32, #tpu.memory_space<vmem>>) semaphore(%arg15 : memref<!tpu.dma_semaphore, #tpu.memory_space<semaphore_mem>>) {add = true}
      %ge3A_551 = arith.constant 1 : i32
      %ge3A_552 = arith.cmpi sge, %add3A_472, %ge3A_551 : i32
      %convert_element_type3A_553 = arith.extui %ge3A_552 : i1 to i32
      %cond3A_554 = arith.constant 0 : i32
      %cond3A_555 = arith.cmpi ne, %convert_element_type3A_553, %cond3A_554 : i32
      scf.if %cond3A_555 {
        %dma_wait3A_563 = arith.constant 0 : i32
        %dma_wait3A_564 = arith.constant 0 : i32
        %dma_wait3A_565 = arith.constant 0 : i32
        %dma_wait3A_566 = arith.constant 0 : i32
        %dma_wait3A_567 = tpu.memref_slice %arg7[%dma_wait3A_564, %dma_wait3A_565, %dma_wait3A_566] : memref<4x512x16xf32, #tpu.memory_space<vmem>> -> memref<1x512x16xf32, #tpu.memory_space<vmem>>
        %dma_wait3A_568 = tpu.memref_squeeze %dma_wait3A_567 : memref<1x512x16xf32, #tpu.memory_space<vmem>> -> memref<512x16xf32, #tpu.memory_space<vmem>>
        %dma_wait3A_569 = arith.constant 0 : i32
        %dma_wait3A_570 = arith.constant 0 : i32
        %dma_wait3A_571 = tpu.memref_slice %arg4[%dma_wait3A_563, %dma_wait3A_569, %dma_wait3A_570] : memref<2x10240x16xf32, #tpu.memory_space<hbm>> -> memref<1x512x16xf32, #tpu.memory_space<hbm>>
        %dma_wait3A_572 = tpu.memref_squeeze %dma_wait3A_571 : memref<1x512x16xf32, #tpu.memory_space<hbm>> -> memref<512x16xf32, #tpu.memory_space<hbm>>
        %dma_wait3A_573 = arith.constant 0 : i32
        %dma_wait3A_574 = arith.constant 0 : i32
        %dma_wait3A_575 = tpu.memref_slice %arg7[%dma_wait3A_564, %dma_wait3A_573, %dma_wait3A_574] : memref<4x512x16xf32, #tpu.memory_space<vmem>> -> memref<1x512x16xf32, #tpu.memory_space<vmem>>
        %dma_wait3A_576 = tpu.memref_squeeze %dma_wait3A_575 : memref<1x512x16xf32, #tpu.memory_space<vmem>> -> memref<512x16xf32, #tpu.memory_space<vmem>>
        %dma_wait3A_577 = arith.constant 0 : i32
        %dma_wait3A_578 = arith.constant 0 : i32
        %dma_wait3A_579 = tpu.memref_slice %arg4[%dma_wait3A_563, %dma_wait3A_577, %dma_wait3A_578] : memref<2x10240x16xf32, #tpu.memory_space<hbm>> -> memref<1x512x16xf32, #tpu.memory_space<hbm>>
        %dma_wait3A_580 = tpu.memref_squeeze %dma_wait3A_579 : memref<1x512x16xf32, #tpu.memory_space<hbm>> -> memref<512x16xf32, #tpu.memory_space<hbm>>
        tpu.wait_dma2 semaphore(%arg15 : memref<!tpu.dma_semaphore, #tpu.memory_space<semaphore_mem>>) src(%dma_wait3A_580 : memref<512x16xf32, #tpu.memory_space<hbm>>) dst(%dma_wait3A_576 : memref<512x16xf32, #tpu.memory_space<vmem>>)
      } else {
      }
      %add3A_556 = arith.constant 3 : i32
      %add3A_557 = arith.addi %add3A_472, %add3A_556 : i32
      %le3A_558 = arith.constant 19 : i32
      %le3A_559 = arith.cmpi sle, %add3A_557, %le3A_558 : i32
      %convert_element_type3A_560 = arith.extui %le3A_559 : i1 to i32
      %cond3A_561 = arith.constant 0 : i32
      %cond3A_562 = arith.cmpi ne, %convert_element_type3A_560, %cond3A_561 : i32
      scf.if %cond3A_562 {
        %add3A_563 = arith.constant 3 : i32
        %add3A_564 = arith.addi %add3A_472, %add3A_563 : i32
        %mul3A_565 = arith.constant 4 : i32
        %mul3A_566 = arith.muli %add3A_564, %mul3A_565 : i32
        %add3A_567 = arith.constant 0 : i32
        %add3A_568 = arith.addi %mul3A_566, %add3A_567 : i32
        %dma_start3A_569 = arith.constant 2 : i32
        %dma_start3A_570 = arith.constant 0 : i32
        %dma_start3A_571 = arith.constant 0 : i32
        %dma_start3A_572 = tpu.memref_slice %arg7[%dma_start3A_569, %dma_start3A_570, %dma_start3A_571] : memref<4x512x16xf32, #tpu.memory_space<vmem>> -> memref<1x128x16xf32, #tpu.memory_space<vmem>>
        %dma_start3A_573 = tpu.memref_squeeze %dma_start3A_572 : memref<1x128x16xf32, #tpu.memory_space<vmem>> -> memref<128x16xf32, #tpu.memory_space<vmem>>
        %dma_start3A_574 = arith.constant 0 : i32
        %dma_start3A_575 = tpu.memref_slice %arg5[%add3A_568, %dma_start3A_574] : memref<80x128xi32, #tpu.memory_space<vmem>> -> memref<1x128xi32, #tpu.memory_space<vmem>>
        %dma_start3A_576 = tpu.memref_squeeze %dma_start3A_575 : memref<1x128xi32, #tpu.memory_space<vmem>> -> memref<128xi32, #tpu.memory_space<vmem>>
        %dma_start3A_577 = arith.constant 0 : i32
        %dma_start3A_578 = arith.constant 0 : i32
        %dma_start3A_579 = tpu.memref_slice %arg9[%dma_start3A_577, %dma_start3A_578] : memref<10240x16xf32, #tpu.memory_space<vmem_shared>> -> memref<10240x16xf32, #tpu.memory_space<vmem_shared>>
        tpu.enqueue_indirect_dma source(%dma_start3A_579 : memref<10240x16xf32, #tpu.memory_space<vmem_shared>>) target(%dma_start3A_573 : memref<128x16xf32, #tpu.memory_space<vmem>>) offsets(%dma_start3A_576 : memref<128xi32, #tpu.memory_space<vmem>>) semaphore(%arg13 : memref<!tpu.dma_semaphore, #tpu.memory_space<semaphore_mem>>)
        %mul3A_580 = arith.constant 4 : i32
        %mul3A_581 = arith.muli %add3A_564, %mul3A_580 : i32
        %add3A_582 = arith.constant 1 : i32
        %add3A_583 = arith.addi %mul3A_581, %add3A_582 : i32
        %dma_start3A_584 = arith.constant 2 : i32
        %dma_start3A_585 = arith.constant 128 : i32
        %dma_start3A_586 = arith.constant 0 : i32
        %dma_start3A_587 = tpu.memref_slice %arg7[%dma_start3A_584, %dma_start3A_585, %dma_start3A_586] : memref<4x512x16xf32, #tpu.memory_space<vmem>> -> memref<1x128x16xf32, #tpu.memory_space<vmem>>
        %dma_start3A_588 = tpu.memref_squeeze %dma_start3A_587 : memref<1x128x16xf32, #tpu.memory_space<vmem>> -> memref<128x16xf32, #tpu.memory_space<vmem>>
        %dma_start3A_589 = arith.constant 0 : i32
        %dma_start3A_590 = tpu.memref_slice %arg5[%add3A_583, %dma_start3A_589] : memref<80x128xi32, #tpu.memory_space<vmem>> -> memref<1x128xi32, #tpu.memory_space<vmem>>
        %dma_start3A_591 = tpu.memref_squeeze %dma_start3A_590 : memref<1x128xi32, #tpu.memory_space<vmem>> -> memref<128xi32, #tpu.memory_space<vmem>>
        %dma_start3A_592 = arith.constant 0 : i32
        %dma_start3A_593 = arith.constant 0 : i32
        %dma_start3A_594 = tpu.memref_slice %arg9[%dma_start3A_592, %dma_start3A_593] : memref<10240x16xf32, #tpu.memory_space<vmem_shared>> -> memref<10240x16xf32, #tpu.memory_space<vmem_shared>>
        tpu.enqueue_indirect_dma source(%dma_start3A_594 : memref<10240x16xf32, #tpu.memory_space<vmem_shared>>) target(%dma_start3A_588 : memref<128x16xf32, #tpu.memory_space<vmem>>) offsets(%dma_start3A_591 : memref<128xi32, #tpu.memory_space<vmem>>) semaphore(%arg13 : memref<!tpu.dma_semaphore, #tpu.memory_space<semaphore_mem>>)
        %mul3A_595 = arith.constant 4 : i32
        %mul3A_596 = arith.muli %add3A_564, %mul3A_595 : i32
        %add3A_597 = arith.constant 2 : i32
        %add3A_598 = arith.addi %mul3A_596, %add3A_597 : i32
        %dma_start3A_599 = arith.constant 2 : i32
        %dma_start3A_600 = arith.constant 256 : i32
        %dma_start3A_601 = arith.constant 0 : i32
        %dma_start3A_602 = tpu.memref_slice %arg7[%dma_start3A_599, %dma_start3A_600, %dma_start3A_601] : memref<4x512x16xf32, #tpu.memory_space<vmem>> -> memref<1x128x16xf32, #tpu.memory_space<vmem>>
        %dma_start3A_603 = tpu.memref_squeeze %dma_start3A_602 : memref<1x128x16xf32, #tpu.memory_space<vmem>> -> memref<128x16xf32, #tpu.memory_space<vmem>>
        %dma_start3A_604 = arith.constant 0 : i32
        %dma_start3A_605 = tpu.memref_slice %arg5[%add3A_598, %dma_start3A_604] : memref<80x128xi32, #tpu.memory_space<vmem>> -> memref<1x128xi32, #tpu.memory_space<vmem>>
        %dma_start3A_606 = tpu.memref_squeeze %dma_start3A_605 : memref<1x128xi32, #tpu.memory_space<vmem>> -> memref<128xi32, #tpu.memory_space<vmem>>
        %dma_start3A_607 = arith.constant 0 : i32
        %dma_start3A_608 = arith.constant 0 : i32
        %dma_start3A_609 = tpu.memref_slice %arg9[%dma_start3A_607, %dma_start3A_608] : memref<10240x16xf32, #tpu.memory_space<vmem_shared>> -> memref<10240x16xf32, #tpu.memory_space<vmem_shared>>
        tpu.enqueue_indirect_dma source(%dma_start3A_609 : memref<10240x16xf32, #tpu.memory_space<vmem_shared>>) target(%dma_start3A_603 : memref<128x16xf32, #tpu.memory_space<vmem>>) offsets(%dma_start3A_606 : memref<128xi32, #tpu.memory_space<vmem>>) semaphore(%arg13 : memref<!tpu.dma_semaphore, #tpu.memory_space<semaphore_mem>>)
        %mul3A_610 = arith.constant 4 : i32
        %mul3A_611 = arith.muli %add3A_564, %mul3A_610 : i32
        %add3A_612 = arith.constant 3 : i32
        %add3A_613 = arith.addi %mul3A_611, %add3A_612 : i32
        %dma_start3A_614 = arith.constant 2 : i32
        %dma_start3A_615 = arith.constant 384 : i32
        %dma_start3A_616 = arith.constant 0 : i32
        %dma_start3A_617 = tpu.memref_slice %arg7[%dma_start3A_614, %dma_start3A_615, %dma_start3A_616] : memref<4x512x16xf32, #tpu.memory_space<vmem>> -> memref<1x128x16xf32, #tpu.memory_space<vmem>>
        %dma_start3A_618 = tpu.memref_squeeze %dma_start3A_617 : memref<1x128x16xf32, #tpu.memory_space<vmem>> -> memref<128x16xf32, #tpu.memory_space<vmem>>
        %dma_start3A_619 = arith.constant 0 : i32
        %dma_start3A_620 = tpu.memref_slice %arg5[%add3A_613, %dma_start3A_619] : memref<80x128xi32, #tpu.memory_space<vmem>> -> memref<1x128xi32, #tpu.memory_space<vmem>>
        %dma_start3A_621 = tpu.memref_squeeze %dma_start3A_620 : memref<1x128xi32, #tpu.memory_space<vmem>> -> memref<128xi32, #tpu.memory_space<vmem>>
        %dma_start3A_622 = arith.constant 0 : i32
        %dma_start3A_623 = arith.constant 0 : i32
        %dma_start3A_624 = tpu.memref_slice %arg9[%dma_start3A_622, %dma_start3A_623] : memref<10240x16xf32, #tpu.memory_space<vmem_shared>> -> memref<10240x16xf32, #tpu.memory_space<vmem_shared>>
        tpu.enqueue_indirect_dma source(%dma_start3A_624 : memref<10240x16xf32, #tpu.memory_space<vmem_shared>>) target(%dma_start3A_618 : memref<128x16xf32, #tpu.memory_space<vmem>>) offsets(%dma_start3A_621 : memref<128xi32, #tpu.memory_space<vmem>>) semaphore(%arg13 : memref<!tpu.dma_semaphore, #tpu.memory_space<semaphore_mem>>)
      } else {
      }
    }
    %scan3A_163 = arith.constant 5 : i32
    %dma_wait3A = arith.constant 0 : i32
    %dma_wait3A_164 = arith.constant 0 : i32
    %dma_wait3A_165 = arith.constant 0 : i32
    %dma_wait3A_166 = arith.constant 0 : i32
    %dma_wait3A_167 = tpu.memref_slice %arg7[%dma_wait3A_164, %dma_wait3A_165, %dma_wait3A_166] : memref<4x512x16xf32, #tpu.memory_space<vmem>> -> memref<1x512x16xf32, #tpu.memory_space<vmem>>
    %dma_wait3A_168 = tpu.memref_squeeze %dma_wait3A_167 : memref<1x512x16xf32, #tpu.memory_space<vmem>> -> memref<512x16xf32, #tpu.memory_space<vmem>>
    %dma_wait3A_169 = arith.constant 0 : i32
    %dma_wait3A_170 = arith.constant 0 : i32
    %dma_wait3A_171 = tpu.memref_slice %arg4[%dma_wait3A, %dma_wait3A_169, %dma_wait3A_170] : memref<2x10240x16xf32, #tpu.memory_space<hbm>> -> memref<1x512x16xf32, #tpu.memory_space<hbm>>
    %dma_wait3A_172 = tpu.memref_squeeze %dma_wait3A_171 : memref<1x512x16xf32, #tpu.memory_space<hbm>> -> memref<512x16xf32, #tpu.memory_space<hbm>>
    %dma_wait3A_173 = arith.constant 0 : i32
    %dma_wait3A_174 = arith.constant 0 : i32
    %dma_wait3A_175 = tpu.memref_slice %arg7[%dma_wait3A_164, %dma_wait3A_173, %dma_wait3A_174] : memref<4x512x16xf32, #tpu.memory_space<vmem>> -> memref<1x512x16xf32, #tpu.memory_space<vmem>>
    %dma_wait3A_176 = tpu.memref_squeeze %dma_wait3A_175 : memref<1x512x16xf32, #tpu.memory_space<vmem>> -> memref<512x16xf32, #tpu.memory_space<vmem>>
    %dma_wait3A_177 = arith.constant 0 : i32
    %dma_wait3A_178 = arith.constant 0 : i32
    %dma_wait3A_179 = tpu.memref_slice %arg4[%dma_wait3A, %dma_wait3A_177, %dma_wait3A_178] : memref<2x10240x16xf32, #tpu.memory_space<hbm>> -> memref<1x512x16xf32, #tpu.memory_space<hbm>>
    %dma_wait3A_180 = tpu.memref_squeeze %dma_wait3A_179 : memref<1x512x16xf32, #tpu.memory_space<hbm>> -> memref<512x16xf32, #tpu.memory_space<hbm>>
    tpu.wait_dma2 semaphore(%arg15 : memref<!tpu.dma_semaphore, #tpu.memory_space<semaphore_mem>>) src(%dma_wait3A_180 : memref<512x16xf32, #tpu.memory_space<hbm>>) dst(%dma_wait3A_176 : memref<512x16xf32, #tpu.memory_space<vmem>>)
    %barrier3A_181 = arith.constant 0 : index
    tpu.barrier barrier_id(%barrier3A_181)
    %mul3A_182 = arith.constant 640 : i32
    %mul3A_183 = arith.muli %arg1, %mul3A_182 : i32
    %mul3A_184 = arith.constant 640 : i32
    %mul3A_185 = arith.muli %arg1, %mul3A_184 : i32
    "tpu.region"() ({
      %run_scoped3A_186 = tpu.sem_alloc : memref<!tpu.dma_semaphore, #tpu.memory_space<semaphore_mem>>
      %dma_start3A_187 = arith.constant 0 : i32
      %dma_start3A_188 = tpu.memref_slice %arg4[%arg0, %mul3A_185, %dma_start3A_187] : memref<2x10240x16xf32, #tpu.memory_space<hbm>> -> memref<1x640x16xf32, #tpu.memory_space<hbm>>
      %dma_start3A_189 = tpu.memref_squeeze %dma_start3A_188 : memref<1x640x16xf32, #tpu.memory_space<hbm>> -> memref<640x16xf32, #tpu.memory_space<hbm>>
      %dma_start3A_190 = arith.constant 0 : i32
      %dma_start3A_191 = tpu.memref_slice %arg10[%mul3A_183, %dma_start3A_190] : memref<10240x16xf32, #tpu.memory_space<vmem_shared>> -> memref<640x16xf32, #tpu.memory_space<vmem_shared>>
      tpu.enqueue_dma source(%dma_start3A_191 : memref<640x16xf32, #tpu.memory_space<vmem_shared>>) target(%dma_start3A_189 : memref<640x16xf32, #tpu.memory_space<hbm>>) target_semaphore(%run_scoped3A_186 : memref<!tpu.dma_semaphore, #tpu.memory_space<semaphore_mem>>)
      %dma_wait3A_192 = arith.constant 0 : i32
      %dma_wait3A_193 = tpu.memref_slice %arg4[%arg0, %mul3A_185, %dma_wait3A_192] : memref<2x10240x16xf32, #tpu.memory_space<hbm>> -> memref<1x640x16xf32, #tpu.memory_space<hbm>>
      %dma_wait3A_194 = tpu.memref_squeeze %dma_wait3A_193 : memref<1x640x16xf32, #tpu.memory_space<hbm>> -> memref<640x16xf32, #tpu.memory_space<hbm>>
      %dma_wait3A_195 = arith.constant 0 : i32
      %dma_wait3A_196 = tpu.memref_slice %arg10[%mul3A_183, %dma_wait3A_195] : memref<10240x16xf32, #tpu.memory_space<vmem_shared>> -> memref<640x16xf32, #tpu.memory_space<vmem_shared>>
      tpu.wait_dma2 semaphore(%run_scoped3A_186 : memref<!tpu.dma_semaphore, #tpu.memory_space<semaphore_mem>>) src(%dma_wait3A_196 : memref<640x16xf32, #tpu.memory_space<vmem_shared>>) dst(%dma_wait3A_194 : memref<640x16xf32, #tpu.memory_space<hbm>>)
      tpu.yield
    }) : () -> ()
    return
  }
}

#map = affine_map<(d0, d1) -> (0, 0, 0)>
#map1 = affine_map<(d0, d1) -> (0, 0)>
module attributes {stable_mosaic.version = 14 : i64} {
  func.func @_hist_body(%arg0: i32, %arg1: i32, %arg2: memref<2x2560x128xi32, #tpu.memory_space<hbm>>, %arg3: memref<2x10240xf32, #tpu.memory_space<hbm>>, %arg4: memref<80x128xi32, #tpu.memory_space<vmem>>, %arg5: memref<128xf32, #tpu.memory_space<vmem>>, %arg6: memref<640xf32, #tpu.memory_space<vmem>>, %arg7: memref<10240xf32, #tpu.memory_space<vmem_shared>>, %arg8: memref<!tpu.dma_semaphore, #tpu.memory_space<semaphore_mem>>) attributes {dimension_semantics = [#tpu.dimension_semantics<core_parallel>, #tpu.dimension_semantics<subcore_parallel>], iteration_bounds = array<i64: 2, 16>, scalar_prefetch = 0 : i64, scratch_operands = 5 : i64, tpu.core_type = #tpu.core_type<sc_vector_subcore>, window_params = [{transform_indices = #map}, {transform_indices = #map1}]} {
    %mul3A = arith.constant 2 : i32
    %mul3A_0 = arith.muli %arg1, %mul3A : i32
    %add3A = arith.addi %mul3A_0, %arg0 : i32
    %scan3A = arith.constant 0 : i32
    %scan3A_1 = arith.constant 8 : i32
    %scan3A_2 = arith.addi %scan3A, %scan3A_1 : i32
    %scan3A_3 = arith.constant 1 : i32
    scf.for %scan3A_32 = %scan3A to %scan3A_2 step %scan3A_3  : i32 {
      %mul3A_33 = arith.constant 1 : i32
      %mul3A_34 = arith.muli %scan3A_32, %mul3A_33 : i32
      %add3A_35 = arith.constant 0 : i32
      %add3A_36 = arith.addi %add3A_35, %mul3A_34 : i32
      %broadcast_in_dim3A = arith.constant 1.000000e+00 : f32
      %broadcast_in_dim3A_37 = vector.broadcast %broadcast_in_dim3A : f32 to vector<16xf32>
      %mul3A_38 = arith.constant 16 : i32
      %mul3A_39 = arith.muli %add3A_36, %mul3A_38 : i32
      %swap3A = arith.index_cast %mul3A_39 : i32 to index
      %swap3A_40 = tpu.vector_load %arg5[%swap3A] {strides = array<i32>} : memref<128xf32, #tpu.memory_space<vmem>>, vector<16xf32>,
      %swap3A_41 = vector.shape_cast %swap3A_40 : vector<16xf32> to vector<16xf32>
      %swap3A_42 = vector.shape_cast %broadcast_in_dim3A_37 : vector<16xf32> to vector<16xf32>
      tpu.vector_store %arg5[%swap3A], %swap3A_42 {strides = array<i32>} : memref<128xf32, #tpu.memory_space<vmem>>, vector<16xf32>,
    }
    %scan3A_4 = arith.constant 8 : i32
    %scan3A_5 = arith.constant 0 : i32
    %scan3A_6 = arith.constant 40 : i32
    %scan3A_7 = arith.addi %scan3A_5, %scan3A_6 : i32
    %scan3A_8 = arith.constant 1 : i32
    scf.for %scan3A_32 = %scan3A_5 to %scan3A_7 step %scan3A_8  : i32 {
      %mul3A_33 = arith.constant 1 : i32
      %mul3A_34 = arith.muli %scan3A_32, %mul3A_33 : i32
      %add3A_35 = arith.constant 0 : i32
      %add3A_36 = arith.addi %add3A_35, %mul3A_34 : i32
      %broadcast_in_dim3A = arith.constant 0.000000e+00 : f32
      %broadcast_in_dim3A_37 = vector.broadcast %broadcast_in_dim3A : f32 to vector<16xf32>
      %mul3A_38 = arith.constant 16 : i32
      %mul3A_39 = arith.muli %add3A_36, %mul3A_38 : i32
      %swap3A = arith.index_cast %mul3A_39 : i32 to index
      %swap3A_40 = tpu.vector_load %arg6[%swap3A] {strides = array<i32>} : memref<640xf32, #tpu.memory_space<vmem>>, vector<16xf32>,
      %swap3A_41 = vector.shape_cast %swap3A_40 : vector<16xf32> to vector<16xf32>
      %swap3A_42 = vector.shape_cast %broadcast_in_dim3A_37 : vector<16xf32> to vector<16xf32>
      tpu.vector_store %arg6[%swap3A], %swap3A_42 {strides = array<i32>} : memref<640xf32, #tpu.memory_space<vmem>>, vector<16xf32>,
    }
    %scan3A_9 = arith.constant 40 : i32
    %mul3A_10 = arith.constant 80 : i32
    %mul3A_11 = arith.muli %add3A, %mul3A_10 : i32
    %run_scoped3A = arith.constant 1 : i32
    "tpu.region"() ({
      %run_scoped3A_32 = tpu.sem_alloc : memref<!tpu.dma_semaphore, #tpu.memory_space<semaphore_mem>>
      %dma_start3A = arith.constant 0 : i32
      %dma_start3A_33 = tpu.memref_slice %arg2[%run_scoped3A, %mul3A_11, %dma_start3A] : memref<2x2560x128xi32, #tpu.memory_space<hbm>> -> memref<1x80x128xi32, #tpu.memory_space<hbm>>
      %dma_start3A_34 = tpu.memref_squeeze %dma_start3A_33 : memref<1x80x128xi32, #tpu.memory_space<hbm>> -> memref<80x128xi32, #tpu.memory_space<hbm>>
      %dma_start3A_35 = arith.constant 0 : i32
      %dma_start3A_36 = tpu.memref_slice %arg2[%run_scoped3A, %mul3A_11, %dma_start3A_35] : memref<2x2560x128xi32, #tpu.memory_space<hbm>> -> memref<1x80x128xi32, #tpu.memory_space<hbm>>
      %dma_start3A_37 = tpu.memref_squeeze %dma_start3A_36 : memref<1x80x128xi32, #tpu.memory_space<hbm>> -> memref<80x128xi32, #tpu.memory_space<hbm>>
      tpu.enqueue_dma source(%dma_start3A_37 : memref<80x128xi32, #tpu.memory_space<hbm>>) target(%arg4 : memref<80x128xi32, #tpu.memory_space<vmem>>) target_semaphore(%run_scoped3A_32 : memref<!tpu.dma_semaphore, #tpu.memory_space<semaphore_mem>>)
      %dma_wait3A_38 = arith.constant 0 : i32
      %dma_wait3A_39 = tpu.memref_slice %arg2[%run_scoped3A, %mul3A_11, %dma_wait3A_38] : memref<2x2560x128xi32, #tpu.memory_space<hbm>> -> memref<1x80x128xi32, #tpu.memory_space<hbm>>
      %dma_wait3A_40 = tpu.memref_squeeze %dma_wait3A_39 : memref<1x80x128xi32, #tpu.memory_space<hbm>> -> memref<80x128xi32, #tpu.memory_space<hbm>>
      %dma_wait3A_41 = arith.constant 0 : i32
      %dma_wait3A_42 = tpu.memref_slice %arg2[%run_scoped3A, %mul3A_11, %dma_wait3A_41] : memref<2x2560x128xi32, #tpu.memory_space<hbm>> -> memref<1x80x128xi32, #tpu.memory_space<hbm>>
      %dma_wait3A_43 = tpu.memref_squeeze %dma_wait3A_42 : memref<1x80x128xi32, #tpu.memory_space<hbm>> -> memref<80x128xi32, #tpu.memory_space<hbm>>
      tpu.wait_dma2 semaphore(%run_scoped3A_32 : memref<!tpu.dma_semaphore, #tpu.memory_space<semaphore_mem>>) src(%dma_wait3A_43 : memref<80x128xi32, #tpu.memory_space<hbm>>) dst(%arg4 : memref<80x128xi32, #tpu.memory_space<vmem>>)
      tpu.yield
    }) : () -> ()
    %mul3A_12 = arith.constant 640 : i32
    %mul3A_13 = arith.muli %arg1, %mul3A_12 : i32
    "tpu.region"() ({
      %run_scoped3A_32 = tpu.sem_alloc : memref<!tpu.dma_semaphore, #tpu.memory_space<semaphore_mem>>
      %dma_start3A = tpu.memref_slice %arg7[%mul3A_13] : memref<10240xf32, #tpu.memory_space<vmem_shared>> -> memref<640xf32, #tpu.memory_space<vmem_shared>>
      %dma_start3A_33 = tpu.memref_slice %arg7[%mul3A_13] : memref<10240xf32, #tpu.memory_space<vmem_shared>> -> memref<640xf32, #tpu.memory_space<vmem_shared>>
      tpu.enqueue_dma source(%arg6 : memref<640xf32, #tpu.memory_space<vmem>>) target(%dma_start3A_33 : memref<640xf32, #tpu.memory_space<vmem_shared>>) target_semaphore(%run_scoped3A_32 : memref<!tpu.dma_semaphore, #tpu.memory_space<semaphore_mem>>)
      %dma_wait3A_34 = tpu.memref_slice %arg7[%mul3A_13] : memref<10240xf32, #tpu.memory_space<vmem_shared>> -> memref<640xf32, #tpu.memory_space<vmem_shared>>
      %dma_wait3A_35 = tpu.memref_slice %arg7[%mul3A_13] : memref<10240xf32, #tpu.memory_space<vmem_shared>> -> memref<640xf32, #tpu.memory_space<vmem_shared>>
      tpu.wait_dma2 semaphore(%run_scoped3A_32 : memref<!tpu.dma_semaphore, #tpu.memory_space<semaphore_mem>>) src(%arg6 : memref<640xf32, #tpu.memory_space<vmem>>) dst(%dma_wait3A_35 : memref<640xf32, #tpu.memory_space<vmem_shared>>)
      tpu.yield
    }) : () -> ()
    %barrier3A = arith.constant 0 : index
    tpu.barrier barrier_id(%barrier3A)
    %scan3A_14 = arith.constant 0 : i32
    %scan3A_15 = arith.constant 10 : i32
    %scan3A_16 = arith.addi %scan3A_14, %scan3A_15 : i32
    %scan3A_17 = arith.constant 1 : i32
    scf.for %scan3A_32 = %scan3A_14 to %scan3A_16 step %scan3A_17  : i32 {
      %mul3A_33 = arith.constant 1 : i32
      %mul3A_34 = arith.muli %scan3A_32, %mul3A_33 : i32
      %add3A_35 = arith.constant 0 : i32
      %add3A_36 = arith.addi %add3A_35, %mul3A_34 : i32
      %mul3A_37 = arith.constant 8 : i32
      %mul3A_38 = arith.muli %add3A_36, %mul3A_37 : i32
      %add3A_39 = arith.constant 0 : i32
      %add3A_40 = arith.addi %mul3A_38, %add3A_39 : i32
      %dma_start3A = arith.constant 0 : i32
      %dma_start3A_41 = tpu.memref_slice %arg4[%add3A_40, %dma_start3A] : memref<80x128xi32, #tpu.memory_space<vmem>> -> memref<1x128xi32, #tpu.memory_space<vmem>>
      %dma_start3A_42 = tpu.memref_squeeze %dma_start3A_41 : memref<1x128xi32, #tpu.memory_space<vmem>> -> memref<128xi32, #tpu.memory_space<vmem>>
      %dma_start3A_43 = arith.constant 0 : i32
      %dma_start3A_44 = tpu.memref_slice %arg7[%dma_start3A_43] : memref<10240xf32, #tpu.memory_space<vmem_shared>> -> memref<10240xf32, #tpu.memory_space<vmem_shared>>
      tpu.enqueue_indirect_dma source(%arg5 : memref<128xf32, #tpu.memory_space<vmem>>) target(%dma_start3A_44 : memref<10240xf32, #tpu.memory_space<vmem_shared>>) offsets(%dma_start3A_42 : memref<128xi32, #tpu.memory_space<vmem>>) semaphore(%arg8 : memref<!tpu.dma_semaphore, #tpu.memory_space<semaphore_mem>>) {add = true}
      %mul3A_45 = arith.constant 8 : i32
      %mul3A_46 = arith.muli %add3A_36, %mul3A_45 : i32
      %add3A_47 = arith.constant 1 : i32
      %add3A_48 = arith.addi %mul3A_46, %add3A_47 : i32
      %dma_start3A_49 = arith.constant 0 : i32
      %dma_start3A_50 = tpu.memref_slice %arg4[%add3A_48, %dma_start3A_49] : memref<80x128xi32, #tpu.memory_space<vmem>> -> memref<1x128xi32, #tpu.memory_space<vmem>>
      %dma_start3A_51 = tpu.memref_squeeze %dma_start3A_50 : memref<1x128xi32, #tpu.memory_space<vmem>> -> memref<128xi32, #tpu.memory_space<vmem>>
      %dma_start3A_52 = arith.constant 0 : i32
      %dma_start3A_53 = tpu.memref_slice %arg7[%dma_start3A_52] : memref<10240xf32, #tpu.memory_space<vmem_shared>> -> memref<10240xf32, #tpu.memory_space<vmem_shared>>
      tpu.enqueue_indirect_dma source(%arg5 : memref<128xf32, #tpu.memory_space<vmem>>) target(%dma_start3A_53 : memref<10240xf32, #tpu.memory_space<vmem_shared>>) offsets(%dma_start3A_51 : memref<128xi32, #tpu.memory_space<vmem>>) semaphore(%arg8 : memref<!tpu.dma_semaphore, #tpu.memory_space<semaphore_mem>>) {add = true}
      %mul3A_54 = arith.constant 8 : i32
      %mul3A_55 = arith.muli %add3A_36, %mul3A_54 : i32
      %add3A_56 = arith.constant 2 : i32
      %add3A_57 = arith.addi %mul3A_55, %add3A_56 : i32
      %dma_start3A_58 = arith.constant 0 : i32
      %dma_start3A_59 = tpu.memref_slice %arg4[%add3A_57, %dma_start3A_58] : memref<80x128xi32, #tpu.memory_space<vmem>> -> memref<1x128xi32, #tpu.memory_space<vmem>>
      %dma_start3A_60 = tpu.memref_squeeze %dma_start3A_59 : memref<1x128xi32, #tpu.memory_space<vmem>> -> memref<128xi32, #tpu.memory_space<vmem>>
      %dma_start3A_61 = arith.constant 0 : i32
      %dma_start3A_62 = tpu.memref_slice %arg7[%dma_start3A_61] : memref<10240xf32, #tpu.memory_space<vmem_shared>> -> memref<10240xf32, #tpu.memory_space<vmem_shared>>
      tpu.enqueue_indirect_dma source(%arg5 : memref<128xf32, #tpu.memory_space<vmem>>) target(%dma_start3A_62 : memref<10240xf32, #tpu.memory_space<vmem_shared>>) offsets(%dma_start3A_60 : memref<128xi32, #tpu.memory_space<vmem>>) semaphore(%arg8 : memref<!tpu.dma_semaphore, #tpu.memory_space<semaphore_mem>>) {add = true}
      %mul3A_63 = arith.constant 8 : i32
      %mul3A_64 = arith.muli %add3A_36, %mul3A_63 : i32
      %add3A_65 = arith.constant 3 : i32
      %add3A_66 = arith.addi %mul3A_64, %add3A_65 : i32
      %dma_start3A_67 = arith.constant 0 : i32
      %dma_start3A_68 = tpu.memref_slice %arg4[%add3A_66, %dma_start3A_67] : memref<80x128xi32, #tpu.memory_space<vmem>> -> memref<1x128xi32, #tpu.memory_space<vmem>>
      %dma_start3A_69 = tpu.memref_squeeze %dma_start3A_68 : memref<1x128xi32, #tpu.memory_space<vmem>> -> memref<128xi32, #tpu.memory_space<vmem>>
      %dma_start3A_70 = arith.constant 0 : i32
      %dma_start3A_71 = tpu.memref_slice %arg7[%dma_start3A_70] : memref<10240xf32, #tpu.memory_space<vmem_shared>> -> memref<10240xf32, #tpu.memory_space<vmem_shared>>
      tpu.enqueue_indirect_dma source(%arg5 : memref<128xf32, #tpu.memory_space<vmem>>) target(%dma_start3A_71 : memref<10240xf32, #tpu.memory_space<vmem_shared>>) offsets(%dma_start3A_69 : memref<128xi32, #tpu.memory_space<vmem>>) semaphore(%arg8 : memref<!tpu.dma_semaphore, #tpu.memory_space<semaphore_mem>>) {add = true}
      %mul3A_72 = arith.constant 8 : i32
      %mul3A_73 = arith.muli %add3A_36, %mul3A_72 : i32
      %add3A_74 = arith.constant 4 : i32
      %add3A_75 = arith.addi %mul3A_73, %add3A_74 : i32
      %dma_start3A_76 = arith.constant 0 : i32
      %dma_start3A_77 = tpu.memref_slice %arg4[%add3A_75, %dma_start3A_76] : memref<80x128xi32, #tpu.memory_space<vmem>> -> memref<1x128xi32, #tpu.memory_space<vmem>>
      %dma_start3A_78 = tpu.memref_squeeze %dma_start3A_77 : memref<1x128xi32, #tpu.memory_space<vmem>> -> memref<128xi32, #tpu.memory_space<vmem>>
      %dma_start3A_79 = arith.constant 0 : i32
      %dma_start3A_80 = tpu.memref_slice %arg7[%dma_start3A_79] : memref<10240xf32, #tpu.memory_space<vmem_shared>> -> memref<10240xf32, #tpu.memory_space<vmem_shared>>
      tpu.enqueue_indirect_dma source(%arg5 : memref<128xf32, #tpu.memory_space<vmem>>) target(%dma_start3A_80 : memref<10240xf32, #tpu.memory_space<vmem_shared>>) offsets(%dma_start3A_78 : memref<128xi32, #tpu.memory_space<vmem>>) semaphore(%arg8 : memref<!tpu.dma_semaphore, #tpu.memory_space<semaphore_mem>>) {add = true}
      %mul3A_81 = arith.constant 8 : i32
      %mul3A_82 = arith.muli %add3A_36, %mul3A_81 : i32
      %add3A_83 = arith.constant 5 : i32
      %add3A_84 = arith.addi %mul3A_82, %add3A_83 : i32
      %dma_start3A_85 = arith.constant 0 : i32
      %dma_start3A_86 = tpu.memref_slice %arg4[%add3A_84, %dma_start3A_85] : memref<80x128xi32, #tpu.memory_space<vmem>> -> memref<1x128xi32, #tpu.memory_space<vmem>>
      %dma_start3A_87 = tpu.memref_squeeze %dma_start3A_86 : memref<1x128xi32, #tpu.memory_space<vmem>> -> memref<128xi32, #tpu.memory_space<vmem>>
      %dma_start3A_88 = arith.constant 0 : i32
      %dma_start3A_89 = tpu.memref_slice %arg7[%dma_start3A_88] : memref<10240xf32, #tpu.memory_space<vmem_shared>> -> memref<10240xf32, #tpu.memory_space<vmem_shared>>
      tpu.enqueue_indirect_dma source(%arg5 : memref<128xf32, #tpu.memory_space<vmem>>) target(%dma_start3A_89 : memref<10240xf32, #tpu.memory_space<vmem_shared>>) offsets(%dma_start3A_87 : memref<128xi32, #tpu.memory_space<vmem>>) semaphore(%arg8 : memref<!tpu.dma_semaphore, #tpu.memory_space<semaphore_mem>>) {add = true}
      %mul3A_90 = arith.constant 8 : i32
      %mul3A_91 = arith.muli %add3A_36, %mul3A_90 : i32
      %add3A_92 = arith.constant 6 : i32
      %add3A_93 = arith.addi %mul3A_91, %add3A_92 : i32
      %dma_start3A_94 = arith.constant 0 : i32
      %dma_start3A_95 = tpu.memref_slice %arg4[%add3A_93, %dma_start3A_94] : memref<80x128xi32, #tpu.memory_space<vmem>> -> memref<1x128xi32, #tpu.memory_space<vmem>>
      %dma_start3A_96 = tpu.memref_squeeze %dma_start3A_95 : memref<1x128xi32, #tpu.memory_space<vmem>> -> memref<128xi32, #tpu.memory_space<vmem>>
      %dma_start3A_97 = arith.constant 0 : i32
      %dma_start3A_98 = tpu.memref_slice %arg7[%dma_start3A_97] : memref<10240xf32, #tpu.memory_space<vmem_shared>> -> memref<10240xf32, #tpu.memory_space<vmem_shared>>
      tpu.enqueue_indirect_dma source(%arg5 : memref<128xf32, #tpu.memory_space<vmem>>) target(%dma_start3A_98 : memref<10240xf32, #tpu.memory_space<vmem_shared>>) offsets(%dma_start3A_96 : memref<128xi32, #tpu.memory_space<vmem>>) semaphore(%arg8 : memref<!tpu.dma_semaphore, #tpu.memory_space<semaphore_mem>>) {add = true}
      %mul3A_99 = arith.constant 8 : i32
      %mul3A_100 = arith.muli %add3A_36, %mul3A_99 : i32
      %add3A_101 = arith.constant 7 : i32
      %add3A_102 = arith.addi %mul3A_100, %add3A_101 : i32
      %dma_start3A_103 = arith.constant 0 : i32
      %dma_start3A_104 = tpu.memref_slice %arg4[%add3A_102, %dma_start3A_103] : memref<80x128xi32, #tpu.memory_space<vmem>> -> memref<1x128xi32, #tpu.memory_space<vmem>>
      %dma_start3A_105 = tpu.memref_squeeze %dma_start3A_104 : memref<1x128xi32, #tpu.memory_space<vmem>> -> memref<128xi32, #tpu.memory_space<vmem>>
      %dma_start3A_106 = arith.constant 0 : i32
      %dma_start3A_107 = tpu.memref_slice %arg7[%dma_start3A_106] : memref<10240xf32, #tpu.memory_space<vmem_shared>> -> memref<10240xf32, #tpu.memory_space<vmem_shared>>
      tpu.enqueue_indirect_dma source(%arg5 : memref<128xf32, #tpu.memory_space<vmem>>) target(%dma_start3A_107 : memref<10240xf32, #tpu.memory_space<vmem_shared>>) offsets(%dma_start3A_105 : memref<128xi32, #tpu.memory_space<vmem>>) semaphore(%arg8 : memref<!tpu.dma_semaphore, #tpu.memory_space<semaphore_mem>>) {add = true}
    }
    %scan3A_18 = arith.constant 10 : i32
    %dma_wait3A = arith.constant 1 : i32
    %dma_wait3A_19 = arith.constant 0 : i32
    %dma_wait3A_20 = arith.constant 0 : i32
    %dma_wait3A_21 = tpu.memref_slice %arg2[%dma_wait3A, %dma_wait3A_19, %dma_wait3A_20] : memref<2x2560x128xi32, #tpu.memory_space<hbm>> -> memref<1x80x128xi32, #tpu.memory_space<hbm>>
    %dma_wait3A_22 = tpu.memref_squeeze %dma_wait3A_21 : memref<1x80x128xi32, #tpu.memory_space<hbm>> -> memref<80x128xi32, #tpu.memory_space<hbm>>
    %dma_wait3A_23 = arith.constant 0 : i32
    %dma_wait3A_24 = arith.constant 0 : i32
    %dma_wait3A_25 = tpu.memref_slice %arg2[%dma_wait3A, %dma_wait3A_23, %dma_wait3A_24] : memref<2x2560x128xi32, #tpu.memory_space<hbm>> -> memref<1x80x128xi32, #tpu.memory_space<hbm>>
    %dma_wait3A_26 = tpu.memref_squeeze %dma_wait3A_25 : memref<1x80x128xi32, #tpu.memory_space<hbm>> -> memref<80x128xi32, #tpu.memory_space<hbm>>
    tpu.wait_dma2 semaphore(%arg8 : memref<!tpu.dma_semaphore, #tpu.memory_space<semaphore_mem>>) src(%dma_wait3A_26 : memref<80x128xi32, #tpu.memory_space<hbm>>) dst(%arg4 : memref<80x128xi32, #tpu.memory_space<vmem>>)
    %barrier3A_27 = arith.constant 0 : index
    tpu.barrier barrier_id(%barrier3A_27)
    %mul3A_28 = arith.constant 640 : i32
    %mul3A_29 = arith.muli %arg1, %mul3A_28 : i32
    %mul3A_30 = arith.constant 640 : i32
    %mul3A_31 = arith.muli %arg1, %mul3A_30 : i32
    "tpu.region"() ({
      %run_scoped3A_32 = tpu.sem_alloc : memref<!tpu.dma_semaphore, #tpu.memory_space<semaphore_mem>>
      %dma_start3A = tpu.memref_slice %arg3[%arg0, %mul3A_31] : memref<2x10240xf32, #tpu.memory_space<hbm>> -> memref<1x640xf32, #tpu.memory_space<hbm>>
      %dma_start3A_33 = tpu.memref_squeeze %dma_start3A : memref<1x640xf32, #tpu.memory_space<hbm>> -> memref<640xf32, #tpu.memory_space<hbm>>
      %dma_start3A_34 = tpu.memref_slice %arg7[%mul3A_29] : memref<10240xf32, #tpu.memory_space<vmem_shared>> -> memref<640xf32, #tpu.memory_space<vmem_shared>>
      tpu.enqueue_dma source(%dma_start3A_34 : memref<640xf32, #tpu.memory_space<vmem_shared>>) target(%dma_start3A_33 : memref<640xf32, #tpu.memory_space<hbm>>) target_semaphore(%run_scoped3A_32 : memref<!tpu.dma_semaphore, #tpu.memory_space<semaphore_mem>>)
      %dma_wait3A_35 = tpu.memref_slice %arg3[%arg0, %mul3A_31] : memref<2x10240xf32, #tpu.memory_space<hbm>> -> memref<1x640xf32, #tpu.memory_space<hbm>>
      %dma_wait3A_36 = tpu.memref_squeeze %dma_wait3A_35 : memref<1x640xf32, #tpu.memory_space<hbm>> -> memref<640xf32, #tpu.memory_space<hbm>>
      %dma_wait3A_37 = tpu.memref_slice %arg7[%mul3A_29] : memref<10240xf32, #tpu.memory_space<vmem_shared>> -> memref<640xf32, #tpu.memory_space<vmem_shared>>
      tpu.wait_dma2 semaphore(%run_scoped3A_32 : memref<!tpu.dma_semaphore, #tpu.memory_space<semaphore_mem>>) src(%dma_wait3A_37 : memref<640xf32, #tpu.memory_space<vmem_shared>>) dst(%dma_wait3A_36 : memref<640xf32, #tpu.memory_space<hbm>>)
      tpu.yield
    }) : () -> ()
    return
  }
}

#map = affine_map<(d0, d1) -> (0, 0, 0)>
#map1 = affine_map<(d0, d1) -> (0, 0)>
module attributes {stable_mosaic.version = 14 : i64} {
  func.func @_agg_body(%arg0: i32, %arg1: i32, %arg2: memref<2x2560x128xi32, #tpu.memory_space<hbm>>, %arg3: memref<10240x16xf32, #tpu.memory_space<hbm>>, %arg4: memref<2x10240x16xf32, #tpu.memory_space<hbm>>, %arg5: memref<80x128xi32, #tpu.memory_space<vmem>>, %arg6: memref<80x128xi32, #tpu.memory_space<vmem>>, %arg7: memref<4x512x16xf32, #tpu.memory_space<vmem>>, %arg8: memref<640x16xf32, #tpu.memory_space<vmem>>, %arg9: memref<10240x16xf32, #tpu.memory_space<vmem_shared>>, %arg10: memref<10240x16xf32, #tpu.memory_space<vmem_shared>>, %arg11: memref<!tpu.dma_semaphore, #tpu.memory_space<semaphore_mem>>, %arg12: memref<!tpu.dma_semaphore, #tpu.memory_space<semaphore_mem>>, %arg13: memref<!tpu.dma_semaphore, #tpu.memory_space<semaphore_mem>>, %arg14: memref<!tpu.dma_semaphore, #tpu.memory_space<semaphore_mem>>, %arg15: memref<!tpu.dma_semaphore, #tpu.memory_space<semaphore_mem>>) attributes {dimension_semantics = [#tpu.dimension_semantics<core_parallel>, #tpu.dimension_semantics<subcore_parallel>], iteration_bounds = array<i64: 2, 16>, scalar_prefetch = 0 : i64, scratch_operands = 11 : i64, tpu.core_type = #tpu.core_type<sc_vector_subcore>, window_params = [{transform_indices = #map}, {transform_indices = #map1}, {transform_indices = #map}]} {
    %mul3A = arith.constant 2 : i32
    %mul3A_0 = arith.muli %arg1, %mul3A : i32
    %add3A = arith.addi %mul3A_0, %arg0 : i32
    %scan3A = arith.constant 0 : i32
    %scan3A_1 = arith.constant 640 : i32
    %scan3A_2 = arith.addi %scan3A, %scan3A_1 : i32
    %scan3A_3 = arith.constant 1 : i32
    scf.for %scan3A_186 = %scan3A to %scan3A_2 step %scan3A_3  : i32 {
      %mul3A_187 = arith.constant 1 : i32
      %mul3A_188 = arith.muli %scan3A_186, %mul3A_187 : i32
      %add3A_189 = arith.constant 0 : i32
      %add3A_190 = arith.addi %add3A_189, %mul3A_188 : i32
      %broadcast_in_dim3A = arith.constant 0.000000e+00 : f32
      %broadcast_in_dim3A_191 = vector.broadcast %broadcast_in_dim3A : f32 to vector<16xf32>
      %swap3A = arith.index_cast %add3A_190 : i32 to index
      %swap3A_192 = arith.constant 0 : index
      %swap3A_193 = tpu.vector_load %arg8[%swap3A, %swap3A_192] {strides = array<i32>} : memref<640x16xf32, #tpu.memory_space<vmem>>, vector<1x16xf32>,
      %swap3A_194 = vector.shape_cast %swap3A_193 : vector<1x16xf32> to vector<16xf32>
      %swap3A_195 = vector.shape_cast %broadcast_in_dim3A_191 : vector<16xf32> to vector<1x16xf32>
      tpu.vector_store %arg8[%swap3A, %swap3A_192], %swap3A_195 {strides = array<i32>} : memref<640x16xf32, #tpu.memory_space<vmem>>, vector<1x16xf32>,
    }
    %scan3A_4 = arith.constant 640 : i32
    %mul3A_5 = arith.constant 640 : i32
    %mul3A_6 = arith.muli %arg1, %mul3A_5 : i32
    "tpu.region"() ({
      %run_scoped3A_186 = tpu.sem_alloc : memref<!tpu.dma_semaphore, #tpu.memory_space<semaphore_mem>>
      %dma_start3A_187 = arith.constant 0 : i32
      %dma_start3A_188 = tpu.memref_slice %arg10[%mul3A_6, %dma_start3A_187] : memref<10240x16xf32, #tpu.memory_space<vmem_shared>> -> memref<640x16xf32, #tpu.memory_space<vmem_shared>>
      %dma_start3A_189 = arith.constant 0 : i32
      %dma_start3A_190 = tpu.memref_slice %arg10[%mul3A_6, %dma_start3A_189] : memref<10240x16xf32, #tpu.memory_space<vmem_shared>> -> memref<640x16xf32, #tpu.memory_space<vmem_shared>>
      tpu.enqueue_dma source(%arg8 : memref<640x16xf32, #tpu.memory_space<vmem>>) target(%dma_start3A_190 : memref<640x16xf32, #tpu.memory_space<vmem_shared>>) target_semaphore(%run_scoped3A_186 : memref<!tpu.dma_semaphore, #tpu.memory_space<semaphore_mem>>)
      %dma_wait3A_191 = arith.constant 0 : i32
      %dma_wait3A_192 = tpu.memref_slice %arg10[%mul3A_6, %dma_wait3A_191] : memref<10240x16xf32, #tpu.memory_space<vmem_shared>> -> memref<640x16xf32, #tpu.memory_space<vmem_shared>>
      %dma_wait3A_193 = arith.constant 0 : i32
      %dma_wait3A_194 = tpu.memref_slice %arg10[%mul3A_6, %dma_wait3A_193] : memref<10240x16xf32, #tpu.memory_space<vmem_shared>> -> memref<640x16xf32, #tpu.memory_space<vmem_shared>>
      tpu.wait_dma2 semaphore(%run_scoped3A_186 : memref<!tpu.dma_semaphore, #tpu.memory_space<semaphore_mem>>) src(%arg8 : memref<640x16xf32, #tpu.memory_space<vmem>>) dst(%dma_wait3A_194 : memref<640x16xf32, #tpu.memory_space<vmem_shared>>)
      tpu.yield
    }) : () -> ()
    %mul3A_7 = arith.constant 640 : i32
    %mul3A_8 = arith.muli %arg1, %mul3A_7 : i32
    %mul3A_9 = arith.constant 640 : i32
    %mul3A_10 = arith.muli %arg1, %mul3A_9 : i32
    "tpu.region"() ({
      %run_scoped3A_186 = tpu.sem_alloc : memref<!tpu.dma_semaphore, #tpu.memory_space<semaphore_mem>>
      %dma_start3A_187 = arith.constant 0 : i32
      %dma_start3A_188 = tpu.memref_slice %arg9[%mul3A_10, %dma_start3A_187] : memref<10240x16xf32, #tpu.memory_space<vmem_shared>> -> memref<640x16xf32, #tpu.memory_space<vmem_shared>>
      %dma_start3A_189 = arith.constant 0 : i32
      %dma_start3A_190 = tpu.memref_slice %arg3[%mul3A_8, %dma_start3A_189] : memref<10240x16xf32, #tpu.memory_space<hbm>> -> memref<640x16xf32, #tpu.memory_space<hbm>>
      tpu.enqueue_dma source(%dma_start3A_190 : memref<640x16xf32, #tpu.memory_space<hbm>>) target(%dma_start3A_188 : memref<640x16xf32, #tpu.memory_space<vmem_shared>>) target_semaphore(%run_scoped3A_186 : memref<!tpu.dma_semaphore, #tpu.memory_space<semaphore_mem>>)
      %dma_wait3A_191 = arith.constant 0 : i32
      %dma_wait3A_192 = tpu.memref_slice %arg9[%mul3A_10, %dma_wait3A_191] : memref<10240x16xf32, #tpu.memory_space<vmem_shared>> -> memref<640x16xf32, #tpu.memory_space<vmem_shared>>
      %dma_wait3A_193 = arith.constant 0 : i32
      %dma_wait3A_194 = tpu.memref_slice %arg3[%mul3A_8, %dma_wait3A_193] : memref<10240x16xf32, #tpu.memory_space<hbm>> -> memref<640x16xf32, #tpu.memory_space<hbm>>
      tpu.wait_dma2 semaphore(%run_scoped3A_186 : memref<!tpu.dma_semaphore, #tpu.memory_space<semaphore_mem>>) src(%dma_wait3A_194 : memref<640x16xf32, #tpu.memory_space<hbm>>) dst(%dma_wait3A_192 : memref<640x16xf32, #tpu.memory_space<vmem_shared>>)
      tpu.yield
    }) : () -> ()
    %mul3A_11 = arith.constant 80 : i32
    %mul3A_12 = arith.muli %add3A, %mul3A_11 : i32
    %run_scoped3A = arith.constant 0 : i32
    "tpu.region"() ({
      %run_scoped3A_186 = tpu.sem_alloc : memref<!tpu.dma_semaphore, #tpu.memory_space<semaphore_mem>>
      %dma_start3A_187 = arith.constant 0 : i32
      %dma_start3A_188 = tpu.memref_slice %arg2[%run_scoped3A, %mul3A_12, %dma_start3A_187] : memref<2x2560x128xi32, #tpu.memory_space<hbm>> -> memref<1x80x128xi32, #tpu.memory_space<hbm>>
      %dma_start3A_189 = tpu.memref_squeeze %dma_start3A_188 : memref<1x80x128xi32, #tpu.memory_space<hbm>> -> memref<80x128xi32, #tpu.memory_space<hbm>>
      %dma_start3A_190 = arith.constant 0 : i32
      %dma_start3A_191 = tpu.memref_slice %arg2[%run_scoped3A, %mul3A_12, %dma_start3A_190] : memref<2x2560x128xi32, #tpu.memory_space<hbm>> -> memref<1x80x128xi32, #tpu.memory_space<hbm>>
      %dma_start3A_192 = tpu.memref_squeeze %dma_start3A_191 : memref<1x80x128xi32, #tpu.memory_space<hbm>> -> memref<80x128xi32, #tpu.memory_space<hbm>>
      tpu.enqueue_dma source(%dma_start3A_192 : memref<80x128xi32, #tpu.memory_space<hbm>>) target(%arg5 : memref<80x128xi32, #tpu.memory_space<vmem>>) target_semaphore(%run_scoped3A_186 : memref<!tpu.dma_semaphore, #tpu.memory_space<semaphore_mem>>)
      %dma_wait3A_193 = arith.constant 0 : i32
      %dma_wait3A_194 = tpu.memref_slice %arg2[%run_scoped3A, %mul3A_12, %dma_wait3A_193] : memref<2x2560x128xi32, #tpu.memory_space<hbm>> -> memref<1x80x128xi32, #tpu.memory_space<hbm>>
      %dma_wait3A_195 = tpu.memref_squeeze %dma_wait3A_194 : memref<1x80x128xi32, #tpu.memory_space<hbm>> -> memref<80x128xi32, #tpu.memory_space<hbm>>
      %dma_wait3A_196 = arith.constant 0 : i32
      %dma_wait3A_197 = tpu.memref_slice %arg2[%run_scoped3A, %mul3A_12, %dma_wait3A_196] : memref<2x2560x128xi32, #tpu.memory_space<hbm>> -> memref<1x80x128xi32, #tpu.memory_space<hbm>>
      %dma_wait3A_198 = tpu.memref_squeeze %dma_wait3A_197 : memref<1x80x128xi32, #tpu.memory_space<hbm>> -> memref<80x128xi32, #tpu.memory_space<hbm>>
      tpu.wait_dma2 semaphore(%run_scoped3A_186 : memref<!tpu.dma_semaphore, #tpu.memory_space<semaphore_mem>>) src(%dma_wait3A_198 : memref<80x128xi32, #tpu.memory_space<hbm>>) dst(%arg5 : memref<80x128xi32, #tpu.memory_space<vmem>>)
      tpu.yield
    }) : () -> ()
    %mul3A_13 = arith.constant 80 : i32
    %mul3A_14 = arith.muli %add3A, %mul3A_13 : i32
    %run_scoped3A_15 = arith.constant 1 : i32
    "tpu.region"() ({
      %run_scoped3A_186 = tpu.sem_alloc : memref<!tpu.dma_semaphore, #tpu.memory_space<semaphore_mem>>
      %dma_start3A_187 = arith.constant 0 : i32
      %dma_start3A_188 = tpu.memref_slice %arg2[%run_scoped3A_15, %mul3A_14, %dma_start3A_187] : memref<2x2560x128xi32, #tpu.memory_space<hbm>> -> memref<1x80x128xi32, #tpu.memory_space<hbm>>
      %dma_start3A_189 = tpu.memref_squeeze %dma_start3A_188 : memref<1x80x128xi32, #tpu.memory_space<hbm>> -> memref<80x128xi32, #tpu.memory_space<hbm>>
      %dma_start3A_190 = arith.constant 0 : i32
      %dma_start3A_191 = tpu.memref_slice %arg2[%run_scoped3A_15, %mul3A_14, %dma_start3A_190] : memref<2x2560x128xi32, #tpu.memory_space<hbm>> -> memref<1x80x128xi32, #tpu.memory_space<hbm>>
      %dma_start3A_192 = tpu.memref_squeeze %dma_start3A_191 : memref<1x80x128xi32, #tpu.memory_space<hbm>> -> memref<80x128xi32, #tpu.memory_space<hbm>>
      tpu.enqueue_dma source(%dma_start3A_192 : memref<80x128xi32, #tpu.memory_space<hbm>>) target(%arg6 : memref<80x128xi32, #tpu.memory_space<vmem>>) target_semaphore(%run_scoped3A_186 : memref<!tpu.dma_semaphore, #tpu.memory_space<semaphore_mem>>)
      %dma_wait3A_193 = arith.constant 0 : i32
      %dma_wait3A_194 = tpu.memref_slice %arg2[%run_scoped3A_15, %mul3A_14, %dma_wait3A_193] : memref<2x2560x128xi32, #tpu.memory_space<hbm>> -> memref<1x80x128xi32, #tpu.memory_space<hbm>>
      %dma_wait3A_195 = tpu.memref_squeeze %dma_wait3A_194 : memref<1x80x128xi32, #tpu.memory_space<hbm>> -> memref<80x128xi32, #tpu.memory_space<hbm>>
      %dma_wait3A_196 = arith.constant 0 : i32
      %dma_wait3A_197 = tpu.memref_slice %arg2[%run_scoped3A_15, %mul3A_14, %dma_wait3A_196] : memref<2x2560x128xi32, #tpu.memory_space<hbm>> -> memref<1x80x128xi32, #tpu.memory_space<hbm>>
      %dma_wait3A_198 = tpu.memref_squeeze %dma_wait3A_197 : memref<1x80x128xi32, #tpu.memory_space<hbm>> -> memref<80x128xi32, #tpu.memory_space<hbm>>
      tpu.wait_dma2 semaphore(%run_scoped3A_186 : memref<!tpu.dma_semaphore, #tpu.memory_space<semaphore_mem>>) src(%dma_wait3A_198 : memref<80x128xi32, #tpu.memory_space<hbm>>) dst(%arg6 : memref<80x128xi32, #tpu.memory_space<vmem>>)
      tpu.yield
    }) : () -> ()
    %barrier3A = arith.constant 0 : index
    tpu.barrier barrier_id(%barrier3A)
    %dma_start3A = arith.constant 0 : i32
    %dma_start3A_16 = arith.constant 0 : i32
    %dma_start3A_17 = arith.constant 0 : i32
    %dma_start3A_18 = arith.constant 0 : i32
    %dma_start3A_19 = tpu.memref_slice %arg7[%dma_start3A_16, %dma_start3A_17, %dma_start3A_18] : memref<4x512x16xf32, #tpu.memory_space<vmem>> -> memref<1x128x16xf32, #tpu.memory_space<vmem>>
    %dma_start3A_20 = tpu.memref_squeeze %dma_start3A_19 : memref<1x128x16xf32, #tpu.memory_space<vmem>> -> memref<128x16xf32, #tpu.memory_space<vmem>>
    %dma_start3A_21 = arith.constant 0 : i32
    %dma_start3A_22 = tpu.memref_slice %arg5[%dma_start3A, %dma_start3A_21] : memref<80x128xi32, #tpu.memory_space<vmem>> -> memref<1x128xi32, #tpu.memory_space<vmem>>
    %dma_start3A_23 = tpu.memref_squeeze %dma_start3A_22 : memref<1x128xi32, #tpu.memory_space<vmem>> -> memref<128xi32, #tpu.memory_space<vmem>>
    %dma_start3A_24 = arith.constant 0 : i32
    %dma_start3A_25 = arith.constant 0 : i32
    %dma_start3A_26 = tpu.memref_slice %arg9[%dma_start3A_24, %dma_start3A_25] : memref<10240x16xf32, #tpu.memory_space<vmem_shared>> -> memref<10240x16xf32, #tpu.memory_space<vmem_shared>>
    tpu.enqueue_indirect_dma source(%dma_start3A_26 : memref<10240x16xf32, #tpu.memory_space<vmem_shared>>) target(%dma_start3A_20 : memref<128x16xf32, #tpu.memory_space<vmem>>) offsets(%dma_start3A_23 : memref<128xi32, #tpu.memory_space<vmem>>) semaphore(%arg11 : memref<!tpu.dma_semaphore, #tpu.memory_space<semaphore_mem>>)
    %dma_start3A_27 = arith.constant 1 : i32
    %dma_start3A_28 = arith.constant 0 : i32
    %dma_start3A_29 = arith.constant 128 : i32
    %dma_start3A_30 = arith.constant 0 : i32
    %dma_start3A_31 = tpu.memref_slice %arg7[%dma_start3A_28, %dma_start3A_29, %dma_start3A_30] : memref<4x512x16xf32, #tpu.memory_space<vmem>> -> memref<1x128x16xf32, #tpu.memory_space<vmem>>
    %dma_start3A_32 = tpu.memref_squeeze %dma_start3A_31 : memref<1x128x16xf32, #tpu.memory_space<vmem>> -> memref<128x16xf32, #tpu.memory_space<vmem>>
    %dma_start3A_33 = arith.constant 0 : i32
    %dma_start3A_34 = tpu.memref_slice %arg5[%dma_start3A_27, %dma_start3A_33] : memref<80x128xi32, #tpu.memory_space<vmem>> -> memref<1x128xi32, #tpu.memory_space<vmem>>
    %dma_start3A_35 = tpu.memref_squeeze %dma_start3A_34 : memref<1x128xi32, #tpu.memory_space<vmem>> -> memref<128xi32, #tpu.memory_space<vmem>>
    %dma_start3A_36 = arith.constant 0 : i32
    %dma_start3A_37 = arith.constant 0 : i32
    %dma_start3A_38 = tpu.memref_slice %arg9[%dma_start3A_36, %dma_start3A_37] : memref<10240x16xf32, #tpu.memory_space<vmem_shared>> -> memref<10240x16xf32, #tpu.memory_space<vmem_shared>>
    tpu.enqueue_indirect_dma source(%dma_start3A_38 : memref<10240x16xf32, #tpu.memory_space<vmem_shared>>) target(%dma_start3A_32 : memref<128x16xf32, #tpu.memory_space<vmem>>) offsets(%dma_start3A_35 : memref<128xi32, #tpu.memory_space<vmem>>) semaphore(%arg11 : memref<!tpu.dma_semaphore, #tpu.memory_space<semaphore_mem>>)
    %dma_start3A_39 = arith.constant 2 : i32
    %dma_start3A_40 = arith.constant 0 : i32
    %dma_start3A_41 = arith.constant 256 : i32
    %dma_start3A_42 = arith.constant 0 : i32
    %dma_start3A_43 = tpu.memref_slice %arg7[%dma_start3A_40, %dma_start3A_41, %dma_start3A_42] : memref<4x512x16xf32, #tpu.memory_space<vmem>> -> memref<1x128x16xf32, #tpu.memory_space<vmem>>
    %dma_start3A_44 = tpu.memref_squeeze %dma_start3A_43 : memref<1x128x16xf32, #tpu.memory_space<vmem>> -> memref<128x16xf32, #tpu.memory_space<vmem>>
    %dma_start3A_45 = arith.constant 0 : i32
    %dma_start3A_46 = tpu.memref_slice %arg5[%dma_start3A_39, %dma_start3A_45] : memref<80x128xi32, #tpu.memory_space<vmem>> -> memref<1x128xi32, #tpu.memory_space<vmem>>
    %dma_start3A_47 = tpu.memref_squeeze %dma_start3A_46 : memref<1x128xi32, #tpu.memory_space<vmem>> -> memref<128xi32, #tpu.memory_space<vmem>>
    %dma_start3A_48 = arith.constant 0 : i32
    %dma_start3A_49 = arith.constant 0 : i32
    %dma_start3A_50 = tpu.memref_slice %arg9[%dma_start3A_48, %dma_start3A_49] : memref<10240x16xf32, #tpu.memory_space<vmem_shared>> -> memref<10240x16xf32, #tpu.memory_space<vmem_shared>>
    tpu.enqueue_indirect_dma source(%dma_start3A_50 : memref<10240x16xf32, #tpu.memory_space<vmem_shared>>) target(%dma_start3A_44 : memref<128x16xf32, #tpu.memory_space<vmem>>) offsets(%dma_start3A_47 : memref<128xi32, #tpu.memory_space<vmem>>) semaphore(%arg11 : memref<!tpu.dma_semaphore, #tpu.memory_space<semaphore_mem>>)
    %dma_start3A_51 = arith.constant 3 : i32
    %dma_start3A_52 = arith.constant 0 : i32
    %dma_start3A_53 = arith.constant 384 : i32
    %dma_start3A_54 = arith.constant 0 : i32
    %dma_start3A_55 = tpu.memref_slice %arg7[%dma_start3A_52, %dma_start3A_53, %dma_start3A_54] : memref<4x512x16xf32, #tpu.memory_space<vmem>> -> memref<1x128x16xf32, #tpu.memory_space<vmem>>
    %dma_start3A_56 = tpu.memref_squeeze %dma_start3A_55 : memref<1x128x16xf32, #tpu.memory_space<vmem>> -> memref<128x16xf32, #tpu.memory_space<vmem>>
    %dma_start3A_57 = arith.constant 0 : i32
    %dma_start3A_58 = tpu.memref_slice %arg5[%dma_start3A_51, %dma_start3A_57] : memref<80x128xi32, #tpu.memory_space<vmem>> -> memref<1x128xi32, #tpu.memory_space<vmem>>
    %dma_start3A_59 = tpu.memref_squeeze %dma_start3A_58 : memref<1x128xi32, #tpu.memory_space<vmem>> -> memref<128xi32, #tpu.memory_space<vmem>>
    %dma_start3A_60 = arith.constant 0 : i32
    %dma_start3A_61 = arith.constant 0 : i32
    %dma_start3A_62 = tpu.memref_slice %arg9[%dma_start3A_60, %dma_start3A_61] : memref<10240x16xf32, #tpu.memory_space<vmem_shared>> -> memref<10240x16xf32, #tpu.memory_space<vmem_shared>>
    tpu.enqueue_indirect_dma source(%dma_start3A_62 : memref<10240x16xf32, #tpu.memory_space<vmem_shared>>) target(%dma_start3A_56 : memref<128x16xf32, #tpu.memory_space<vmem>>) offsets(%dma_start3A_59 : memref<128xi32, #tpu.memory_space<vmem>>) semaphore(%arg11 : memref<!tpu.dma_semaphore, #tpu.memory_space<semaphore_mem>>)
    %dma_start3A_63 = arith.constant 4 : i32
    %dma_start3A_64 = arith.constant 1 : i32
    %dma_start3A_65 = arith.constant 0 : i32
    %dma_start3A_66 = arith.constant 0 : i32
    %dma_start3A_67 = tpu.memref_slice %arg7[%dma_start3A_64, %dma_start3A_65, %dma_start3A_66] : memref<4x512x16xf32, #tpu.memory_space<vmem>> -> memref<1x128x16xf32, #tpu.memory_space<vmem>>
    %dma_start3A_68 = tpu.memref_squeeze %dma_start3A_67 : memref<1x128x16xf32, #tpu.memory_space<vmem>> -> memref<128x16xf32, #tpu.memory_space<vmem>>
    %dma_start3A_69 = arith.constant 0 : i32
    %dma_start3A_70 = tpu.memref_slice %arg5[%dma_start3A_63, %dma_start3A_69] : memref<80x128xi32, #tpu.memory_space<vmem>> -> memref<1x128xi32, #tpu.memory_space<vmem>>
    %dma_start3A_71 = tpu.memref_squeeze %dma_start3A_70 : memref<1x128xi32, #tpu.memory_space<vmem>> -> memref<128xi32, #tpu.memory_space<vmem>>
    %dma_start3A_72 = arith.constant 0 : i32
    %dma_start3A_73 = arith.constant 0 : i32
    %dma_start3A_74 = tpu.memref_slice %arg9[%dma_start3A_72, %dma_start3A_73] : memref<10240x16xf32, #tpu.memory_space<vmem_shared>> -> memref<10240x16xf32, #tpu.memory_space<vmem_shared>>
    tpu.enqueue_indirect_dma source(%dma_start3A_74 : memref<10240x16xf32, #tpu.memory_space<vmem_shared>>) target(%dma_start3A_68 : memref<128x16xf32, #tpu.memory_space<vmem>>) offsets(%dma_start3A_71 : memref<128xi32, #tpu.memory_space<vmem>>) semaphore(%arg12 : memref<!tpu.dma_semaphore, #tpu.memory_space<semaphore_mem>>)
    %dma_start3A_75 = arith.constant 5 : i32
    %dma_start3A_76 = arith.constant 1 : i32
    %dma_start3A_77 = arith.constant 128 : i32
    %dma_start3A_78 = arith.constant 0 : i32
    %dma_start3A_79 = tpu.memref_slice %arg7[%dma_start3A_76, %dma_start3A_77, %dma_start3A_78] : memref<4x512x16xf32, #tpu.memory_space<vmem>> -> memref<1x128x16xf32, #tpu.memory_space<vmem>>
    %dma_start3A_80 = tpu.memref_squeeze %dma_start3A_79 : memref<1x128x16xf32, #tpu.memory_space<vmem>> -> memref<128x16xf32, #tpu.memory_space<vmem>>
    %dma_start3A_81 = arith.constant 0 : i32
    %dma_start3A_82 = tpu.memref_slice %arg5[%dma_start3A_75, %dma_start3A_81] : memref<80x128xi32, #tpu.memory_space<vmem>> -> memref<1x128xi32, #tpu.memory_space<vmem>>
    %dma_start3A_83 = tpu.memref_squeeze %dma_start3A_82 : memref<1x128xi32, #tpu.memory_space<vmem>> -> memref<128xi32, #tpu.memory_space<vmem>>
    %dma_start3A_84 = arith.constant 0 : i32
    %dma_start3A_85 = arith.constant 0 : i32
    %dma_start3A_86 = tpu.memref_slice %arg9[%dma_start3A_84, %dma_start3A_85] : memref<10240x16xf32, #tpu.memory_space<vmem_shared>> -> memref<10240x16xf32, #tpu.memory_space<vmem_shared>>
    tpu.enqueue_indirect_dma source(%dma_start3A_86 : memref<10240x16xf32, #tpu.memory_space<vmem_shared>>) target(%dma_start3A_80 : memref<128x16xf32, #tpu.memory_space<vmem>>) offsets(%dma_start3A_83 : memref<128xi32, #tpu.memory_space<vmem>>) semaphore(%arg12 : memref<!tpu.dma_semaphore, #tpu.memory_space<semaphore_mem>>)
    %dma_start3A_87 = arith.constant 6 : i32
    %dma_start3A_88 = arith.constant 1 : i32
    %dma_start3A_89 = arith.constant 256 : i32
    %dma_start3A_90 = arith.constant 0 : i32
    %dma_start3A_91 = tpu.memref_slice %arg7[%dma_start3A_88, %dma_start3A_89, %dma_start3A_90] : memref<4x512x16xf32, #tpu.memory_space<vmem>> -> memref<1x128x16xf32, #tpu.memory_space<vmem>>
    %dma_start3A_92 = tpu.memref_squeeze %dma_start3A_91 : memref<1x128x16xf32, #tpu.memory_space<vmem>> -> memref<128x16xf32, #tpu.memory_space<vmem>>
    %dma_start3A_93 = arith.constant 0 : i32
    %dma_start3A_94 = tpu.memref_slice %arg5[%dma_start3A_87, %dma_start3A_93] : memref<80x128xi32, #tpu.memory_space<vmem>> -> memref<1x128xi32, #tpu.memory_space<vmem>>
    %dma_start3A_95 = tpu.memref_squeeze %dma_start3A_94 : memref<1x128xi32, #tpu.memory_space<vmem>> -> memref<128xi32, #tpu.memory_space<vmem>>
    %dma_start3A_96 = arith.constant 0 : i32
    %dma_start3A_97 = arith.constant 0 : i32
    %dma_start3A_98 = tpu.memref_slice %arg9[%dma_start3A_96, %dma_start3A_97] : memref<10240x16xf32, #tpu.memory_space<vmem_shared>> -> memref<10240x16xf32, #tpu.memory_space<vmem_shared>>
    tpu.enqueue_indirect_dma source(%dma_start3A_98 : memref<10240x16xf32, #tpu.memory_space<vmem_shared>>) target(%dma_start3A_92 : memref<128x16xf32, #tpu.memory_space<vmem>>) offsets(%dma_start3A_95 : memref<128xi32, #tpu.memory_space<vmem>>) semaphore(%arg12 : memref<!tpu.dma_semaphore, #tpu.memory_space<semaphore_mem>>)
    %dma_start3A_99 = arith.constant 7 : i32
    %dma_start3A_100 = arith.constant 1 : i32
    %dma_start3A_101 = arith.constant 384 : i32
    %dma_start3A_102 = arith.constant 0 : i32
    %dma_start3A_103 = tpu.memref_slice %arg7[%dma_start3A_100, %dma_start3A_101, %dma_start3A_102] : memref<4x512x16xf32, #tpu.memory_space<vmem>> -> memref<1x128x16xf32, #tpu.memory_space<vmem>>
    %dma_start3A_104 = tpu.memref_squeeze %dma_start3A_103 : memref<1x128x16xf32, #tpu.memory_space<vmem>> -> memref<128x16xf32, #tpu.memory_space<vmem>>
    %dma_start3A_105 = arith.constant 0 : i32
    %dma_start3A_106 = tpu.memref_slice %arg5[%dma_start3A_99, %dma_start3A_105] : memref<80x128xi32, #tpu.memory_space<vmem>> -> memref<1x128xi32, #tpu.memory_space<vmem>>
    %dma_start3A_107 = tpu.memref_squeeze %dma_start3A_106 : memref<1x128xi32, #tpu.memory_space<vmem>> -> memref<128xi32, #tpu.memory_space<vmem>>
    %dma_start3A_108 = arith.constant 0 : i32
    %dma_start3A_109 = arith.constant 0 : i32
    %dma_start3A_110 = tpu.memref_slice %arg9[%dma_start3A_108, %dma_start3A_109] : memref<10240x16xf32, #tpu.memory_space<vmem_shared>> -> memref<10240x16xf32, #tpu.memory_space<vmem_shared>>
    tpu.enqueue_indirect_dma source(%dma_start3A_110 : memref<10240x16xf32, #tpu.memory_space<vmem_shared>>) target(%dma_start3A_104 : memref<128x16xf32, #tpu.memory_space<vmem>>) offsets(%dma_start3A_107 : memref<128xi32, #tpu.memory_space<vmem>>) semaphore(%arg12 : memref<!tpu.dma_semaphore, #tpu.memory_space<semaphore_mem>>)
    %dma_start3A_111 = arith.constant 8 : i32
    %dma_start3A_112 = arith.constant 2 : i32
    %dma_start3A_113 = arith.constant 0 : i32
    %dma_start3A_114 = arith.constant 0 : i32
    %dma_start3A_115 = tpu.memref_slice %arg7[%dma_start3A_112, %dma_start3A_113, %dma_start3A_114] : memref<4x512x16xf32, #tpu.memory_space<vmem>> -> memref<1x128x16xf32, #tpu.memory_space<vmem>>
    %dma_start3A_116 = tpu.memref_squeeze %dma_start3A_115 : memref<1x128x16xf32, #tpu.memory_space<vmem>> -> memref<128x16xf32, #tpu.memory_space<vmem>>
    %dma_start3A_117 = arith.constant 0 : i32
    %dma_start3A_118 = tpu.memref_slice %arg5[%dma_start3A_111, %dma_start3A_117] : memref<80x128xi32, #tpu.memory_space<vmem>> -> memref<1x128xi32, #tpu.memory_space<vmem>>
    %dma_start3A_119 = tpu.memref_squeeze %dma_start3A_118 : memref<1x128xi32, #tpu.memory_space<vmem>> -> memref<128xi32, #tpu.memory_space<vmem>>
    %dma_start3A_120 = arith.constant 0 : i32
    %dma_start3A_121 = arith.constant 0 : i32
    %dma_start3A_122 = tpu.memref_slice %arg9[%dma_start3A_120, %dma_start3A_121] : memref<10240x16xf32, #tpu.memory_space<vmem_shared>> -> memref<10240x16xf32, #tpu.memory_space<vmem_shared>>
    tpu.enqueue_indirect_dma source(%dma_start3A_122 : memref<10240x16xf32, #tpu.memory_space<vmem_shared>>) target(%dma_start3A_116 : memref<128x16xf32, #tpu.memory_space<vmem>>) offsets(%dma_start3A_119 : memref<128xi32, #tpu.memory_space<vmem>>) semaphore(%arg13 : memref<!tpu.dma_semaphore, #tpu.memory_space<semaphore_mem>>)
    %dma_start3A_123 = arith.constant 9 : i32
    %dma_start3A_124 = arith.constant 2 : i32
    %dma_start3A_125 = arith.constant 128 : i32
    %dma_start3A_126 = arith.constant 0 : i32
    %dma_start3A_127 = tpu.memref_slice %arg7[%dma_start3A_124, %dma_start3A_125, %dma_start3A_126] : memref<4x512x16xf32, #tpu.memory_space<vmem>> -> memref<1x128x16xf32, #tpu.memory_space<vmem>>
    %dma_start3A_128 = tpu.memref_squeeze %dma_start3A_127 : memref<1x128x16xf32, #tpu.memory_space<vmem>> -> memref<128x16xf32, #tpu.memory_space<vmem>>
    %dma_start3A_129 = arith.constant 0 : i32
    %dma_start3A_130 = tpu.memref_slice %arg5[%dma_start3A_123, %dma_start3A_129] : memref<80x128xi32, #tpu.memory_space<vmem>> -> memref<1x128xi32, #tpu.memory_space<vmem>>
    %dma_start3A_131 = tpu.memref_squeeze %dma_start3A_130 : memref<1x128xi32, #tpu.memory_space<vmem>> -> memref<128xi32, #tpu.memory_space<vmem>>
    %dma_start3A_132 = arith.constant 0 : i32
    %dma_start3A_133 = arith.constant 0 : i32
    %dma_start3A_134 = tpu.memref_slice %arg9[%dma_start3A_132, %dma_start3A_133] : memref<10240x16xf32, #tpu.memory_space<vmem_shared>> -> memref<10240x16xf32, #tpu.memory_space<vmem_shared>>
    tpu.enqueue_indirect_dma source(%dma_start3A_134 : memref<10240x16xf32, #tpu.memory_space<vmem_shared>>) target(%dma_start3A_128 : memref<128x16xf32, #tpu.memory_space<vmem>>) offsets(%dma_start3A_131 : memref<128xi32, #tpu.memory_space<vmem>>) semaphore(%arg13 : memref<!tpu.dma_semaphore, #tpu.memory_space<semaphore_mem>>)
    %dma_start3A_135 = arith.constant 10 : i32
    %dma_start3A_136 = arith.constant 2 : i32
    %dma_start3A_137 = arith.constant 256 : i32
    %dma_start3A_138 = arith.constant 0 : i32
    %dma_start3A_139 = tpu.memref_slice %arg7[%dma_start3A_136, %dma_start3A_137, %dma_start3A_138] : memref<4x512x16xf32, #tpu.memory_space<vmem>> -> memref<1x128x16xf32, #tpu.memory_space<vmem>>
    %dma_start3A_140 = tpu.memref_squeeze %dma_start3A_139 : memref<1x128x16xf32, #tpu.memory_space<vmem>> -> memref<128x16xf32, #tpu.memory_space<vmem>>
    %dma_start3A_141 = arith.constant 0 : i32
    %dma_start3A_142 = tpu.memref_slice %arg5[%dma_start3A_135, %dma_start3A_141] : memref<80x128xi32, #tpu.memory_space<vmem>> -> memref<1x128xi32, #tpu.memory_space<vmem>>
    %dma_start3A_143 = tpu.memref_squeeze %dma_start3A_142 : memref<1x128xi32, #tpu.memory_space<vmem>> -> memref<128xi32, #tpu.memory_space<vmem>>
    %dma_start3A_144 = arith.constant 0 : i32
    %dma_start3A_145 = arith.constant 0 : i32
    %dma_start3A_146 = tpu.memref_slice %arg9[%dma_start3A_144, %dma_start3A_145] : memref<10240x16xf32, #tpu.memory_space<vmem_shared>> -> memref<10240x16xf32, #tpu.memory_space<vmem_shared>>
    tpu.enqueue_indirect_dma source(%dma_start3A_146 : memref<10240x16xf32, #tpu.memory_space<vmem_shared>>) target(%dma_start3A_140 : memref<128x16xf32, #tpu.memory_space<vmem>>) offsets(%dma_start3A_143 : memref<128xi32, #tpu.memory_space<vmem>>) semaphore(%arg13 : memref<!tpu.dma_semaphore, #tpu.memory_space<semaphore_mem>>)
    %dma_start3A_147 = arith.constant 11 : i32
    %dma_start3A_148 = arith.constant 2 : i32
    %dma_start3A_149 = arith.constant 384 : i32
    %dma_start3A_150 = arith.constant 0 : i32
    %dma_start3A_151 = tpu.memref_slice %arg7[%dma_start3A_148, %dma_start3A_149, %dma_start3A_150] : memref<4x512x16xf32, #tpu.memory_space<vmem>> -> memref<1x128x16xf32, #tpu.memory_space<vmem>>
    %dma_start3A_152 = tpu.memref_squeeze %dma_start3A_151 : memref<1x128x16xf32, #tpu.memory_space<vmem>> -> memref<128x16xf32, #tpu.memory_space<vmem>>
    %dma_start3A_153 = arith.constant 0 : i32
    %dma_start3A_154 = tpu.memref_slice %arg5[%dma_start3A_147, %dma_start3A_153] : memref<80x128xi32, #tpu.memory_space<vmem>> -> memref<1x128xi32, #tpu.memory_space<vmem>>
    %dma_start3A_155 = tpu.memref_squeeze %dma_start3A_154 : memref<1x128xi32, #tpu.memory_space<vmem>> -> memref<128xi32, #tpu.memory_space<vmem>>
    %dma_start3A_156 = arith.constant 0 : i32
    %dma_start3A_157 = arith.constant 0 : i32
    %dma_start3A_158 = tpu.memref_slice %arg9[%dma_start3A_156, %dma_start3A_157] : memref<10240x16xf32, #tpu.memory_space<vmem_shared>> -> memref<10240x16xf32, #tpu.memory_space<vmem_shared>>
    tpu.enqueue_indirect_dma source(%dma_start3A_158 : memref<10240x16xf32, #tpu.memory_space<vmem_shared>>) target(%dma_start3A_152 : memref<128x16xf32, #tpu.memory_space<vmem>>) offsets(%dma_start3A_155 : memref<128xi32, #tpu.memory_space<vmem>>) semaphore(%arg13 : memref<!tpu.dma_semaphore, #tpu.memory_space<semaphore_mem>>)
    %scan3A_159 = arith.constant 0 : i32
    %scan3A_160 = arith.constant 5 : i32
    %scan3A_161 = arith.addi %scan3A_159, %scan3A_160 : i32
    %scan3A_162 = arith.constant 1 : i32
    scf.for %scan3A_186 = %scan3A_159 to %scan3A_161 step %scan3A_162  : i32 {
      %mul3A_187 = arith.constant 1 : i32
      %mul3A_188 = arith.muli %scan3A_186, %mul3A_187 : i32
      %add3A_189 = arith.constant 0 : i32
      %add3A_190 = arith.addi %add3A_189, %mul3A_188 : i32
      %mul3A_191 = arith.constant 4 : i32
      %mul3A_192 = arith.muli %mul3A_191, %add3A_190 : i32
      %add3A_193 = arith.constant 0 : i32
      %add3A_194 = arith.addi %mul3A_192, %add3A_193 : i32
      %dma_wait3A_195 = arith.constant 0 : i32
      %dma_wait3A_196 = arith.constant 0 : i32
      %dma_wait3A_197 = arith.constant 0 : i32
      %dma_wait3A_198 = arith.constant 0 : i32
      %dma_wait3A_199 = tpu.memref_slice %arg7[%dma_wait3A_196, %dma_wait3A_197, %dma_wait3A_198] : memref<4x512x16xf32, #tpu.memory_space<vmem>> -> memref<1x512x16xf32, #tpu.memory_space<vmem>>
      %dma_wait3A_200 = tpu.memref_squeeze %dma_wait3A_199 : memref<1x512x16xf32, #tpu.memory_space<vmem>> -> memref<512x16xf32, #tpu.memory_space<vmem>>
      %dma_wait3A_201 = arith.constant 0 : i32
      %dma_wait3A_202 = arith.constant 0 : i32
      %dma_wait3A_203 = tpu.memref_slice %arg4[%dma_wait3A_195, %dma_wait3A_201, %dma_wait3A_202] : memref<2x10240x16xf32, #tpu.memory_space<hbm>> -> memref<1x512x16xf32, #tpu.memory_space<hbm>>
      %dma_wait3A_204 = tpu.memref_squeeze %dma_wait3A_203 : memref<1x512x16xf32, #tpu.memory_space<hbm>> -> memref<512x16xf32, #tpu.memory_space<hbm>>
      %dma_wait3A_205 = arith.constant 0 : i32
      %dma_wait3A_206 = arith.constant 0 : i32
      %dma_wait3A_207 = tpu.memref_slice %arg7[%dma_wait3A_196, %dma_wait3A_205, %dma_wait3A_206] : memref<4x512x16xf32, #tpu.memory_space<vmem>> -> memref<1x512x16xf32, #tpu.memory_space<vmem>>
      %dma_wait3A_208 = tpu.memref_squeeze %dma_wait3A_207 : memref<1x512x16xf32, #tpu.memory_space<vmem>> -> memref<512x16xf32, #tpu.memory_space<vmem>>
      %dma_wait3A_209 = arith.constant 0 : i32
      %dma_wait3A_210 = arith.constant 0 : i32
      %dma_wait3A_211 = tpu.memref_slice %arg4[%dma_wait3A_195, %dma_wait3A_209, %dma_wait3A_210] : memref<2x10240x16xf32, #tpu.memory_space<hbm>> -> memref<1x512x16xf32, #tpu.memory_space<hbm>>
      %dma_wait3A_212 = tpu.memref_squeeze %dma_wait3A_211 : memref<1x512x16xf32, #tpu.memory_space<hbm>> -> memref<512x16xf32, #tpu.memory_space<hbm>>
      tpu.wait_dma2 semaphore(%arg11 : memref<!tpu.dma_semaphore, #tpu.memory_space<semaphore_mem>>) src(%dma_wait3A_212 : memref<512x16xf32, #tpu.memory_space<hbm>>) dst(%dma_wait3A_208 : memref<512x16xf32, #tpu.memory_space<vmem>>)
      %mul3A_213 = arith.constant 4 : i32
      %mul3A_214 = arith.muli %add3A_194, %mul3A_213 : i32
      %add3A_215 = arith.constant 0 : i32
      %add3A_216 = arith.addi %mul3A_214, %add3A_215 : i32
      %dma_start3A_217 = arith.constant 0 : i32
      %dma_start3A_218 = arith.constant 0 : i32
      %dma_start3A_219 = arith.constant 0 : i32
      %dma_start3A_220 = tpu.memref_slice %arg7[%dma_start3A_217, %dma_start3A_218, %dma_start3A_219] : memref<4x512x16xf32, #tpu.memory_space<vmem>> -> memref<1x128x16xf32, #tpu.memory_space<vmem>>
      %dma_start3A_221 = tpu.memref_squeeze %dma_start3A_220 : memref<1x128x16xf32, #tpu.memory_space<vmem>> -> memref<128x16xf32, #tpu.memory_space<vmem>>
      %dma_start3A_222 = arith.constant 0 : i32
      %dma_start3A_223 = tpu.memref_slice %arg6[%add3A_216, %dma_start3A_222] : memref<80x128xi32, #tpu.memory_space<vmem>> -> memref<1x128xi32, #tpu.memory_space<vmem>>
      %dma_start3A_224 = tpu.memref_squeeze %dma_start3A_223 : memref<1x128xi32, #tpu.memory_space<vmem>> -> memref<128xi32, #tpu.memory_space<vmem>>
      %dma_start3A_225 = arith.constant 0 : i32
      %dma_start3A_226 = arith.constant 0 : i32
      %dma_start3A_227 = tpu.memref_slice %arg10[%dma_start3A_225, %dma_start3A_226] : memref<10240x16xf32, #tpu.memory_space<vmem_shared>> -> memref<10240x16xf32, #tpu.memory_space<vmem_shared>>
      tpu.enqueue_indirect_dma source(%dma_start3A_221 : memref<128x16xf32, #tpu.memory_space<vmem>>) target(%dma_start3A_227 : memref<10240x16xf32, #tpu.memory_space<vmem_shared>>) offsets(%dma_start3A_224 : memref<128xi32, #tpu.memory_space<vmem>>) semaphore(%arg15 : memref<!tpu.dma_semaphore, #tpu.memory_space<semaphore_mem>>) {add = true}
      %mul3A_228 = arith.constant 4 : i32
      %mul3A_229 = arith.muli %add3A_194, %mul3A_228 : i32
      %add3A_230 = arith.constant 1 : i32
      %add3A_231 = arith.addi %mul3A_229, %add3A_230 : i32
      %dma_start3A_232 = arith.constant 0 : i32
      %dma_start3A_233 = arith.constant 128 : i32
      %dma_start3A_234 = arith.constant 0 : i32
      %dma_start3A_235 = tpu.memref_slice %arg7[%dma_start3A_232, %dma_start3A_233, %dma_start3A_234] : memref<4x512x16xf32, #tpu.memory_space<vmem>> -> memref<1x128x16xf32, #tpu.memory_space<vmem>>
      %dma_start3A_236 = tpu.memref_squeeze %dma_start3A_235 : memref<1x128x16xf32, #tpu.memory_space<vmem>> -> memref<128x16xf32, #tpu.memory_space<vmem>>
      %dma_start3A_237 = arith.constant 0 : i32
      %dma_start3A_238 = tpu.memref_slice %arg6[%add3A_231, %dma_start3A_237] : memref<80x128xi32, #tpu.memory_space<vmem>> -> memref<1x128xi32, #tpu.memory_space<vmem>>
      %dma_start3A_239 = tpu.memref_squeeze %dma_start3A_238 : memref<1x128xi32, #tpu.memory_space<vmem>> -> memref<128xi32, #tpu.memory_space<vmem>>
      %dma_start3A_240 = arith.constant 0 : i32
      %dma_start3A_241 = arith.constant 0 : i32
      %dma_start3A_242 = tpu.memref_slice %arg10[%dma_start3A_240, %dma_start3A_241] : memref<10240x16xf32, #tpu.memory_space<vmem_shared>> -> memref<10240x16xf32, #tpu.memory_space<vmem_shared>>
      tpu.enqueue_indirect_dma source(%dma_start3A_236 : memref<128x16xf32, #tpu.memory_space<vmem>>) target(%dma_start3A_242 : memref<10240x16xf32, #tpu.memory_space<vmem_shared>>) offsets(%dma_start3A_239 : memref<128xi32, #tpu.memory_space<vmem>>) semaphore(%arg15 : memref<!tpu.dma_semaphore, #tpu.memory_space<semaphore_mem>>) {add = true}
      %mul3A_243 = arith.constant 4 : i32
      %mul3A_244 = arith.muli %add3A_194, %mul3A_243 : i32
      %add3A_245 = arith.constant 2 : i32
      %add3A_246 = arith.addi %mul3A_244, %add3A_245 : i32
      %dma_start3A_247 = arith.constant 0 : i32
      %dma_start3A_248 = arith.constant 256 : i32
      %dma_start3A_249 = arith.constant 0 : i32
      %dma_start3A_250 = tpu.memref_slice %arg7[%dma_start3A_247, %dma_start3A_248, %dma_start3A_249] : memref<4x512x16xf32, #tpu.memory_space<vmem>> -> memref<1x128x16xf32, #tpu.memory_space<vmem>>
      %dma_start3A_251 = tpu.memref_squeeze %dma_start3A_250 : memref<1x128x16xf32, #tpu.memory_space<vmem>> -> memref<128x16xf32, #tpu.memory_space<vmem>>
      %dma_start3A_252 = arith.constant 0 : i32
      %dma_start3A_253 = tpu.memref_slice %arg6[%add3A_246, %dma_start3A_252] : memref<80x128xi32, #tpu.memory_space<vmem>> -> memref<1x128xi32, #tpu.memory_space<vmem>>
      %dma_start3A_254 = tpu.memref_squeeze %dma_start3A_253 : memref<1x128xi32, #tpu.memory_space<vmem>> -> memref<128xi32, #tpu.memory_space<vmem>>
      %dma_start3A_255 = arith.constant 0 : i32
      %dma_start3A_256 = arith.constant 0 : i32
      %dma_start3A_257 = tpu.memref_slice %arg10[%dma_start3A_255, %dma_start3A_256] : memref<10240x16xf32, #tpu.memory_space<vmem_shared>> -> memref<10240x16xf32, #tpu.memory_space<vmem_shared>>
      tpu.enqueue_indirect_dma source(%dma_start3A_251 : memref<128x16xf32, #tpu.memory_space<vmem>>) target(%dma_start3A_257 : memref<10240x16xf32, #tpu.memory_space<vmem_shared>>) offsets(%dma_start3A_254 : memref<128xi32, #tpu.memory_space<vmem>>) semaphore(%arg15 : memref<!tpu.dma_semaphore, #tpu.memory_space<semaphore_mem>>) {add = true}
      %mul3A_258 = arith.constant 4 : i32
      %mul3A_259 = arith.muli %add3A_194, %mul3A_258 : i32
      %add3A_260 = arith.constant 3 : i32
      %add3A_261 = arith.addi %mul3A_259, %add3A_260 : i32
      %dma_start3A_262 = arith.constant 0 : i32
      %dma_start3A_263 = arith.constant 384 : i32
      %dma_start3A_264 = arith.constant 0 : i32
      %dma_start3A_265 = tpu.memref_slice %arg7[%dma_start3A_262, %dma_start3A_263, %dma_start3A_264] : memref<4x512x16xf32, #tpu.memory_space<vmem>> -> memref<1x128x16xf32, #tpu.memory_space<vmem>>
      %dma_start3A_266 = tpu.memref_squeeze %dma_start3A_265 : memref<1x128x16xf32, #tpu.memory_space<vmem>> -> memref<128x16xf32, #tpu.memory_space<vmem>>
      %dma_start3A_267 = arith.constant 0 : i32
      %dma_start3A_268 = tpu.memref_slice %arg6[%add3A_261, %dma_start3A_267] : memref<80x128xi32, #tpu.memory_space<vmem>> -> memref<1x128xi32, #tpu.memory_space<vmem>>
      %dma_start3A_269 = tpu.memref_squeeze %dma_start3A_268 : memref<1x128xi32, #tpu.memory_space<vmem>> -> memref<128xi32, #tpu.memory_space<vmem>>
      %dma_start3A_270 = arith.constant 0 : i32
      %dma_start3A_271 = arith.constant 0 : i32
      %dma_start3A_272 = tpu.memref_slice %arg10[%dma_start3A_270, %dma_start3A_271] : memref<10240x16xf32, #tpu.memory_space<vmem_shared>> -> memref<10240x16xf32, #tpu.memory_space<vmem_shared>>
      tpu.enqueue_indirect_dma source(%dma_start3A_266 : memref<128x16xf32, #tpu.memory_space<vmem>>) target(%dma_start3A_272 : memref<10240x16xf32, #tpu.memory_space<vmem_shared>>) offsets(%dma_start3A_269 : memref<128xi32, #tpu.memory_space<vmem>>) semaphore(%arg15 : memref<!tpu.dma_semaphore, #tpu.memory_space<semaphore_mem>>) {add = true}
      %ge3A = arith.constant 1 : i32
      %ge3A_273 = arith.cmpi sge, %add3A_194, %ge3A : i32
      %convert_element_type3A = arith.extui %ge3A_273 : i1 to i32
      %cond3A = arith.constant 0 : i32
      %cond3A_274 = arith.cmpi ne, %convert_element_type3A, %cond3A : i32
      scf.if %cond3A_274 {
        %dma_wait3A_563 = arith.constant 0 : i32
        %dma_wait3A_564 = arith.constant 0 : i32
        %dma_wait3A_565 = arith.constant 0 : i32
        %dma_wait3A_566 = arith.constant 0 : i32
        %dma_wait3A_567 = tpu.memref_slice %arg7[%dma_wait3A_564, %dma_wait3A_565, %dma_wait3A_566] : memref<4x512x16xf32, #tpu.memory_space<vmem>> -> memref<1x512x16xf32, #tpu.memory_space<vmem>>
        %dma_wait3A_568 = tpu.memref_squeeze %dma_wait3A_567 : memref<1x512x16xf32, #tpu.memory_space<vmem>> -> memref<512x16xf32, #tpu.memory_space<vmem>>
        %dma_wait3A_569 = arith.constant 0 : i32
        %dma_wait3A_570 = arith.constant 0 : i32
        %dma_wait3A_571 = tpu.memref_slice %arg4[%dma_wait3A_563, %dma_wait3A_569, %dma_wait3A_570] : memref<2x10240x16xf32, #tpu.memory_space<hbm>> -> memref<1x512x16xf32, #tpu.memory_space<hbm>>
        %dma_wait3A_572 = tpu.memref_squeeze %dma_wait3A_571 : memref<1x512x16xf32, #tpu.memory_space<hbm>> -> memref<512x16xf32, #tpu.memory_space<hbm>>
        %dma_wait3A_573 = arith.constant 0 : i32
        %dma_wait3A_574 = arith.constant 0 : i32
        %dma_wait3A_575 = tpu.memref_slice %arg7[%dma_wait3A_564, %dma_wait3A_573, %dma_wait3A_574] : memref<4x512x16xf32, #tpu.memory_space<vmem>> -> memref<1x512x16xf32, #tpu.memory_space<vmem>>
        %dma_wait3A_576 = tpu.memref_squeeze %dma_wait3A_575 : memref<1x512x16xf32, #tpu.memory_space<vmem>> -> memref<512x16xf32, #tpu.memory_space<vmem>>
        %dma_wait3A_577 = arith.constant 0 : i32
        %dma_wait3A_578 = arith.constant 0 : i32
        %dma_wait3A_579 = tpu.memref_slice %arg4[%dma_wait3A_563, %dma_wait3A_577, %dma_wait3A_578] : memref<2x10240x16xf32, #tpu.memory_space<hbm>> -> memref<1x512x16xf32, #tpu.memory_space<hbm>>
        %dma_wait3A_580 = tpu.memref_squeeze %dma_wait3A_579 : memref<1x512x16xf32, #tpu.memory_space<hbm>> -> memref<512x16xf32, #tpu.memory_space<hbm>>
        tpu.wait_dma2 semaphore(%arg15 : memref<!tpu.dma_semaphore, #tpu.memory_space<semaphore_mem>>) src(%dma_wait3A_580 : memref<512x16xf32, #tpu.memory_space<hbm>>) dst(%dma_wait3A_576 : memref<512x16xf32, #tpu.memory_space<vmem>>)
      } else {
      }
      %add3A_275 = arith.constant 3 : i32
      %add3A_276 = arith.addi %add3A_194, %add3A_275 : i32
      %le3A = arith.constant 19 : i32
      %le3A_277 = arith.cmpi sle, %add3A_276, %le3A : i32
      %convert_element_type3A_278 = arith.extui %le3A_277 : i1 to i32
      %cond3A_279 = arith.constant 0 : i32
      %cond3A_280 = arith.cmpi ne, %convert_element_type3A_278, %cond3A_279 : i32
      scf.if %cond3A_280 {
        %add3A_563 = arith.constant 3 : i32
        %add3A_564 = arith.addi %add3A_194, %add3A_563 : i32
        %mul3A_565 = arith.constant 4 : i32
        %mul3A_566 = arith.muli %add3A_564, %mul3A_565 : i32
        %add3A_567 = arith.constant 0 : i32
        %add3A_568 = arith.addi %mul3A_566, %add3A_567 : i32
        %dma_start3A_569 = arith.constant 3 : i32
        %dma_start3A_570 = arith.constant 0 : i32
        %dma_start3A_571 = arith.constant 0 : i32
        %dma_start3A_572 = tpu.memref_slice %arg7[%dma_start3A_569, %dma_start3A_570, %dma_start3A_571] : memref<4x512x16xf32, #tpu.memory_space<vmem>> -> memref<1x128x16xf32, #tpu.memory_space<vmem>>
        %dma_start3A_573 = tpu.memref_squeeze %dma_start3A_572 : memref<1x128x16xf32, #tpu.memory_space<vmem>> -> memref<128x16xf32, #tpu.memory_space<vmem>>
        %dma_start3A_574 = arith.constant 0 : i32
        %dma_start3A_575 = tpu.memref_slice %arg5[%add3A_568, %dma_start3A_574] : memref<80x128xi32, #tpu.memory_space<vmem>> -> memref<1x128xi32, #tpu.memory_space<vmem>>
        %dma_start3A_576 = tpu.memref_squeeze %dma_start3A_575 : memref<1x128xi32, #tpu.memory_space<vmem>> -> memref<128xi32, #tpu.memory_space<vmem>>
        %dma_start3A_577 = arith.constant 0 : i32
        %dma_start3A_578 = arith.constant 0 : i32
        %dma_start3A_579 = tpu.memref_slice %arg9[%dma_start3A_577, %dma_start3A_578] : memref<10240x16xf32, #tpu.memory_space<vmem_shared>> -> memref<10240x16xf32, #tpu.memory_space<vmem_shared>>
        tpu.enqueue_indirect_dma source(%dma_start3A_579 : memref<10240x16xf32, #tpu.memory_space<vmem_shared>>) target(%dma_start3A_573 : memref<128x16xf32, #tpu.memory_space<vmem>>) offsets(%dma_start3A_576 : memref<128xi32, #tpu.memory_space<vmem>>) semaphore(%arg14 : memref<!tpu.dma_semaphore, #tpu.memory_space<semaphore_mem>>)
        %mul3A_580 = arith.constant 4 : i32
        %mul3A_581 = arith.muli %add3A_564, %mul3A_580 : i32
        %add3A_582 = arith.constant 1 : i32
        %add3A_583 = arith.addi %mul3A_581, %add3A_582 : i32
        %dma_start3A_584 = arith.constant 3 : i32
        %dma_start3A_585 = arith.constant 128 : i32
        %dma_start3A_586 = arith.constant 0 : i32
        %dma_start3A_587 = tpu.memref_slice %arg7[%dma_start3A_584, %dma_start3A_585, %dma_start3A_586] : memref<4x512x16xf32, #tpu.memory_space<vmem>> -> memref<1x128x16xf32, #tpu.memory_space<vmem>>
        %dma_start3A_588 = tpu.memref_squeeze %dma_start3A_587 : memref<1x128x16xf32, #tpu.memory_space<vmem>> -> memref<128x16xf32, #tpu.memory_space<vmem>>
        %dma_start3A_589 = arith.constant 0 : i32
        %dma_start3A_590 = tpu.memref_slice %arg5[%add3A_583, %dma_start3A_589] : memref<80x128xi32, #tpu.memory_space<vmem>> -> memref<1x128xi32, #tpu.memory_space<vmem>>
        %dma_start3A_591 = tpu.memref_squeeze %dma_start3A_590 : memref<1x128xi32, #tpu.memory_space<vmem>> -> memref<128xi32, #tpu.memory_space<vmem>>
        %dma_start3A_592 = arith.constant 0 : i32
        %dma_start3A_593 = arith.constant 0 : i32
        %dma_start3A_594 = tpu.memref_slice %arg9[%dma_start3A_592, %dma_start3A_593] : memref<10240x16xf32, #tpu.memory_space<vmem_shared>> -> memref<10240x16xf32, #tpu.memory_space<vmem_shared>>
        tpu.enqueue_indirect_dma source(%dma_start3A_594 : memref<10240x16xf32, #tpu.memory_space<vmem_shared>>) target(%dma_start3A_588 : memref<128x16xf32, #tpu.memory_space<vmem>>) offsets(%dma_start3A_591 : memref<128xi32, #tpu.memory_space<vmem>>) semaphore(%arg14 : memref<!tpu.dma_semaphore, #tpu.memory_space<semaphore_mem>>)
        %mul3A_595 = arith.constant 4 : i32
        %mul3A_596 = arith.muli %add3A_564, %mul3A_595 : i32
        %add3A_597 = arith.constant 2 : i32
        %add3A_598 = arith.addi %mul3A_596, %add3A_597 : i32
        %dma_start3A_599 = arith.constant 3 : i32
        %dma_start3A_600 = arith.constant 256 : i32
        %dma_start3A_601 = arith.constant 0 : i32
        %dma_start3A_602 = tpu.memref_slice %arg7[%dma_start3A_599, %dma_start3A_600, %dma_start3A_601] : memref<4x512x16xf32, #tpu.memory_space<vmem>> -> memref<1x128x16xf32, #tpu.memory_space<vmem>>
        %dma_start3A_603 = tpu.memref_squeeze %dma_start3A_602 : memref<1x128x16xf32, #tpu.memory_space<vmem>> -> memref<128x16xf32, #tpu.memory_space<vmem>>
        %dma_start3A_604 = arith.constant 0 : i32
        %dma_start3A_605 = tpu.memref_slice %arg5[%add3A_598, %dma_start3A_604] : memref<80x128xi32, #tpu.memory_space<vmem>> -> memref<1x128xi32, #tpu.memory_space<vmem>>
        %dma_start3A_606 = tpu.memref_squeeze %dma_start3A_605 : memref<1x128xi32, #tpu.memory_space<vmem>> -> memref<128xi32, #tpu.memory_space<vmem>>
        %dma_start3A_607 = arith.constant 0 : i32
        %dma_start3A_608 = arith.constant 0 : i32
        %dma_start3A_609 = tpu.memref_slice %arg9[%dma_start3A_607, %dma_start3A_608] : memref<10240x16xf32, #tpu.memory_space<vmem_shared>> -> memref<10240x16xf32, #tpu.memory_space<vmem_shared>>
        tpu.enqueue_indirect_dma source(%dma_start3A_609 : memref<10240x16xf32, #tpu.memory_space<vmem_shared>>) target(%dma_start3A_603 : memref<128x16xf32, #tpu.memory_space<vmem>>) offsets(%dma_start3A_606 : memref<128xi32, #tpu.memory_space<vmem>>) semaphore(%arg14 : memref<!tpu.dma_semaphore, #tpu.memory_space<semaphore_mem>>)
        %mul3A_610 = arith.constant 4 : i32
        %mul3A_611 = arith.muli %add3A_564, %mul3A_610 : i32
        %add3A_612 = arith.constant 3 : i32
        %add3A_613 = arith.addi %mul3A_611, %add3A_612 : i32
        %dma_start3A_614 = arith.constant 3 : i32
        %dma_start3A_615 = arith.constant 384 : i32
        %dma_start3A_616 = arith.constant 0 : i32
        %dma_start3A_617 = tpu.memref_slice %arg7[%dma_start3A_614, %dma_start3A_615, %dma_start3A_616] : memref<4x512x16xf32, #tpu.memory_space<vmem>> -> memref<1x128x16xf32, #tpu.memory_space<vmem>>
        %dma_start3A_618 = tpu.memref_squeeze %dma_start3A_617 : memref<1x128x16xf32, #tpu.memory_space<vmem>> -> memref<128x16xf32, #tpu.memory_space<vmem>>
        %dma_start3A_619 = arith.constant 0 : i32
        %dma_start3A_620 = tpu.memref_slice %arg5[%add3A_613, %dma_start3A_619] : memref<80x128xi32, #tpu.memory_space<vmem>> -> memref<1x128xi32, #tpu.memory_space<vmem>>
        %dma_start3A_621 = tpu.memref_squeeze %dma_start3A_620 : memref<1x128xi32, #tpu.memory_space<vmem>> -> memref<128xi32, #tpu.memory_space<vmem>>
        %dma_start3A_622 = arith.constant 0 : i32
        %dma_start3A_623 = arith.constant 0 : i32
        %dma_start3A_624 = tpu.memref_slice %arg9[%dma_start3A_622, %dma_start3A_623] : memref<10240x16xf32, #tpu.memory_space<vmem_shared>> -> memref<10240x16xf32, #tpu.memory_space<vmem_shared>>
        tpu.enqueue_indirect_dma source(%dma_start3A_624 : memref<10240x16xf32, #tpu.memory_space<vmem_shared>>) target(%dma_start3A_618 : memref<128x16xf32, #tpu.memory_space<vmem>>) offsets(%dma_start3A_621 : memref<128xi32, #tpu.memory_space<vmem>>) semaphore(%arg14 : memref<!tpu.dma_semaphore, #tpu.memory_space<semaphore_mem>>)
      } else {
      }
      %mul3A_281 = arith.constant 4 : i32
      %mul3A_282 = arith.muli %mul3A_281, %add3A_190 : i32
      %add3A_283 = arith.constant 1 : i32
      %add3A_284 = arith.addi %mul3A_282, %add3A_283 : i32
      %dma_wait3A_285 = arith.constant 0 : i32
      %dma_wait3A_286 = arith.constant 0 : i32
      %dma_wait3A_287 = arith.constant 0 : i32
      %dma_wait3A_288 = arith.constant 0 : i32
      %dma_wait3A_289 = tpu.memref_slice %arg7[%dma_wait3A_286, %dma_wait3A_287, %dma_wait3A_288] : memref<4x512x16xf32, #tpu.memory_space<vmem>> -> memref<1x512x16xf32, #tpu.memory_space<vmem>>
      %dma_wait3A_290 = tpu.memref_squeeze %dma_wait3A_289 : memref<1x512x16xf32, #tpu.memory_space<vmem>> -> memref<512x16xf32, #tpu.memory_space<vmem>>
      %dma_wait3A_291 = arith.constant 0 : i32
      %dma_wait3A_292 = arith.constant 0 : i32
      %dma_wait3A_293 = tpu.memref_slice %arg4[%dma_wait3A_285, %dma_wait3A_291, %dma_wait3A_292] : memref<2x10240x16xf32, #tpu.memory_space<hbm>> -> memref<1x512x16xf32, #tpu.memory_space<hbm>>
      %dma_wait3A_294 = tpu.memref_squeeze %dma_wait3A_293 : memref<1x512x16xf32, #tpu.memory_space<hbm>> -> memref<512x16xf32, #tpu.memory_space<hbm>>
      %dma_wait3A_295 = arith.constant 0 : i32
      %dma_wait3A_296 = arith.constant 0 : i32
      %dma_wait3A_297 = tpu.memref_slice %arg7[%dma_wait3A_286, %dma_wait3A_295, %dma_wait3A_296] : memref<4x512x16xf32, #tpu.memory_space<vmem>> -> memref<1x512x16xf32, #tpu.memory_space<vmem>>
      %dma_wait3A_298 = tpu.memref_squeeze %dma_wait3A_297 : memref<1x512x16xf32, #tpu.memory_space<vmem>> -> memref<512x16xf32, #tpu.memory_space<vmem>>
      %dma_wait3A_299 = arith.constant 0 : i32
      %dma_wait3A_300 = arith.constant 0 : i32
      %dma_wait3A_301 = tpu.memref_slice %arg4[%dma_wait3A_285, %dma_wait3A_299, %dma_wait3A_300] : memref<2x10240x16xf32, #tpu.memory_space<hbm>> -> memref<1x512x16xf32, #tpu.memory_space<hbm>>
      %dma_wait3A_302 = tpu.memref_squeeze %dma_wait3A_301 : memref<1x512x16xf32, #tpu.memory_space<hbm>> -> memref<512x16xf32, #tpu.memory_space<hbm>>
      tpu.wait_dma2 semaphore(%arg12 : memref<!tpu.dma_semaphore, #tpu.memory_space<semaphore_mem>>) src(%dma_wait3A_302 : memref<512x16xf32, #tpu.memory_space<hbm>>) dst(%dma_wait3A_298 : memref<512x16xf32, #tpu.memory_space<vmem>>)
      %mul3A_303 = arith.constant 4 : i32
      %mul3A_304 = arith.muli %add3A_284, %mul3A_303 : i32
      %add3A_305 = arith.constant 0 : i32
      %add3A_306 = arith.addi %mul3A_304, %add3A_305 : i32
      %dma_start3A_307 = arith.constant 1 : i32
      %dma_start3A_308 = arith.constant 0 : i32
      %dma_start3A_309 = arith.constant 0 : i32
      %dma_start3A_310 = tpu.memref_slice %arg7[%dma_start3A_307, %dma_start3A_308, %dma_start3A_309] : memref<4x512x16xf32, #tpu.memory_space<vmem>> -> memref<1x128x16xf32, #tpu.memory_space<vmem>>
      %dma_start3A_311 = tpu.memref_squeeze %dma_start3A_310 : memref<1x128x16xf32, #tpu.memory_space<vmem>> -> memref<128x16xf32, #tpu.memory_space<vmem>>
      %dma_start3A_312 = arith.constant 0 : i32
      %dma_start3A_313 = tpu.memref_slice %arg6[%add3A_306, %dma_start3A_312] : memref<80x128xi32, #tpu.memory_space<vmem>> -> memref<1x128xi32, #tpu.memory_space<vmem>>
      %dma_start3A_314 = tpu.memref_squeeze %dma_start3A_313 : memref<1x128xi32, #tpu.memory_space<vmem>> -> memref<128xi32, #tpu.memory_space<vmem>>
      %dma_start3A_315 = arith.constant 0 : i32
      %dma_start3A_316 = arith.constant 0 : i32
      %dma_start3A_317 = tpu.memref_slice %arg10[%dma_start3A_315, %dma_start3A_316] : memref<10240x16xf32, #tpu.memory_space<vmem_shared>> -> memref<10240x16xf32, #tpu.memory_space<vmem_shared>>
      tpu.enqueue_indirect_dma source(%dma_start3A_311 : memref<128x16xf32, #tpu.memory_space<vmem>>) target(%dma_start3A_317 : memref<10240x16xf32, #tpu.memory_space<vmem_shared>>) offsets(%dma_start3A_314 : memref<128xi32, #tpu.memory_space<vmem>>) semaphore(%arg15 : memref<!tpu.dma_semaphore, #tpu.memory_space<semaphore_mem>>) {add = true}
      %mul3A_318 = arith.constant 4 : i32
      %mul3A_319 = arith.muli %add3A_284, %mul3A_318 : i32
      %add3A_320 = arith.constant 1 : i32
      %add3A_321 = arith.addi %mul3A_319, %add3A_320 : i32
      %dma_start3A_322 = arith.constant 1 : i32
      %dma_start3A_323 = arith.constant 128 : i32
      %dma_start3A_324 = arith.constant 0 : i32
      %dma_start3A_325 = tpu.memref_slice %arg7[%dma_start3A_322, %dma_start3A_323, %dma_start3A_324] : memref<4x512x16xf32, #tpu.memory_space<vmem>> -> memref<1x128x16xf32, #tpu.memory_space<vmem>>
      %dma_start3A_326 = tpu.memref_squeeze %dma_start3A_325 : memref<1x128x16xf32, #tpu.memory_space<vmem>> -> memref<128x16xf32, #tpu.memory_space<vmem>>
      %dma_start3A_327 = arith.constant 0 : i32
      %dma_start3A_328 = tpu.memref_slice %arg6[%add3A_321, %dma_start3A_327] : memref<80x128xi32, #tpu.memory_space<vmem>> -> memref<1x128xi32, #tpu.memory_space<vmem>>
      %dma_start3A_329 = tpu.memref_squeeze %dma_start3A_328 : memref<1x128xi32, #tpu.memory_space<vmem>> -> memref<128xi32, #tpu.memory_space<vmem>>
      %dma_start3A_330 = arith.constant 0 : i32
      %dma_start3A_331 = arith.constant 0 : i32
      %dma_start3A_332 = tpu.memref_slice %arg10[%dma_start3A_330, %dma_start3A_331] : memref<10240x16xf32, #tpu.memory_space<vmem_shared>> -> memref<10240x16xf32, #tpu.memory_space<vmem_shared>>
      tpu.enqueue_indirect_dma source(%dma_start3A_326 : memref<128x16xf32, #tpu.memory_space<vmem>>) target(%dma_start3A_332 : memref<10240x16xf32, #tpu.memory_space<vmem_shared>>) offsets(%dma_start3A_329 : memref<128xi32, #tpu.memory_space<vmem>>) semaphore(%arg15 : memref<!tpu.dma_semaphore, #tpu.memory_space<semaphore_mem>>) {add = true}
      %mul3A_333 = arith.constant 4 : i32
      %mul3A_334 = arith.muli %add3A_284, %mul3A_333 : i32
      %add3A_335 = arith.constant 2 : i32
      %add3A_336 = arith.addi %mul3A_334, %add3A_335 : i32
      %dma_start3A_337 = arith.constant 1 : i32
      %dma_start3A_338 = arith.constant 256 : i32
      %dma_start3A_339 = arith.constant 0 : i32
      %dma_start3A_340 = tpu.memref_slice %arg7[%dma_start3A_337, %dma_start3A_338, %dma_start3A_339] : memref<4x512x16xf32, #tpu.memory_space<vmem>> -> memref<1x128x16xf32, #tpu.memory_space<vmem>>
      %dma_start3A_341 = tpu.memref_squeeze %dma_start3A_340 : memref<1x128x16xf32, #tpu.memory_space<vmem>> -> memref<128x16xf32, #tpu.memory_space<vmem>>
      %dma_start3A_342 = arith.constant 0 : i32
      %dma_start3A_343 = tpu.memref_slice %arg6[%add3A_336, %dma_start3A_342] : memref<80x128xi32, #tpu.memory_space<vmem>> -> memref<1x128xi32, #tpu.memory_space<vmem>>
      %dma_start3A_344 = tpu.memref_squeeze %dma_start3A_343 : memref<1x128xi32, #tpu.memory_space<vmem>> -> memref<128xi32, #tpu.memory_space<vmem>>
      %dma_start3A_345 = arith.constant 0 : i32
      %dma_start3A_346 = arith.constant 0 : i32
      %dma_start3A_347 = tpu.memref_slice %arg10[%dma_start3A_345, %dma_start3A_346] : memref<10240x16xf32, #tpu.memory_space<vmem_shared>> -> memref<10240x16xf32, #tpu.memory_space<vmem_shared>>
      tpu.enqueue_indirect_dma source(%dma_start3A_341 : memref<128x16xf32, #tpu.memory_space<vmem>>) target(%dma_start3A_347 : memref<10240x16xf32, #tpu.memory_space<vmem_shared>>) offsets(%dma_start3A_344 : memref<128xi32, #tpu.memory_space<vmem>>) semaphore(%arg15 : memref<!tpu.dma_semaphore, #tpu.memory_space<semaphore_mem>>) {add = true}
      %mul3A_348 = arith.constant 4 : i32
      %mul3A_349 = arith.muli %add3A_284, %mul3A_348 : i32
      %add3A_350 = arith.constant 3 : i32
      %add3A_351 = arith.addi %mul3A_349, %add3A_350 : i32
      %dma_start3A_352 = arith.constant 1 : i32
      %dma_start3A_353 = arith.constant 384 : i32
      %dma_start3A_354 = arith.constant 0 : i32
      %dma_start3A_355 = tpu.memref_slice %arg7[%dma_start3A_352, %dma_start3A_353, %dma_start3A_354] : memref<4x512x16xf32, #tpu.memory_space<vmem>> -> memref<1x128x16xf32, #tpu.memory_space<vmem>>
      %dma_start3A_356 = tpu.memref_squeeze %dma_start3A_355 : memref<1x128x16xf32, #tpu.memory_space<vmem>> -> memref<128x16xf32, #tpu.memory_space<vmem>>
      %dma_start3A_357 = arith.constant 0 : i32
      %dma_start3A_358 = tpu.memref_slice %arg6[%add3A_351, %dma_start3A_357] : memref<80x128xi32, #tpu.memory_space<vmem>> -> memref<1x128xi32, #tpu.memory_space<vmem>>
      %dma_start3A_359 = tpu.memref_squeeze %dma_start3A_358 : memref<1x128xi32, #tpu.memory_space<vmem>> -> memref<128xi32, #tpu.memory_space<vmem>>
      %dma_start3A_360 = arith.constant 0 : i32
      %dma_start3A_361 = arith.constant 0 : i32
      %dma_start3A_362 = tpu.memref_slice %arg10[%dma_start3A_360, %dma_start3A_361] : memref<10240x16xf32, #tpu.memory_space<vmem_shared>> -> memref<10240x16xf32, #tpu.memory_space<vmem_shared>>
      tpu.enqueue_indirect_dma source(%dma_start3A_356 : memref<128x16xf32, #tpu.memory_space<vmem>>) target(%dma_start3A_362 : memref<10240x16xf32, #tpu.memory_space<vmem_shared>>) offsets(%dma_start3A_359 : memref<128xi32, #tpu.memory_space<vmem>>) semaphore(%arg15 : memref<!tpu.dma_semaphore, #tpu.memory_space<semaphore_mem>>) {add = true}
      %ge3A_363 = arith.constant 1 : i32
      %ge3A_364 = arith.cmpi sge, %add3A_284, %ge3A_363 : i32
      %convert_element_type3A_365 = arith.extui %ge3A_364 : i1 to i32
      %cond3A_366 = arith.constant 0 : i32
      %cond3A_367 = arith.cmpi ne, %convert_element_type3A_365, %cond3A_366 : i32
      scf.if %cond3A_367 {
        %dma_wait3A_563 = arith.constant 0 : i32
        %dma_wait3A_564 = arith.constant 0 : i32
        %dma_wait3A_565 = arith.constant 0 : i32
        %dma_wait3A_566 = arith.constant 0 : i32
        %dma_wait3A_567 = tpu.memref_slice %arg7[%dma_wait3A_564, %dma_wait3A_565, %dma_wait3A_566] : memref<4x512x16xf32, #tpu.memory_space<vmem>> -> memref<1x512x16xf32, #tpu.memory_space<vmem>>
        %dma_wait3A_568 = tpu.memref_squeeze %dma_wait3A_567 : memref<1x512x16xf32, #tpu.memory_space<vmem>> -> memref<512x16xf32, #tpu.memory_space<vmem>>
        %dma_wait3A_569 = arith.constant 0 : i32
        %dma_wait3A_570 = arith.constant 0 : i32
        %dma_wait3A_571 = tpu.memref_slice %arg4[%dma_wait3A_563, %dma_wait3A_569, %dma_wait3A_570] : memref<2x10240x16xf32, #tpu.memory_space<hbm>> -> memref<1x512x16xf32, #tpu.memory_space<hbm>>
        %dma_wait3A_572 = tpu.memref_squeeze %dma_wait3A_571 : memref<1x512x16xf32, #tpu.memory_space<hbm>> -> memref<512x16xf32, #tpu.memory_space<hbm>>
        %dma_wait3A_573 = arith.constant 0 : i32
        %dma_wait3A_574 = arith.constant 0 : i32
        %dma_wait3A_575 = tpu.memref_slice %arg7[%dma_wait3A_564, %dma_wait3A_573, %dma_wait3A_574] : memref<4x512x16xf32, #tpu.memory_space<vmem>> -> memref<1x512x16xf32, #tpu.memory_space<vmem>>
        %dma_wait3A_576 = tpu.memref_squeeze %dma_wait3A_575 : memref<1x512x16xf32, #tpu.memory_space<vmem>> -> memref<512x16xf32, #tpu.memory_space<vmem>>
        %dma_wait3A_577 = arith.constant 0 : i32
        %dma_wait3A_578 = arith.constant 0 : i32
        %dma_wait3A_579 = tpu.memref_slice %arg4[%dma_wait3A_563, %dma_wait3A_577, %dma_wait3A_578] : memref<2x10240x16xf32, #tpu.memory_space<hbm>> -> memref<1x512x16xf32, #tpu.memory_space<hbm>>
        %dma_wait3A_580 = tpu.memref_squeeze %dma_wait3A_579 : memref<1x512x16xf32, #tpu.memory_space<hbm>> -> memref<512x16xf32, #tpu.memory_space<hbm>>
        tpu.wait_dma2 semaphore(%arg15 : memref<!tpu.dma_semaphore, #tpu.memory_space<semaphore_mem>>) src(%dma_wait3A_580 : memref<512x16xf32, #tpu.memory_space<hbm>>) dst(%dma_wait3A_576 : memref<512x16xf32, #tpu.memory_space<vmem>>)
      } else {
      }
      %add3A_368 = arith.constant 3 : i32
      %add3A_369 = arith.addi %add3A_284, %add3A_368 : i32
      %le3A_370 = arith.constant 19 : i32
      %le3A_371 = arith.cmpi sle, %add3A_369, %le3A_370 : i32
      %convert_element_type3A_372 = arith.extui %le3A_371 : i1 to i32
      %cond3A_373 = arith.constant 0 : i32
      %cond3A_374 = arith.cmpi ne, %convert_element_type3A_372, %cond3A_373 : i32
      scf.if %cond3A_374 {
        %add3A_563 = arith.constant 3 : i32
        %add3A_564 = arith.addi %add3A_284, %add3A_563 : i32
        %mul3A_565 = arith.constant 4 : i32
        %mul3A_566 = arith.muli %add3A_564, %mul3A_565 : i32
        %add3A_567 = arith.constant 0 : i32
        %add3A_568 = arith.addi %mul3A_566, %add3A_567 : i32
        %dma_start3A_569 = arith.constant 0 : i32
        %dma_start3A_570 = arith.constant 0 : i32
        %dma_start3A_571 = arith.constant 0 : i32
        %dma_start3A_572 = tpu.memref_slice %arg7[%dma_start3A_569, %dma_start3A_570, %dma_start3A_571] : memref<4x512x16xf32, #tpu.memory_space<vmem>> -> memref<1x128x16xf32, #tpu.memory_space<vmem>>
        %dma_start3A_573 = tpu.memref_squeeze %dma_start3A_572 : memref<1x128x16xf32, #tpu.memory_space<vmem>> -> memref<128x16xf32, #tpu.memory_space<vmem>>
        %dma_start3A_574 = arith.constant 0 : i32
        %dma_start3A_575 = tpu.memref_slice %arg5[%add3A_568, %dma_start3A_574] : memref<80x128xi32, #tpu.memory_space<vmem>> -> memref<1x128xi32, #tpu.memory_space<vmem>>
        %dma_start3A_576 = tpu.memref_squeeze %dma_start3A_575 : memref<1x128xi32, #tpu.memory_space<vmem>> -> memref<128xi32, #tpu.memory_space<vmem>>
        %dma_start3A_577 = arith.constant 0 : i32
        %dma_start3A_578 = arith.constant 0 : i32
        %dma_start3A_579 = tpu.memref_slice %arg9[%dma_start3A_577, %dma_start3A_578] : memref<10240x16xf32, #tpu.memory_space<vmem_shared>> -> memref<10240x16xf32, #tpu.memory_space<vmem_shared>>
        tpu.enqueue_indirect_dma source(%dma_start3A_579 : memref<10240x16xf32, #tpu.memory_space<vmem_shared>>) target(%dma_start3A_573 : memref<128x16xf32, #tpu.memory_space<vmem>>) offsets(%dma_start3A_576 : memref<128xi32, #tpu.memory_space<vmem>>) semaphore(%arg11 : memref<!tpu.dma_semaphore, #tpu.memory_space<semaphore_mem>>)
        %mul3A_580 = arith.constant 4 : i32
        %mul3A_581 = arith.muli %add3A_564, %mul3A_580 : i32
        %add3A_582 = arith.constant 1 : i32
        %add3A_583 = arith.addi %mul3A_581, %add3A_582 : i32
        %dma_start3A_584 = arith.constant 0 : i32
        %dma_start3A_585 = arith.constant 128 : i32
        %dma_start3A_586 = arith.constant 0 : i32
        %dma_start3A_587 = tpu.memref_slice %arg7[%dma_start3A_584, %dma_start3A_585, %dma_start3A_586] : memref<4x512x16xf32, #tpu.memory_space<vmem>> -> memref<1x128x16xf32, #tpu.memory_space<vmem>>
        %dma_start3A_588 = tpu.memref_squeeze %dma_start3A_587 : memref<1x128x16xf32, #tpu.memory_space<vmem>> -> memref<128x16xf32, #tpu.memory_space<vmem>>
        %dma_start3A_589 = arith.constant 0 : i32
        %dma_start3A_590 = tpu.memref_slice %arg5[%add3A_583, %dma_start3A_589] : memref<80x128xi32, #tpu.memory_space<vmem>> -> memref<1x128xi32, #tpu.memory_space<vmem>>
        %dma_start3A_591 = tpu.memref_squeeze %dma_start3A_590 : memref<1x128xi32, #tpu.memory_space<vmem>> -> memref<128xi32, #tpu.memory_space<vmem>>
        %dma_start3A_592 = arith.constant 0 : i32
        %dma_start3A_593 = arith.constant 0 : i32
        %dma_start3A_594 = tpu.memref_slice %arg9[%dma_start3A_592, %dma_start3A_593] : memref<10240x16xf32, #tpu.memory_space<vmem_shared>> -> memref<10240x16xf32, #tpu.memory_space<vmem_shared>>
        tpu.enqueue_indirect_dma source(%dma_start3A_594 : memref<10240x16xf32, #tpu.memory_space<vmem_shared>>) target(%dma_start3A_588 : memref<128x16xf32, #tpu.memory_space<vmem>>) offsets(%dma_start3A_591 : memref<128xi32, #tpu.memory_space<vmem>>) semaphore(%arg11 : memref<!tpu.dma_semaphore, #tpu.memory_space<semaphore_mem>>)
        %mul3A_595 = arith.constant 4 : i32
        %mul3A_596 = arith.muli %add3A_564, %mul3A_595 : i32
        %add3A_597 = arith.constant 2 : i32
        %add3A_598 = arith.addi %mul3A_596, %add3A_597 : i32
        %dma_start3A_599 = arith.constant 0 : i32
        %dma_start3A_600 = arith.constant 256 : i32
        %dma_start3A_601 = arith.constant 0 : i32
        %dma_start3A_602 = tpu.memref_slice %arg7[%dma_start3A_599, %dma_start3A_600, %dma_start3A_601] : memref<4x512x16xf32, #tpu.memory_space<vmem>> -> memref<1x128x16xf32, #tpu.memory_space<vmem>>
        %dma_start3A_603 = tpu.memref_squeeze %dma_start3A_602 : memref<1x128x16xf32, #tpu.memory_space<vmem>> -> memref<128x16xf32, #tpu.memory_space<vmem>>
        %dma_start3A_604 = arith.constant 0 : i32
        %dma_start3A_605 = tpu.memref_slice %arg5[%add3A_598, %dma_start3A_604] : memref<80x128xi32, #tpu.memory_space<vmem>> -> memref<1x128xi32, #tpu.memory_space<vmem>>
        %dma_start3A_606 = tpu.memref_squeeze %dma_start3A_605 : memref<1x128xi32, #tpu.memory_space<vmem>> -> memref<128xi32, #tpu.memory_space<vmem>>
        %dma_start3A_607 = arith.constant 0 : i32
        %dma_start3A_608 = arith.constant 0 : i32
        %dma_start3A_609 = tpu.memref_slice %arg9[%dma_start3A_607, %dma_start3A_608] : memref<10240x16xf32, #tpu.memory_space<vmem_shared>> -> memref<10240x16xf32, #tpu.memory_space<vmem_shared>>
        tpu.enqueue_indirect_dma source(%dma_start3A_609 : memref<10240x16xf32, #tpu.memory_space<vmem_shared>>) target(%dma_start3A_603 : memref<128x16xf32, #tpu.memory_space<vmem>>) offsets(%dma_start3A_606 : memref<128xi32, #tpu.memory_space<vmem>>) semaphore(%arg11 : memref<!tpu.dma_semaphore, #tpu.memory_space<semaphore_mem>>)
        %mul3A_610 = arith.constant 4 : i32
        %mul3A_611 = arith.muli %add3A_564, %mul3A_610 : i32
        %add3A_612 = arith.constant 3 : i32
        %add3A_613 = arith.addi %mul3A_611, %add3A_612 : i32
        %dma_start3A_614 = arith.constant 0 : i32
        %dma_start3A_615 = arith.constant 384 : i32
        %dma_start3A_616 = arith.constant 0 : i32
        %dma_start3A_617 = tpu.memref_slice %arg7[%dma_start3A_614, %dma_start3A_615, %dma_start3A_616] : memref<4x512x16xf32, #tpu.memory_space<vmem>> -> memref<1x128x16xf32, #tpu.memory_space<vmem>>
        %dma_start3A_618 = tpu.memref_squeeze %dma_start3A_617 : memref<1x128x16xf32, #tpu.memory_space<vmem>> -> memref<128x16xf32, #tpu.memory_space<vmem>>
        %dma_start3A_619 = arith.constant 0 : i32
        %dma_start3A_620 = tpu.memref_slice %arg5[%add3A_613, %dma_start3A_619] : memref<80x128xi32, #tpu.memory_space<vmem>> -> memref<1x128xi32, #tpu.memory_space<vmem>>
        %dma_start3A_621 = tpu.memref_squeeze %dma_start3A_620 : memref<1x128xi32, #tpu.memory_space<vmem>> -> memref<128xi32, #tpu.memory_space<vmem>>
        %dma_start3A_622 = arith.constant 0 : i32
        %dma_start3A_623 = arith.constant 0 : i32
        %dma_start3A_624 = tpu.memref_slice %arg9[%dma_start3A_622, %dma_start3A_623] : memref<10240x16xf32, #tpu.memory_space<vmem_shared>> -> memref<10240x16xf32, #tpu.memory_space<vmem_shared>>
        tpu.enqueue_indirect_dma source(%dma_start3A_624 : memref<10240x16xf32, #tpu.memory_space<vmem_shared>>) target(%dma_start3A_618 : memref<128x16xf32, #tpu.memory_space<vmem>>) offsets(%dma_start3A_621 : memref<128xi32, #tpu.memory_space<vmem>>) semaphore(%arg11 : memref<!tpu.dma_semaphore, #tpu.memory_space<semaphore_mem>>)
      } else {
      }
      %mul3A_375 = arith.constant 4 : i32
      %mul3A_376 = arith.muli %mul3A_375, %add3A_190 : i32
      %add3A_377 = arith.constant 2 : i32
      %add3A_378 = arith.addi %mul3A_376, %add3A_377 : i32
      %dma_wait3A_379 = arith.constant 0 : i32
      %dma_wait3A_380 = arith.constant 0 : i32
      %dma_wait3A_381 = arith.constant 0 : i32
      %dma_wait3A_382 = arith.constant 0 : i32
      %dma_wait3A_383 = tpu.memref_slice %arg7[%dma_wait3A_380, %dma_wait3A_381, %dma_wait3A_382] : memref<4x512x16xf32, #tpu.memory_space<vmem>> -> memref<1x512x16xf32, #tpu.memory_space<vmem>>
      %dma_wait3A_384 = tpu.memref_squeeze %dma_wait3A_383 : memref<1x512x16xf32, #tpu.memory_space<vmem>> -> memref<512x16xf32, #tpu.memory_space<vmem>>
      %dma_wait3A_385 = arith.constant 0 : i32
      %dma_wait3A_386 = arith.constant 0 : i32
      %dma_wait3A_387 = tpu.memref_slice %arg4[%dma_wait3A_379, %dma_wait3A_385, %dma_wait3A_386] : memref<2x10240x16xf32, #tpu.memory_space<hbm>> -> memref<1x512x16xf32, #tpu.memory_space<hbm>>
      %dma_wait3A_388 = tpu.memref_squeeze %dma_wait3A_387 : memref<1x512x16xf32, #tpu.memory_space<hbm>> -> memref<512x16xf32, #tpu.memory_space<hbm>>
      %dma_wait3A_389 = arith.constant 0 : i32
      %dma_wait3A_390 = arith.constant 0 : i32
      %dma_wait3A_391 = tpu.memref_slice %arg7[%dma_wait3A_380, %dma_wait3A_389, %dma_wait3A_390] : memref<4x512x16xf32, #tpu.memory_space<vmem>> -> memref<1x512x16xf32, #tpu.memory_space<vmem>>
      %dma_wait3A_392 = tpu.memref_squeeze %dma_wait3A_391 : memref<1x512x16xf32, #tpu.memory_space<vmem>> -> memref<512x16xf32, #tpu.memory_space<vmem>>
      %dma_wait3A_393 = arith.constant 0 : i32
      %dma_wait3A_394 = arith.constant 0 : i32
      %dma_wait3A_395 = tpu.memref_slice %arg4[%dma_wait3A_379, %dma_wait3A_393, %dma_wait3A_394] : memref<2x10240x16xf32, #tpu.memory_space<hbm>> -> memref<1x512x16xf32, #tpu.memory_space<hbm>>
      %dma_wait3A_396 = tpu.memref_squeeze %dma_wait3A_395 : memref<1x512x16xf32, #tpu.memory_space<hbm>> -> memref<512x16xf32, #tpu.memory_space<hbm>>
      tpu.wait_dma2 semaphore(%arg13 : memref<!tpu.dma_semaphore, #tpu.memory_space<semaphore_mem>>) src(%dma_wait3A_396 : memref<512x16xf32, #tpu.memory_space<hbm>>) dst(%dma_wait3A_392 : memref<512x16xf32, #tpu.memory_space<vmem>>)
      %mul3A_397 = arith.constant 4 : i32
      %mul3A_398 = arith.muli %add3A_378, %mul3A_397 : i32
      %add3A_399 = arith.constant 0 : i32
      %add3A_400 = arith.addi %mul3A_398, %add3A_399 : i32
      %dma_start3A_401 = arith.constant 2 : i32
      %dma_start3A_402 = arith.constant 0 : i32
      %dma_start3A_403 = arith.constant 0 : i32
      %dma_start3A_404 = tpu.memref_slice %arg7[%dma_start3A_401, %dma_start3A_402, %dma_start3A_403] : memref<4x512x16xf32, #tpu.memory_space<vmem>> -> memref<1x128x16xf32, #tpu.memory_space<vmem>>
      %dma_start3A_405 = tpu.memref_squeeze %dma_start3A_404 : memref<1x128x16xf32, #tpu.memory_space<vmem>> -> memref<128x16xf32, #tpu.memory_space<vmem>>
      %dma_start3A_406 = arith.constant 0 : i32
      %dma_start3A_407 = tpu.memref_slice %arg6[%add3A_400, %dma_start3A_406] : memref<80x128xi32, #tpu.memory_space<vmem>> -> memref<1x128xi32, #tpu.memory_space<vmem>>
      %dma_start3A_408 = tpu.memref_squeeze %dma_start3A_407 : memref<1x128xi32, #tpu.memory_space<vmem>> -> memref<128xi32, #tpu.memory_space<vmem>>
      %dma_start3A_409 = arith.constant 0 : i32
      %dma_start3A_410 = arith.constant 0 : i32
      %dma_start3A_411 = tpu.memref_slice %arg10[%dma_start3A_409, %dma_start3A_410] : memref<10240x16xf32, #tpu.memory_space<vmem_shared>> -> memref<10240x16xf32, #tpu.memory_space<vmem_shared>>
      tpu.enqueue_indirect_dma source(%dma_start3A_405 : memref<128x16xf32, #tpu.memory_space<vmem>>) target(%dma_start3A_411 : memref<10240x16xf32, #tpu.memory_space<vmem_shared>>) offsets(%dma_start3A_408 : memref<128xi32, #tpu.memory_space<vmem>>) semaphore(%arg15 : memref<!tpu.dma_semaphore, #tpu.memory_space<semaphore_mem>>) {add = true}
      %mul3A_412 = arith.constant 4 : i32
      %mul3A_413 = arith.muli %add3A_378, %mul3A_412 : i32
      %add3A_414 = arith.constant 1 : i32
      %add3A_415 = arith.addi %mul3A_413, %add3A_414 : i32
      %dma_start3A_416 = arith.constant 2 : i32
      %dma_start3A_417 = arith.constant 128 : i32
      %dma_start3A_418 = arith.constant 0 : i32
      %dma_start3A_419 = tpu.memref_slice %arg7[%dma_start3A_416, %dma_start3A_417, %dma_start3A_418] : memref<4x512x16xf32, #tpu.memory_space<vmem>> -> memref<1x128x16xf32, #tpu.memory_space<vmem>>
      %dma_start3A_420 = tpu.memref_squeeze %dma_start3A_419 : memref<1x128x16xf32, #tpu.memory_space<vmem>> -> memref<128x16xf32, #tpu.memory_space<vmem>>
      %dma_start3A_421 = arith.constant 0 : i32
      %dma_start3A_422 = tpu.memref_slice %arg6[%add3A_415, %dma_start3A_421] : memref<80x128xi32, #tpu.memory_space<vmem>> -> memref<1x128xi32, #tpu.memory_space<vmem>>
      %dma_start3A_423 = tpu.memref_squeeze %dma_start3A_422 : memref<1x128xi32, #tpu.memory_space<vmem>> -> memref<128xi32, #tpu.memory_space<vmem>>
      %dma_start3A_424 = arith.constant 0 : i32
      %dma_start3A_425 = arith.constant 0 : i32
      %dma_start3A_426 = tpu.memref_slice %arg10[%dma_start3A_424, %dma_start3A_425] : memref<10240x16xf32, #tpu.memory_space<vmem_shared>> -> memref<10240x16xf32, #tpu.memory_space<vmem_shared>>
      tpu.enqueue_indirect_dma source(%dma_start3A_420 : memref<128x16xf32, #tpu.memory_space<vmem>>) target(%dma_start3A_426 : memref<10240x16xf32, #tpu.memory_space<vmem_shared>>) offsets(%dma_start3A_423 : memref<128xi32, #tpu.memory_space<vmem>>) semaphore(%arg15 : memref<!tpu.dma_semaphore, #tpu.memory_space<semaphore_mem>>) {add = true}
      %mul3A_427 = arith.constant 4 : i32
      %mul3A_428 = arith.muli %add3A_378, %mul3A_427 : i32
      %add3A_429 = arith.constant 2 : i32
      %add3A_430 = arith.addi %mul3A_428, %add3A_429 : i32
      %dma_start3A_431 = arith.constant 2 : i32
      %dma_start3A_432 = arith.constant 256 : i32
      %dma_start3A_433 = arith.constant 0 : i32
      %dma_start3A_434 = tpu.memref_slice %arg7[%dma_start3A_431, %dma_start3A_432, %dma_start3A_433] : memref<4x512x16xf32, #tpu.memory_space<vmem>> -> memref<1x128x16xf32, #tpu.memory_space<vmem>>
      %dma_start3A_435 = tpu.memref_squeeze %dma_start3A_434 : memref<1x128x16xf32, #tpu.memory_space<vmem>> -> memref<128x16xf32, #tpu.memory_space<vmem>>
      %dma_start3A_436 = arith.constant 0 : i32
      %dma_start3A_437 = tpu.memref_slice %arg6[%add3A_430, %dma_start3A_436] : memref<80x128xi32, #tpu.memory_space<vmem>> -> memref<1x128xi32, #tpu.memory_space<vmem>>
      %dma_start3A_438 = tpu.memref_squeeze %dma_start3A_437 : memref<1x128xi32, #tpu.memory_space<vmem>> -> memref<128xi32, #tpu.memory_space<vmem>>
      %dma_start3A_439 = arith.constant 0 : i32
      %dma_start3A_440 = arith.constant 0 : i32
      %dma_start3A_441 = tpu.memref_slice %arg10[%dma_start3A_439, %dma_start3A_440] : memref<10240x16xf32, #tpu.memory_space<vmem_shared>> -> memref<10240x16xf32, #tpu.memory_space<vmem_shared>>
      tpu.enqueue_indirect_dma source(%dma_start3A_435 : memref<128x16xf32, #tpu.memory_space<vmem>>) target(%dma_start3A_441 : memref<10240x16xf32, #tpu.memory_space<vmem_shared>>) offsets(%dma_start3A_438 : memref<128xi32, #tpu.memory_space<vmem>>) semaphore(%arg15 : memref<!tpu.dma_semaphore, #tpu.memory_space<semaphore_mem>>) {add = true}
      %mul3A_442 = arith.constant 4 : i32
      %mul3A_443 = arith.muli %add3A_378, %mul3A_442 : i32
      %add3A_444 = arith.constant 3 : i32
      %add3A_445 = arith.addi %mul3A_443, %add3A_444 : i32
      %dma_start3A_446 = arith.constant 2 : i32
      %dma_start3A_447 = arith.constant 384 : i32
      %dma_start3A_448 = arith.constant 0 : i32
      %dma_start3A_449 = tpu.memref_slice %arg7[%dma_start3A_446, %dma_start3A_447, %dma_start3A_448] : memref<4x512x16xf32, #tpu.memory_space<vmem>> -> memref<1x128x16xf32, #tpu.memory_space<vmem>>
      %dma_start3A_450 = tpu.memref_squeeze %dma_start3A_449 : memref<1x128x16xf32, #tpu.memory_space<vmem>> -> memref<128x16xf32, #tpu.memory_space<vmem>>
      %dma_start3A_451 = arith.constant 0 : i32
      %dma_start3A_452 = tpu.memref_slice %arg6[%add3A_445, %dma_start3A_451] : memref<80x128xi32, #tpu.memory_space<vmem>> -> memref<1x128xi32, #tpu.memory_space<vmem>>
      %dma_start3A_453 = tpu.memref_squeeze %dma_start3A_452 : memref<1x128xi32, #tpu.memory_space<vmem>> -> memref<128xi32, #tpu.memory_space<vmem>>
      %dma_start3A_454 = arith.constant 0 : i32
      %dma_start3A_455 = arith.constant 0 : i32
      %dma_start3A_456 = tpu.memref_slice %arg10[%dma_start3A_454, %dma_start3A_455] : memref<10240x16xf32, #tpu.memory_space<vmem_shared>> -> memref<10240x16xf32, #tpu.memory_space<vmem_shared>>
      tpu.enqueue_indirect_dma source(%dma_start3A_450 : memref<128x16xf32, #tpu.memory_space<vmem>>) target(%dma_start3A_456 : memref<10240x16xf32, #tpu.memory_space<vmem_shared>>) offsets(%dma_start3A_453 : memref<128xi32, #tpu.memory_space<vmem>>) semaphore(%arg15 : memref<!tpu.dma_semaphore, #tpu.memory_space<semaphore_mem>>) {add = true}
      %ge3A_457 = arith.constant 1 : i32
      %ge3A_458 = arith.cmpi sge, %add3A_378, %ge3A_457 : i32
      %convert_element_type3A_459 = arith.extui %ge3A_458 : i1 to i32
      %cond3A_460 = arith.constant 0 : i32
      %cond3A_461 = arith.cmpi ne, %convert_element_type3A_459, %cond3A_460 : i32
      scf.if %cond3A_461 {
        %dma_wait3A_563 = arith.constant 0 : i32
        %dma_wait3A_564 = arith.constant 0 : i32
        %dma_wait3A_565 = arith.constant 0 : i32
        %dma_wait3A_566 = arith.constant 0 : i32
        %dma_wait3A_567 = tpu.memref_slice %arg7[%dma_wait3A_564, %dma_wait3A_565, %dma_wait3A_566] : memref<4x512x16xf32, #tpu.memory_space<vmem>> -> memref<1x512x16xf32, #tpu.memory_space<vmem>>
        %dma_wait3A_568 = tpu.memref_squeeze %dma_wait3A_567 : memref<1x512x16xf32, #tpu.memory_space<vmem>> -> memref<512x16xf32, #tpu.memory_space<vmem>>
        %dma_wait3A_569 = arith.constant 0 : i32
        %dma_wait3A_570 = arith.constant 0 : i32
        %dma_wait3A_571 = tpu.memref_slice %arg4[%dma_wait3A_563, %dma_wait3A_569, %dma_wait3A_570] : memref<2x10240x16xf32, #tpu.memory_space<hbm>> -> memref<1x512x16xf32, #tpu.memory_space<hbm>>
        %dma_wait3A_572 = tpu.memref_squeeze %dma_wait3A_571 : memref<1x512x16xf32, #tpu.memory_space<hbm>> -> memref<512x16xf32, #tpu.memory_space<hbm>>
        %dma_wait3A_573 = arith.constant 0 : i32
        %dma_wait3A_574 = arith.constant 0 : i32
        %dma_wait3A_575 = tpu.memref_slice %arg7[%dma_wait3A_564, %dma_wait3A_573, %dma_wait3A_574] : memref<4x512x16xf32, #tpu.memory_space<vmem>> -> memref<1x512x16xf32, #tpu.memory_space<vmem>>
        %dma_wait3A_576 = tpu.memref_squeeze %dma_wait3A_575 : memref<1x512x16xf32, #tpu.memory_space<vmem>> -> memref<512x16xf32, #tpu.memory_space<vmem>>
        %dma_wait3A_577 = arith.constant 0 : i32
        %dma_wait3A_578 = arith.constant 0 : i32
        %dma_wait3A_579 = tpu.memref_slice %arg4[%dma_wait3A_563, %dma_wait3A_577, %dma_wait3A_578] : memref<2x10240x16xf32, #tpu.memory_space<hbm>> -> memref<1x512x16xf32, #tpu.memory_space<hbm>>
        %dma_wait3A_580 = tpu.memref_squeeze %dma_wait3A_579 : memref<1x512x16xf32, #tpu.memory_space<hbm>> -> memref<512x16xf32, #tpu.memory_space<hbm>>
        tpu.wait_dma2 semaphore(%arg15 : memref<!tpu.dma_semaphore, #tpu.memory_space<semaphore_mem>>) src(%dma_wait3A_580 : memref<512x16xf32, #tpu.memory_space<hbm>>) dst(%dma_wait3A_576 : memref<512x16xf32, #tpu.memory_space<vmem>>)
      } else {
      }
      %add3A_462 = arith.constant 3 : i32
      %add3A_463 = arith.addi %add3A_378, %add3A_462 : i32
      %le3A_464 = arith.constant 19 : i32
      %le3A_465 = arith.cmpi sle, %add3A_463, %le3A_464 : i32
      %convert_element_type3A_466 = arith.extui %le3A_465 : i1 to i32
      %cond3A_467 = arith.constant 0 : i32
      %cond3A_468 = arith.cmpi ne, %convert_element_type3A_466, %cond3A_467 : i32
      scf.if %cond3A_468 {
        %add3A_563 = arith.constant 3 : i32
        %add3A_564 = arith.addi %add3A_378, %add3A_563 : i32
        %mul3A_565 = arith.constant 4 : i32
        %mul3A_566 = arith.muli %add3A_564, %mul3A_565 : i32
        %add3A_567 = arith.constant 0 : i32
        %add3A_568 = arith.addi %mul3A_566, %add3A_567 : i32
        %dma_start3A_569 = arith.constant 1 : i32
        %dma_start3A_570 = arith.constant 0 : i32
        %dma_start3A_571 = arith.constant 0 : i32
        %dma_start3A_572 = tpu.memref_slice %arg7[%dma_start3A_569, %dma_start3A_570, %dma_start3A_571] : memref<4x512x16xf32, #tpu.memory_space<vmem>> -> memref<1x128x16xf32, #tpu.memory_space<vmem>>
        %dma_start3A_573 = tpu.memref_squeeze %dma_start3A_572 : memref<1x128x16xf32, #tpu.memory_space<vmem>> -> memref<128x16xf32, #tpu.memory_space<vmem>>
        %dma_start3A_574 = arith.constant 0 : i32
        %dma_start3A_575 = tpu.memref_slice %arg5[%add3A_568, %dma_start3A_574] : memref<80x128xi32, #tpu.memory_space<vmem>> -> memref<1x128xi32, #tpu.memory_space<vmem>>
        %dma_start3A_576 = tpu.memref_squeeze %dma_start3A_575 : memref<1x128xi32, #tpu.memory_space<vmem>> -> memref<128xi32, #tpu.memory_space<vmem>>
        %dma_start3A_577 = arith.constant 0 : i32
        %dma_start3A_578 = arith.constant 0 : i32
        %dma_start3A_579 = tpu.memref_slice %arg9[%dma_start3A_577, %dma_start3A_578] : memref<10240x16xf32, #tpu.memory_space<vmem_shared>> -> memref<10240x16xf32, #tpu.memory_space<vmem_shared>>
        tpu.enqueue_indirect_dma source(%dma_start3A_579 : memref<10240x16xf32, #tpu.memory_space<vmem_shared>>) target(%dma_start3A_573 : memref<128x16xf32, #tpu.memory_space<vmem>>) offsets(%dma_start3A_576 : memref<128xi32, #tpu.memory_space<vmem>>) semaphore(%arg12 : memref<!tpu.dma_semaphore, #tpu.memory_space<semaphore_mem>>)
        %mul3A_580 = arith.constant 4 : i32
        %mul3A_581 = arith.muli %add3A_564, %mul3A_580 : i32
        %add3A_582 = arith.constant 1 : i32
        %add3A_583 = arith.addi %mul3A_581, %add3A_582 : i32
        %dma_start3A_584 = arith.constant 1 : i32
        %dma_start3A_585 = arith.constant 128 : i32
        %dma_start3A_586 = arith.constant 0 : i32
        %dma_start3A_587 = tpu.memref_slice %arg7[%dma_start3A_584, %dma_start3A_585, %dma_start3A_586] : memref<4x512x16xf32, #tpu.memory_space<vmem>> -> memref<1x128x16xf32, #tpu.memory_space<vmem>>
        %dma_start3A_588 = tpu.memref_squeeze %dma_start3A_587 : memref<1x128x16xf32, #tpu.memory_space<vmem>> -> memref<128x16xf32, #tpu.memory_space<vmem>>
        %dma_start3A_589 = arith.constant 0 : i32
        %dma_start3A_590 = tpu.memref_slice %arg5[%add3A_583, %dma_start3A_589] : memref<80x128xi32, #tpu.memory_space<vmem>> -> memref<1x128xi32, #tpu.memory_space<vmem>>
        %dma_start3A_591 = tpu.memref_squeeze %dma_start3A_590 : memref<1x128xi32, #tpu.memory_space<vmem>> -> memref<128xi32, #tpu.memory_space<vmem>>
        %dma_start3A_592 = arith.constant 0 : i32
        %dma_start3A_593 = arith.constant 0 : i32
        %dma_start3A_594 = tpu.memref_slice %arg9[%dma_start3A_592, %dma_start3A_593] : memref<10240x16xf32, #tpu.memory_space<vmem_shared>> -> memref<10240x16xf32, #tpu.memory_space<vmem_shared>>
        tpu.enqueue_indirect_dma source(%dma_start3A_594 : memref<10240x16xf32, #tpu.memory_space<vmem_shared>>) target(%dma_start3A_588 : memref<128x16xf32, #tpu.memory_space<vmem>>) offsets(%dma_start3A_591 : memref<128xi32, #tpu.memory_space<vmem>>) semaphore(%arg12 : memref<!tpu.dma_semaphore, #tpu.memory_space<semaphore_mem>>)
        %mul3A_595 = arith.constant 4 : i32
        %mul3A_596 = arith.muli %add3A_564, %mul3A_595 : i32
        %add3A_597 = arith.constant 2 : i32
        %add3A_598 = arith.addi %mul3A_596, %add3A_597 : i32
        %dma_start3A_599 = arith.constant 1 : i32
        %dma_start3A_600 = arith.constant 256 : i32
        %dma_start3A_601 = arith.constant 0 : i32
        %dma_start3A_602 = tpu.memref_slice %arg7[%dma_start3A_599, %dma_start3A_600, %dma_start3A_601] : memref<4x512x16xf32, #tpu.memory_space<vmem>> -> memref<1x128x16xf32, #tpu.memory_space<vmem>>
        %dma_start3A_603 = tpu.memref_squeeze %dma_start3A_602 : memref<1x128x16xf32, #tpu.memory_space<vmem>> -> memref<128x16xf32, #tpu.memory_space<vmem>>
        %dma_start3A_604 = arith.constant 0 : i32
        %dma_start3A_605 = tpu.memref_slice %arg5[%add3A_598, %dma_start3A_604] : memref<80x128xi32, #tpu.memory_space<vmem>> -> memref<1x128xi32, #tpu.memory_space<vmem>>
        %dma_start3A_606 = tpu.memref_squeeze %dma_start3A_605 : memref<1x128xi32, #tpu.memory_space<vmem>> -> memref<128xi32, #tpu.memory_space<vmem>>
        %dma_start3A_607 = arith.constant 0 : i32
        %dma_start3A_608 = arith.constant 0 : i32
        %dma_start3A_609 = tpu.memref_slice %arg9[%dma_start3A_607, %dma_start3A_608] : memref<10240x16xf32, #tpu.memory_space<vmem_shared>> -> memref<10240x16xf32, #tpu.memory_space<vmem_shared>>
        tpu.enqueue_indirect_dma source(%dma_start3A_609 : memref<10240x16xf32, #tpu.memory_space<vmem_shared>>) target(%dma_start3A_603 : memref<128x16xf32, #tpu.memory_space<vmem>>) offsets(%dma_start3A_606 : memref<128xi32, #tpu.memory_space<vmem>>) semaphore(%arg12 : memref<!tpu.dma_semaphore, #tpu.memory_space<semaphore_mem>>)
        %mul3A_610 = arith.constant 4 : i32
        %mul3A_611 = arith.muli %add3A_564, %mul3A_610 : i32
        %add3A_612 = arith.constant 3 : i32
        %add3A_613 = arith.addi %mul3A_611, %add3A_612 : i32
        %dma_start3A_614 = arith.constant 1 : i32
        %dma_start3A_615 = arith.constant 384 : i32
        %dma_start3A_616 = arith.constant 0 : i32
        %dma_start3A_617 = tpu.memref_slice %arg7[%dma_start3A_614, %dma_start3A_615, %dma_start3A_616] : memref<4x512x16xf32, #tpu.memory_space<vmem>> -> memref<1x128x16xf32, #tpu.memory_space<vmem>>
        %dma_start3A_618 = tpu.memref_squeeze %dma_start3A_617 : memref<1x128x16xf32, #tpu.memory_space<vmem>> -> memref<128x16xf32, #tpu.memory_space<vmem>>
        %dma_start3A_619 = arith.constant 0 : i32
        %dma_start3A_620 = tpu.memref_slice %arg5[%add3A_613, %dma_start3A_619] : memref<80x128xi32, #tpu.memory_space<vmem>> -> memref<1x128xi32, #tpu.memory_space<vmem>>
        %dma_start3A_621 = tpu.memref_squeeze %dma_start3A_620 : memref<1x128xi32, #tpu.memory_space<vmem>> -> memref<128xi32, #tpu.memory_space<vmem>>
        %dma_start3A_622 = arith.constant 0 : i32
        %dma_start3A_623 = arith.constant 0 : i32
        %dma_start3A_624 = tpu.memref_slice %arg9[%dma_start3A_622, %dma_start3A_623] : memref<10240x16xf32, #tpu.memory_space<vmem_shared>> -> memref<10240x16xf32, #tpu.memory_space<vmem_shared>>
        tpu.enqueue_indirect_dma source(%dma_start3A_624 : memref<10240x16xf32, #tpu.memory_space<vmem_shared>>) target(%dma_start3A_618 : memref<128x16xf32, #tpu.memory_space<vmem>>) offsets(%dma_start3A_621 : memref<128xi32, #tpu.memory_space<vmem>>) semaphore(%arg12 : memref<!tpu.dma_semaphore, #tpu.memory_space<semaphore_mem>>)
      } else {
      }
      %mul3A_469 = arith.constant 4 : i32
      %mul3A_470 = arith.muli %mul3A_469, %add3A_190 : i32
      %add3A_471 = arith.constant 3 : i32
      %add3A_472 = arith.addi %mul3A_470, %add3A_471 : i32
      %dma_wait3A_473 = arith.constant 0 : i32
      %dma_wait3A_474 = arith.constant 0 : i32
      %dma_wait3A_475 = arith.constant 0 : i32
      %dma_wait3A_476 = arith.constant 0 : i32
      %dma_wait3A_477 = tpu.memref_slice %arg7[%dma_wait3A_474, %dma_wait3A_475, %dma_wait3A_476] : memref<4x512x16xf32, #tpu.memory_space<vmem>> -> memref<1x512x16xf32, #tpu.memory_space<vmem>>
      %dma_wait3A_478 = tpu.memref_squeeze %dma_wait3A_477 : memref<1x512x16xf32, #tpu.memory_space<vmem>> -> memref<512x16xf32, #tpu.memory_space<vmem>>
      %dma_wait3A_479 = arith.constant 0 : i32
      %dma_wait3A_480 = arith.constant 0 : i32
      %dma_wait3A_481 = tpu.memref_slice %arg4[%dma_wait3A_473, %dma_wait3A_479, %dma_wait3A_480] : memref<2x10240x16xf32, #tpu.memory_space<hbm>> -> memref<1x512x16xf32, #tpu.memory_space<hbm>>
      %dma_wait3A_482 = tpu.memref_squeeze %dma_wait3A_481 : memref<1x512x16xf32, #tpu.memory_space<hbm>> -> memref<512x16xf32, #tpu.memory_space<hbm>>
      %dma_wait3A_483 = arith.constant 0 : i32
      %dma_wait3A_484 = arith.constant 0 : i32
      %dma_wait3A_485 = tpu.memref_slice %arg7[%dma_wait3A_474, %dma_wait3A_483, %dma_wait3A_484] : memref<4x512x16xf32, #tpu.memory_space<vmem>> -> memref<1x512x16xf32, #tpu.memory_space<vmem>>
      %dma_wait3A_486 = tpu.memref_squeeze %dma_wait3A_485 : memref<1x512x16xf32, #tpu.memory_space<vmem>> -> memref<512x16xf32, #tpu.memory_space<vmem>>
      %dma_wait3A_487 = arith.constant 0 : i32
      %dma_wait3A_488 = arith.constant 0 : i32
      %dma_wait3A_489 = tpu.memref_slice %arg4[%dma_wait3A_473, %dma_wait3A_487, %dma_wait3A_488] : memref<2x10240x16xf32, #tpu.memory_space<hbm>> -> memref<1x512x16xf32, #tpu.memory_space<hbm>>
      %dma_wait3A_490 = tpu.memref_squeeze %dma_wait3A_489 : memref<1x512x16xf32, #tpu.memory_space<hbm>> -> memref<512x16xf32, #tpu.memory_space<hbm>>
      tpu.wait_dma2 semaphore(%arg14 : memref<!tpu.dma_semaphore, #tpu.memory_space<semaphore_mem>>) src(%dma_wait3A_490 : memref<512x16xf32, #tpu.memory_space<hbm>>) dst(%dma_wait3A_486 : memref<512x16xf32, #tpu.memory_space<vmem>>)
      %mul3A_491 = arith.constant 4 : i32
      %mul3A_492 = arith.muli %add3A_472, %mul3A_491 : i32
      %add3A_493 = arith.constant 0 : i32
      %add3A_494 = arith.addi %mul3A_492, %add3A_493 : i32
      %dma_start3A_495 = arith.constant 3 : i32
      %dma_start3A_496 = arith.constant 0 : i32
      %dma_start3A_497 = arith.constant 0 : i32
      %dma_start3A_498 = tpu.memref_slice %arg7[%dma_start3A_495, %dma_start3A_496, %dma_start3A_497] : memref<4x512x16xf32, #tpu.memory_space<vmem>> -> memref<1x128x16xf32, #tpu.memory_space<vmem>>
      %dma_start3A_499 = tpu.memref_squeeze %dma_start3A_498 : memref<1x128x16xf32, #tpu.memory_space<vmem>> -> memref<128x16xf32, #tpu.memory_space<vmem>>
      %dma_start3A_500 = arith.constant 0 : i32
      %dma_start3A_501 = tpu.memref_slice %arg6[%add3A_494, %dma_start3A_500] : memref<80x128xi32, #tpu.memory_space<vmem>> -> memref<1x128xi32, #tpu.memory_space<vmem>>
      %dma_start3A_502 = tpu.memref_squeeze %dma_start3A_501 : memref<1x128xi32, #tpu.memory_space<vmem>> -> memref<128xi32, #tpu.memory_space<vmem>>
      %dma_start3A_503 = arith.constant 0 : i32
      %dma_start3A_504 = arith.constant 0 : i32
      %dma_start3A_505 = tpu.memref_slice %arg10[%dma_start3A_503, %dma_start3A_504] : memref<10240x16xf32, #tpu.memory_space<vmem_shared>> -> memref<10240x16xf32, #tpu.memory_space<vmem_shared>>
      tpu.enqueue_indirect_dma source(%dma_start3A_499 : memref<128x16xf32, #tpu.memory_space<vmem>>) target(%dma_start3A_505 : memref<10240x16xf32, #tpu.memory_space<vmem_shared>>) offsets(%dma_start3A_502 : memref<128xi32, #tpu.memory_space<vmem>>) semaphore(%arg15 : memref<!tpu.dma_semaphore, #tpu.memory_space<semaphore_mem>>) {add = true}
      %mul3A_506 = arith.constant 4 : i32
      %mul3A_507 = arith.muli %add3A_472, %mul3A_506 : i32
      %add3A_508 = arith.constant 1 : i32
      %add3A_509 = arith.addi %mul3A_507, %add3A_508 : i32
      %dma_start3A_510 = arith.constant 3 : i32
      %dma_start3A_511 = arith.constant 128 : i32
      %dma_start3A_512 = arith.constant 0 : i32
      %dma_start3A_513 = tpu.memref_slice %arg7[%dma_start3A_510, %dma_start3A_511, %dma_start3A_512] : memref<4x512x16xf32, #tpu.memory_space<vmem>> -> memref<1x128x16xf32, #tpu.memory_space<vmem>>
      %dma_start3A_514 = tpu.memref_squeeze %dma_start3A_513 : memref<1x128x16xf32, #tpu.memory_space<vmem>> -> memref<128x16xf32, #tpu.memory_space<vmem>>
      %dma_start3A_515 = arith.constant 0 : i32
      %dma_start3A_516 = tpu.memref_slice %arg6[%add3A_509, %dma_start3A_515] : memref<80x128xi32, #tpu.memory_space<vmem>> -> memref<1x128xi32, #tpu.memory_space<vmem>>
      %dma_start3A_517 = tpu.memref_squeeze %dma_start3A_516 : memref<1x128xi32, #tpu.memory_space<vmem>> -> memref<128xi32, #tpu.memory_space<vmem>>
      %dma_start3A_518 = arith.constant 0 : i32
      %dma_start3A_519 = arith.constant 0 : i32
      %dma_start3A_520 = tpu.memref_slice %arg10[%dma_start3A_518, %dma_start3A_519] : memref<10240x16xf32, #tpu.memory_space<vmem_shared>> -> memref<10240x16xf32, #tpu.memory_space<vmem_shared>>
      tpu.enqueue_indirect_dma source(%dma_start3A_514 : memref<128x16xf32, #tpu.memory_space<vmem>>) target(%dma_start3A_520 : memref<10240x16xf32, #tpu.memory_space<vmem_shared>>) offsets(%dma_start3A_517 : memref<128xi32, #tpu.memory_space<vmem>>) semaphore(%arg15 : memref<!tpu.dma_semaphore, #tpu.memory_space<semaphore_mem>>) {add = true}
      %mul3A_521 = arith.constant 4 : i32
      %mul3A_522 = arith.muli %add3A_472, %mul3A_521 : i32
      %add3A_523 = arith.constant 2 : i32
      %add3A_524 = arith.addi %mul3A_522, %add3A_523 : i32
      %dma_start3A_525 = arith.constant 3 : i32
      %dma_start3A_526 = arith.constant 256 : i32
      %dma_start3A_527 = arith.constant 0 : i32
      %dma_start3A_528 = tpu.memref_slice %arg7[%dma_start3A_525, %dma_start3A_526, %dma_start3A_527] : memref<4x512x16xf32, #tpu.memory_space<vmem>> -> memref<1x128x16xf32, #tpu.memory_space<vmem>>
      %dma_start3A_529 = tpu.memref_squeeze %dma_start3A_528 : memref<1x128x16xf32, #tpu.memory_space<vmem>> -> memref<128x16xf32, #tpu.memory_space<vmem>>
      %dma_start3A_530 = arith.constant 0 : i32
      %dma_start3A_531 = tpu.memref_slice %arg6[%add3A_524, %dma_start3A_530] : memref<80x128xi32, #tpu.memory_space<vmem>> -> memref<1x128xi32, #tpu.memory_space<vmem>>
      %dma_start3A_532 = tpu.memref_squeeze %dma_start3A_531 : memref<1x128xi32, #tpu.memory_space<vmem>> -> memref<128xi32, #tpu.memory_space<vmem>>
      %dma_start3A_533 = arith.constant 0 : i32
      %dma_start3A_534 = arith.constant 0 : i32
      %dma_start3A_535 = tpu.memref_slice %arg10[%dma_start3A_533, %dma_start3A_534] : memref<10240x16xf32, #tpu.memory_space<vmem_shared>> -> memref<10240x16xf32, #tpu.memory_space<vmem_shared>>
      tpu.enqueue_indirect_dma source(%dma_start3A_529 : memref<128x16xf32, #tpu.memory_space<vmem>>) target(%dma_start3A_535 : memref<10240x16xf32, #tpu.memory_space<vmem_shared>>) offsets(%dma_start3A_532 : memref<128xi32, #tpu.memory_space<vmem>>) semaphore(%arg15 : memref<!tpu.dma_semaphore, #tpu.memory_space<semaphore_mem>>) {add = true}
      %mul3A_536 = arith.constant 4 : i32
      %mul3A_537 = arith.muli %add3A_472, %mul3A_536 : i32
      %add3A_538 = arith.constant 3 : i32
      %add3A_539 = arith.addi %mul3A_537, %add3A_538 : i32
      %dma_start3A_540 = arith.constant 3 : i32
      %dma_start3A_541 = arith.constant 384 : i32
      %dma_start3A_542 = arith.constant 0 : i32
      %dma_start3A_543 = tpu.memref_slice %arg7[%dma_start3A_540, %dma_start3A_541, %dma_start3A_542] : memref<4x512x16xf32, #tpu.memory_space<vmem>> -> memref<1x128x16xf32, #tpu.memory_space<vmem>>
      %dma_start3A_544 = tpu.memref_squeeze %dma_start3A_543 : memref<1x128x16xf32, #tpu.memory_space<vmem>> -> memref<128x16xf32, #tpu.memory_space<vmem>>
      %dma_start3A_545 = arith.constant 0 : i32
      %dma_start3A_546 = tpu.memref_slice %arg6[%add3A_539, %dma_start3A_545] : memref<80x128xi32, #tpu.memory_space<vmem>> -> memref<1x128xi32, #tpu.memory_space<vmem>>
      %dma_start3A_547 = tpu.memref_squeeze %dma_start3A_546 : memref<1x128xi32, #tpu.memory_space<vmem>> -> memref<128xi32, #tpu.memory_space<vmem>>
      %dma_start3A_548 = arith.constant 0 : i32
      %dma_start3A_549 = arith.constant 0 : i32
      %dma_start3A_550 = tpu.memref_slice %arg10[%dma_start3A_548, %dma_start3A_549] : memref<10240x16xf32, #tpu.memory_space<vmem_shared>> -> memref<10240x16xf32, #tpu.memory_space<vmem_shared>>
      tpu.enqueue_indirect_dma source(%dma_start3A_544 : memref<128x16xf32, #tpu.memory_space<vmem>>) target(%dma_start3A_550 : memref<10240x16xf32, #tpu.memory_space<vmem_shared>>) offsets(%dma_start3A_547 : memref<128xi32, #tpu.memory_space<vmem>>) semaphore(%arg15 : memref<!tpu.dma_semaphore, #tpu.memory_space<semaphore_mem>>) {add = true}
      %ge3A_551 = arith.constant 1 : i32
      %ge3A_552 = arith.cmpi sge, %add3A_472, %ge3A_551 : i32
      %convert_element_type3A_553 = arith.extui %ge3A_552 : i1 to i32
      %cond3A_554 = arith.constant 0 : i32
      %cond3A_555 = arith.cmpi ne, %convert_element_type3A_553, %cond3A_554 : i32
      scf.if %cond3A_555 {
        %dma_wait3A_563 = arith.constant 0 : i32
        %dma_wait3A_564 = arith.constant 0 : i32
        %dma_wait3A_565 = arith.constant 0 : i32
        %dma_wait3A_566 = arith.constant 0 : i32
        %dma_wait3A_567 = tpu.memref_slice %arg7[%dma_wait3A_564, %dma_wait3A_565, %dma_wait3A_566] : memref<4x512x16xf32, #tpu.memory_space<vmem>> -> memref<1x512x16xf32, #tpu.memory_space<vmem>>
        %dma_wait3A_568 = tpu.memref_squeeze %dma_wait3A_567 : memref<1x512x16xf32, #tpu.memory_space<vmem>> -> memref<512x16xf32, #tpu.memory_space<vmem>>
        %dma_wait3A_569 = arith.constant 0 : i32
        %dma_wait3A_570 = arith.constant 0 : i32
        %dma_wait3A_571 = tpu.memref_slice %arg4[%dma_wait3A_563, %dma_wait3A_569, %dma_wait3A_570] : memref<2x10240x16xf32, #tpu.memory_space<hbm>> -> memref<1x512x16xf32, #tpu.memory_space<hbm>>
        %dma_wait3A_572 = tpu.memref_squeeze %dma_wait3A_571 : memref<1x512x16xf32, #tpu.memory_space<hbm>> -> memref<512x16xf32, #tpu.memory_space<hbm>>
        %dma_wait3A_573 = arith.constant 0 : i32
        %dma_wait3A_574 = arith.constant 0 : i32
        %dma_wait3A_575 = tpu.memref_slice %arg7[%dma_wait3A_564, %dma_wait3A_573, %dma_wait3A_574] : memref<4x512x16xf32, #tpu.memory_space<vmem>> -> memref<1x512x16xf32, #tpu.memory_space<vmem>>
        %dma_wait3A_576 = tpu.memref_squeeze %dma_wait3A_575 : memref<1x512x16xf32, #tpu.memory_space<vmem>> -> memref<512x16xf32, #tpu.memory_space<vmem>>
        %dma_wait3A_577 = arith.constant 0 : i32
        %dma_wait3A_578 = arith.constant 0 : i32
        %dma_wait3A_579 = tpu.memref_slice %arg4[%dma_wait3A_563, %dma_wait3A_577, %dma_wait3A_578] : memref<2x10240x16xf32, #tpu.memory_space<hbm>> -> memref<1x512x16xf32, #tpu.memory_space<hbm>>
        %dma_wait3A_580 = tpu.memref_squeeze %dma_wait3A_579 : memref<1x512x16xf32, #tpu.memory_space<hbm>> -> memref<512x16xf32, #tpu.memory_space<hbm>>
        tpu.wait_dma2 semaphore(%arg15 : memref<!tpu.dma_semaphore, #tpu.memory_space<semaphore_mem>>) src(%dma_wait3A_580 : memref<512x16xf32, #tpu.memory_space<hbm>>) dst(%dma_wait3A_576 : memref<512x16xf32, #tpu.memory_space<vmem>>)
      } else {
      }
      %add3A_556 = arith.constant 3 : i32
      %add3A_557 = arith.addi %add3A_472, %add3A_556 : i32
      %le3A_558 = arith.constant 19 : i32
      %le3A_559 = arith.cmpi sle, %add3A_557, %le3A_558 : i32
      %convert_element_type3A_560 = arith.extui %le3A_559 : i1 to i32
      %cond3A_561 = arith.constant 0 : i32
      %cond3A_562 = arith.cmpi ne, %convert_element_type3A_560, %cond3A_561 : i32
      scf.if %cond3A_562 {
        %add3A_563 = arith.constant 3 : i32
        %add3A_564 = arith.addi %add3A_472, %add3A_563 : i32
        %mul3A_565 = arith.constant 4 : i32
        %mul3A_566 = arith.muli %add3A_564, %mul3A_565 : i32
        %add3A_567 = arith.constant 0 : i32
        %add3A_568 = arith.addi %mul3A_566, %add3A_567 : i32
        %dma_start3A_569 = arith.constant 2 : i32
        %dma_start3A_570 = arith.constant 0 : i32
        %dma_start3A_571 = arith.constant 0 : i32
        %dma_start3A_572 = tpu.memref_slice %arg7[%dma_start3A_569, %dma_start3A_570, %dma_start3A_571] : memref<4x512x16xf32, #tpu.memory_space<vmem>> -> memref<1x128x16xf32, #tpu.memory_space<vmem>>
        %dma_start3A_573 = tpu.memref_squeeze %dma_start3A_572 : memref<1x128x16xf32, #tpu.memory_space<vmem>> -> memref<128x16xf32, #tpu.memory_space<vmem>>
        %dma_start3A_574 = arith.constant 0 : i32
        %dma_start3A_575 = tpu.memref_slice %arg5[%add3A_568, %dma_start3A_574] : memref<80x128xi32, #tpu.memory_space<vmem>> -> memref<1x128xi32, #tpu.memory_space<vmem>>
        %dma_start3A_576 = tpu.memref_squeeze %dma_start3A_575 : memref<1x128xi32, #tpu.memory_space<vmem>> -> memref<128xi32, #tpu.memory_space<vmem>>
        %dma_start3A_577 = arith.constant 0 : i32
        %dma_start3A_578 = arith.constant 0 : i32
        %dma_start3A_579 = tpu.memref_slice %arg9[%dma_start3A_577, %dma_start3A_578] : memref<10240x16xf32, #tpu.memory_space<vmem_shared>> -> memref<10240x16xf32, #tpu.memory_space<vmem_shared>>
        tpu.enqueue_indirect_dma source(%dma_start3A_579 : memref<10240x16xf32, #tpu.memory_space<vmem_shared>>) target(%dma_start3A_573 : memref<128x16xf32, #tpu.memory_space<vmem>>) offsets(%dma_start3A_576 : memref<128xi32, #tpu.memory_space<vmem>>) semaphore(%arg13 : memref<!tpu.dma_semaphore, #tpu.memory_space<semaphore_mem>>)
        %mul3A_580 = arith.constant 4 : i32
        %mul3A_581 = arith.muli %add3A_564, %mul3A_580 : i32
        %add3A_582 = arith.constant 1 : i32
        %add3A_583 = arith.addi %mul3A_581, %add3A_582 : i32
        %dma_start3A_584 = arith.constant 2 : i32
        %dma_start3A_585 = arith.constant 128 : i32
        %dma_start3A_586 = arith.constant 0 : i32
        %dma_start3A_587 = tpu.memref_slice %arg7[%dma_start3A_584, %dma_start3A_585, %dma_start3A_586] : memref<4x512x16xf32, #tpu.memory_space<vmem>> -> memref<1x128x16xf32, #tpu.memory_space<vmem>>
        %dma_start3A_588 = tpu.memref_squeeze %dma_start3A_587 : memref<1x128x16xf32, #tpu.memory_space<vmem>> -> memref<128x16xf32, #tpu.memory_space<vmem>>
        %dma_start3A_589 = arith.constant 0 : i32
        %dma_start3A_590 = tpu.memref_slice %arg5[%add3A_583, %dma_start3A_589] : memref<80x128xi32, #tpu.memory_space<vmem>> -> memref<1x128xi32, #tpu.memory_space<vmem>>
        %dma_start3A_591 = tpu.memref_squeeze %dma_start3A_590 : memref<1x128xi32, #tpu.memory_space<vmem>> -> memref<128xi32, #tpu.memory_space<vmem>>
        %dma_start3A_592 = arith.constant 0 : i32
        %dma_start3A_593 = arith.constant 0 : i32
        %dma_start3A_594 = tpu.memref_slice %arg9[%dma_start3A_592, %dma_start3A_593] : memref<10240x16xf32, #tpu.memory_space<vmem_shared>> -> memref<10240x16xf32, #tpu.memory_space<vmem_shared>>
        tpu.enqueue_indirect_dma source(%dma_start3A_594 : memref<10240x16xf32, #tpu.memory_space<vmem_shared>>) target(%dma_start3A_588 : memref<128x16xf32, #tpu.memory_space<vmem>>) offsets(%dma_start3A_591 : memref<128xi32, #tpu.memory_space<vmem>>) semaphore(%arg13 : memref<!tpu.dma_semaphore, #tpu.memory_space<semaphore_mem>>)
        %mul3A_595 = arith.constant 4 : i32
        %mul3A_596 = arith.muli %add3A_564, %mul3A_595 : i32
        %add3A_597 = arith.constant 2 : i32
        %add3A_598 = arith.addi %mul3A_596, %add3A_597 : i32
        %dma_start3A_599 = arith.constant 2 : i32
        %dma_start3A_600 = arith.constant 256 : i32
        %dma_start3A_601 = arith.constant 0 : i32
        %dma_start3A_602 = tpu.memref_slice %arg7[%dma_start3A_599, %dma_start3A_600, %dma_start3A_601] : memref<4x512x16xf32, #tpu.memory_space<vmem>> -> memref<1x128x16xf32, #tpu.memory_space<vmem>>
        %dma_start3A_603 = tpu.memref_squeeze %dma_start3A_602 : memref<1x128x16xf32, #tpu.memory_space<vmem>> -> memref<128x16xf32, #tpu.memory_space<vmem>>
        %dma_start3A_604 = arith.constant 0 : i32
        %dma_start3A_605 = tpu.memref_slice %arg5[%add3A_598, %dma_start3A_604] : memref<80x128xi32, #tpu.memory_space<vmem>> -> memref<1x128xi32, #tpu.memory_space<vmem>>
        %dma_start3A_606 = tpu.memref_squeeze %dma_start3A_605 : memref<1x128xi32, #tpu.memory_space<vmem>> -> memref<128xi32, #tpu.memory_space<vmem>>
        %dma_start3A_607 = arith.constant 0 : i32
        %dma_start3A_608 = arith.constant 0 : i32
        %dma_start3A_609 = tpu.memref_slice %arg9[%dma_start3A_607, %dma_start3A_608] : memref<10240x16xf32, #tpu.memory_space<vmem_shared>> -> memref<10240x16xf32, #tpu.memory_space<vmem_shared>>
        tpu.enqueue_indirect_dma source(%dma_start3A_609 : memref<10240x16xf32, #tpu.memory_space<vmem_shared>>) target(%dma_start3A_603 : memref<128x16xf32, #tpu.memory_space<vmem>>) offsets(%dma_start3A_606 : memref<128xi32, #tpu.memory_space<vmem>>) semaphore(%arg13 : memref<!tpu.dma_semaphore, #tpu.memory_space<semaphore_mem>>)
        %mul3A_610 = arith.constant 4 : i32
        %mul3A_611 = arith.muli %add3A_564, %mul3A_610 : i32
        %add3A_612 = arith.constant 3 : i32
        %add3A_613 = arith.addi %mul3A_611, %add3A_612 : i32
        %dma_start3A_614 = arith.constant 2 : i32
        %dma_start3A_615 = arith.constant 384 : i32
        %dma_start3A_616 = arith.constant 0 : i32
        %dma_start3A_617 = tpu.memref_slice %arg7[%dma_start3A_614, %dma_start3A_615, %dma_start3A_616] : memref<4x512x16xf32, #tpu.memory_space<vmem>> -> memref<1x128x16xf32, #tpu.memory_space<vmem>>
        %dma_start3A_618 = tpu.memref_squeeze %dma_start3A_617 : memref<1x128x16xf32, #tpu.memory_space<vmem>> -> memref<128x16xf32, #tpu.memory_space<vmem>>
        %dma_start3A_619 = arith.constant 0 : i32
        %dma_start3A_620 = tpu.memref_slice %arg5[%add3A_613, %dma_start3A_619] : memref<80x128xi32, #tpu.memory_space<vmem>> -> memref<1x128xi32, #tpu.memory_space<vmem>>
        %dma_start3A_621 = tpu.memref_squeeze %dma_start3A_620 : memref<1x128xi32, #tpu.memory_space<vmem>> -> memref<128xi32, #tpu.memory_space<vmem>>
        %dma_start3A_622 = arith.constant 0 : i32
        %dma_start3A_623 = arith.constant 0 : i32
        %dma_start3A_624 = tpu.memref_slice %arg9[%dma_start3A_622, %dma_start3A_623] : memref<10240x16xf32, #tpu.memory_space<vmem_shared>> -> memref<10240x16xf32, #tpu.memory_space<vmem_shared>>
        tpu.enqueue_indirect_dma source(%dma_start3A_624 : memref<10240x16xf32, #tpu.memory_space<vmem_shared>>) target(%dma_start3A_618 : memref<128x16xf32, #tpu.memory_space<vmem>>) offsets(%dma_start3A_621 : memref<128xi32, #tpu.memory_space<vmem>>) semaphore(%arg13 : memref<!tpu.dma_semaphore, #tpu.memory_space<semaphore_mem>>)
      } else {
      }
    }
    %scan3A_163 = arith.constant 5 : i32
    %dma_wait3A = arith.constant 0 : i32
    %dma_wait3A_164 = arith.constant 0 : i32
    %dma_wait3A_165 = arith.constant 0 : i32
    %dma_wait3A_166 = arith.constant 0 : i32
    %dma_wait3A_167 = tpu.memref_slice %arg7[%dma_wait3A_164, %dma_wait3A_165, %dma_wait3A_166] : memref<4x512x16xf32, #tpu.memory_space<vmem>> -> memref<1x512x16xf32, #tpu.memory_space<vmem>>
    %dma_wait3A_168 = tpu.memref_squeeze %dma_wait3A_167 : memref<1x512x16xf32, #tpu.memory_space<vmem>> -> memref<512x16xf32, #tpu.memory_space<vmem>>
    %dma_wait3A_169 = arith.constant 0 : i32
    %dma_wait3A_170 = arith.constant 0 : i32
    %dma_wait3A_171 = tpu.memref_slice %arg4[%dma_wait3A, %dma_wait3A_169, %dma_wait3A_170] : memref<2x10240x16xf32, #tpu.memory_space<hbm>> -> memref<1x512x16xf32, #tpu.memory_space<hbm>>
    %dma_wait3A_172 = tpu.memref_squeeze %dma_wait3A_171 : memref<1x512x16xf32, #tpu.memory_space<hbm>> -> memref<512x16xf32, #tpu.memory_space<hbm>>
    %dma_wait3A_173 = arith.constant 0 : i32
    %dma_wait3A_174 = arith.constant 0 : i32
    %dma_wait3A_175 = tpu.memref_slice %arg7[%dma_wait3A_164, %dma_wait3A_173, %dma_wait3A_174] : memref<4x512x16xf32, #tpu.memory_space<vmem>> -> memref<1x512x16xf32, #tpu.memory_space<vmem>>
    %dma_wait3A_176 = tpu.memref_squeeze %dma_wait3A_175 : memref<1x512x16xf32, #tpu.memory_space<vmem>> -> memref<512x16xf32, #tpu.memory_space<vmem>>
    %dma_wait3A_177 = arith.constant 0 : i32
    %dma_wait3A_178 = arith.constant 0 : i32
    %dma_wait3A_179 = tpu.memref_slice %arg4[%dma_wait3A, %dma_wait3A_177, %dma_wait3A_178] : memref<2x10240x16xf32, #tpu.memory_space<hbm>> -> memref<1x512x16xf32, #tpu.memory_space<hbm>>
    %dma_wait3A_180 = tpu.memref_squeeze %dma_wait3A_179 : memref<1x512x16xf32, #tpu.memory_space<hbm>> -> memref<512x16xf32, #tpu.memory_space<hbm>>
    tpu.wait_dma2 semaphore(%arg15 : memref<!tpu.dma_semaphore, #tpu.memory_space<semaphore_mem>>) src(%dma_wait3A_180 : memref<512x16xf32, #tpu.memory_space<hbm>>) dst(%dma_wait3A_176 : memref<512x16xf32, #tpu.memory_space<vmem>>)
    %barrier3A_181 = arith.constant 0 : index
    tpu.barrier barrier_id(%barrier3A_181)
    %mul3A_182 = arith.constant 640 : i32
    %mul3A_183 = arith.muli %arg1, %mul3A_182 : i32
    %mul3A_184 = arith.constant 640 : i32
    %mul3A_185 = arith.muli %arg1, %mul3A_184 : i32
    "tpu.region"() ({
      %run_scoped3A_186 = tpu.sem_alloc : memref<!tpu.dma_semaphore, #tpu.memory_space<semaphore_mem>>
      %dma_start3A_187 = arith.constant 0 : i32
      %dma_start3A_188 = tpu.memref_slice %arg4[%arg0, %mul3A_185, %dma_start3A_187] : memref<2x10240x16xf32, #tpu.memory_space<hbm>> -> memref<1x640x16xf32, #tpu.memory_space<hbm>>
      %dma_start3A_189 = tpu.memref_squeeze %dma_start3A_188 : memref<1x640x16xf32, #tpu.memory_space<hbm>> -> memref<640x16xf32, #tpu.memory_space<hbm>>
      %dma_start3A_190 = arith.constant 0 : i32
      %dma_start3A_191 = tpu.memref_slice %arg10[%mul3A_183, %dma_start3A_190] : memref<10240x16xf32, #tpu.memory_space<vmem_shared>> -> memref<640x16xf32, #tpu.memory_space<vmem_shared>>
      tpu.enqueue_dma source(%dma_start3A_191 : memref<640x16xf32, #tpu.memory_space<vmem_shared>>) target(%dma_start3A_189 : memref<640x16xf32, #tpu.memory_space<hbm>>) target_semaphore(%run_scoped3A_186 : memref<!tpu.dma_semaphore, #tpu.memory_space<semaphore_mem>>)
      %dma_wait3A_192 = arith.constant 0 : i32
      %dma_wait3A_193 = tpu.memref_slice %arg4[%arg0, %mul3A_185, %dma_wait3A_192] : memref<2x10240x16xf32, #tpu.memory_space<hbm>> -> memref<1x640x16xf32, #tpu.memory_space<hbm>>
      %dma_wait3A_194 = tpu.memref_squeeze %dma_wait3A_193 : memref<1x640x16xf32, #tpu.memory_space<hbm>> -> memref<640x16xf32, #tpu.memory_space<hbm>>
      %dma_wait3A_195 = arith.constant 0 : i32
      %dma_wait3A_196 = tpu.memref_slice %arg10[%mul3A_183, %dma_wait3A_195] : memref<10240x16xf32, #tpu.memory_space<vmem_shared>> -> memref<640x16xf32, #tpu.memory_space<vmem_shared>>
      tpu.wait_dma2 semaphore(%run_scoped3A_186 : memref<!tpu.dma_semaphore, #tpu.memory_space<semaphore_mem>>) src(%dma_wait3A_196 : memref<640x16xf32, #tpu.memory_space<vmem_shared>>) dst(%dma_wait3A_194 : memref<640x16xf32, #tpu.memory_space<hbm>>)
      tpu.yield
    }) : () -> ()
    return
  }
}

module attributes {stable_mosaic.version = 14 : i64} {
  func.func @_tc1_body(%arg0: i32, %arg1: memref<2x10240xf32, #tpu.memory_space<vmem>>, %arg2: memref<10240x128xf32, #tpu.memory_space<vmem>>, %arg3: memref<128x16xf32, #tpu.memory_space<vmem>>, %arg4: memref<10240x16xf32, #tpu.memory_space<vmem>>, %arg5: memref<10240x1xf32, #tpu.memory_space<vmem>>) attributes {dimension_semantics = [#tpu.dimension_semantics<arbitrary>], iteration_bounds = array<i64: 1>, scalar_prefetch = 0 : i64, scratch_operands = 0 : i64, tpu.core_type = #tpu.core_type<tc>, window_params = [{pipeline_mode = #tpu.pipeline_mode<synchronous>, transform_indices = @transform_0, window_bounds = array<i64: 2, 10240>}, {transform_indices = @transform_1, window_bounds = array<i64: 10240, 128>}, {pipeline_mode = #tpu.pipeline_mode<synchronous>, transform_indices = @transform_2, window_bounds = array<i64: 128, 16>}, {pipeline_mode = #tpu.pipeline_mode<synchronous>, transform_indices = @transform_3, window_bounds = array<i64: 10240, 16>}, {pipeline_mode = #tpu.pipeline_mode<synchronous>, transform_indices = @transform_4, window_bounds = array<i64: 10240, 1>}]} {
    %get3A = arith.constant 0 : index
    %get3A_0 = arith.constant 0 : index
    %get3A_1 = vector.load %arg1[%get3A, %get3A_0] : memref<2x10240xf32, #tpu.memory_space<vmem>>, vector<2x10240xf32>
    %slice3A = vector.extract_strided_slice %get3A_1 {offsets = [0, 0], sizes = [1, 10240], strides = [1, 1]} : vector<2x10240xf32> to vector<1x10240xf32>
    %slice3A_2 = vector.extract_strided_slice %get3A_1 {offsets = [1, 0], sizes = [1, 10240], strides = [1, 1]} : vector<2x10240xf32> to vector<1x10240xf32>
    %add3A = arith.addf %slice3A, %slice3A_2 : vector<1x10240xf32>
    %add3A_3 = arith.constant 1.000000e+00 : f32
    %add3A_4 = vector.broadcast %add3A_3 : f32 to vector<1x10240xf32>
    %add3A_5 = arith.addf %add3A, %add3A_4 : vector<1x10240xf32>
    %rsqrt3A = math.rsqrt %add3A_5 : vector<1x10240xf32>
    %reshape3A = vector.shape_cast %rsqrt3A : vector<1x10240xf32> to vector<10240x1xf32>
    %get3A_6 = arith.constant 0 : index
    %get3A_7 = arith.constant 0 : index
    %get3A_8 = vector.load %arg2[%get3A_6, %get3A_7] : memref<10240x128xf32, #tpu.memory_space<vmem>>, vector<10240x128xf32>
    %get3A_9 = arith.constant 0 : index
    %get3A_10 = arith.constant 0 : index
    %get3A_11 = vector.load %arg3[%get3A_9, %get3A_10] : memref<128x16xf32, #tpu.memory_space<vmem>>, vector<128x16xf32>
    %dot_general3A = arith.constant dense<0.000000e+00> : vector<10240x16xf32>
    %dot_general3A_12 = tpu.matmul %get3A_8, %get3A_11, %dot_general3A {dimension_numbers = #tpu.dot_dimension_numbers<[1], [0], [0], [1], [0, 0, 1, 1], [], []>, transpose_lhs_hint = false} : vector<10240x128xf32>, vector<128x16xf32>, vector<10240x16xf32> -> vector<10240x16xf32>
    %mul3A = vector.broadcast %reshape3A : vector<10240x1xf32> to vector<10240x16xf32>
    %mul3A_13 = arith.mulf %dot_general3A_12, %mul3A : vector<10240x16xf32>
    %swap3A = arith.constant 0 : index
    %swap3A_14 = arith.constant 0 : index
    %swap3A_15 = vector.load %arg4[%swap3A, %swap3A_14] : memref<10240x16xf32, #tpu.memory_space<vmem>>, vector<10240x16xf32>
    tpu.vector_store %arg4[%swap3A, %swap3A_14], %mul3A_13 {strides = array<i32>} : memref<10240x16xf32, #tpu.memory_space<vmem>>, vector<10240x16xf32>,
    %swap3A_16 = arith.constant 0 : index
    %swap3A_17 = arith.constant 0 : index
    %swap3A_18 = vector.load %arg5[%swap3A_16, %swap3A_17] : memref<10240x1xf32, #tpu.memory_space<vmem>>, vector<10240x1xf32>
    tpu.vector_store %arg5[%swap3A_16, %swap3A_17], %reshape3A {strides = array<i32>} : memref<10240x1xf32, #tpu.memory_space<vmem>>, vector<10240x1xf32>,
    return
  }
  func.func @transform_0(%arg0: i32) -> (i32, i32) {
    %c0_i32 = arith.constant 0 : i32
    %c0_i32_0 = arith.constant 0 : i32
    %c0_i32_1 = arith.constant 0 : i32
    return %c0_i32, %c0_i32_0 : i32, i32
  }
  func.func @transform_1(%arg0: i32) -> (i32, i32) {
    %c0_i32 = arith.constant 0 : i32
    %c0_i32_0 = arith.constant 0 : i32
    %c0_i32_1 = arith.constant 0 : i32
    return %c0_i32, %c0_i32_0 : i32, i32
  }
  func.func @transform_2(%arg0: i32) -> (i32, i32) {
    %c0_i32 = arith.constant 0 : i32
    %c0_i32_0 = arith.constant 0 : i32
    %c0_i32_1 = arith.constant 0 : i32
    return %c0_i32, %c0_i32_0 : i32, i32
  }
  func.func @transform_3(%arg0: i32) -> (i32, i32) {
    %c0_i32 = arith.constant 0 : i32
    %c0_i32_0 = arith.constant 0 : i32
    %c0_i32_1 = arith.constant 0 : i32
    return %c0_i32, %c0_i32_0 : i32, i32
  }
  func.func @transform_4(%arg0: i32) -> (i32, i32) {
    %c0_i32 = arith.constant 0 : i32
    %c0_i32_0 = arith.constant 0 : i32
    %c0_i32_1 = arith.constant 0 : i32
    return %c0_i32, %c0_i32_0 : i32, i32
  }
}

module attributes {stable_mosaic.version = 14 : i64} {
  func.func @_tc2_body(%arg0: i32, %arg1: memref<1x10240x16xf32, #tpu.memory_space<vmem>>, %arg2: memref<1x10240x16xf32, #tpu.memory_space<vmem>>, %arg3: memref<10240x16xf32, #tpu.memory_space<vmem>>, %arg4: memref<10240x1xf32, #tpu.memory_space<vmem>>, %arg5: memref<1x16xf32, #tpu.memory_space<vmem>>, %arg6: memref<10240x16xf32, #tpu.memory_space<vmem>>) attributes {dimension_semantics = [#tpu.dimension_semantics<arbitrary>], iteration_bounds = array<i64: 1>, scalar_prefetch = 0 : i64, scratch_operands = 0 : i64, tpu.core_type = #tpu.core_type<tc>, window_params = [{transform_indices = @transform_0, window_bounds = array<i64: 1, 10240, 16>}, {transform_indices = @transform_1, window_bounds = array<i64: 1, 10240, 16>}, {pipeline_mode = #tpu.pipeline_mode<synchronous>, transform_indices = @transform_2, window_bounds = array<i64: 10240, 16>}, {pipeline_mode = #tpu.pipeline_mode<synchronous>, transform_indices = @transform_3, window_bounds = array<i64: 10240, 1>}, {pipeline_mode = #tpu.pipeline_mode<synchronous>, transform_indices = @transform_4, window_bounds = array<i64: 1, 16>}, {pipeline_mode = #tpu.pipeline_mode<synchronous>, transform_indices = @transform_5, window_bounds = array<i64: 10240, 16>}]} {
    %get3A = arith.constant 0 : index
    %get3A_0 = arith.constant 0 : index
    %get3A_1 = vector.load %arg3[%get3A, %get3A_0] : memref<10240x16xf32, #tpu.memory_space<vmem>>, vector<10240x16xf32>
    %get3A_2 = arith.constant 0 : index
    %get3A_3 = arith.constant 0 : index
    %get3A_4 = arith.constant 0 : index
    %get3A_5 = vector.load %arg1[%get3A_2, %get3A_3, %get3A_4] : memref<1x10240x16xf32, #tpu.memory_space<vmem>>, vector<1x10240x16xf32>
    %get3A_6 = vector.shape_cast %get3A_5 : vector<1x10240x16xf32> to vector<10240x16xf32>
    %get3A_7 = arith.constant 0 : index
    %get3A_8 = arith.constant 0 : index
    %get3A_9 = arith.constant 0 : index
    %get3A_10 = vector.load %arg2[%get3A_7, %get3A_8, %get3A_9] : memref<1x10240x16xf32, #tpu.memory_space<vmem>>, vector<1x10240x16xf32>
    %get3A_11 = vector.shape_cast %get3A_10 : vector<1x10240x16xf32> to vector<10240x16xf32>
    %add3A = arith.addf %get3A_6, %get3A_11 : vector<10240x16xf32>
    %add3A_12 = arith.addf %add3A, %get3A_1 : vector<10240x16xf32>
    %get3A_13 = arith.constant 0 : index
    %get3A_14 = arith.constant 0 : index
    %get3A_15 = vector.load %arg4[%get3A_13, %get3A_14] : memref<10240x1xf32, #tpu.memory_space<vmem>>, vector<10240x1xf32>
    %mul3A = vector.broadcast %get3A_15 : vector<10240x1xf32> to vector<10240x16xf32>
    %mul3A_16 = arith.mulf %add3A_12, %mul3A : vector<10240x16xf32>
    %get3A_17 = arith.constant 0 : index
    %get3A_18 = arith.constant 0 : index
    %get3A_19 = vector.load %arg5[%get3A_17, %get3A_18] : memref<1x16xf32, #tpu.memory_space<vmem>>, vector<1x16xf32>
    %add3A_20 = vector.broadcast %get3A_19 : vector<1x16xf32> to vector<10240x16xf32>
    %add3A_21 = arith.addf %mul3A_16, %add3A_20 : vector<10240x16xf32>
    %max3A = arith.constant 0.000000e+00 : f32
    %max3A_22 = vector.broadcast %max3A : f32 to vector<10240x16xf32>
    %max3A_23 = arith.maximumf %add3A_21, %max3A_22 : vector<10240x16xf32>
    %mul3A_24 = vector.broadcast %get3A_15 : vector<10240x1xf32> to vector<10240x16xf32>
    %mul3A_25 = arith.mulf %max3A_23, %mul3A_24 : vector<10240x16xf32>
    %swap3A = arith.constant 0 : index
    %swap3A_26 = arith.constant 0 : index
    %swap3A_27 = vector.load %arg6[%swap3A, %swap3A_26] : memref<10240x16xf32, #tpu.memory_space<vmem>>, vector<10240x16xf32>
    tpu.vector_store %arg6[%swap3A, %swap3A_26], %mul3A_25 {strides = array<i32>} : memref<10240x16xf32, #tpu.memory_space<vmem>>, vector<10240x16xf32>,
    return
  }
  func.func @transform_0(%arg0: i32) -> (i32, i32, i32) {
    %c0_i32 = arith.constant 0 : i32
    %c0_i32_0 = arith.constant 0 : i32
    %c0_i32_1 = arith.constant 0 : i32
    %c0_i32_2 = arith.constant 0 : i32
    return %c0_i32, %c0_i32_0, %c0_i32_1 : i32, i32, i32
  }
  func.func @transform_1(%arg0: i32) -> (i32, i32, i32) {
    %c1_i32 = arith.constant 1 : i32
    %c0_i32 = arith.constant 0 : i32
    %c0_i32_0 = arith.constant 0 : i32
    %c0_i32_1 = arith.constant 0 : i32
    return %c1_i32, %c0_i32, %c0_i32_0 : i32, i32, i32
  }
  func.func @transform_2(%arg0: i32) -> (i32, i32) {
    %c0_i32 = arith.constant 0 : i32
    %c0_i32_0 = arith.constant 0 : i32
    %c0_i32_1 = arith.constant 0 : i32
    return %c0_i32, %c0_i32_0 : i32, i32
  }
  func.func @transform_3(%arg0: i32) -> (i32, i32) {
    %c0_i32 = arith.constant 0 : i32
    %c0_i32_0 = arith.constant 0 : i32
    %c0_i32_1 = arith.constant 0 : i32
    return %c0_i32, %c0_i32_0 : i32, i32
  }
  func.func @transform_4(%arg0: i32) -> (i32, i32) {
    %c0_i32 = arith.constant 0 : i32
    %c0_i32_0 = arith.constant 0 : i32
    %c0_i32_1 = arith.constant 0 : i32
    return %c0_i32, %c0_i32_0 : i32, i32
  }
  func.func @transform_5(%arg0: i32) -> (i32, i32) {
    %c0_i32 = arith.constant 0 : i32
    %c0_i32_0 = arith.constant 0 : i32
    %c0_i32_1 = arith.constant 0 : i32
    return %c0_i32, %c0_i32_0 : i32, i32
  }
}

module attributes {stable_mosaic.version = 14 : i64} {
  func.func @_tc3_body(%arg0: i32, %arg1: memref<1x10240x16xf32, #tpu.memory_space<vmem>>, %arg2: memref<1x10240x16xf32, #tpu.memory_space<vmem>>, %arg3: memref<10240x16xf32, #tpu.memory_space<vmem>>, %arg4: memref<10240x1xf32, #tpu.memory_space<vmem>>, %arg5: memref<16x64xf32, #tpu.memory_space<vmem>>, %arg6: memref<1x64xf32, #tpu.memory_space<vmem>>, %arg7: memref<10240x64xf32, #tpu.memory_space<vmem>>) attributes {dimension_semantics = [#tpu.dimension_semantics<arbitrary>], iteration_bounds = array<i64: 1>, scalar_prefetch = 0 : i64, scratch_operands = 0 : i64, tpu.core_type = #tpu.core_type<tc>, window_params = [{transform_indices = @transform_0, window_bounds = array<i64: 1, 10240, 16>}, {transform_indices = @transform_1, window_bounds = array<i64: 1, 10240, 16>}, {pipeline_mode = #tpu.pipeline_mode<synchronous>, transform_indices = @transform_2, window_bounds = array<i64: 10240, 16>}, {pipeline_mode = #tpu.pipeline_mode<synchronous>, transform_indices = @transform_3, window_bounds = array<i64: 10240, 1>}, {pipeline_mode = #tpu.pipeline_mode<synchronous>, transform_indices = @transform_4, window_bounds = array<i64: 16, 64>}, {pipeline_mode = #tpu.pipeline_mode<synchronous>, transform_indices = @transform_5, window_bounds = array<i64: 1, 64>}, {pipeline_mode = #tpu.pipeline_mode<synchronous>, transform_indices = @transform_6, window_bounds = array<i64: 10240, 64>}]} {
    %get3A = arith.constant 0 : index
    %get3A_0 = arith.constant 0 : index
    %get3A_1 = vector.load %arg3[%get3A, %get3A_0] : memref<10240x16xf32, #tpu.memory_space<vmem>>, vector<10240x16xf32>
    %get3A_2 = arith.constant 0 : index
    %get3A_3 = arith.constant 0 : index
    %get3A_4 = vector.load %arg4[%get3A_2, %get3A_3] : memref<10240x1xf32, #tpu.memory_space<vmem>>, vector<10240x1xf32>
    %get3A_5 = arith.constant 0 : index
    %get3A_6 = arith.constant 0 : index
    %get3A_7 = arith.constant 0 : index
    %get3A_8 = vector.load %arg1[%get3A_5, %get3A_6, %get3A_7] : memref<1x10240x16xf32, #tpu.memory_space<vmem>>, vector<1x10240x16xf32>
    %get3A_9 = vector.shape_cast %get3A_8 : vector<1x10240x16xf32> to vector<10240x16xf32>
    %get3A_10 = arith.constant 0 : index
    %get3A_11 = arith.constant 0 : index
    %get3A_12 = arith.constant 0 : index
    %get3A_13 = vector.load %arg2[%get3A_10, %get3A_11, %get3A_12] : memref<1x10240x16xf32, #tpu.memory_space<vmem>>, vector<1x10240x16xf32>
    %get3A_14 = vector.shape_cast %get3A_13 : vector<1x10240x16xf32> to vector<10240x16xf32>
    %add3A = arith.addf %get3A_9, %get3A_14 : vector<10240x16xf32>
    %add3A_15 = arith.addf %add3A, %get3A_1 : vector<10240x16xf32>
    %mul3A = vector.broadcast %get3A_4 : vector<10240x1xf32> to vector<10240x16xf32>
    %mul3A_16 = arith.mulf %add3A_15, %mul3A : vector<10240x16xf32>
    %get3A_17 = arith.constant 0 : index
    %get3A_18 = arith.constant 0 : index
    %get3A_19 = vector.load %arg5[%get3A_17, %get3A_18] : memref<16x64xf32, #tpu.memory_space<vmem>>, vector<16x64xf32>
    %dot_general3A = arith.constant dense<0.000000e+00> : vector<10240x64xf32>
    %dot_general3A_20 = tpu.matmul %mul3A_16, %get3A_19, %dot_general3A {dimension_numbers = #tpu.dot_dimension_numbers<[1], [0], [0], [1], [0, 0, 1, 1], [], []>, transpose_lhs_hint = false} : vector<10240x16xf32>, vector<16x64xf32>, vector<10240x64xf32> -> vector<10240x64xf32>
    %get3A_21 = arith.constant 0 : index
    %get3A_22 = arith.constant 0 : index
    %get3A_23 = vector.load %arg6[%get3A_21, %get3A_22] : memref<1x64xf32, #tpu.memory_space<vmem>>, vector<1x64xf32>
    %add3A_24 = vector.broadcast %get3A_23 : vector<1x64xf32> to vector<10240x64xf32>
    %add3A_25 = arith.addf %dot_general3A_20, %add3A_24 : vector<10240x64xf32>
    %reduce_max3A = arith.constant dense<0xFF800000> : vector<10240xf32>
    %reduce_max3A_26 = vector.multi_reduction <maximumf>, %add3A_25, %reduce_max3A [1] : vector<10240x64xf32> to vector<10240xf32>
    %broadcast_in_dim3A = vector.shape_cast %reduce_max3A_26 : vector<10240xf32> to vector<10240x1xf32>
    %sub3A = vector.broadcast %broadcast_in_dim3A : vector<10240x1xf32> to vector<10240x64xf32>
    %sub3A_27 = arith.subf %add3A_25, %sub3A : vector<10240x64xf32>
    %exp3A = math.exp %sub3A_27 : vector<10240x64xf32>
    %reduce_sum3A = arith.constant dense<0.000000e+00> : vector<10240xf32>
    %reduce_sum3A_28 = vector.multi_reduction <add>, %exp3A, %reduce_sum3A [1] : vector<10240x64xf32> to vector<10240xf32>
    %broadcast_in_dim3A_29 = vector.shape_cast %reduce_sum3A_28 : vector<10240xf32> to vector<10240x1xf32>
    %log3A = math.log %broadcast_in_dim3A_29 : vector<10240x1xf32>
    %add3A_30 = arith.addf %broadcast_in_dim3A, %log3A : vector<10240x1xf32>
    %sub3A_31 = vector.broadcast %add3A_30 : vector<10240x1xf32> to vector<10240x64xf32>
    %sub3A_32 = arith.subf %add3A_25, %sub3A_31 : vector<10240x64xf32>
    %swap3A = arith.constant 0 : index
    %swap3A_33 = arith.constant 0 : index
    %swap3A_34 = vector.load %arg7[%swap3A, %swap3A_33] : memref<10240x64xf32, #tpu.memory_space<vmem>>, vector<10240x64xf32>
    tpu.vector_store %arg7[%swap3A, %swap3A_33], %sub3A_32 {strides = array<i32>} : memref<10240x64xf32, #tpu.memory_space<vmem>>, vector<10240x64xf32>,
    return
  }
  func.func @transform_0(%arg0: i32) -> (i32, i32, i32) {
    %c0_i32 = arith.constant 0 : i32
    %c0_i32_0 = arith.constant 0 : i32
    %c0_i32_1 = arith.constant 0 : i32
    %c0_i32_2 = arith.constant 0 : i32
    return %c0_i32, %c0_i32_0, %c0_i32_1 : i32, i32, i32
  }
  func.func @transform_1(%arg0: i32) -> (i32, i32, i32) {
    %c1_i32 = arith.constant 1 : i32
    %c0_i32 = arith.constant 0 : i32
    %c0_i32_0 = arith.constant 0 : i32
    %c0_i32_1 = arith.constant 0 : i32
    return %c1_i32, %c0_i32, %c0_i32_0 : i32, i32, i32
  }
  func.func @transform_2(%arg0: i32) -> (i32, i32) {
    %c0_i32 = arith.constant 0 : i32
    %c0_i32_0 = arith.constant 0 : i32
    %c0_i32_1 = arith.constant 0 : i32
    return %c0_i32, %c0_i32_0 : i32, i32
  }
  func.func @transform_3(%arg0: i32) -> (i32, i32) {
    %c0_i32 = arith.constant 0 : i32
    %c0_i32_0 = arith.constant 0 : i32
    %c0_i32_1 = arith.constant 0 : i32
    return %c0_i32, %c0_i32_0 : i32, i32
  }
  func.func @transform_4(%arg0: i32) -> (i32, i32) {
    %c0_i32 = arith.constant 0 : i32
    %c0_i32_0 = arith.constant 0 : i32
    %c0_i32_1 = arith.constant 0 : i32
    return %c0_i32, %c0_i32_0 : i32, i32
  }
  func.func @transform_5(%arg0: i32) -> (i32, i32) {
    %c0_i32 = arith.constant 0 : i32
    %c0_i32_0 = arith.constant 0 : i32
    %c0_i32_1 = arith.constant 0 : i32
    return %c0_i32, %c0_i32_0 : i32, i32
  }
  func.func @transform_6(%arg0: i32) -> (i32, i32) {
    %c0_i32 = arith.constant 0 : i32
    %c0_i32_0 = arith.constant 0 : i32
    %c0_i32_1 = arith.constant 0 : i32
    return %c0_i32, %c0_i32_0 : i32, i32
  }
}

</mosaic_0001>

<sc_bundles>
// kernel: kernel.11.cloned.1.call-start
scs
__scs_entry_jumppad:
0x0: {  	(pc) =	sbr.rel $0x88, $3  }
0x1: {  	(tag) =	ssettag $0x0;
	lr =	simm.s32 $0x1  }
0x2: {  	[smem:$0x3F9B] =	sst lr;
	_ =	strace $0xD0000000  }
0x3: {  	_ = 	snop  }
0x4: {  	_ = 	snop  }
0x5: {  	_ = 	snop  }
0x6: {  	_ = 	snop  }
0x7: {  	_ = 	snop  }
__scs_overlays_trampoline_lowered:
0x8: {  	[smem:$0x3FAA] =	sst s0  }
0x9: {  	[smem:$0x3FAB] =	sst s1  }
0xa: {  	[smem:$0x3FAC] =	sst s2  }
0xb: {  	[smem:$0x3FAD] =	sst s3  }
0xc: {  	[smem:$0x3FAE] =	sst s4  }
0xd: {  	[smem:$0x3FAF] =	sst s5  }
0xe: {  	[smem:$0x3FB0] =	sst s6  }
0xf: {  	[smem:$0x3FB1] =	sst s7  }
0x10: {  	[smem:$0x3FB2] =	sst s8  }
0x11: {  	[smem:$0x3FB3] =	sst s9;
	s0 =	simm.s32 @!p0 $0x0  }
0x12: {  	s1 =	sld [smem:$0x3F99];
	s0 =	simm.s32 @p0 $0x1  }
0x13: {  	[smem:$0x3FB4] =	sst s0;
	s0 =	simm.s32 @!p1 $0x0  }
0x14: {  	s2 =	sld [smem:$0x3F98];
	s0 =	simm.s32 @p1 $0x1  }
0x15: {  	[smem:$0x3FB5] =	sst s0;
	s0 =	simm.s32 @!p2 $0x0  }
0x16: {  	s3 =	sld [smem:$0x3FDB];
	s0 =	simm.s32 @p2 $0x1  }
0x17: {  	s4 =	simm.s32 $0x1BF5;
	[smem:$0x3FB7] =	sst s0  }
0x18: {  	s0 =	sld [smem:$0x3F9A];
	_ =	swait.ge [sflag:s4], $0x0  }
0x19: {  	s7 =	sld [smem:$0x3F9B]  }
0x1a: {  	s8 =	sadd.s32 $0xFFFFE003, lr  }
0x1b: {  	s9 =	sadd.s32 $0xFFFFFEF7, lr;
	s5 =	simm.s32 $0xFFFFFFFF;
	p2 =	slt.u32 s8, $0xFFFFF086  }
0x1c: {  	p1 =	slt.u32 s9, $0xF7A;
	s5 =	simm.s32 @!p2 $0x0  }
0x1d: {  	s5 =	simm.s32 @p1 $0x1;
	p0 =	seq.s32 s7, s2  }
0x1e: {  	s7 =	smul.u32 @!p0 $0xF7A, s2;
	p2 =	seq.s32 @!p0 s5, $0x0  }
0x1f: {  	s9 =	smul.u32 $0xF7A, s1;
	s8 =	simm.s32 @!p0 $0x1BF5;
	p2 =	por !p2, p0  }
0x20: {  	[sflag:s8] =	ssyncset.s32 @!p0 $0xFFFFF086;
	s6 =	sadd.s32 @!p0 s3, s7;
	s7 =	simm.s32 @!p0 $0x108  }
0x21: {  	s3 =	sadd.s32 s3, s9;
	s6 =	sadd.s32 @!p0 $0x88, s6;
	s7 =	simm.s32 @p2 $0x1082  }
0x22: {  	[simem:s7], [sflag:s8] =	dma.local @!p0 [hbm:s6], $0xF7A  }
0x23: {  	s9 =	sor.u32 $0xD0000000, s2;
	s6 =	simm.s32 $0x108;
	_ =	swait.ge @!p0 [sflag:s8], $0x0  }
0x24: {  	s3 =	sadd.s32 $0x88, s3;
	s6 =	simm.s32 @!p1 $0x1082;
	[sflag:s4] =	ssyncset.s32 $0xFFFFF086  }
0x25: {  	[simem:s6], [sflag:s4] =	dma.local [hbm:s3], $0xF7A  }
0x26: {  	[smem:$0x3F9B] =	sst s1;
	(tag) =	ssettag s2;
	_ =	strace s9  }
0x27: {  	s1 =	sld [smem:$0x3FAB]  }
0x28: {  	s2 =	sld [smem:$0x3FAC]  }
0x29: {  	s4 =	sld [smem:$0x3FAE]  }
0x2a: {  	p0 =	seq.s32 s5, $0x0;
	s5 =	sld [smem:$0x3FAF]  }
0x2b: {  	s6 =	sld [smem:$0x3FB0]  }
0x2c: {  	s7 =	sld [smem:$0x3FB1]  }
0x2d: {  	s3 =	simm.s32 $0x108;
	s8 =	sld [smem:$0x3FB2]  }
0x2e: {  	s3 =	simm.s32 @!p0 $0x1082;
	s9 =	sld [smem:$0x3FB3]  }
0x2f: {  	lr =	sadd.s32 s0, s3;
	s0 =	sld [smem:$0x3FAA]  }
0x30: {  	s3 =	sld [smem:$0x3FAD]  }
0x31: {  	[smem:$0x3FB6] =	sst s10  }
0x32: {  	s10 =	sld [smem:$0x3FB4];
	_ =	sdelay $0x3  }
0x33: {  	p0 =	seq.s32 s10, $0x1;
	s10 =	sld [smem:$0x3FB6];
	_ =	sdelay $0x3  }
0x34: {  	[smem:$0x3FB6] =	sst s10  }
0x35: {  	s10 =	sld [smem:$0x3FB5];
	_ =	sdelay $0x3  }
0x36: {  	p1 =	seq.s32 s10, $0x1;
	s10 =	sld [smem:$0x3FB6];
	_ =	sdelay $0x3  }
0x37: {  	[smem:$0x3FB6] =	sst s10  }
0x38: {  	s10 =	sld [smem:$0x3FB7]  }
0x39: {  	_ = 	snop;
	(pc) =	sbr.ind lr, $3  }
0x3a: {  	_ = 	snop  }
0x3b: {  	_ = 	snop  }
0x3c: {  	p2 =	seq.s32 s10, $0x1;
	s10 =	sld [smem:$0x3FB6]  }
0x3d: {  	_ =	shalt  }
0x3e: {  	_ =	shalt  }
0x3f: {  	_ =	shalt  }
0x40: {  	_ =	shalt  }
0x41: {  	_ =	shalt  }
0x42: {  	_ =	shalt  }
0x43: {  	_ =	shalt  }
0x44: {  	_ =	shalt  }
0x45: {  	_ =	shalt  }
0x46: {  	_ =	shalt  }
0x47: {  	_ =	shalt  }
0x48: {  	_ =	shalt  }
0x49: {  	_ =	shalt  }
0x4a: {  	_ =	shalt  }
0x4b: {  	_ =	shalt  }
0x4c: {  	_ =	shalt  }
0x4d: {  	_ =	shalt  }
0x4e: {  	_ =	shalt  }
0x4f: {  	_ =	shalt  }
0x50: {  	_ =	shalt  }
0x51: {  	_ =	shalt  }
0x52: {  	_ =	shalt  }
0x53: {  	_ =	shalt  }
0x54: {  	_ =	shalt  }
0x55: {  	_ =	shalt  }
0x56: {  	_ =	shalt  }
0x57: {  	_ =	shalt  }
0x58: {  	_ =	shalt  }
0x59: {  	_ =	shalt  }
0x5a: {  	_ =	shalt  }
0x5b: {  	_ =	shalt  }
0x5c: {  	_ =	shalt  }
0x5d: {  	_ =	shalt  }
0x5e: {  	_ =	shalt  }
0x5f: {  	_ =	shalt  }
0x60: {  	_ =	shalt  }
0x61: {  	_ =	shalt  }
0x62: {  	_ =	shalt  }
0x63: {  	_ =	shalt  }
0x64: {  	_ =	shalt  }
0x65: {  	_ =	shalt  }
0x66: {  	_ =	shalt  }
0x67: {  	_ =	shalt  }
0x68: {  	_ =	shalt  }
0x69: {  	_ =	shalt  }
0x6a: {  	_ =	shalt  }
0x6b: {  	_ =	shalt  }
0x6c: {  	_ =	shalt  }
0x6d: {  	_ =	shalt  }
0x6e: {  	_ =	shalt  }
0x6f: {  	_ =	shalt  }
0x70: {  	_ =	shalt  }
0x71: {  	_ =	shalt  }
0x72: {  	_ =	shalt  }
0x73: {  	_ =	shalt  }
0x74: {  	_ =	shalt  }
0x75: {  	_ =	shalt  }
0x76: {  	_ =	shalt  }
0x77: {  	_ =	shalt  }
0x78: {  	_ =	shalt  }
0x79: {  	_ =	shalt  }
0x7a: {  	_ =	shalt  }
0x7b: {  	_ =	shalt  }
0x7c: {  	_ =	shalt  }
0x7d: {  	_ =	shalt  }
0x7e: {  	_ =	shalt  }
0x7f: {  	_ =	shalt  }
0x80: {  	_ =	shalt  }
0x81: {  	_ =	shalt  }
0x82: {  	_ =	shalt  }
0x83: {  	_ =	shalt  }
0x84: {  	_ =	shalt  }
0x85: {  	_ =	shalt  }
0x86: {  	_ =	shalt  }
0x87: {  	_ =	shalt  }
.Lfunc_end0:
.L_simem_size_0:
called_computation.1_lowered:
.L_overlay_start_0:
0x88: {  	s2 =	sld [smem:$0x3FD9]  }
0x89: {  	s3 =	sld [smem:$0x3FFE];
	_ =	sdelay $0x1  }
0x8a: {  	s1 =	srdreg.scid  }
0x8b: {  	s0 =	sand.u32 $0x1, s1  }
0x8c: {  	s17 =	sshll.u32 s0, $0xA;
	s2 =	sadd.s32 s3, s2  }
0x8d: {  	s2 =	sadd.s32 s2, s17  }
0x8e: {  	[smem:$0x3FC2] =	sst s2  }
0x8f: {  	_ = 	snop  }
0x90: {  	s2 =	sld [smem:$0x3FD0];
	(tm) =	ssettm $0x1  }
0x91: {  	s18 =	sld [smem:$0x3FFB];
	_ =	sdelay $0x3  }
0x92: {  	_ =	strace s18  }
0x93: {  	s3 =	sld [smem:$0x3FFC];
	_ =	sdelay $0x3  }
0x94: {  	_ =	strace s3  }
0x95: {  	s3 =	sld [smem:$0x3FFD];
	_ =	sdelay $0x3  }
0x96: {  	_ =	strace s3  }
0x97: {  	_ =	strace $0x8FFFFFFF  }
0x98: {  	s19 =	sld [smem:$0x3FDB];
	_ =	sdelay $0x1  }
0x99: {  	s4 =	simm.s32 $_scs_section_size  }
0x9a: {  	s5 =	simm.s32 $_size__tile_overlayer_lowered;
	s6 =	simm.s32 $_tile_overlayer_lowered  }
0x9b: {  	s22 =	simm.s32 $0x1BFF;
	s21 =	sshll.u32 s6, $0x1;
	s3 =	sadd.s32 s4, s19  }
0x9c: {  	s7 =	simm.s32 $0x0;
	s20 =	sshll.u32 s5, $0x1;
	s5 =	sadd.s32 s21, s3  }
0x9d: {  	[timem:s7], [sflag:s22] =	dma.local [hbm:s5], s20  }
0x9e: {  	_ =	swait.ge [sflag:s22], s20  }
0x9f: {  	s4 =	ssub.s32 $0x0, s20;
	[sflag:s22] =	ssyncset.done $0x0  }
0xa0: {  	[sflag:s22] =	ssyncadd.s32 s4;
	_ =	sdelay $0x1  }
0xa1: {  	s23 =	simm.s32 $0x1B8B  }
0xa2: {  	_ =	swait.ge [sflag:s23], $0x1  }
0xa3: {  	[sflag:s23] =	ssyncset.done $0x0  }
0xa4: {  	s25 =	simm.s32 $0x1B8E;
	s24 =	sld [smem:$0x3FFE];
	[sflag:s23] =	ssyncadd.s32 $0xFFFFFFFF  }
0xa5: {  	s26 =	simm.s32 $execute0_lowered;
	[smem:$0x3FD2] =	sst s25  }
0xa6: {  	s5 =	sshll.u32 s26, $0x1;
	_ =	strace $0x80000049;
	[dreg:$0x1] =	wrdreg $0xFFFFFFFF  }
0xa7: {  	s28 =	simm.s32 $_size_execute0_lowered;
	s3 =	sadd.s32 s3, s5;
	[dreg:$0x0] =	wrdreg $0x0  }
0xa8: {  	s5 =	sshll.u32 s28, $0x1;
	[dreg:$0x2] =	wrdreg s3  }
0xa9: {  	[dreg:$0x3] =	wrdreg s5  }
0xaa: {  	[dreg:$0x4] =	wrdreg $0xC0  }
0xab: {  	_ =	task [dreg:s7], $0x5FFFF  }
0xac: {  	[dreg:$0x1] =	wrdreg $0xFFFFFFFF  }
0xad: {  	[dreg:$0x0] =	wrdreg $0x60  }
0xae: {  	[dreg:$0x2] =	wrdreg s24  }
0xaf: {  	[dreg:$0x3] =	wrdreg s2  }
0xb0: {  	[dreg:$0x4] =	wrdreg $0x120000  }
0xb1: {  	[dreg:$0x5] =	wrdreg $0xF8000  }
0xb2: {  	[dreg:$0x6] =	wrdreg $0x9  }
0xb3: {  	_ =	task.clear_ibuf [dreg:s7], $0x7FFFF;
	_ =	strace $0x90000049  }
0xb4: {  	s29 =	simm.s32 $0x9;
	_ =	strace $0x8000004B  }
0xb5: {  	_ =	swait.ge [sflag:s29], $0x1  }
0xb6: {  	[sflag:s29] =	ssyncadd.s32 $0xFFFFFFFF  }
0xb7: {  	_ =	strace $0x9000004B  }
0xb8: {  	_ =	sfence  }
0xb9: {  	s30 =	sld [smem:$0x0];
	_ =	sdelay $0x2  }
0xba: {  	s31 =	sshll.u32 s1, $0xD;
	s1 =	sshrl.u32 s1, $0x2  }
0xbb: {  	s3 =	sand.u32 $0x4000, s31;
	s1 =	sadd.s32 s1, s30  }
0xbc: {  	s0 =	sor.u32 s3, s0;
	s1 =	sshll.u32 s1, $0x11  }
0xbd: {  	s0 =	sor.u32 s1, s0  }
0xbe: {  	s0 =	sadd.s32 $0x8F2B, s0  }
0xbf: {  	[sflag:s0] =	ssyncadd.remote.s32 $0x1  }
0xc0: {  	_ =	sfence.sel $0xFFFF  }
0xc1: {  	[dreg:$0x0] =	wrdreg $0xFFFFFFFF;
	(pc) =	sbr.abs _section_cstart, $3  }
0xc2: {  	[dreg:$0x1] =	wrdreg $0xFFFFFFFF  }
0xc3: {  	_ =	task.clear_ibuf [dreg:s7], $0x2FFFF;
	_ =	strace $0x9FFFFFFF  }
0xc4: {  	(tm) =	ssettm $0x7FFFFFFF  }
0xc5: {  	_ =	shalt  }
tec
execute0_lowered:
.L_overlay_start_1:
0x0: {  	(tag) =	ssettag $0x1  }
0x1: {  	s0 =	rddreg [dreg:$0x0]  }
0x2: {  	s1 =	rddreg [dreg:$0x1];
	s3 =	srdreg.scid  }
0x3: {  	s13 =	stileid.u32;
	s2 =	rddreg [dreg:$0x2];
	s12 =	simm.s32 $0x6  }
0x4: {  	s16 =	simm.s32 $0x80;
	s17 =	simm.s32 $0x5000;
	s18 =	simm.s32 $0x5800  }
0x5: {  	s20 =	simm.s32 $0x6000;
	s29 =	simm.s32 $0x8000;
	s31 =	simm.s32 $0x8800  }
0x6: {  	s19 =	simm.s32 $0x9800;
	s28 =	simm.s32 $0xA800;
	s30 =	simm.s32 $0x1  }
0x7: {  	s5 =	sand.u32 $0x1, s3;
	s4 =	sshll.u32 s13, $0x1;
	s3 =	rddreg [dreg:$0x3]  }
0x8: {  	s7 =	smul.u32 $0x2800, s13;
	s25 =	sshll.u32 s13, $0x6;
	s6 =	sor.u32 s5, s4  }
0x9: {  	s4 =	simm.s32 $0x0;
	s8 =	ssub.s32 $0x2, s5;
	s11 =	smul.u32 $0x28000, s5  }
0xa: {  	s13 =	sor.u32 $0x1C06, s25;
	s25 =	simm.s32 $0xC800;
	s6 =	smul.u32 $0x2800, s6  }
0xb: {  	[smem:$0x7FF] =	sst s4;
	s9 =	sshrl.u32 s7, $0x3;
	s10 =	sshrl.u32 s8, $0x1  }
0xc: {  	s5 =	sadd.s32 s7, s2;
	s21 =	sadd.s32 s7, s3;
	_ =	strace $0x8000004A  }
0xd: {  	s8 =	ssub.s32 s8, s10;
	s7 =	sadd.s32 s7, s11;
	s26 =	sshrl.u32 s21, $0x3  }
0xe: {  	s21 =	simm.s32 $0xB800;
	s11 =	simm.s32 $0xC000;
	[dreg:$0x6] =	wrdreg s5  }
0xf: {  	[dreg:$0xc] =	wrdreg s13;
	s6 =	sshrl.u32 s6, $0x3;
	s23 =	sshrl.u32 s7, $0x3  }
0x10: {  	s24 =	smax.u32 s8, $0x1;
	[dreg:$0xd] =	wrdreg s26;
	s26 =	simm.s32 $0x7800  }
0x11: {  	s7 =	simm.s32 $0x5;
	s6 =	sadd.s32 s6, s0;
	s0 =	sadd.s32 s9, s0  }
0x12: {  	s8 =	simm.s32 $0x3;
	[dreg:$0xb] =	wrdreg s24;
	s0 =	sadd.s32 $0x16200, s0  }
.Ltmp0:
0x13: {  	s22 =	sadd.s32 $0x2200, s6;
	[dreg:$0x7] =	wrdreg s0;
	(pc) =	sbr.rel .LBB2_1-.Ltmp0, $4  }
0x14: {  	s24 =	simm.s32 $0x7000;
	s6 =	sadd.s32 $0xC200, s6;
	[dreg:$0x8] =	wrdreg s22  }
0x15: {  	s9 =	simm.s32 $0x4;
	[dreg:$0x9] =	wrdreg s6;
	s0 =	sadd.s32 s1, s23  }
0x16: {  	s22 =	simm.s32 $0x6800;
	s23 =	simm.s32 $0xA000;
	s1 =	simm.s32 $0xB000  }
0x17: {  	v0 =	vimm.f32 $0.0e+00;
	s6 =	simm.s32 $0x2;
	[dreg:$0xa] =	wrdreg s0;
	s0 =	simm.s32 $0x9000  }
.LBB2_6:
0x18: {  	_ =	swait.ge [sflag:s7], $0x2000  }
0x19: {  	[sflag:s7] =	ssyncset.done $0x0  }
0x1a: {  	[sflag:s7] =	ssyncadd.s32 $0xFFFFE000  }
0x1b: {  	[bflag:$0x0] =	sbarrier.arrive $0xFFFF  }
0x1c: {  	s5 =	rddreg [dreg:$0x6]  }
0x1d: {  	s10 =	rddreg [dreg:$0xa]  }
0x1e: {  	s13 =	rddreg [dreg:$0xc];
	s4 =	sshrl.u32 s5, $0x3  }
0x1f: {  	[hbm:s10], [sflag:s13] =	dma.local [spmem:s4], $0x500  }
0x20: {  	_ =	swait.ge [sflag:s12], $0x500  }
0x21: {  	s14 =	rddreg [dreg:$0x5]  }
0x22: {  	s15 =	rddreg [dreg:$0xb];
	s4 =	sadd.s32 $0x1, s14  }
0x23: {  	p0 =	sne.s32 s4, s15  }
.Ltmp1:
0x24: {  	_ = 	snop;
	(pc) =	sbr.rel @!p0 .LBB2_7-.Ltmp1, $3  }
0x25: {  	_ =	sdelay $0x1  }
0x26: {  	[sflag:s12] =	ssyncset.done $0x0  }
0x27: {  	[sflag:s12] =	ssyncadd.s32 $0xFFFFFB00  }
.LBB2_1:
0x28: {  	[dreg:$0x5] =	wrdreg s4;
	s10 =	simm.s32 $0x40;
	s15 =	simm.s32 $0x0  }
.LBB2_2:
0x29: {  	p0 =	sne.s32 s10, $0x9FC0;
	[tilespmem:s15+$0xD000] =	vst v0;
	s15 =	smov.u32 s10;
	s10 =	sadd.s32 $0x40, s10  }
.Ltmp2:
0x2a: {  	(pc) =	sbr.rel @p0 .LBB2_2-.Ltmp2, $2  }
0x2b: {  	_ =	sdelay $0x2  }
0x2c: {  	s15 =	sshra.s32 s15, $0x2  }
0x2d: {  	[tilespmem:s15+$0xD000] =	vst v0;
	s4 =	simm.s32 $0xD000  }
0x2e: {  	[spmem:s5] =	stream.linear.scatter [tilespmem:s4], [sflag:$0x6], $0x2800, $0x38;
	[tilespmem:$0x14800] =	vst v63  }
0x2f: {  	_ =	swait.ge [sflag:s12], $0x2800  }
0x30: {  	[sflag:s12] =	ssyncset.done $0x0;
	s5 =	rddreg [dreg:$0x7]  }
0x31: {  	s10 =	rddreg [dreg:$0xd];
	[sflag:s12] =	ssyncadd.s32 $0xFFFFD800  }
0x32: {  	[spmem:s10], [sflag:s13] =	dma.local [hbm:s5], $0x500  }
0x33: {  	_ =	swait.ge [sflag:s12], $0x500  }
0x34: {  	[sflag:s12] =	ssyncset.done $0x0  }
0x35: {  	s10 =	simm.s32 $0x0;
	s13 =	rddreg [dreg:$0x8];
	[sflag:s12] =	ssyncadd.s32 $0xFFFFFB00  }
0x36: {  	[tilespmem:s10], [sflag:$0x6] =	stream.linear.gather [hbm4b:s13+s10], $0x2800, $0x38;
	[tilespmem:$0x14800] =	vst v63  }
0x37: {  	_ =	swait.ge [sflag:s12], $0x2800  }
0x38: {  	[sflag:s12] =	ssyncset.done $0x0  }
0x39: {  	s5 =	simm.s32 $0x2800;
	s14 =	rddreg [dreg:$0x9];
	[sflag:s12] =	ssyncadd.s32 $0xFFFFD800  }
0x3a: {  	[tilespmem:s5], [sflag:$0x6] =	stream.linear.gather [hbm4b:s14+s10], $0x2800, $0x38;
	[tilespmem:$0x14800] =	vst v63  }
0x3b: {  	_ =	swait.ge [sflag:s12], $0x2800  }
0x3c: {  	[sflag:s12] =	ssyncset.done $0x0  }
0x3d: {  	[sflag:s12] =	ssyncadd.s32 $0xFFFFD800  }
0x3e: {  	[bflag:$0x0] =	sbarrier.arrive $0xFFFF  }
0x3f: {  	[tilespmem:s17], [sflag:$0x1] =	stream.indirect.gather [spmem:s3], $0x10, s10, s16, $0xb8;
	[tilespmem:$0x14800] =	vst v63  }
0x40: {  	_ = 	snop  }
0x41: {  	[tilespmem:s18], [sflag:$0x1] =	stream.indirect.gather [spmem:s3], $0x10, s16, s16, $0xb8;
	[tilespmem:$0x14800] =	vst v63  }
0x42: {  	s15 =	simm.s32 $0x100  }
0x43: {  	[tilespmem:s20], [sflag:$0x1] =	stream.indirect.gather [spmem:s3], $0x10, s15, s16, $0xb8;
	[tilespmem:$0x14800] =	vst v63  }
0x44: {  	s13 =	simm.s32 $0x180  }
0x45: {  	[tilespmem:s22], [sflag:$0x1] =	stream.indirect.gather [spmem:s3], $0x10, s13, s16, $0xb8;
	[tilespmem:$0x14800] =	vst v63  }
0x46: {  	s14 =	simm.s32 $0x200  }
0x47: {  	[tilespmem:s24], [sflag:$0x2] =	stream.indirect.gather [spmem:s3], $0x10, s14, s16, $0xb8;
	[tilespmem:$0x14800] =	vst v63  }
0x48: {  	s15 =	simm.s32 $0x280  }
0x49: {  	[tilespmem:s26], [sflag:$0x2] =	stream.indirect.gather [spmem:s3], $0x10, s15, s16, $0xb8;
	[tilespmem:$0x14800] =	vst v63  }
0x4a: {  	s13 =	simm.s32 $0x300  }
0x4b: {  	[tilespmem:s29], [sflag:$0x2] =	stream.indirect.gather [spmem:s3], $0x10, s13, s16, $0xb8;
	[tilespmem:$0x14800] =	vst v63  }
0x4c: {  	s14 =	simm.s32 $0x380  }
0x4d: {  	[tilespmem:s31], [sflag:$0x2] =	stream.indirect.gather [spmem:s3], $0x10, s14, s16, $0xb8;
	[tilespmem:$0x14800] =	vst v63  }
0x4e: {  	s15 =	simm.s32 $0x400  }
0x4f: {  	[tilespmem:s0], [sflag:$0x3] =	stream.indirect.gather [spmem:s3], $0x10, s15, s16, $0xb8;
	[tilespmem:$0x14800] =	vst v63  }
0x50: {  	s13 =	simm.s32 $0x480  }
0x51: {  	[tilespmem:s19], [sflag:$0x3] =	stream.indirect.gather [spmem:s3], $0x10, s13, s16, $0xb8;
	[tilespmem:$0x14800] =	vst v63  }
0x52: {  	s14 =	simm.s32 $0x500  }
0x53: {  	[tilespmem:s23], [sflag:$0x3] =	stream.indirect.gather [spmem:s3], $0x10, s14, s16, $0xb8;
	[tilespmem:$0x14800] =	vst v63  }
0x54: {  	s15 =	simm.s32 $0x580  }
0x55: {  	[tilespmem:s28], [sflag:$0x3] =	stream.indirect.gather [spmem:s3], $0x10, s15, s16, $0xb8;
	[tilespmem:$0x14800] =	vst v63  }
0x56: {  	_ =	swait.ge [sflag:s30], $0x2000  }
0x57: {  	[sflag:s30] =	ssyncset.done $0x0  }
0x58: {  	[sflag:s30] =	ssyncadd.s32 $0xFFFFE000  }
0x59: {  	[spmem:s2] =	stream.indirect.scatter.add.f32 [tilespmem:s17], [sflag:$0x5], $0x10, s5, s16, $0xb8;
	[tilespmem:$0x14800] =	vst v63  }
0x5a: {  	s13 =	simm.s32 $0x2880  }
0x5b: {  	[spmem:s2] =	stream.indirect.scatter.add.f32 [tilespmem:s18], [sflag:$0x5], $0x10, s13, s16, $0xb8;
	[tilespmem:$0x14800] =	vst v63  }
0x5c: {  	s14 =	simm.s32 $0x2900  }
0x5d: {  	[spmem:s2] =	stream.indirect.scatter.add.f32 [tilespmem:s20], [sflag:$0x5], $0x10, s14, s16, $0xb8;
	[tilespmem:$0x14800] =	vst v63  }
0x5e: {  	s15 =	simm.s32 $0x2980  }
0x5f: {  	[spmem:s2] =	stream.indirect.scatter.add.f32 [tilespmem:s22], [sflag:$0x5], $0x10, s15, s16, $0xb8;
	[tilespmem:$0x14800] =	vst v63  }
0x60: {  	s5 =	simm.s32 $0x600  }
0x61: {  	[tilespmem:s1], [sflag:$0x4] =	stream.indirect.gather [spmem:s3], $0x10, s5, s16, $0xb8;
	[tilespmem:$0x14800] =	vst v63  }
0x62: {  	s13 =	simm.s32 $0x680  }
0x63: {  	[tilespmem:s21], [sflag:$0x4] =	stream.indirect.gather [spmem:s3], $0x10, s13, s16, $0xb8;
	[tilespmem:$0x14800] =	vst v63  }
0x64: {  	s14 =	simm.s32 $0x700  }
0x65: {  	[tilespmem:s11], [sflag:$0x4] =	stream.indirect.gather [spmem:s3], $0x10, s14, s16, $0xb8;
	[tilespmem:$0x14800] =	vst v63  }
0x66: {  	s15 =	simm.s32 $0x780  }
0x67: {  	[tilespmem:s25], [sflag:$0x4] =	stream.indirect.gather [spmem:s3], $0x10, s15, s16, $0xb8;
	[tilespmem:$0x14800] =	vst v63  }
0x68: {  	_ =	swait.ge [sflag:s6], $0x2000  }
0x69: {  	[sflag:s6] =	ssyncset.done $0x0  }
0x6a: {  	s5 =	simm.s32 $0x2A00;
	[sflag:s6] =	ssyncadd.s32 $0xFFFFE000  }
0x6b: {  	[spmem:s2] =	stream.indirect.scatter.add.f32 [tilespmem:s24], [sflag:$0x5], $0x10, s5, s16, $0xb8;
	[tilespmem:$0x14800] =	vst v63  }
0x6c: {  	s13 =	simm.s32 $0x2A80  }
0x6d: {  	[spmem:s2] =	stream.indirect.scatter.add.f32 [tilespmem:s26], [sflag:$0x5], $0x10, s13, s16, $0xb8;
	[tilespmem:$0x14800] =	vst v63  }
0x6e: {  	s14 =	simm.s32 $0x2B00  }
0x6f: {  	[spmem:s2] =	stream.indirect.scatter.add.f32 [tilespmem:s29], [sflag:$0x5], $0x10, s14, s16, $0xb8;
	[tilespmem:$0x14800] =	vst v63  }
0x70: {  	s15 =	simm.s32 $0x2B80  }
0x71: {  	[spmem:s2] =	stream.indirect.scatter.add.f32 [tilespmem:s31], [sflag:$0x5], $0x10, s15, s16, $0xb8;
	[tilespmem:$0x14800] =	vst v63  }
0x72: {  	_ =	swait.ge [sflag:s7], $0x2000  }
0x73: {  	[sflag:s7] =	ssyncset.done $0x0  }
0x74: {  	s5 =	simm.s32 $0x800;
	[sflag:s7] =	ssyncadd.s32 $0xFFFFE000  }
0x75: {  	[tilespmem:s17], [sflag:$0x1] =	stream.indirect.gather [spmem:s3], $0x10, s5, s16, $0xb8;
	[tilespmem:$0x14800] =	vst v63  }
0x76: {  	s13 =	simm.s32 $0x880  }
0x77: {  	[tilespmem:s18], [sflag:$0x1] =	stream.indirect.gather [spmem:s3], $0x10, s13, s16, $0xb8;
	[tilespmem:$0x14800] =	vst v63  }
0x78: {  	s14 =	simm.s32 $0x900  }
0x79: {  	[tilespmem:s20], [sflag:$0x1] =	stream.indirect.gather [spmem:s3], $0x10, s14, s16, $0xb8;
	[tilespmem:$0x14800] =	vst v63  }
0x7a: {  	s15 =	simm.s32 $0x980  }
0x7b: {  	[tilespmem:s22], [sflag:$0x1] =	stream.indirect.gather [spmem:s3], $0x10, s15, s16, $0xb8;
	[tilespmem:$0x14800] =	vst v63  }
0x7c: {  	_ =	swait.ge [sflag:s8], $0x2000  }
0x7d: {  	[sflag:s8] =	ssyncset.done $0x0  }
0x7e: {  	s5 =	simm.s32 $0x2C00;
	[sflag:s8] =	ssyncadd.s32 $0xFFFFE000  }
0x7f: {  	[spmem:s2] =	stream.indirect.scatter.add.f32 [tilespmem:s0], [sflag:$0x5], $0x10, s5, s16, $0xb8;
	[tilespmem:$0x14800] =	vst v63  }
0x80: {  	s13 =	simm.s32 $0x2C80  }
0x81: {  	[spmem:s2] =	stream.indirect.scatter.add.f32 [tilespmem:s19], [sflag:$0x5], $0x10, s13, s16, $0xb8;
	[tilespmem:$0x14800] =	vst v63  }
0x82: {  	s14 =	simm.s32 $0x2D00  }
0x83: {  	[spmem:s2] =	stream.indirect.scatter.add.f32 [tilespmem:s23], [sflag:$0x5], $0x10, s14, s16, $0xb8;
	[tilespmem:$0x14800] =	vst v63  }
0x84: {  	s15 =	simm.s32 $0x2D80  }
0x85: {  	[spmem:s2] =	stream.indirect.scatter.add.f32 [tilespmem:s28], [sflag:$0x5], $0x10, s15, s16, $0xb8;
	[tilespmem:$0x14800] =	vst v63  }
0x86: {  	_ =	swait.ge [sflag:s7], $0x2000  }
0x87: {  	[sflag:s7] =	ssyncset.done $0x0  }
0x88: {  	s5 =	simm.s32 $0xA00;
	[sflag:s7] =	ssyncadd.s32 $0xFFFFE000  }
0x89: {  	[tilespmem:s24], [sflag:$0x2] =	stream.indirect.gather [spmem:s3], $0x10, s5, s16, $0xb8;
	[tilespmem:$0x14800] =	vst v63  }
0x8a: {  	s13 =	simm.s32 $0xA80  }
0x8b: {  	[tilespmem:s26], [sflag:$0x2] =	stream.indirect.gather [spmem:s3], $0x10, s13, s16, $0xb8;
	[tilespmem:$0x14800] =	vst v63  }
0x8c: {  	s14 =	simm.s32 $0xB00  }
0x8d: {  	[tilespmem:s29], [sflag:$0x2] =	stream.indirect.gather [spmem:s3], $0x10, s14, s16, $0xb8;
	[tilespmem:$0x14800] =	vst v63  }
0x8e: {  	s15 =	simm.s32 $0xB80  }
0x8f: {  	[tilespmem:s31], [sflag:$0x2] =	stream.indirect.gather [spmem:s3], $0x10, s15, s16, $0xb8;
	[tilespmem:$0x14800] =	vst v63  }
0x90: {  	_ =	swait.ge [sflag:s9], $0x2000  }
0x91: {  	[sflag:s9] =	ssyncset.done $0x0  }
0x92: {  	s5 =	simm.s32 $0x2E00;
	[sflag:s9] =	ssyncadd.s32 $0xFFFFE000  }
0x93: {  	[spmem:s2] =	stream.indirect.scatter.add.f32 [tilespmem:s1], [sflag:$0x5], $0x10, s5, s16, $0xb8;
	[tilespmem:$0x14800] =	vst v63  }
0x94: {  	s13 =	simm.s32 $0x2E80  }
0x95: {  	[spmem:s2] =	stream.indirect.scatter.add.f32 [tilespmem:s21], [sflag:$0x5], $0x10, s13, s16, $0xb8;
	[tilespmem:$0x14800] =	vst v63  }
0x96: {  	s14 =	simm.s32 $0x2F00  }
0x97: {  	[spmem:s2] =	stream.indirect.scatter.add.f32 [tilespmem:s11], [sflag:$0x5], $0x10, s14, s16, $0xb8;
	[tilespmem:$0x14800] =	vst v63  }
0x98: {  	s15 =	simm.s32 $0x2F80  }
0x99: {  	[spmem:s2] =	stream.indirect.scatter.add.f32 [tilespmem:s25], [sflag:$0x5], $0x10, s15, s16, $0xb8;
	[tilespmem:$0x14800] =	vst v63  }
0x9a: {  	_ =	swait.ge [sflag:s7], $0x2000  }
0x9b: {  	[sflag:s7] =	ssyncset.done $0x0  }
0x9c: {  	s5 =	simm.s32 $0xC00;
	[sflag:s7] =	ssyncadd.s32 $0xFFFFE000  }
0x9d: {  	[tilespmem:s0], [sflag:$0x3] =	stream.indirect.gather [spmem:s3], $0x10, s5, s16, $0xb8;
	[tilespmem:$0x14800] =	vst v63  }
0x9e: {  	s13 =	simm.s32 $0xC80  }
0x9f: {  	[tilespmem:s19], [sflag:$0x3] =	stream.indirect.gather [spmem:s3], $0x10, s13, s16, $0xb8;
	[tilespmem:$0x14800] =	vst v63  }
0xa0: {  	s14 =	simm.s32 $0xD00  }
0xa1: {  	[tilespmem:s23], [sflag:$0x3] =	stream.indirect.gather [spmem:s3], $0x10, s14, s16, $0xb8;
	[tilespmem:$0x14800] =	vst v63  }
0xa2: {  	s15 =	simm.s32 $0xD80  }
0xa3: {  	[tilespmem:s28], [sflag:$0x3] =	stream.indirect.gather [spmem:s3], $0x10, s15, s16, $0xb8;
	[tilespmem:$0x14800] =	vst v63  }
.LBB2_4:
0xa4: {  	_ =	swait.ge [sflag:s30], $0x2000  }
0xa5: {  	s15 =	sshra.s32 s10, $0x2;
	[sflag:s30] =	ssyncset.done $0x0  }
0xa6: {  	s14 =	sadd.s32 $0x3000, s15;
	[sflag:s30] =	ssyncadd.s32 $0xFFFFE000  }
0xa7: {  	[spmem:s2] =	stream.indirect.scatter.add.f32 [tilespmem:s17], [sflag:$0x5], $0x10, s14, s16, $0xb8;
	[tilespmem:$0x14800] =	vst v63  }
0xa8: {  	s13 =	sadd.s32 $0x3080, s15  }
0xa9: {  	[spmem:s2] =	stream.indirect.scatter.add.f32 [tilespmem:s18], [sflag:$0x5], $0x10, s13, s16, $0xb8;
	[tilespmem:$0x14800] =	vst v63  }
0xaa: {  	s4 =	sadd.s32 $0x3100, s15  }
0xab: {  	[spmem:s2] =	stream.indirect.scatter.add.f32 [tilespmem:s20], [sflag:$0x5], $0x10, s4, s16, $0xb8;
	[tilespmem:$0x14800] =	vst v63  }
0xac: {  	s5 =	sadd.s32 $0x3180, s15  }
0xad: {  	[spmem:s2] =	stream.indirect.scatter.add.f32 [tilespmem:s22], [sflag:$0x5], $0x10, s5, s16, $0xb8;
	[tilespmem:$0x14800] =	vst v63  }
0xae: {  	_ =	swait.ge [sflag:s7], $0x2000  }
0xaf: {  	[sflag:s7] =	ssyncset.done $0x0  }
0xb0: {  	s13 =	sadd.s32 $0xE00, s15;
	[sflag:s7] =	ssyncadd.s32 $0xFFFFE000  }
0xb1: {  	[tilespmem:s1], [sflag:$0x4] =	stream.indirect.gather [spmem:s3], $0x10, s13, s16, $0xb8;
	[tilespmem:$0x14800] =	vst v63  }
0xb2: {  	s4 =	sadd.s32 $0xE80, s15  }
0xb3: {  	[tilespmem:s21], [sflag:$0x4] =	stream.indirect.gather [spmem:s3], $0x10, s4, s16, $0xb8;
	[tilespmem:$0x14800] =	vst v63  }
0xb4: {  	s5 =	sadd.s32 $0xF00, s15  }
0xb5: {  	[tilespmem:s11], [sflag:$0x4] =	stream.indirect.gather [spmem:s3], $0x10, s5, s16, $0xb8;
	[tilespmem:$0x14800] =	vst v63  }
0xb6: {  	s13 =	sadd.s32 $0xF80, s15  }
0xb7: {  	[tilespmem:s25], [sflag:$0x4] =	stream.indirect.gather [spmem:s3], $0x10, s13, s16, $0xb8;
	[tilespmem:$0x14800] =	vst v63  }
0xb8: {  	_ =	swait.ge [sflag:s6], $0x2000  }
0xb9: {  	[sflag:s6] =	ssyncset.done $0x0  }
0xba: {  	s4 =	sadd.s32 $0x3200, s15;
	[sflag:s6] =	ssyncadd.s32 $0xFFFFE000  }
0xbb: {  	[spmem:s2] =	stream.indirect.scatter.add.f32 [tilespmem:s24], [sflag:$0x5], $0x10, s4, s16, $0xb8;
	[tilespmem:$0x14800] =	vst v63  }
0xbc: {  	s5 =	sadd.s32 $0x3280, s15  }
0xbd: {  	[spmem:s2] =	stream.indirect.scatter.add.f32 [tilespmem:s26], [sflag:$0x5], $0x10, s5, s16, $0xb8;
	[tilespmem:$0x14800] =	vst v63  }
0xbe: {  	s13 =	sadd.s32 $0x3300, s15  }
0xbf: {  	[spmem:s2] =	stream.indirect.scatter.add.f32 [tilespmem:s29], [sflag:$0x5], $0x10, s13, s16, $0xb8;
	[tilespmem:$0x14800] =	vst v63  }
0xc0: {  	p0 =	seq.s32 s10, $0x6000;
	s4 =	sadd.s32 $0x3380, s15  }
0xc1: {  	[spmem:s2] =	stream.indirect.scatter.add.f32 [tilespmem:s31], [sflag:$0x5], $0x10, s4, s16, $0xb8;
	[tilespmem:$0x14800] =	vst v63  }
0xc2: {  	s14 =	sshra.s32 @!p0 s10, $0x2;
	_ =	swait.ge [sflag:s7], $0x2000  }
0xc3: {  	s5 =	sadd.s32 @!p0 $0x1000, s14;
	[sflag:s7] =	ssyncset.done $0x0  }
0xc4: {  	s13 =	simm.s32 @!p0 $0x80;
	s4 =	simm.s32 @!p0 $0x5000;
	[sflag:s7] =	ssyncadd.s32 $0xFFFFE000  }
0xc5: {  	[tilespmem:s4], [sflag:$0x1] =	stream.indirect.gather @!p0 [spmem:s3], $0x10, s5, s13, $0xb8;
	[tilespmem:$0x14800] =	vst v63  }
0xc6: {  	s4 =	sadd.s32 @!p0 $0x1080, s14;
	s5 =	simm.s32 @!p0 $0x5800  }
0xc7: {  	[tilespmem:s5], [sflag:$0x1] =	stream.indirect.gather @!p0 [spmem:s3], $0x10, s4, s13, $0xb8;
	[tilespmem:$0x14800] =	vst v63  }
0xc8: {  	s4 =	sadd.s32 @!p0 $0x1100, s14;
	s5 =	simm.s32 @!p0 $0x6000  }
0xc9: {  	[tilespmem:s5], [sflag:$0x1] =	stream.indirect.gather @!p0 [spmem:s3], $0x10, s4, s13, $0xb8;
	[tilespmem:$0x14800] =	vst v63  }
0xca: {  	s4 =	sadd.s32 @!p0 $0x1180, s14;
	s5 =	simm.s32 @!p0 $0x6800  }
0xcb: {  	[tilespmem:s5], [sflag:$0x1] =	stream.indirect.gather @!p0 [spmem:s3], $0x10, s4, s13, $0xb8;
	[tilespmem:$0x14800] =	vst v63  }
0xcc: {  	_ =	swait.ge [sflag:s8], $0x2000  }
0xcd: {  	[sflag:s8] =	ssyncset.done $0x0  }
0xce: {  	s5 =	sadd.s32 $0x3400, s15;
	[sflag:s8] =	ssyncadd.s32 $0xFFFFE000  }
0xcf: {  	[spmem:s2] =	stream.indirect.scatter.add.f32 [tilespmem:s0], [sflag:$0x5], $0x10, s5, s16, $0xb8;
	[tilespmem:$0x14800] =	vst v63  }
0xd0: {  	s5 =	sadd.s32 $0x3480, s15  }
0xd1: {  	[spmem:s2] =	stream.indirect.scatter.add.f32 [tilespmem:s19], [sflag:$0x5], $0x10, s5, s16, $0xb8;
	[tilespmem:$0x14800] =	vst v63  }
0xd2: {  	s5 =	sadd.s32 $0x3500, s15  }
0xd3: {  	[spmem:s2] =	stream.indirect.scatter.add.f32 [tilespmem:s23], [sflag:$0x5], $0x10, s5, s16, $0xb8;
	[tilespmem:$0x14800] =	vst v63  }
0xd4: {  	s5 =	sadd.s32 $0x3580, s15  }
0xd5: {  	[spmem:s2] =	stream.indirect.scatter.add.f32 [tilespmem:s28], [sflag:$0x5], $0x10, s5, s16, $0xb8;
	[tilespmem:$0x14800] =	vst v63  }
0xd6: {  	_ =	swait.ge [sflag:s7], $0x2000  }
0xd7: {  	[sflag:s7] =	ssyncset.done $0x0  }
0xd8: {  	s4 =	sadd.s32 @!p0 $0x1200, s14;
	s5 =	simm.s32 @!p0 $0x7000;
	[sflag:s7] =	ssyncadd.s32 $0xFFFFE000  }
0xd9: {  	[tilespmem:s5], [sflag:$0x2] =	stream.indirect.gather @!p0 [spmem:s3], $0x10, s4, s13, $0xb8;
	[tilespmem:$0x14800] =	vst v63  }
0xda: {  	s4 =	sadd.s32 @!p0 $0x1280, s14;
	s5 =	simm.s32 @!p0 $0x7800  }
0xdb: {  	[tilespmem:s5], [sflag:$0x2] =	stream.indirect.gather @!p0 [spmem:s3], $0x10, s4, s13, $0xb8;
	[tilespmem:$0x14800] =	vst v63  }
0xdc: {  	s4 =	sadd.s32 @!p0 $0x1300, s14;
	s5 =	simm.s32 @!p0 $0x8000  }
0xdd: {  	[tilespmem:s5], [sflag:$0x2] =	stream.indirect.gather @!p0 [spmem:s3], $0x10, s4, s13, $0xb8;
	[tilespmem:$0x14800] =	vst v63  }
0xde: {  	s4 =	sadd.s32 @!p0 $0x1380, s14;
	s5 =	simm.s32 @!p0 $0x8800  }
0xdf: {  	[tilespmem:s5], [sflag:$0x2] =	stream.indirect.gather @!p0 [spmem:s3], $0x10, s4, s13, $0xb8;
	[tilespmem:$0x14800] =	vst v63  }
0xe0: {  	_ =	swait.ge [sflag:s9], $0x2000  }
0xe1: {  	[sflag:s9] =	ssyncset.done $0x0  }
0xe2: {  	s14 =	sadd.s32 $0x3600, s15;
	[sflag:s9] =	ssyncadd.s32 $0xFFFFE000  }
0xe3: {  	[spmem:s2] =	stream.indirect.scatter.add.f32 [tilespmem:s1], [sflag:$0x5], $0x10, s14, s16, $0xb8;
	[tilespmem:$0x14800] =	vst v63  }
0xe4: {  	s5 =	sadd.s32 $0x3680, s15  }
0xe5: {  	[spmem:s2] =	stream.indirect.scatter.add.f32 [tilespmem:s21], [sflag:$0x5], $0x10, s5, s16, $0xb8;
	[tilespmem:$0x14800] =	vst v63  }
0xe6: {  	s13 =	sadd.s32 $0x3700, s15  }
0xe7: {  	[spmem:s2] =	stream.indirect.scatter.add.f32 [tilespmem:s11], [sflag:$0x5], $0x10, s13, s16, $0xb8;
	[tilespmem:$0x14800] =	vst v63  }
.Ltmp3:
0xe8: {  	s14 =	sadd.s32 $0x3780, s15;
	(pc) =	sbr.rel @p0 .LBB2_6-.Ltmp3, $4  }
0xe9: {  	[spmem:s2] =	stream.indirect.scatter.add.f32 [tilespmem:s25], [sflag:$0x5], $0x10, s14, s16, $0xb8;
	[tilespmem:$0x14800] =	vst v63  }
0xea: {  	_ =	swait.ge [sflag:s7], $0x2000  }
0xeb: {  	[sflag:s7] =	ssyncset.done $0x0  }
0xec: {  	[sflag:s7] =	ssyncadd.s32 $0xFFFFE000  }
0xed: {  	s4 =	sadd.s32 $0x1400, s15  }
0xee: {  	[tilespmem:s0], [sflag:$0x3] =	stream.indirect.gather [spmem:s3], $0x10, s4, s16, $0xb8;
	[tilespmem:$0x14800] =	vst v63  }
0xef: {  	s13 =	sadd.s32 $0x1480, s15  }
0xf0: {  	[tilespmem:s19], [sflag:$0x3] =	stream.indirect.gather [spmem:s3], $0x10, s13, s16, $0xb8;
	[tilespmem:$0x14800] =	vst v63  }
.Ltmp4:
0xf1: {  	_ = 	snop;
	(pc) =	sbr.rel .LBB2_4-.Ltmp4, $4  }
0xf2: {  	s14 =	sadd.s32 $0x1500, s15  }
0xf3: {  	[tilespmem:s23], [sflag:$0x3] =	stream.indirect.gather [spmem:s3], $0x10, s14, s16, $0xb8;
	[tilespmem:$0x14800] =	vst v63  }
0xf4: {  	s15 =	sadd.s32 $0x1580, s15;
	s10 =	sadd.s32 $0x2000, s10  }
0xf5: {  	[tilespmem:s28], [sflag:$0x3] =	stream.indirect.gather [spmem:s3], $0x10, s15, s16, $0xb8;
	[tilespmem:$0x14800] =	vst v63  }
.LBB2_7:
0xf6: {  	_ =	sfence.sel $0x180000  }
0xf7: {  	[bflag:$0x0] =	sbarrier.arrive $0xFFFF  }
0xf8: {  	_ =	strace $0x9000004A  }
0xf9: {  	s0 =	stileid.u32;
	[bflag:$0x2] =	sbarrier.arrive $0xFFFF  }
0xfa: {  	p0 =	sne.s32 s0, $0x0;
	s0 =	rddreg [dreg:$0x4]  }
0xfb: {  	s0 =	sadd.s32 @!p0 $0x100000, s0  }
0xfc: {  	[sflag:s0] =	ssyncadd.tile.s32 @!p0 $0x1;
	_ =	shalt  }
.Lfunc_end2:
_tile_overlayer_lowered:
.L_overlay_start_2:
0xfd: {  	(tag) =	ssettag $0x2  }
0xfe: {  	s0 =	rddreg [dreg:$0x0];
	s2 =	stileid.u32  }
0xff: {  	s1 =	rddreg [dreg:$0x1];
	p0 =	sne.s32 s2, $0x0  }
0x100: {  	s3 =	rddreg [dreg:$0x2];
	[bflag:$0x3] =	sbarrier.arrive $0xFFFF;
	s2 =	simm.s32 @!p0 $0x1C06  }
0x101: {  	[timem:s3], [sflag:s2] =	dma.local @!p0 [hbm:s0], s1  }
0x102: {  	s0 =	simm.s32 @!p0 $0x6  }
0x103: {  	_ =	swait.ge @!p0 [sflag:s0], s1  }
0x104: {  	s1 =	ssub.s32 @!p0 $0x0, s1;
	[sflag:s0] =	ssyncset.done @!p0 $0x0  }
0x105: {  	[sflag:s0] =	ssyncadd.s32 @!p0 s1  }
0x106: {  	[bflag:$0x3] =	sbarrier.arrive $0xFFFF  }
0x107: {  	_ =	shalt  }

// kernel: kernel.14.cloned.1.call-start
scs
__scs_entry_jumppad:
0x0: {  	(pc) =	sbr.rel $0x88, $3  }
0x1: {  	(tag) =	ssettag $0x0;
	lr =	simm.s32 $0x1  }
0x2: {  	[smem:$0x3F9B] =	sst lr;
	_ =	strace $0xD0000000  }
0x3: {  	_ = 	snop  }
0x4: {  	_ = 	snop  }
0x5: {  	_ = 	snop  }
0x6: {  	_ = 	snop  }
0x7: {  	_ = 	snop  }
__scs_overlays_trampoline_lowered:
0x8: {  	[smem:$0x3FAA] =	sst s0  }
0x9: {  	[smem:$0x3FAB] =	sst s1  }
0xa: {  	[smem:$0x3FAC] =	sst s2  }
0xb: {  	[smem:$0x3FAD] =	sst s3  }
0xc: {  	[smem:$0x3FAE] =	sst s4  }
0xd: {  	[smem:$0x3FAF] =	sst s5  }
0xe: {  	[smem:$0x3FB0] =	sst s6  }
0xf: {  	[smem:$0x3FB1] =	sst s7  }
0x10: {  	[smem:$0x3FB2] =	sst s8  }
0x11: {  	[smem:$0x3FB3] =	sst s9;
	s0 =	simm.s32 @!p0 $0x0  }
0x12: {  	s1 =	sld [smem:$0x3F99];
	s0 =	simm.s32 @p0 $0x1  }
0x13: {  	[smem:$0x3FB4] =	sst s0;
	s0 =	simm.s32 @!p1 $0x0  }
0x14: {  	s2 =	sld [smem:$0x3F98];
	s0 =	simm.s32 @p1 $0x1  }
0x15: {  	[smem:$0x3FB5] =	sst s0;
	s0 =	simm.s32 @!p2 $0x0  }
0x16: {  	s3 =	sld [smem:$0x3FDB];
	s0 =	simm.s32 @p2 $0x1  }
0x17: {  	s4 =	simm.s32 $0x1BF5;
	[smem:$0x3FB7] =	sst s0  }
0x18: {  	s0 =	sld [smem:$0x3F9A];
	_ =	swait.ge [sflag:s4], $0x0  }
0x19: {  	s7 =	sld [smem:$0x3F9B]  }
0x1a: {  	s8 =	sadd.s32 $0xFFFFE003, lr  }
0x1b: {  	s9 =	sadd.s32 $0xFFFFFEF7, lr;
	s5 =	simm.s32 $0xFFFFFFFF;
	p2 =	slt.u32 s8, $0xFFFFF086  }
0x1c: {  	p1 =	slt.u32 s9, $0xF7A;
	s5 =	simm.s32 @!p2 $0x0  }
0x1d: {  	s5 =	simm.s32 @p1 $0x1;
	p0 =	seq.s32 s7, s2  }
0x1e: {  	s7 =	smul.u32 @!p0 $0xF7A, s2;
	p2 =	seq.s32 @!p0 s5, $0x0  }
0x1f: {  	s9 =	smul.u32 $0xF7A, s1;
	s8 =	simm.s32 @!p0 $0x1BF5;
	p2 =	por !p2, p0  }
0x20: {  	[sflag:s8] =	ssyncset.s32 @!p0 $0xFFFFF086;
	s6 =	sadd.s32 @!p0 s3, s7;
	s7 =	simm.s32 @!p0 $0x108  }
0x21: {  	s3 =	sadd.s32 s3, s9;
	s6 =	sadd.s32 @!p0 $0x88, s6;
	s7 =	simm.s32 @p2 $0x1082  }
0x22: {  	[simem:s7], [sflag:s8] =	dma.local @!p0 [hbm:s6], $0xF7A  }
0x23: {  	s9 =	sor.u32 $0xD0000000, s2;
	s6 =	simm.s32 $0x108;
	_ =	swait.ge @!p0 [sflag:s8], $0x0  }
0x24: {  	s3 =	sadd.s32 $0x88, s3;
	s6 =	simm.s32 @!p1 $0x1082;
	[sflag:s4] =	ssyncset.s32 $0xFFFFF086  }
0x25: {  	[simem:s6], [sflag:s4] =	dma.local [hbm:s3], $0xF7A  }
0x26: {  	[smem:$0x3F9B] =	sst s1;
	(tag) =	ssettag s2;
	_ =	strace s9  }
0x27: {  	s1 =	sld [smem:$0x3FAB]  }
0x28: {  	s2 =	sld [smem:$0x3FAC]  }
0x29: {  	s4 =	sld [smem:$0x3FAE]  }
0x2a: {  	p0 =	seq.s32 s5, $0x0;
	s5 =	sld [smem:$0x3FAF]  }
0x2b: {  	s6 =	sld [smem:$0x3FB0]  }
0x2c: {  	s7 =	sld [smem:$0x3FB1]  }
0x2d: {  	s3 =	simm.s32 $0x108;
	s8 =	sld [smem:$0x3FB2]  }
0x2e: {  	s3 =	simm.s32 @!p0 $0x1082;
	s9 =	sld [smem:$0x3FB3]  }
0x2f: {  	lr =	sadd.s32 s0, s3;
	s0 =	sld [smem:$0x3FAA]  }
0x30: {  	s3 =	sld [smem:$0x3FAD]  }
0x31: {  	[smem:$0x3FB6] =	sst s10  }
0x32: {  	s10 =	sld [smem:$0x3FB4];
	_ =	sdelay $0x3  }
0x33: {  	p0 =	seq.s32 s10, $0x1;
	s10 =	sld [smem:$0x3FB6];
	_ =	sdelay $0x3  }
0x34: {  	[smem:$0x3FB6] =	sst s10  }
0x35: {  	s10 =	sld [smem:$0x3FB5];
	_ =	sdelay $0x3  }
0x36: {  	p1 =	seq.s32 s10, $0x1;
	s10 =	sld [smem:$0x3FB6];
	_ =	sdelay $0x3  }
0x37: {  	[smem:$0x3FB6] =	sst s10  }
0x38: {  	s10 =	sld [smem:$0x3FB7]  }
0x39: {  	_ = 	snop;
	(pc) =	sbr.ind lr, $3  }
0x3a: {  	_ = 	snop  }
0x3b: {  	_ = 	snop  }
0x3c: {  	p2 =	seq.s32 s10, $0x1;
	s10 =	sld [smem:$0x3FB6]  }
0x3d: {  	_ =	shalt  }
0x3e: {  	_ =	shalt  }
0x3f: {  	_ =	shalt  }
0x40: {  	_ =	shalt  }
0x41: {  	_ =	shalt  }
0x42: {  	_ =	shalt  }
0x43: {  	_ =	shalt  }
0x44: {  	_ =	shalt  }
0x45: {  	_ =	shalt  }
0x46: {  	_ =	shalt  }
0x47: {  	_ =	shalt  }
0x48: {  	_ =	shalt  }
0x49: {  	_ =	shalt  }
0x4a: {  	_ =	shalt  }
0x4b: {  	_ =	shalt  }
0x4c: {  	_ =	shalt  }
0x4d: {  	_ =	shalt  }
0x4e: {  	_ =	shalt  }
0x4f: {  	_ =	shalt  }
0x50: {  	_ =	shalt  }
0x51: {  	_ =	shalt  }
0x52: {  	_ =	shalt  }
0x53: {  	_ =	shalt  }
0x54: {  	_ =	shalt  }
0x55: {  	_ =	shalt  }
0x56: {  	_ =	shalt  }
0x57: {  	_ =	shalt  }
0x58: {  	_ =	shalt  }
0x59: {  	_ =	shalt  }
0x5a: {  	_ =	shalt  }
0x5b: {  	_ =	shalt  }
0x5c: {  	_ =	shalt  }
0x5d: {  	_ =	shalt  }
0x5e: {  	_ =	shalt  }
0x5f: {  	_ =	shalt  }
0x60: {  	_ =	shalt  }
0x61: {  	_ =	shalt  }
0x62: {  	_ =	shalt  }
0x63: {  	_ =	shalt  }
0x64: {  	_ =	shalt  }
0x65: {  	_ =	shalt  }
0x66: {  	_ =	shalt  }
0x67: {  	_ =	shalt  }
0x68: {  	_ =	shalt  }
0x69: {  	_ =	shalt  }
0x6a: {  	_ =	shalt  }
0x6b: {  	_ =	shalt  }
0x6c: {  	_ =	shalt  }
0x6d: {  	_ =	shalt  }
0x6e: {  	_ =	shalt  }
0x6f: {  	_ =	shalt  }
0x70: {  	_ =	shalt  }
0x71: {  	_ =	shalt  }
0x72: {  	_ =	shalt  }
0x73: {  	_ =	shalt  }
0x74: {  	_ =	shalt  }
0x75: {  	_ =	shalt  }
0x76: {  	_ =	shalt  }
0x77: {  	_ =	shalt  }
0x78: {  	_ =	shalt  }
0x79: {  	_ =	shalt  }
0x7a: {  	_ =	shalt  }
0x7b: {  	_ =	shalt  }
0x7c: {  	_ =	shalt  }
0x7d: {  	_ =	shalt  }
0x7e: {  	_ =	shalt  }
0x7f: {  	_ =	shalt  }
0x80: {  	_ =	shalt  }
0x81: {  	_ =	shalt  }
0x82: {  	_ =	shalt  }
0x83: {  	_ =	shalt  }
0x84: {  	_ =	shalt  }
0x85: {  	_ =	shalt  }
0x86: {  	_ =	shalt  }
0x87: {  	_ =	shalt  }
.Lfunc_end0:
.L_simem_size_0:
called_computation.2_lowered:
.L_overlay_start_0:
0x88: {  	s2 =	sld [smem:$0x3FD9]  }
0x89: {  	s3 =	sld [smem:$0x3FFE];
	_ =	sdelay $0x1  }
0x8a: {  	s1 =	srdreg.scid  }
0x8b: {  	s0 =	sand.u32 $0x1, s1  }
0x8c: {  	s17 =	sshll.u32 s0, $0xA;
	s2 =	sadd.s32 s3, s2  }
0x8d: {  	s2 =	sadd.s32 s2, s17  }
0x8e: {  	[smem:$0x3FC2] =	sst s2  }
0x8f: {  	_ = 	snop  }
0x90: {  	s2 =	sld [smem:$0x3FD0];
	(tm) =	ssettm $0x1  }
0x91: {  	s18 =	sld [smem:$0x3FFB];
	_ =	sdelay $0x3  }
0x92: {  	_ =	strace s18  }
0x93: {  	s3 =	sld [smem:$0x3FFC];
	_ =	sdelay $0x3  }
0x94: {  	_ =	strace s3  }
0x95: {  	s3 =	sld [smem:$0x3FFD];
	_ =	sdelay $0x3  }
0x96: {  	_ =	strace s3  }
0x97: {  	_ =	strace $0x8FFFFFFF  }
0x98: {  	s19 =	sld [smem:$0x3FDB];
	_ =	sdelay $0x1  }
0x99: {  	s4 =	simm.s32 $_scs_section_size  }
0x9a: {  	s5 =	simm.s32 $_size__tile_overlayer_lowered;
	s6 =	simm.s32 $_tile_overlayer_lowered  }
0x9b: {  	s22 =	simm.s32 $0x1BFF;
	s21 =	sshll.u32 s6, $0x1;
	s3 =	sadd.s32 s4, s19  }
0x9c: {  	s7 =	simm.s32 $0x0;
	s20 =	sshll.u32 s5, $0x1;
	s5 =	sadd.s32 s21, s3  }
0x9d: {  	[timem:s7], [sflag:s22] =	dma.local [hbm:s5], s20  }
0x9e: {  	_ =	swait.ge [sflag:s22], s20  }
0x9f: {  	s4 =	ssub.s32 $0x0, s20;
	[sflag:s22] =	ssyncset.done $0x0  }
0xa0: {  	[sflag:s22] =	ssyncadd.s32 s4;
	_ =	sdelay $0x1  }
0xa1: {  	s23 =	simm.s32 $0x1B8B  }
0xa2: {  	_ =	swait.ge [sflag:s23], $0x1  }
0xa3: {  	[sflag:s23] =	ssyncset.done $0x0  }
0xa4: {  	s25 =	simm.s32 $0x1B8E;
	s24 =	sld [smem:$0x3FFE];
	[sflag:s23] =	ssyncadd.s32 $0xFFFFFFFF  }
0xa5: {  	s26 =	simm.s32 $execute0_lowered;
	[smem:$0x3FD2] =	sst s25  }
0xa6: {  	s5 =	sshll.u32 s26, $0x1;
	_ =	strace $0x8000004C;
	[dreg:$0x1] =	wrdreg $0xFFFFFFFF  }
0xa7: {  	s28 =	simm.s32 $_size_execute0_lowered;
	s3 =	sadd.s32 s3, s5;
	[dreg:$0x0] =	wrdreg $0x0  }
0xa8: {  	s5 =	sshll.u32 s28, $0x1;
	[dreg:$0x2] =	wrdreg s3  }
0xa9: {  	[dreg:$0x3] =	wrdreg s5  }
0xaa: {  	[dreg:$0x4] =	wrdreg $0xC0  }
0xab: {  	_ =	task [dreg:s7], $0x5FFFF  }
0xac: {  	[dreg:$0x1] =	wrdreg $0xFFFFFFFF  }
0xad: {  	[dreg:$0x0] =	wrdreg $0x60  }
0xae: {  	[dreg:$0x2] =	wrdreg s24  }
0xaf: {  	[dreg:$0x3] =	wrdreg s2  }
0xb0: {  	[dreg:$0x4] =	wrdreg $0x120000  }
0xb1: {  	[dreg:$0x5] =	wrdreg $0xF8000  }
0xb2: {  	[dreg:$0x6] =	wrdreg $0x9  }
0xb3: {  	_ =	task.clear_ibuf [dreg:s7], $0x7FFFF;
	_ =	strace $0x9000004C  }
0xb4: {  	s29 =	simm.s32 $0x9;
	_ =	strace $0x8000004E  }
0xb5: {  	_ =	swait.ge [sflag:s29], $0x1  }
0xb6: {  	[sflag:s29] =	ssyncadd.s32 $0xFFFFFFFF  }
0xb7: {  	_ =	strace $0x9000004E  }
0xb8: {  	_ =	sfence  }
0xb9: {  	s30 =	sld [smem:$0x0];
	_ =	sdelay $0x2  }
0xba: {  	s31 =	sshll.u32 s1, $0xD;
	s1 =	sshrl.u32 s1, $0x2  }
0xbb: {  	s3 =	sand.u32 $0x4000, s31;
	s1 =	sadd.s32 s1, s30  }
0xbc: {  	s0 =	sor.u32 s3, s0;
	s1 =	sshll.u32 s1, $0x11  }
0xbd: {  	s0 =	sor.u32 s1, s0  }
0xbe: {  	s0 =	sadd.s32 $0x8F2B, s0  }
0xbf: {  	[sflag:s0] =	ssyncadd.remote.s32 $0x1  }
0xc0: {  	_ =	sfence.sel $0xFFFF  }
0xc1: {  	[dreg:$0x0] =	wrdreg $0xFFFFFFFF;
	(pc) =	sbr.abs _section_cstart, $3  }
0xc2: {  	[dreg:$0x1] =	wrdreg $0xFFFFFFFF  }
0xc3: {  	_ =	task.clear_ibuf [dreg:s7], $0x2FFFF;
	_ =	strace $0x9FFFFFFF  }
0xc4: {  	(tm) =	ssettm $0x7FFFFFFF  }
0xc5: {  	_ =	shalt  }
tec
execute0_lowered:
.L_overlay_start_1:
0x0: {  	(tag) =	ssettag $0x1  }
0x1: {  	s0 =	rddreg [dreg:$0x0]  }
0x2: {  	s1 =	rddreg [dreg:$0x1];
	s3 =	srdreg.scid  }
0x3: {  	s13 =	stileid.u32;
	s2 =	rddreg [dreg:$0x2];
	s12 =	simm.s32 $0x6  }
0x4: {  	s16 =	simm.s32 $0x80;
	s17 =	simm.s32 $0x5000;
	s18 =	simm.s32 $0x5800  }
0x5: {  	s20 =	simm.s32 $0x6000;
	s29 =	simm.s32 $0x8000;
	s31 =	simm.s32 $0x8800  }
0x6: {  	s19 =	simm.s32 $0x9800;
	s28 =	simm.s32 $0xA800;
	s30 =	simm.s32 $0x1  }
0x7: {  	s5 =	sand.u32 $0x1, s3;
	s4 =	sshll.u32 s13, $0x1;
	s3 =	rddreg [dreg:$0x3]  }
0x8: {  	s7 =	smul.u32 $0x2800, s13;
	s25 =	sshll.u32 s13, $0x6;
	s6 =	sor.u32 s5, s4  }
0x9: {  	s4 =	simm.s32 $0x0;
	s8 =	ssub.s32 $0x2, s5;
	s11 =	smul.u32 $0x28000, s5  }
0xa: {  	s13 =	sor.u32 $0x1C06, s25;
	s25 =	simm.s32 $0xC800;
	s6 =	smul.u32 $0x2800, s6  }
0xb: {  	[smem:$0x7FF] =	sst s4;
	s9 =	sshrl.u32 s7, $0x3;
	s10 =	sshrl.u32 s8, $0x1  }
0xc: {  	s5 =	sadd.s32 s7, s2;
	s21 =	sadd.s32 s7, s3;
	_ =	strace $0x8000004D  }
0xd: {  	s8 =	ssub.s32 s8, s10;
	s7 =	sadd.s32 s7, s11;
	s26 =	sshrl.u32 s21, $0x3  }
0xe: {  	s21 =	simm.s32 $0xB800;
	s11 =	simm.s32 $0xC000;
	[dreg:$0x6] =	wrdreg s5  }
0xf: {  	[dreg:$0xc] =	wrdreg s13;
	s6 =	sshrl.u32 s6, $0x3;
	s23 =	sshrl.u32 s7, $0x3  }
0x10: {  	s24 =	smax.u32 s8, $0x1;
	[dreg:$0xd] =	wrdreg s26;
	s26 =	simm.s32 $0x7800  }
0x11: {  	s7 =	simm.s32 $0x5;
	s6 =	sadd.s32 s6, s0;
	s0 =	sadd.s32 s9, s0  }
0x12: {  	s8 =	simm.s32 $0x3;
	[dreg:$0xb] =	wrdreg s24;
	s0 =	sadd.s32 $0x16200, s0  }
.Ltmp0:
0x13: {  	s22 =	sadd.s32 $0x2200, s6;
	[dreg:$0x7] =	wrdreg s0;
	(pc) =	sbr.rel .LBB2_1-.Ltmp0, $4  }
0x14: {  	s24 =	simm.s32 $0x7000;
	s6 =	sadd.s32 $0xC200, s6;
	[dreg:$0x8] =	wrdreg s22  }
0x15: {  	s9 =	simm.s32 $0x4;
	[dreg:$0x9] =	wrdreg s6;
	s0 =	sadd.s32 s1, s23  }
0x16: {  	s22 =	simm.s32 $0x6800;
	s23 =	simm.s32 $0xA000;
	s1 =	simm.s32 $0xB000  }
0x17: {  	v0 =	vimm.f32 $0.0e+00;
	s6 =	simm.s32 $0x2;
	[dreg:$0xa] =	wrdreg s0;
	s0 =	simm.s32 $0x9000  }
.LBB2_6:
0x18: {  	_ =	swait.ge [sflag:s7], $0x2000  }
0x19: {  	[sflag:s7] =	ssyncset.done $0x0  }
0x1a: {  	[sflag:s7] =	ssyncadd.s32 $0xFFFFE000  }
0x1b: {  	[bflag:$0x0] =	sbarrier.arrive $0xFFFF  }
0x1c: {  	s5 =	rddreg [dreg:$0x6]  }
0x1d: {  	s10 =	rddreg [dreg:$0xa]  }
0x1e: {  	s13 =	rddreg [dreg:$0xc];
	s4 =	sshrl.u32 s5, $0x3  }
0x1f: {  	[hbm:s10], [sflag:s13] =	dma.local [spmem:s4], $0x500  }
0x20: {  	_ =	swait.ge [sflag:s12], $0x500  }
0x21: {  	s14 =	rddreg [dreg:$0x5]  }
0x22: {  	s15 =	rddreg [dreg:$0xb];
	s4 =	sadd.s32 $0x1, s14  }
0x23: {  	p0 =	sne.s32 s4, s15  }
.Ltmp1:
0x24: {  	_ = 	snop;
	(pc) =	sbr.rel @!p0 .LBB2_7-.Ltmp1, $3  }
0x25: {  	_ =	sdelay $0x1  }
0x26: {  	[sflag:s12] =	ssyncset.done $0x0  }
0x27: {  	[sflag:s12] =	ssyncadd.s32 $0xFFFFFB00  }
.LBB2_1:
0x28: {  	[dreg:$0x5] =	wrdreg s4;
	s10 =	simm.s32 $0x40;
	s15 =	simm.s32 $0x0  }
.LBB2_2:
0x29: {  	p0 =	sne.s32 s10, $0x9FC0;
	[tilespmem:s15+$0xD000] =	vst v0;
	s15 =	smov.u32 s10;
	s10 =	sadd.s32 $0x40, s10  }
.Ltmp2:
0x2a: {  	(pc) =	sbr.rel @p0 .LBB2_2-.Ltmp2, $2  }
0x2b: {  	_ =	sdelay $0x2  }
0x2c: {  	s15 =	sshra.s32 s15, $0x2  }
0x2d: {  	[tilespmem:s15+$0xD000] =	vst v0;
	s4 =	simm.s32 $0xD000  }
0x2e: {  	[spmem:s5] =	stream.linear.scatter [tilespmem:s4], [sflag:$0x6], $0x2800, $0x38;
	[tilespmem:$0x14800] =	vst v63  }
0x2f: {  	_ =	swait.ge [sflag:s12], $0x2800  }
0x30: {  	[sflag:s12] =	ssyncset.done $0x0;
	s5 =	rddreg [dreg:$0x7]  }
0x31: {  	s10 =	rddreg [dreg:$0xd];
	[sflag:s12] =	ssyncadd.s32 $0xFFFFD800  }
0x32: {  	[spmem:s10], [sflag:s13] =	dma.local [hbm:s5], $0x500  }
0x33: {  	_ =	swait.ge [sflag:s12], $0x500  }
0x34: {  	[sflag:s12] =	ssyncset.done $0x0  }
0x35: {  	s10 =	simm.s32 $0x0;
	s13 =	rddreg [dreg:$0x8];
	[sflag:s12] =	ssyncadd.s32 $0xFFFFFB00  }
0x36: {  	[tilespmem:s10], [sflag:$0x6] =	stream.linear.gather [hbm4b:s13+s10], $0x2800, $0x38;
	[tilespmem:$0x14800] =	vst v63  }
0x37: {  	_ =	swait.ge [sflag:s12], $0x2800  }
0x38: {  	[sflag:s12] =	ssyncset.done $0x0  }
0x39: {  	s5 =	simm.s32 $0x2800;
	s14 =	rddreg [dreg:$0x9];
	[sflag:s12] =	ssyncadd.s32 $0xFFFFD800  }
0x3a: {  	[tilespmem:s5], [sflag:$0x6] =	stream.linear.gather [hbm4b:s14+s10], $0x2800, $0x38;
	[tilespmem:$0x14800] =	vst v63  }
0x3b: {  	_ =	swait.ge [sflag:s12], $0x2800  }
0x3c: {  	[sflag:s12] =	ssyncset.done $0x0  }
0x3d: {  	[sflag:s12] =	ssyncadd.s32 $0xFFFFD800  }
0x3e: {  	[bflag:$0x0] =	sbarrier.arrive $0xFFFF  }
0x3f: {  	[tilespmem:s17], [sflag:$0x1] =	stream.indirect.gather [spmem:s3], $0x10, s10, s16, $0xb8;
	[tilespmem:$0x14800] =	vst v63  }
0x40: {  	_ = 	snop  }
0x41: {  	[tilespmem:s18], [sflag:$0x1] =	stream.indirect.gather [spmem:s3], $0x10, s16, s16, $0xb8;
	[tilespmem:$0x14800] =	vst v63  }
0x42: {  	s15 =	simm.s32 $0x100  }
0x43: {  	[tilespmem:s20], [sflag:$0x1] =	stream.indirect.gather [spmem:s3], $0x10, s15, s16, $0xb8;
	[tilespmem:$0x14800] =	vst v63  }
0x44: {  	s13 =	simm.s32 $0x180  }
0x45: {  	[tilespmem:s22], [sflag:$0x1] =	stream.indirect.gather [spmem:s3], $0x10, s13, s16, $0xb8;
	[tilespmem:$0x14800] =	vst v63  }
0x46: {  	s14 =	simm.s32 $0x200  }
0x47: {  	[tilespmem:s24], [sflag:$0x2] =	stream.indirect.gather [spmem:s3], $0x10, s14, s16, $0xb8;
	[tilespmem:$0x14800] =	vst v63  }
0x48: {  	s15 =	simm.s32 $0x280  }
0x49: {  	[tilespmem:s26], [sflag:$0x2] =	stream.indirect.gather [spmem:s3], $0x10, s15, s16, $0xb8;
	[tilespmem:$0x14800] =	vst v63  }
0x4a: {  	s13 =	simm.s32 $0x300  }
0x4b: {  	[tilespmem:s29], [sflag:$0x2] =	stream.indirect.gather [spmem:s3], $0x10, s13, s16, $0xb8;
	[tilespmem:$0x14800] =	vst v63  }
0x4c: {  	s14 =	simm.s32 $0x380  }
0x4d: {  	[tilespmem:s31], [sflag:$0x2] =	stream.indirect.gather [spmem:s3], $0x10, s14, s16, $0xb8;
	[tilespmem:$0x14800] =	vst v63  }
0x4e: {  	s15 =	simm.s32 $0x400  }
0x4f: {  	[tilespmem:s0], [sflag:$0x3] =	stream.indirect.gather [spmem:s3], $0x10, s15, s16, $0xb8;
	[tilespmem:$0x14800] =	vst v63  }
0x50: {  	s13 =	simm.s32 $0x480  }
0x51: {  	[tilespmem:s19], [sflag:$0x3] =	stream.indirect.gather [spmem:s3], $0x10, s13, s16, $0xb8;
	[tilespmem:$0x14800] =	vst v63  }
0x52: {  	s14 =	simm.s32 $0x500  }
0x53: {  	[tilespmem:s23], [sflag:$0x3] =	stream.indirect.gather [spmem:s3], $0x10, s14, s16, $0xb8;
	[tilespmem:$0x14800] =	vst v63  }
0x54: {  	s15 =	simm.s32 $0x580  }
0x55: {  	[tilespmem:s28], [sflag:$0x3] =	stream.indirect.gather [spmem:s3], $0x10, s15, s16, $0xb8;
	[tilespmem:$0x14800] =	vst v63  }
0x56: {  	_ =	swait.ge [sflag:s30], $0x2000  }
0x57: {  	[sflag:s30] =	ssyncset.done $0x0  }
0x58: {  	[sflag:s30] =	ssyncadd.s32 $0xFFFFE000  }
0x59: {  	[spmem:s2] =	stream.indirect.scatter.add.f32 [tilespmem:s17], [sflag:$0x5], $0x10, s5, s16, $0xb8;
	[tilespmem:$0x14800] =	vst v63  }
0x5a: {  	s13 =	simm.s32 $0x2880  }
0x5b: {  	[spmem:s2] =	stream.indirect.scatter.add.f32 [tilespmem:s18], [sflag:$0x5], $0x10, s13, s16, $0xb8;
	[tilespmem:$0x14800] =	vst v63  }
0x5c: {  	s14 =	simm.s32 $0x2900  }
0x5d: {  	[spmem:s2] =	stream.indirect.scatter.add.f32 [tilespmem:s20], [sflag:$0x5], $0x10, s14, s16, $0xb8;
	[tilespmem:$0x14800] =	vst v63  }
0x5e: {  	s15 =	simm.s32 $0x2980  }
0x5f: {  	[spmem:s2] =	stream.indirect.scatter.add.f32 [tilespmem:s22], [sflag:$0x5], $0x10, s15, s16, $0xb8;
	[tilespmem:$0x14800] =	vst v63  }
0x60: {  	s5 =	simm.s32 $0x600  }
0x61: {  	[tilespmem:s1], [sflag:$0x4] =	stream.indirect.gather [spmem:s3], $0x10, s5, s16, $0xb8;
	[tilespmem:$0x14800] =	vst v63  }
0x62: {  	s13 =	simm.s32 $0x680  }
0x63: {  	[tilespmem:s21], [sflag:$0x4] =	stream.indirect.gather [spmem:s3], $0x10, s13, s16, $0xb8;
	[tilespmem:$0x14800] =	vst v63  }
0x64: {  	s14 =	simm.s32 $0x700  }
0x65: {  	[tilespmem:s11], [sflag:$0x4] =	stream.indirect.gather [spmem:s3], $0x10, s14, s16, $0xb8;
	[tilespmem:$0x14800] =	vst v63  }
0x66: {  	s15 =	simm.s32 $0x780  }
0x67: {  	[tilespmem:s25], [sflag:$0x4] =	stream.indirect.gather [spmem:s3], $0x10, s15, s16, $0xb8;
	[tilespmem:$0x14800] =	vst v63  }
0x68: {  	_ =	swait.ge [sflag:s6], $0x2000  }
0x69: {  	[sflag:s6] =	ssyncset.done $0x0  }
0x6a: {  	s5 =	simm.s32 $0x2A00;
	[sflag:s6] =	ssyncadd.s32 $0xFFFFE000  }
0x6b: {  	[spmem:s2] =	stream.indirect.scatter.add.f32 [tilespmem:s24], [sflag:$0x5], $0x10, s5, s16, $0xb8;
	[tilespmem:$0x14800] =	vst v63  }
0x6c: {  	s13 =	simm.s32 $0x2A80  }
0x6d: {  	[spmem:s2] =	stream.indirect.scatter.add.f32 [tilespmem:s26], [sflag:$0x5], $0x10, s13, s16, $0xb8;
	[tilespmem:$0x14800] =	vst v63  }
0x6e: {  	s14 =	simm.s32 $0x2B00  }
0x6f: {  	[spmem:s2] =	stream.indirect.scatter.add.f32 [tilespmem:s29], [sflag:$0x5], $0x10, s14, s16, $0xb8;
	[tilespmem:$0x14800] =	vst v63  }
0x70: {  	s15 =	simm.s32 $0x2B80  }
0x71: {  	[spmem:s2] =	stream.indirect.scatter.add.f32 [tilespmem:s31], [sflag:$0x5], $0x10, s15, s16, $0xb8;
	[tilespmem:$0x14800] =	vst v63  }
0x72: {  	_ =	swait.ge [sflag:s7], $0x2000  }
0x73: {  	[sflag:s7] =	ssyncset.done $0x0  }
0x74: {  	s5 =	simm.s32 $0x800;
	[sflag:s7] =	ssyncadd.s32 $0xFFFFE000  }
0x75: {  	[tilespmem:s17], [sflag:$0x1] =	stream.indirect.gather [spmem:s3], $0x10, s5, s16, $0xb8;
	[tilespmem:$0x14800] =	vst v63  }
0x76: {  	s13 =	simm.s32 $0x880  }
0x77: {  	[tilespmem:s18], [sflag:$0x1] =	stream.indirect.gather [spmem:s3], $0x10, s13, s16, $0xb8;
	[tilespmem:$0x14800] =	vst v63  }
0x78: {  	s14 =	simm.s32 $0x900  }
0x79: {  	[tilespmem:s20], [sflag:$0x1] =	stream.indirect.gather [spmem:s3], $0x10, s14, s16, $0xb8;
	[tilespmem:$0x14800] =	vst v63  }
0x7a: {  	s15 =	simm.s32 $0x980  }
0x7b: {  	[tilespmem:s22], [sflag:$0x1] =	stream.indirect.gather [spmem:s3], $0x10, s15, s16, $0xb8;
	[tilespmem:$0x14800] =	vst v63  }
0x7c: {  	_ =	swait.ge [sflag:s8], $0x2000  }
0x7d: {  	[sflag:s8] =	ssyncset.done $0x0  }
0x7e: {  	s5 =	simm.s32 $0x2C00;
	[sflag:s8] =	ssyncadd.s32 $0xFFFFE000  }
0x7f: {  	[spmem:s2] =	stream.indirect.scatter.add.f32 [tilespmem:s0], [sflag:$0x5], $0x10, s5, s16, $0xb8;
	[tilespmem:$0x14800] =	vst v63  }
0x80: {  	s13 =	simm.s32 $0x2C80  }
0x81: {  	[spmem:s2] =	stream.indirect.scatter.add.f32 [tilespmem:s19], [sflag:$0x5], $0x10, s13, s16, $0xb8;
	[tilespmem:$0x14800] =	vst v63  }
0x82: {  	s14 =	simm.s32 $0x2D00  }
0x83: {  	[spmem:s2] =	stream.indirect.scatter.add.f32 [tilespmem:s23], [sflag:$0x5], $0x10, s14, s16, $0xb8;
	[tilespmem:$0x14800] =	vst v63  }
0x84: {  	s15 =	simm.s32 $0x2D80  }
0x85: {  	[spmem:s2] =	stream.indirect.scatter.add.f32 [tilespmem:s28], [sflag:$0x5], $0x10, s15, s16, $0xb8;
	[tilespmem:$0x14800] =	vst v63  }
0x86: {  	_ =	swait.ge [sflag:s7], $0x2000  }
0x87: {  	[sflag:s7] =	ssyncset.done $0x0  }
0x88: {  	s5 =	simm.s32 $0xA00;
	[sflag:s7] =	ssyncadd.s32 $0xFFFFE000  }
0x89: {  	[tilespmem:s24], [sflag:$0x2] =	stream.indirect.gather [spmem:s3], $0x10, s5, s16, $0xb8;
	[tilespmem:$0x14800] =	vst v63  }
0x8a: {  	s13 =	simm.s32 $0xA80  }
0x8b: {  	[tilespmem:s26], [sflag:$0x2] =	stream.indirect.gather [spmem:s3], $0x10, s13, s16, $0xb8;
	[tilespmem:$0x14800] =	vst v63  }
0x8c: {  	s14 =	simm.s32 $0xB00  }
0x8d: {  	[tilespmem:s29], [sflag:$0x2] =	stream.indirect.gather [spmem:s3], $0x10, s14, s16, $0xb8;
	[tilespmem:$0x14800] =	vst v63  }
0x8e: {  	s15 =	simm.s32 $0xB80  }
0x8f: {  	[tilespmem:s31], [sflag:$0x2] =	stream.indirect.gather [spmem:s3], $0x10, s15, s16, $0xb8;
	[tilespmem:$0x14800] =	vst v63  }
0x90: {  	_ =	swait.ge [sflag:s9], $0x2000  }
0x91: {  	[sflag:s9] =	ssyncset.done $0x0  }
0x92: {  	s5 =	simm.s32 $0x2E00;
	[sflag:s9] =	ssyncadd.s32 $0xFFFFE000  }
0x93: {  	[spmem:s2] =	stream.indirect.scatter.add.f32 [tilespmem:s1], [sflag:$0x5], $0x10, s5, s16, $0xb8;
	[tilespmem:$0x14800] =	vst v63  }
0x94: {  	s13 =	simm.s32 $0x2E80  }
0x95: {  	[spmem:s2] =	stream.indirect.scatter.add.f32 [tilespmem:s21], [sflag:$0x5], $0x10, s13, s16, $0xb8;
	[tilespmem:$0x14800] =	vst v63  }
0x96: {  	s14 =	simm.s32 $0x2F00  }
0x97: {  	[spmem:s2] =	stream.indirect.scatter.add.f32 [tilespmem:s11], [sflag:$0x5], $0x10, s14, s16, $0xb8;
	[tilespmem:$0x14800] =	vst v63  }
0x98: {  	s15 =	simm.s32 $0x2F80  }
0x99: {  	[spmem:s2] =	stream.indirect.scatter.add.f32 [tilespmem:s25], [sflag:$0x5], $0x10, s15, s16, $0xb8;
	[tilespmem:$0x14800] =	vst v63  }
0x9a: {  	_ =	swait.ge [sflag:s7], $0x2000  }
0x9b: {  	[sflag:s7] =	ssyncset.done $0x0  }
0x9c: {  	s5 =	simm.s32 $0xC00;
	[sflag:s7] =	ssyncadd.s32 $0xFFFFE000  }
0x9d: {  	[tilespmem:s0], [sflag:$0x3] =	stream.indirect.gather [spmem:s3], $0x10, s5, s16, $0xb8;
	[tilespmem:$0x14800] =	vst v63  }
0x9e: {  	s13 =	simm.s32 $0xC80  }
0x9f: {  	[tilespmem:s19], [sflag:$0x3] =	stream.indirect.gather [spmem:s3], $0x10, s13, s16, $0xb8;
	[tilespmem:$0x14800] =	vst v63  }
0xa0: {  	s14 =	simm.s32 $0xD00  }
0xa1: {  	[tilespmem:s23], [sflag:$0x3] =	stream.indirect.gather [spmem:s3], $0x10, s14, s16, $0xb8;
	[tilespmem:$0x14800] =	vst v63  }
0xa2: {  	s15 =	simm.s32 $0xD80  }
0xa3: {  	[tilespmem:s28], [sflag:$0x3] =	stream.indirect.gather [spmem:s3], $0x10, s15, s16, $0xb8;
	[tilespmem:$0x14800] =	vst v63  }
.LBB2_4:
0xa4: {  	_ =	swait.ge [sflag:s30], $0x2000  }
0xa5: {  	s15 =	sshra.s32 s10, $0x2;
	[sflag:s30] =	ssyncset.done $0x0  }
0xa6: {  	s14 =	sadd.s32 $0x3000, s15;
	[sflag:s30] =	ssyncadd.s32 $0xFFFFE000  }
0xa7: {  	[spmem:s2] =	stream.indirect.scatter.add.f32 [tilespmem:s17], [sflag:$0x5], $0x10, s14, s16, $0xb8;
	[tilespmem:$0x14800] =	vst v63  }
0xa8: {  	s13 =	sadd.s32 $0x3080, s15  }
0xa9: {  	[spmem:s2] =	stream.indirect.scatter.add.f32 [tilespmem:s18], [sflag:$0x5], $0x10, s13, s16, $0xb8;
	[tilespmem:$0x14800] =	vst v63  }
0xaa: {  	s4 =	sadd.s32 $0x3100, s15  }
0xab: {  	[spmem:s2] =	stream.indirect.scatter.add.f32 [tilespmem:s20], [sflag:$0x5], $0x10, s4, s16, $0xb8;
	[tilespmem:$0x14800] =	vst v63  }
0xac: {  	s5 =	sadd.s32 $0x3180, s15  }
0xad: {  	[spmem:s2] =	stream.indirect.scatter.add.f32 [tilespmem:s22], [sflag:$0x5], $0x10, s5, s16, $0xb8;
	[tilespmem:$0x14800] =	vst v63  }
0xae: {  	_ =	swait.ge [sflag:s7], $0x2000  }
0xaf: {  	[sflag:s7] =	ssyncset.done $0x0  }
0xb0: {  	s13 =	sadd.s32 $0xE00, s15;
	[sflag:s7] =	ssyncadd.s32 $0xFFFFE000  }
0xb1: {  	[tilespmem:s1], [sflag:$0x4] =	stream.indirect.gather [spmem:s3], $0x10, s13, s16, $0xb8;
	[tilespmem:$0x14800] =	vst v63  }
0xb2: {  	s4 =	sadd.s32 $0xE80, s15  }
0xb3: {  	[tilespmem:s21], [sflag:$0x4] =	stream.indirect.gather [spmem:s3], $0x10, s4, s16, $0xb8;
	[tilespmem:$0x14800] =	vst v63  }
0xb4: {  	s5 =	sadd.s32 $0xF00, s15  }
0xb5: {  	[tilespmem:s11], [sflag:$0x4] =	stream.indirect.gather [spmem:s3], $0x10, s5, s16, $0xb8;
	[tilespmem:$0x14800] =	vst v63  }
0xb6: {  	s13 =	sadd.s32 $0xF80, s15  }
0xb7: {  	[tilespmem:s25], [sflag:$0x4] =	stream.indirect.gather [spmem:s3], $0x10, s13, s16, $0xb8;
	[tilespmem:$0x14800] =	vst v63  }
0xb8: {  	_ =	swait.ge [sflag:s6], $0x2000  }
0xb9: {  	[sflag:s6] =	ssyncset.done $0x0  }
0xba: {  	s4 =	sadd.s32 $0x3200, s15;
	[sflag:s6] =	ssyncadd.s32 $0xFFFFE000  }
0xbb: {  	[spmem:s2] =	stream.indirect.scatter.add.f32 [tilespmem:s24], [sflag:$0x5], $0x10, s4, s16, $0xb8;
	[tilespmem:$0x14800] =	vst v63  }
0xbc: {  	s5 =	sadd.s32 $0x3280, s15  }
0xbd: {  	[spmem:s2] =	stream.indirect.scatter.add.f32 [tilespmem:s26], [sflag:$0x5], $0x10, s5, s16, $0xb8;
	[tilespmem:$0x14800] =	vst v63  }
0xbe: {  	s13 =	sadd.s32 $0x3300, s15  }
0xbf: {  	[spmem:s2] =	stream.indirect.scatter.add.f32 [tilespmem:s29], [sflag:$0x5], $0x10, s13, s16, $0xb8;
	[tilespmem:$0x14800] =	vst v63  }
0xc0: {  	p0 =	seq.s32 s10, $0x6000;
	s4 =	sadd.s32 $0x3380, s15  }
0xc1: {  	[spmem:s2] =	stream.indirect.scatter.add.f32 [tilespmem:s31], [sflag:$0x5], $0x10, s4, s16, $0xb8;
	[tilespmem:$0x14800] =	vst v63  }
0xc2: {  	s14 =	sshra.s32 @!p0 s10, $0x2;
	_ =	swait.ge [sflag:s7], $0x2000  }
0xc3: {  	s5 =	sadd.s32 @!p0 $0x1000, s14;
	[sflag:s7] =	ssyncset.done $0x0  }
0xc4: {  	s13 =	simm.s32 @!p0 $0x80;
	s4 =	simm.s32 @!p0 $0x5000;
	[sflag:s7] =	ssyncadd.s32 $0xFFFFE000  }
0xc5: {  	[tilespmem:s4], [sflag:$0x1] =	stream.indirect.gather @!p0 [spmem:s3], $0x10, s5, s13, $0xb8;
	[tilespmem:$0x14800] =	vst v63  }
0xc6: {  	s4 =	sadd.s32 @!p0 $0x1080, s14;
	s5 =	simm.s32 @!p0 $0x5800  }
0xc7: {  	[tilespmem:s5], [sflag:$0x1] =	stream.indirect.gather @!p0 [spmem:s3], $0x10, s4, s13, $0xb8;
	[tilespmem:$0x14800] =	vst v63  }
0xc8: {  	s4 =	sadd.s32 @!p0 $0x1100, s14;
	s5 =	simm.s32 @!p0 $0x6000  }
0xc9: {  	[tilespmem:s5], [sflag:$0x1] =	stream.indirect.gather @!p0 [spmem:s3], $0x10, s4, s13, $0xb8;
	[tilespmem:$0x14800] =	vst v63  }
0xca: {  	s4 =	sadd.s32 @!p0 $0x1180, s14;
	s5 =	simm.s32 @!p0 $0x6800  }
0xcb: {  	[tilespmem:s5], [sflag:$0x1] =	stream.indirect.gather @!p0 [spmem:s3], $0x10, s4, s13, $0xb8;
	[tilespmem:$0x14800] =	vst v63  }
0xcc: {  	_ =	swait.ge [sflag:s8], $0x2000  }
0xcd: {  	[sflag:s8] =	ssyncset.done $0x0  }
0xce: {  	s5 =	sadd.s32 $0x3400, s15;
	[sflag:s8] =	ssyncadd.s32 $0xFFFFE000  }
0xcf: {  	[spmem:s2] =	stream.indirect.scatter.add.f32 [tilespmem:s0], [sflag:$0x5], $0x10, s5, s16, $0xb8;
	[tilespmem:$0x14800] =	vst v63  }
0xd0: {  	s5 =	sadd.s32 $0x3480, s15  }
0xd1: {  	[spmem:s2] =	stream.indirect.scatter.add.f32 [tilespmem:s19], [sflag:$0x5], $0x10, s5, s16, $0xb8;
	[tilespmem:$0x14800] =	vst v63  }
0xd2: {  	s5 =	sadd.s32 $0x3500, s15  }
0xd3: {  	[spmem:s2] =	stream.indirect.scatter.add.f32 [tilespmem:s23], [sflag:$0x5], $0x10, s5, s16, $0xb8;
	[tilespmem:$0x14800] =	vst v63  }
0xd4: {  	s5 =	sadd.s32 $0x3580, s15  }
0xd5: {  	[spmem:s2] =	stream.indirect.scatter.add.f32 [tilespmem:s28], [sflag:$0x5], $0x10, s5, s16, $0xb8;
	[tilespmem:$0x14800] =	vst v63  }
0xd6: {  	_ =	swait.ge [sflag:s7], $0x2000  }
0xd7: {  	[sflag:s7] =	ssyncset.done $0x0  }
0xd8: {  	s4 =	sadd.s32 @!p0 $0x1200, s14;
	s5 =	simm.s32 @!p0 $0x7000;
	[sflag:s7] =	ssyncadd.s32 $0xFFFFE000  }
0xd9: {  	[tilespmem:s5], [sflag:$0x2] =	stream.indirect.gather @!p0 [spmem:s3], $0x10, s4, s13, $0xb8;
	[tilespmem:$0x14800] =	vst v63  }
0xda: {  	s4 =	sadd.s32 @!p0 $0x1280, s14;
	s5 =	simm.s32 @!p0 $0x7800  }
0xdb: {  	[tilespmem:s5], [sflag:$0x2] =	stream.indirect.gather @!p0 [spmem:s3], $0x10, s4, s13, $0xb8;
	[tilespmem:$0x14800] =	vst v63  }
0xdc: {  	s4 =	sadd.s32 @!p0 $0x1300, s14;
	s5 =	simm.s32 @!p0 $0x8000  }
0xdd: {  	[tilespmem:s5], [sflag:$0x2] =	stream.indirect.gather @!p0 [spmem:s3], $0x10, s4, s13, $0xb8;
	[tilespmem:$0x14800] =	vst v63  }
0xde: {  	s4 =	sadd.s32 @!p0 $0x1380, s14;
	s5 =	simm.s32 @!p0 $0x8800  }
0xdf: {  	[tilespmem:s5], [sflag:$0x2] =	stream.indirect.gather @!p0 [spmem:s3], $0x10, s4, s13, $0xb8;
	[tilespmem:$0x14800] =	vst v63  }
0xe0: {  	_ =	swait.ge [sflag:s9], $0x2000  }
0xe1: {  	[sflag:s9] =	ssyncset.done $0x0  }
0xe2: {  	s14 =	sadd.s32 $0x3600, s15;
	[sflag:s9] =	ssyncadd.s32 $0xFFFFE000  }
0xe3: {  	[spmem:s2] =	stream.indirect.scatter.add.f32 [tilespmem:s1], [sflag:$0x5], $0x10, s14, s16, $0xb8;
	[tilespmem:$0x14800] =	vst v63  }
0xe4: {  	s5 =	sadd.s32 $0x3680, s15  }
0xe5: {  	[spmem:s2] =	stream.indirect.scatter.add.f32 [tilespmem:s21], [sflag:$0x5], $0x10, s5, s16, $0xb8;
	[tilespmem:$0x14800] =	vst v63  }
0xe6: {  	s13 =	sadd.s32 $0x3700, s15  }
0xe7: {  	[spmem:s2] =	stream.indirect.scatter.add.f32 [tilespmem:s11], [sflag:$0x5], $0x10, s13, s16, $0xb8;
	[tilespmem:$0x14800] =	vst v63  }
.Ltmp3:
0xe8: {  	s14 =	sadd.s32 $0x3780, s15;
	(pc) =	sbr.rel @p0 .LBB2_6-.Ltmp3, $4  }
0xe9: {  	[spmem:s2] =	stream.indirect.scatter.add.f32 [tilespmem:s25], [sflag:$0x5], $0x10, s14, s16, $0xb8;
	[tilespmem:$0x14800] =	vst v63  }
0xea: {  	_ =	swait.ge [sflag:s7], $0x2000  }
0xeb: {  	[sflag:s7] =	ssyncset.done $0x0  }
0xec: {  	[sflag:s7] =	ssyncadd.s32 $0xFFFFE000  }
0xed: {  	s4 =	sadd.s32 $0x1400, s15  }
0xee: {  	[tilespmem:s0], [sflag:$0x3] =	stream.indirect.gather [spmem:s3], $0x10, s4, s16, $0xb8;
	[tilespmem:$0x14800] =	vst v63  }
0xef: {  	s13 =	sadd.s32 $0x1480, s15  }
0xf0: {  	[tilespmem:s19], [sflag:$0x3] =	stream.indirect.gather [spmem:s3], $0x10, s13, s16, $0xb8;
	[tilespmem:$0x14800] =	vst v63  }
.Ltmp4:
0xf1: {  	_ = 	snop;
	(pc) =	sbr.rel .LBB2_4-.Ltmp4, $4  }
0xf2: {  	s14 =	sadd.s32 $0x1500, s15  }
0xf3: {  	[tilespmem:s23], [sflag:$0x3] =	stream.indirect.gather [spmem:s3], $0x10, s14, s16, $0xb8;
	[tilespmem:$0x14800] =	vst v63  }
0xf4: {  	s15 =	sadd.s32 $0x1580, s15;
	s10 =	sadd.s32 $0x2000, s10  }
0xf5: {  	[tilespmem:s28], [sflag:$0x3] =	stream.indirect.gather [spmem:s3], $0x10, s15, s16, $0xb8;
	[tilespmem:$0x14800] =	vst v63  }
.LBB2_7:
0xf6: {  	_ =	sfence.sel $0x180000  }
0xf7: {  	[bflag:$0x0] =	sbarrier.arrive $0xFFFF  }
0xf8: {  	_ =	strace $0x9000004D  }
0xf9: {  	s0 =	stileid.u32;
	[bflag:$0x2] =	sbarrier.arrive $0xFFFF  }
0xfa: {  	p0 =	sne.s32 s0, $0x0;
	s0 =	rddreg [dreg:$0x4]  }
0xfb: {  	s0 =	sadd.s32 @!p0 $0x100000, s0  }
0xfc: {  	[sflag:s0] =	ssyncadd.tile.s32 @!p0 $0x1;
	_ =	shalt  }
.Lfunc_end2:
_tile_overlayer_lowered:
.L_overlay_start_2:
0xfd: {  	(tag) =	ssettag $0x2  }
0xfe: {  	s0 =	rddreg [dreg:$0x0];
	s2 =	stileid.u32  }
0xff: {  	s1 =	rddreg [dreg:$0x1];
	p0 =	sne.s32 s2, $0x0  }
0x100: {  	s3 =	rddreg [dreg:$0x2];
	[bflag:$0x3] =	sbarrier.arrive $0xFFFF;
	s2 =	simm.s32 @!p0 $0x1C06  }
0x101: {  	[timem:s3], [sflag:s2] =	dma.local @!p0 [hbm:s0], s1  }
0x102: {  	s0 =	simm.s32 @!p0 $0x6  }
0x103: {  	_ =	swait.ge @!p0 [sflag:s0], s1  }
0x104: {  	s1 =	ssub.s32 @!p0 $0x0, s1;
	[sflag:s0] =	ssyncset.done @!p0 $0x0  }
0x105: {  	[sflag:s0] =	ssyncadd.s32 @!p0 s1  }
0x106: {  	[bflag:$0x3] =	sbarrier.arrive $0xFFFF  }
0x107: {  	_ =	shalt  }

// kernel: kernel.8.cloned.1.call-start
scs
__scs_entry_jumppad:
0x0: {  	(pc) =	sbr.rel $0x88, $3  }
0x1: {  	(tag) =	ssettag $0x0;
	lr =	simm.s32 $0x1  }
0x2: {  	[smem:$0x3F9B] =	sst lr;
	_ =	strace $0xD0000000  }
0x3: {  	_ = 	snop  }
0x4: {  	_ = 	snop  }
0x5: {  	_ = 	snop  }
0x6: {  	_ = 	snop  }
0x7: {  	_ = 	snop  }
__scs_overlays_trampoline_lowered:
0x8: {  	[smem:$0x3FAA] =	sst s0  }
0x9: {  	[smem:$0x3FAB] =	sst s1  }
0xa: {  	[smem:$0x3FAC] =	sst s2  }
0xb: {  	[smem:$0x3FAD] =	sst s3  }
0xc: {  	[smem:$0x3FAE] =	sst s4  }
0xd: {  	[smem:$0x3FAF] =	sst s5  }
0xe: {  	[smem:$0x3FB0] =	sst s6  }
0xf: {  	[smem:$0x3FB1] =	sst s7  }
0x10: {  	[smem:$0x3FB2] =	sst s8  }
0x11: {  	[smem:$0x3FB3] =	sst s9;
	s0 =	simm.s32 @!p0 $0x0  }
0x12: {  	s1 =	sld [smem:$0x3F99];
	s0 =	simm.s32 @p0 $0x1  }
0x13: {  	[smem:$0x3FB4] =	sst s0;
	s0 =	simm.s32 @!p1 $0x0  }
0x14: {  	s2 =	sld [smem:$0x3F98];
	s0 =	simm.s32 @p1 $0x1  }
0x15: {  	[smem:$0x3FB5] =	sst s0;
	s0 =	simm.s32 @!p2 $0x0  }
0x16: {  	s3 =	sld [smem:$0x3FDB];
	s0 =	simm.s32 @p2 $0x1  }
0x17: {  	s4 =	simm.s32 $0x1BF5;
	[smem:$0x3FB7] =	sst s0  }
0x18: {  	s0 =	sld [smem:$0x3F9A];
	_ =	swait.ge [sflag:s4], $0x0  }
0x19: {  	s7 =	sld [smem:$0x3F9B]  }
0x1a: {  	s8 =	sadd.s32 $0xFFFFE003, lr  }
0x1b: {  	s9 =	sadd.s32 $0xFFFFFEF7, lr;
	s5 =	simm.s32 $0xFFFFFFFF;
	p2 =	slt.u32 s8, $0xFFFFF086  }
0x1c: {  	p1 =	slt.u32 s9, $0xF7A;
	s5 =	simm.s32 @!p2 $0x0  }
0x1d: {  	s5 =	simm.s32 @p1 $0x1;
	p0 =	seq.s32 s7, s2  }
0x1e: {  	s7 =	smul.u32 @!p0 $0xF7A, s2;
	p2 =	seq.s32 @!p0 s5, $0x0  }
0x1f: {  	s9 =	smul.u32 $0xF7A, s1;
	s8 =	simm.s32 @!p0 $0x1BF5;
	p2 =	por !p2, p0  }
0x20: {  	[sflag:s8] =	ssyncset.s32 @!p0 $0xFFFFF086;
	s6 =	sadd.s32 @!p0 s3, s7;
	s7 =	simm.s32 @!p0 $0x108  }
0x21: {  	s3 =	sadd.s32 s3, s9;
	s6 =	sadd.s32 @!p0 $0x88, s6;
	s7 =	simm.s32 @p2 $0x1082  }
0x22: {  	[simem:s7], [sflag:s8] =	dma.local @!p0 [hbm:s6], $0xF7A  }
0x23: {  	s9 =	sor.u32 $0xD0000000, s2;
	s6 =	simm.s32 $0x108;
	_ =	swait.ge @!p0 [sflag:s8], $0x0  }
0x24: {  	s3 =	sadd.s32 $0x88, s3;
	s6 =	simm.s32 @!p1 $0x1082;
	[sflag:s4] =	ssyncset.s32 $0xFFFFF086  }
0x25: {  	[simem:s6], [sflag:s4] =	dma.local [hbm:s3], $0xF7A  }
0x26: {  	[smem:$0x3F9B] =	sst s1;
	(tag) =	ssettag s2;
	_ =	strace s9  }
0x27: {  	s1 =	sld [smem:$0x3FAB]  }
0x28: {  	s2 =	sld [smem:$0x3FAC]  }
0x29: {  	s4 =	sld [smem:$0x3FAE]  }
0x2a: {  	p0 =	seq.s32 s5, $0x0;
	s5 =	sld [smem:$0x3FAF]  }
0x2b: {  	s6 =	sld [smem:$0x3FB0]  }
0x2c: {  	s7 =	sld [smem:$0x3FB1]  }
0x2d: {  	s3 =	simm.s32 $0x108;
	s8 =	sld [smem:$0x3FB2]  }
0x2e: {  	s3 =	simm.s32 @!p0 $0x1082;
	s9 =	sld [smem:$0x3FB3]  }
0x2f: {  	lr =	sadd.s32 s0, s3;
	s0 =	sld [smem:$0x3FAA]  }
0x30: {  	s3 =	sld [smem:$0x3FAD]  }
0x31: {  	[smem:$0x3FB6] =	sst s10  }
0x32: {  	s10 =	sld [smem:$0x3FB4];
	_ =	sdelay $0x3  }
0x33: {  	p0 =	seq.s32 s10, $0x1;
	s10 =	sld [smem:$0x3FB6];
	_ =	sdelay $0x3  }
0x34: {  	[smem:$0x3FB6] =	sst s10  }
0x35: {  	s10 =	sld [smem:$0x3FB5];
	_ =	sdelay $0x3  }
0x36: {  	p1 =	seq.s32 s10, $0x1;
	s10 =	sld [smem:$0x3FB6];
	_ =	sdelay $0x3  }
0x37: {  	[smem:$0x3FB6] =	sst s10  }
0x38: {  	s10 =	sld [smem:$0x3FB7]  }
0x39: {  	_ = 	snop;
	(pc) =	sbr.ind lr, $3  }
0x3a: {  	_ = 	snop  }
0x3b: {  	_ = 	snop  }
0x3c: {  	p2 =	seq.s32 s10, $0x1;
	s10 =	sld [smem:$0x3FB6]  }
0x3d: {  	_ =	shalt  }
0x3e: {  	_ =	shalt  }
0x3f: {  	_ =	shalt  }
0x40: {  	_ =	shalt  }
0x41: {  	_ =	shalt  }
0x42: {  	_ =	shalt  }
0x43: {  	_ =	shalt  }
0x44: {  	_ =	shalt  }
0x45: {  	_ =	shalt  }
0x46: {  	_ =	shalt  }
0x47: {  	_ =	shalt  }
0x48: {  	_ =	shalt  }
0x49: {  	_ =	shalt  }
0x4a: {  	_ =	shalt  }
0x4b: {  	_ =	shalt  }
0x4c: {  	_ =	shalt  }
0x4d: {  	_ =	shalt  }
0x4e: {  	_ =	shalt  }
0x4f: {  	_ =	shalt  }
0x50: {  	_ =	shalt  }
0x51: {  	_ =	shalt  }
0x52: {  	_ =	shalt  }
0x53: {  	_ =	shalt  }
0x54: {  	_ =	shalt  }
0x55: {  	_ =	shalt  }
0x56: {  	_ =	shalt  }
0x57: {  	_ =	shalt  }
0x58: {  	_ =	shalt  }
0x59: {  	_ =	shalt  }
0x5a: {  	_ =	shalt  }
0x5b: {  	_ =	shalt  }
0x5c: {  	_ =	shalt  }
0x5d: {  	_ =	shalt  }
0x5e: {  	_ =	shalt  }
0x5f: {  	_ =	shalt  }
0x60: {  	_ =	shalt  }
0x61: {  	_ =	shalt  }
0x62: {  	_ =	shalt  }
0x63: {  	_ =	shalt  }
0x64: {  	_ =	shalt  }
0x65: {  	_ =	shalt  }
0x66: {  	_ =	shalt  }
0x67: {  	_ =	shalt  }
0x68: {  	_ =	shalt  }
0x69: {  	_ =	shalt  }
0x6a: {  	_ =	shalt  }
0x6b: {  	_ =	shalt  }
0x6c: {  	_ =	shalt  }
0x6d: {  	_ =	shalt  }
0x6e: {  	_ =	shalt  }
0x6f: {  	_ =	shalt  }
0x70: {  	_ =	shalt  }
0x71: {  	_ =	shalt  }
0x72: {  	_ =	shalt  }
0x73: {  	_ =	shalt  }
0x74: {  	_ =	shalt  }
0x75: {  	_ =	shalt  }
0x76: {  	_ =	shalt  }
0x77: {  	_ =	shalt  }
0x78: {  	_ =	shalt  }
0x79: {  	_ =	shalt  }
0x7a: {  	_ =	shalt  }
0x7b: {  	_ =	shalt  }
0x7c: {  	_ =	shalt  }
0x7d: {  	_ =	shalt  }
0x7e: {  	_ =	shalt  }
0x7f: {  	_ =	shalt  }
0x80: {  	_ =	shalt  }
0x81: {  	_ =	shalt  }
0x82: {  	_ =	shalt  }
0x83: {  	_ =	shalt  }
0x84: {  	_ =	shalt  }
0x85: {  	_ =	shalt  }
0x86: {  	_ =	shalt  }
0x87: {  	_ =	shalt  }
.Lfunc_end0:
.L_simem_size_0:
called_computation_lowered:
.L_overlay_start_0:
0x88: {  	s2 =	sld [smem:$0x3FD9]  }
0x89: {  	s3 =	sld [smem:$0x3FFE];
	_ =	sdelay $0x1  }
0x8a: {  	s1 =	srdreg.scid  }
0x8b: {  	s0 =	sand.u32 $0x1, s1  }
0x8c: {  	s17 =	sshll.u32 s0, $0xA;
	s2 =	sadd.s32 s3, s2  }
0x8d: {  	s2 =	sadd.s32 s2, s17  }
0x8e: {  	[smem:$0x3FC2] =	sst s2  }
0x8f: {  	_ = 	snop  }
0x90: {  	s2 =	sld [smem:$0x3FD0];
	(tm) =	ssettm $0x1  }
0x91: {  	s18 =	sld [smem:$0x3FFB];
	_ =	sdelay $0x3  }
0x92: {  	_ =	strace s18  }
0x93: {  	s3 =	sld [smem:$0x3FFC];
	_ =	sdelay $0x3  }
0x94: {  	_ =	strace s3  }
0x95: {  	s3 =	sld [smem:$0x3FFD];
	_ =	sdelay $0x3  }
0x96: {  	_ =	strace s3  }
0x97: {  	_ =	strace $0x8FFFFFFF  }
0x98: {  	s19 =	sld [smem:$0x3FDB];
	_ =	sdelay $0x1  }
0x99: {  	s4 =	simm.s32 $_scs_section_size  }
0x9a: {  	s5 =	simm.s32 $_size__tile_overlayer_lowered;
	s6 =	simm.s32 $_tile_overlayer_lowered  }
0x9b: {  	s22 =	simm.s32 $0x1BFF;
	s21 =	sshll.u32 s6, $0x1;
	s3 =	sadd.s32 s4, s19  }
0x9c: {  	s7 =	simm.s32 $0x0;
	s20 =	sshll.u32 s5, $0x1;
	s5 =	sadd.s32 s21, s3  }
0x9d: {  	[timem:s7], [sflag:s22] =	dma.local [hbm:s5], s20  }
0x9e: {  	_ =	swait.ge [sflag:s22], s20  }
0x9f: {  	s4 =	ssub.s32 $0x0, s20;
	[sflag:s22] =	ssyncset.done $0x0  }
0xa0: {  	[sflag:s22] =	ssyncadd.s32 s4;
	_ =	sdelay $0x1  }
0xa1: {  	s23 =	simm.s32 $0x1B8B  }
0xa2: {  	_ =	swait.ge [sflag:s23], $0x1  }
0xa3: {  	[sflag:s23] =	ssyncset.done $0x0  }
0xa4: {  	s25 =	simm.s32 $0x1B8E;
	s24 =	sld [smem:$0x3FFE];
	[sflag:s23] =	ssyncadd.s32 $0xFFFFFFFF  }
0xa5: {  	s26 =	simm.s32 $execute0_lowered;
	[smem:$0x3FD2] =	sst s25  }
0xa6: {  	s5 =	sshll.u32 s26, $0x1;
	_ =	strace $0x80000046;
	[dreg:$0x1] =	wrdreg $0xFFFFFFFF  }
0xa7: {  	s28 =	simm.s32 $_size_execute0_lowered;
	s3 =	sadd.s32 s3, s5;
	[dreg:$0x0] =	wrdreg $0x0  }
0xa8: {  	s5 =	sshll.u32 s28, $0x1;
	[dreg:$0x2] =	wrdreg s3  }
0xa9: {  	[dreg:$0x3] =	wrdreg s5  }
0xaa: {  	[dreg:$0x4] =	wrdreg $0xC0  }
0xab: {  	_ =	task [dreg:s7], $0x5FFFF  }
0xac: {  	[dreg:$0x1] =	wrdreg $0xFFFFFFFF  }
0xad: {  	[dreg:$0x0] =	wrdreg $0x60  }
0xae: {  	[dreg:$0x2] =	wrdreg s24  }
0xaf: {  	[dreg:$0x3] =	wrdreg s2  }
0xb0: {  	[dreg:$0x4] =	wrdreg $0x2B000  }
0xb1: {  	[dreg:$0x5] =	wrdreg $0x9  }
0xb2: {  	_ =	task.clear_ibuf [dreg:s7], $0x6FFFF;
	_ =	strace $0x90000046  }
0xb3: {  	s29 =	simm.s32 $0x9;
	_ =	strace $0x80000048  }
0xb4: {  	_ =	swait.ge [sflag:s29], $0x1  }
0xb5: {  	[sflag:s29] =	ssyncadd.s32 $0xFFFFFFFF  }
0xb6: {  	_ =	strace $0x90000048  }
0xb7: {  	_ =	sfence  }
0xb8: {  	s30 =	sld [smem:$0x0];
	_ =	sdelay $0x2  }
0xb9: {  	s31 =	sshll.u32 s1, $0xD;
	s1 =	sshrl.u32 s1, $0x2  }
0xba: {  	s3 =	sand.u32 $0x4000, s31;
	s1 =	sadd.s32 s1, s30  }
0xbb: {  	s0 =	sor.u32 s3, s0;
	s1 =	sshll.u32 s1, $0x11  }
0xbc: {  	s0 =	sor.u32 s1, s0  }
0xbd: {  	s0 =	sadd.s32 $0x8F2B, s0  }
0xbe: {  	[sflag:s0] =	ssyncadd.remote.s32 $0x1  }
0xbf: {  	_ =	sfence.sel $0xFFFF  }
0xc0: {  	[dreg:$0x0] =	wrdreg $0xFFFFFFFF;
	(pc) =	sbr.abs _section_cstart, $3  }
0xc1: {  	[dreg:$0x1] =	wrdreg $0xFFFFFFFF  }
0xc2: {  	_ =	task.clear_ibuf [dreg:s7], $0x2FFFF;
	_ =	strace $0x9FFFFFFF  }
0xc3: {  	(tm) =	ssettm $0x7FFFFFFF  }
tec
execute0_lowered:
.L_overlay_start_1:
0x0: {  	(tag) =	ssettag $0x1  }
0x1: {  	s4 =	rddreg [dreg:$0x0]  }
0x2: {  	s5 =	rddreg [dreg:$0x1]  }
0x3: {  	s2 =	rddreg [dreg:$0x2];
	s3 =	simm.s32 $0x0  }
0x4: {  	s23 =	simm.s32 $0x2880;
	[smem:$0x7FF] =	sst s3  }
0x5: {  	s24 =	simm.s32 $0x100;
	_ =	strace $0x80000047;
	[dreg:$0x6] =	wrdreg s23  }
0x6: {  	s26 =	simm.s32 $0x180;
	[dreg:$0x7] =	wrdreg s24  }
0x7: {  	s31 =	simm.s32 $0x200;
	[dreg:$0x8] =	wrdreg s26  }
0x8: {  	s9 =	simm.s32 $0x500;
	[dreg:$0x9] =	wrdreg s31  }
0x9: {  	s10 =	simm.s32 $0x580;
	[dreg:$0xf] =	wrdreg s9  }
0xa: {  	s11 =	simm.s32 $0x600;
	[dreg:$0x10] =	wrdreg s10  }
0xb: {  	s12 =	simm.s32 $0x680;
	[dreg:$0x11] =	wrdreg s11  }
0xc: {  	s13 =	simm.s32 $0x700;
	[dreg:$0x12] =	wrdreg s12  }
0xd: {  	s14 =	simm.s32 $0x780;
	[dreg:$0x13] =	wrdreg s13  }
0xe: {  	s15 =	simm.s32 $0x800;
	[dreg:$0x14] =	wrdreg s14  }
0xf: {  	s1 =	srdreg.scid;
	s16 =	simm.s32 $0x880;
	[dreg:$0x15] =	wrdreg s15  }
0x10: {  	s0 =	stileid.u32;
	s17 =	simm.s32 $0x900;
	[dreg:$0x16] =	wrdreg s16  }
0x11: {  	s18 =	simm.s32 $0x980;
	s19 =	simm.s32 $0xA00;
	[dreg:$0x17] =	wrdreg s17  }
0x12: {  	s25 =	sand.u32 $0x1, s1;
	s20 =	sshll.u32 s0, $0x1;
	[dreg:$0x18] =	wrdreg s18  }
0x13: {  	s1 =	sor.u32 s25, s20;
	[dreg:$0x19] =	wrdreg s19;
	s20 =	simm.s32 $0xA80  }
0x14: {  	s23 =	simm.s32 $0xC00;
	[dreg:$0x1a] =	wrdreg s20  }
0x15: {  	s24 =	simm.s32 $0xC80;
	[dreg:$0x1d] =	wrdreg s23  }
0x16: {  	v0 =	vimm.f32 $1.000000000e+00;
	s26 =	simm.s32 $0xD00;
	[dreg:$0x1e] =	wrdreg s24  }
0x17: {  	v1 =	vimm.f32 $0.0e+00;
	[tilespmem:$0x2800] =	vst v0;
	s31 =	simm.s32 $0xD80;
	[dreg:$0x1f] =	wrdreg s26  }
0x18: {  	[tilespmem:$0x2AF0] =	vst v1;
	s9 =	simm.s32 $0x1080;
	[smem:$0x7D9] =	sst s31  }
0x19: {  	[tilespmem:$0x2AE0] =	vst v1;
	s10 =	simm.s32 $0x1100;
	[smem:$0x7DF] =	sst s9  }
0x1a: {  	[tilespmem:$0x2AD0] =	vst v1;
	s11 =	simm.s32 $0x1180;
	[smem:$0x7E0] =	sst s10  }
0x1b: {  	[tilespmem:$0x2AC0] =	vst v1;
	s12 =	simm.s32 $0x1200;
	[smem:$0x7E1] =	sst s11  }
0x1c: {  	[tilespmem:$0x2AB0] =	vst v1;
	s13 =	simm.s32 $0x1280;
	[smem:$0x7E2] =	sst s12  }
0x1d: {  	[tilespmem:$0x2AA0] =	vst v1;
	s14 =	simm.s32 $0x1300;
	[smem:$0x7E3] =	sst s13  }
0x1e: {  	[tilespmem:$0x2A90] =	vst v1;
	s15 =	simm.s32 $0x1380;
	[smem:$0x7E4] =	sst s14  }
0x1f: {  	[tilespmem:$0x2A80] =	vst v1;
	s16 =	simm.s32 $0x1400;
	[smem:$0x7E5] =	sst s15  }
0x20: {  	[tilespmem:$0x2A70] =	vst v1;
	s17 =	simm.s32 $0x1480;
	[smem:$0x7E6] =	sst s16  }
0x21: {  	s7 =	smul.u32 $0x500, s0;
	[tilespmem:$0x2A60] =	vst v1;
	s18 =	simm.s32 $0x1500;
	[smem:$0x7E7] =	sst s17  }
0x22: {  	s8 =	sshll.u32 s25, $0x7;
	[tilespmem:$0x2A50] =	vst v1;
	s19 =	simm.s32 $0x1580;
	[smem:$0x7E8] =	sst s18  }
0x23: {  	[tilespmem:$0x2A40] =	vst v1;
	s6 =	smul.u32 $0x2800, s1;
	s1 =	simm.s32 $0x280;
	[smem:$0x7E9] =	sst s19  }
0x24: {  	[tilespmem:$0x2A30] =	vst v1;
	s21 =	sor.u32 s8, s7;
	s7 =	simm.s32 $0x400;
	[dreg:$0xa] =	wrdreg s1  }
0x25: {  	[tilespmem:$0x2A20] =	vst v1;
	s8 =	simm.s32 $0x480;
	[dreg:$0xd] =	wrdreg s7  }
0x26: {  	[tilespmem:$0x2A10] =	vst v1;
	s20 =	simm.s32 $0x1600;
	[dreg:$0xe] =	wrdreg s8  }
0x27: {  	[tilespmem:$0x2A00] =	vst v1;
	s23 =	simm.s32 $0x1780;
	[smem:$0x7EA] =	sst s20  }
0x28: {  	[tilespmem:$0x29F0] =	vst v1;
	s24 =	simm.s32 $0x1800;
	[smem:$0x7ED] =	sst s23  }
0x29: {  	[tilespmem:$0x29E0] =	vst v1;
	s26 =	simm.s32 $0x1880;
	[smem:$0x7EE] =	sst s24  }
0x2a: {  	[tilespmem:$0x29D0] =	vst v1;
	s31 =	simm.s32 $0x1900;
	[smem:$0x7EF] =	sst s26  }
0x2b: {  	[tilespmem:$0x29C0] =	vst v1;
	s9 =	simm.s32 $0x1C00;
	[smem:$0x7F0] =	sst s31  }
0x2c: {  	[tilespmem:$0x29B0] =	vst v1;
	s10 =	simm.s32 $0x1C80;
	[smem:$0x7F6] =	sst s9  }
0x2d: {  	[tilespmem:$0x29A0] =	vst v1;
	s11 =	simm.s32 $0x1D00;
	[smem:$0x7F7] =	sst s10  }
0x2e: {  	[tilespmem:$0x2990] =	vst v1;
	s12 =	simm.s32 $0x1D80;
	[smem:$0x7F8] =	sst s11  }
0x2f: {  	[tilespmem:$0x2980] =	vst v1;
	s13 =	simm.s32 $0x1E00;
	[smem:$0x7F9] =	sst s12  }
0x30: {  	[tilespmem:$0x2970] =	vst v1;
	s14 =	simm.s32 $0x1E80;
	[smem:$0x7FA] =	sst s13  }
0x31: {  	[tilespmem:$0x2960] =	vst v1;
	s15 =	simm.s32 $0x1F00;
	[smem:$0x7FB] =	sst s14  }
0x32: {  	[tilespmem:$0x2950] =	vst v1;
	s17 =	simm.s32 $0x1F80;
	[smem:$0x7FC] =	sst s15  }
0x33: {  	[tilespmem:$0x2940] =	vst v1;
	s1 =	simm.s32 $0xE00;
	[smem:$0x7FD] =	sst s17  }
0x34: {  	[tilespmem:$0x2930] =	vst v1;
	s7 =	simm.s32 $0xF80;
	[smem:$0x7DA] =	sst s1  }
0x35: {  	[tilespmem:$0x2920] =	vst v1;
	s8 =	simm.s32 $0x1000;
	[smem:$0x7DD] =	sst s7  }
0x36: {  	[tilespmem:$0x2910] =	vst v1;
	[smem:$0x7DE] =	sst s8;
	s1 =	simm.s32 $0x1980  }
0x37: {  	[tilespmem:$0x2900] =	vst v1;
	s6 =	sshrl.u32 s6, $0x3;
	s7 =	simm.s32 $0x1B00;
	[smem:$0x7F1] =	sst s1  }
0x38: {  	[tilespmem:$0x28F0] =	vst v1;
	s8 =	simm.s32 $0x1B80;
	s4 =	sadd.s32 s4, s6;
	[smem:$0x7F4] =	sst s7  }
0x39: {  	[tilespmem:$0x28E0] =	vst v1;
	s6 =	sshrl.u32 s21, $0x3;
	s21 =	simm.s32 $0xB00;
	[smem:$0x7F5] =	sst s8  }
0x3a: {  	[tilespmem:$0x28D0] =	vst v1;
	s4 =	sadd.s32 $0xC200, s4;
	[dreg:$0x1b] =	wrdreg s21  }
0x3b: {  	[tilespmem:$0x28C0] =	vst v1;
	s22 =	sadd.s32 s5, s6;
	[dreg:$0x4] =	wrdreg s4  }
0x3c: {  	[tilespmem:$0x28B0] =	vst v1;
	s5 =	simm.s32 $0x300;
	[dreg:$0x5] =	wrdreg s22  }
0x3d: {  	[tilespmem:$0x28A0] =	vst v1;
	s6 =	simm.s32 $0x380;
	[dreg:$0xb] =	wrdreg s5  }
0x3e: {  	[tilespmem:$0x2890] =	vst v1;
	s21 =	simm.s32 $0x1680;
	[dreg:$0xc] =	wrdreg s6  }
0x3f: {  	[tilespmem:$0x2880] =	vst v1;
	s22 =	simm.s32 $0xB80;
	[smem:$0x7EB] =	sst s21  }
0x40: {  	[tilespmem:$0x2870] =	vst v0;
	s5 =	simm.s32 $0xE80;
	[dreg:$0x1c] =	wrdreg s22  }
0x41: {  	[tilespmem:$0x2860] =	vst v0;
	s6 =	simm.s32 $0xF00;
	[smem:$0x7DB] =	sst s5  }
0x42: {  	[tilespmem:$0x2850] =	vst v0;
	[smem:$0x7DC] =	sst s6  }
0x43: {  	[tilespmem:$0x2840] =	vst v0;
	s22 =	simm.s32 $0x1700;
	s16 =	rddreg [dreg:$0x4]  }
0x44: {  	[tilespmem:$0x2830] =	vst v0;
	s5 =	simm.s32 $0x1A00;
	[smem:$0x7EC] =	sst s22  }
0x45: {  	[tilespmem:$0x2820] =	vst v0;
	s6 =	simm.s32 $0x1A80;
	[smem:$0x7F2] =	sst s5  }
0x46: {  	[tilespmem:$0x2810] =	vst v0;
	s18 =	smul.u32 $0xA00, s0;
	s4 =	simm.s32 $0x2;
	[smem:$0x7F3] =	sst s6  }
0x47: {  	[tilespmem:s3], [sflag:$0x2] =	stream.linear.gather [hbm4b:s16+s3], $0x2800, $0x38;
	[tilespmem:$0x2D80] =	vst v63  }
0x48: {  	_ =	swait.ge [sflag:s4], $0x2800  }
0x49: {  	s5 =	sshrl.u32 s18, $0x2;
	[sflag:s4] =	ssyncset.done $0x0  }
0x4a: {  	s5 =	sadd.s32 s5, s2;
	s19 =	rddreg [dreg:$0x6];
	[sflag:s4] =	ssyncadd.s32 $0xFFFFD800  }
0x4b: {  	[spmem:s5] =	stream.linear.scatter [tilespmem:s19], [sflag:$0x2], $0x280, $0x38;
	[tilespmem:$0x2D80] =	vst v63  }
0x4c: {  	_ =	swait.ge [sflag:s4], $0x280  }
0x4d: {  	[sflag:s4] =	ssyncset.done $0x0  }
0x4e: {  	[sflag:s4] =	ssyncadd.s32 $0xFFFFFD80  }
0x4f: {  	s7 =	simm.s32 $0x2800;
	s6 =	simm.s32 $0x80;
	[bflag:$0x0] =	sbarrier.arrive $0xFFFF  }
0x50: {  	[spmem:s2] =	stream.indirect.scatter.add.f32 [tilespmem:s7], [sflag:$0x1], $0x1, s3, s6, $0xb8;
	[tilespmem:$0x2D80] =	vst v63  }
0x51: {  	s20 =	rddreg [dreg:$0x7]  }
0x52: {  	[spmem:s2] =	stream.indirect.scatter.add.f32 [tilespmem:s7], [sflag:$0x1], $0x1, s6, s6, $0xb8;
	[tilespmem:$0x2D80] =	vst v63  }
0x53: {  	s9 =	rddreg [dreg:$0x8]  }
0x54: {  	[spmem:s2] =	stream.indirect.scatter.add.f32 [tilespmem:s7], [sflag:$0x1], $0x1, s20, s6, $0xb8;
	[tilespmem:$0x2D80] =	vst v63  }
0x55: {  	s21 =	rddreg [dreg:$0x9]  }
0x56: {  	[spmem:s2] =	stream.indirect.scatter.add.f32 [tilespmem:s7], [sflag:$0x1], $0x1, s9, s6, $0xb8;
	[tilespmem:$0x2D80] =	vst v63  }
0x57: {  	s22 =	rddreg [dreg:$0xa]  }
0x58: {  	[spmem:s2] =	stream.indirect.scatter.add.f32 [tilespmem:s7], [sflag:$0x1], $0x1, s21, s6, $0xb8;
	[tilespmem:$0x2D80] =	vst v63  }
0x59: {  	s23 =	rddreg [dreg:$0xb]  }
0x5a: {  	[spmem:s2] =	stream.indirect.scatter.add.f32 [tilespmem:s7], [sflag:$0x1], $0x1, s22, s6, $0xb8;
	[tilespmem:$0x2D80] =	vst v63  }
0x5b: {  	s24 =	rddreg [dreg:$0xc]  }
0x5c: {  	[spmem:s2] =	stream.indirect.scatter.add.f32 [tilespmem:s7], [sflag:$0x1], $0x1, s23, s6, $0xb8;
	[tilespmem:$0x2D80] =	vst v63  }
0x5d: {  	s26 =	rddreg [dreg:$0xd]  }
0x5e: {  	[spmem:s2] =	stream.indirect.scatter.add.f32 [tilespmem:s7], [sflag:$0x1], $0x1, s24, s6, $0xb8;
	[tilespmem:$0x2D80] =	vst v63  }
0x5f: {  	s31 =	rddreg [dreg:$0xe]  }
0x60: {  	[spmem:s2] =	stream.indirect.scatter.add.f32 [tilespmem:s7], [sflag:$0x1], $0x1, s26, s6, $0xb8;
	[tilespmem:$0x2D80] =	vst v63  }
0x61: {  	s1 =	rddreg [dreg:$0xf]  }
0x62: {  	[spmem:s2] =	stream.indirect.scatter.add.f32 [tilespmem:s7], [sflag:$0x1], $0x1, s31, s6, $0xb8;
	[tilespmem:$0x2D80] =	vst v63  }
0x63: {  	s10 =	rddreg [dreg:$0x10]  }
0x64: {  	[spmem:s2] =	stream.indirect.scatter.add.f32 [tilespmem:s7], [sflag:$0x1], $0x1, s1, s6, $0xb8;
	[tilespmem:$0x2D80] =	vst v63  }
0x65: {  	s11 =	rddreg [dreg:$0x11]  }
0x66: {  	[spmem:s2] =	stream.indirect.scatter.add.f32 [tilespmem:s7], [sflag:$0x1], $0x1, s10, s6, $0xb8;
	[tilespmem:$0x2D80] =	vst v63  }
0x67: {  	s12 =	rddreg [dreg:$0x12]  }
0x68: {  	[spmem:s2] =	stream.indirect.scatter.add.f32 [tilespmem:s7], [sflag:$0x1], $0x1, s11, s6, $0xb8;
	[tilespmem:$0x2D80] =	vst v63  }
0x69: {  	s13 =	rddreg [dreg:$0x13]  }
0x6a: {  	[spmem:s2] =	stream.indirect.scatter.add.f32 [tilespmem:s7], [sflag:$0x1], $0x1, s12, s6, $0xb8;
	[tilespmem:$0x2D80] =	vst v63  }
0x6b: {  	s14 =	rddreg [dreg:$0x14]  }
0x6c: {  	[spmem:s2] =	stream.indirect.scatter.add.f32 [tilespmem:s7], [sflag:$0x1], $0x1, s13, s6, $0xb8;
	[tilespmem:$0x2D80] =	vst v63  }
0x6d: {  	s15 =	rddreg [dreg:$0x15]  }
0x6e: {  	[spmem:s2] =	stream.indirect.scatter.add.f32 [tilespmem:s7], [sflag:$0x1], $0x1, s14, s6, $0xb8;
	[tilespmem:$0x2D80] =	vst v63  }
0x6f: {  	s16 =	rddreg [dreg:$0x16]  }
0x70: {  	[spmem:s2] =	stream.indirect.scatter.add.f32 [tilespmem:s7], [sflag:$0x1], $0x1, s15, s6, $0xb8;
	[tilespmem:$0x2D80] =	vst v63  }
0x71: {  	s17 =	rddreg [dreg:$0x17]  }
0x72: {  	[spmem:s2] =	stream.indirect.scatter.add.f32 [tilespmem:s7], [sflag:$0x1], $0x1, s16, s6, $0xb8;
	[tilespmem:$0x2D80] =	vst v63  }
0x73: {  	s18 =	rddreg [dreg:$0x18]  }
0x74: {  	[spmem:s2] =	stream.indirect.scatter.add.f32 [tilespmem:s7], [sflag:$0x1], $0x1, s17, s6, $0xb8;
	[tilespmem:$0x2D80] =	vst v63  }
0x75: {  	s19 =	rddreg [dreg:$0x19]  }
0x76: {  	[spmem:s2] =	stream.indirect.scatter.add.f32 [tilespmem:s7], [sflag:$0x1], $0x1, s18, s6, $0xb8;
	[tilespmem:$0x2D80] =	vst v63  }
0x77: {  	s20 =	rddreg [dreg:$0x1a]  }
0x78: {  	[spmem:s2] =	stream.indirect.scatter.add.f32 [tilespmem:s7], [sflag:$0x1], $0x1, s19, s6, $0xb8;
	[tilespmem:$0x2D80] =	vst v63  }
0x79: {  	s21 =	rddreg [dreg:$0x1b]  }
0x7a: {  	[spmem:s2] =	stream.indirect.scatter.add.f32 [tilespmem:s7], [sflag:$0x1], $0x1, s20, s6, $0xb8;
	[tilespmem:$0x2D80] =	vst v63  }
0x7b: {  	s22 =	rddreg [dreg:$0x1c]  }
0x7c: {  	[spmem:s2] =	stream.indirect.scatter.add.f32 [tilespmem:s7], [sflag:$0x1], $0x1, s21, s6, $0xb8;
	[tilespmem:$0x2D80] =	vst v63  }
0x7d: {  	s23 =	rddreg [dreg:$0x1d]  }
0x7e: {  	[spmem:s2] =	stream.indirect.scatter.add.f32 [tilespmem:s7], [sflag:$0x1], $0x1, s22, s6, $0xb8;
	[tilespmem:$0x2D80] =	vst v63  }
0x7f: {  	s24 =	rddreg [dreg:$0x1e]  }
0x80: {  	[spmem:s2] =	stream.indirect.scatter.add.f32 [tilespmem:s7], [sflag:$0x1], $0x1, s23, s6, $0xb8;
	[tilespmem:$0x2D80] =	vst v63  }
0x81: {  	s26 =	rddreg [dreg:$0x1f]  }
0x82: {  	[spmem:s2] =	stream.indirect.scatter.add.f32 [tilespmem:s7], [sflag:$0x1], $0x1, s24, s6, $0xb8;
	[tilespmem:$0x2D80] =	vst v63  }
0x83: {  	s31 =	sld [smem:$0x7D9]  }
0x84: {  	[spmem:s2] =	stream.indirect.scatter.add.f32 [tilespmem:s7], [sflag:$0x1], $0x1, s26, s6, $0xb8;
	[tilespmem:$0x2D80] =	vst v63  }
0x85: {  	s1 =	sld [smem:$0x7DA]  }
0x86: {  	[spmem:s2] =	stream.indirect.scatter.add.f32 [tilespmem:s7], [sflag:$0x1], $0x1, s31, s6, $0xb8;
	[tilespmem:$0x2D80] =	vst v63  }
0x87: {  	s10 =	sld [smem:$0x7DB]  }
0x88: {  	[spmem:s2] =	stream.indirect.scatter.add.f32 [tilespmem:s7], [sflag:$0x1], $0x1, s1, s6, $0xb8;
	[tilespmem:$0x2D80] =	vst v63  }
0x89: {  	s11 =	sld [smem:$0x7DC]  }
0x8a: {  	[spmem:s2] =	stream.indirect.scatter.add.f32 [tilespmem:s7], [sflag:$0x1], $0x1, s10, s6, $0xb8;
	[tilespmem:$0x2D80] =	vst v63  }
0x8b: {  	s12 =	sld [smem:$0x7DD]  }
0x8c: {  	[spmem:s2] =	stream.indirect.scatter.add.f32 [tilespmem:s7], [sflag:$0x1], $0x1, s11, s6, $0xb8;
	[tilespmem:$0x2D80] =	vst v63  }
0x8d: {  	s13 =	sld [smem:$0x7DE]  }
0x8e: {  	[spmem:s2] =	stream.indirect.scatter.add.f32 [tilespmem:s7], [sflag:$0x1], $0x1, s12, s6, $0xb8;
	[tilespmem:$0x2D80] =	vst v63  }
0x8f: {  	s14 =	sld [smem:$0x7DF]  }
0x90: {  	[spmem:s2] =	stream.indirect.scatter.add.f32 [tilespmem:s7], [sflag:$0x1], $0x1, s13, s6, $0xb8;
	[tilespmem:$0x2D80] =	vst v63  }
0x91: {  	s15 =	sld [smem:$0x7E0]  }
0x92: {  	[spmem:s2] =	stream.indirect.scatter.add.f32 [tilespmem:s7], [sflag:$0x1], $0x1, s14, s6, $0xb8;
	[tilespmem:$0x2D80] =	vst v63  }
0x93: {  	s16 =	sld [smem:$0x7E1]  }
0x94: {  	[spmem:s2] =	stream.indirect.scatter.add.f32 [tilespmem:s7], [sflag:$0x1], $0x1, s15, s6, $0xb8;
	[tilespmem:$0x2D80] =	vst v63  }
0x95: {  	s17 =	sld [smem:$0x7E2]  }
0x96: {  	[spmem:s2] =	stream.indirect.scatter.add.f32 [tilespmem:s7], [sflag:$0x1], $0x1, s16, s6, $0xb8;
	[tilespmem:$0x2D80] =	vst v63  }
0x97: {  	s18 =	sld [smem:$0x7E3]  }
0x98: {  	[spmem:s2] =	stream.indirect.scatter.add.f32 [tilespmem:s7], [sflag:$0x1], $0x1, s17, s6, $0xb8;
	[tilespmem:$0x2D80] =	vst v63  }
0x99: {  	s19 =	sld [smem:$0x7E4]  }
0x9a: {  	[spmem:s2] =	stream.indirect.scatter.add.f32 [tilespmem:s7], [sflag:$0x1], $0x1, s18, s6, $0xb8;
	[tilespmem:$0x2D80] =	vst v63  }
0x9b: {  	s20 =	sld [smem:$0x7E5]  }
0x9c: {  	[spmem:s2] =	stream.indirect.scatter.add.f32 [tilespmem:s7], [sflag:$0x1], $0x1, s19, s6, $0xb8;
	[tilespmem:$0x2D80] =	vst v63  }
0x9d: {  	s21 =	sld [smem:$0x7E6]  }
0x9e: {  	[spmem:s2] =	stream.indirect.scatter.add.f32 [tilespmem:s7], [sflag:$0x1], $0x1, s20, s6, $0xb8;
	[tilespmem:$0x2D80] =	vst v63  }
0x9f: {  	s22 =	sld [smem:$0x7E7]  }
0xa0: {  	[spmem:s2] =	stream.indirect.scatter.add.f32 [tilespmem:s7], [sflag:$0x1], $0x1, s21, s6, $0xb8;
	[tilespmem:$0x2D80] =	vst v63  }
0xa1: {  	s23 =	sld [smem:$0x7E8]  }
0xa2: {  	[spmem:s2] =	stream.indirect.scatter.add.f32 [tilespmem:s7], [sflag:$0x1], $0x1, s22, s6, $0xb8;
	[tilespmem:$0x2D80] =	vst v63  }
0xa3: {  	s24 =	sld [smem:$0x7E9]  }
0xa4: {  	[spmem:s2] =	stream.indirect.scatter.add.f32 [tilespmem:s7], [sflag:$0x1], $0x1, s23, s6, $0xb8;
	[tilespmem:$0x2D80] =	vst v63  }
0xa5: {  	s26 =	sld [smem:$0x7EA]  }
0xa6: {  	[spmem:s2] =	stream.indirect.scatter.add.f32 [tilespmem:s7], [sflag:$0x1], $0x1, s24, s6, $0xb8;
	[tilespmem:$0x2D80] =	vst v63  }
0xa7: {  	s31 =	sld [smem:$0x7EB]  }
0xa8: {  	[spmem:s2] =	stream.indirect.scatter.add.f32 [tilespmem:s7], [sflag:$0x1], $0x1, s26, s6, $0xb8;
	[tilespmem:$0x2D80] =	vst v63  }
0xa9: {  	s1 =	sld [smem:$0x7EC]  }
0xaa: {  	[spmem:s2] =	stream.indirect.scatter.add.f32 [tilespmem:s7], [sflag:$0x1], $0x1, s31, s6, $0xb8;
	[tilespmem:$0x2D80] =	vst v63  }
0xab: {  	s10 =	sld [smem:$0x7ED]  }
0xac: {  	[spmem:s2] =	stream.indirect.scatter.add.f32 [tilespmem:s7], [sflag:$0x1], $0x1, s1, s6, $0xb8;
	[tilespmem:$0x2D80] =	vst v63  }
0xad: {  	s11 =	sld [smem:$0x7EE]  }
0xae: {  	[spmem:s2] =	stream.indirect.scatter.add.f32 [tilespmem:s7], [sflag:$0x1], $0x1, s10, s6, $0xb8;
	[tilespmem:$0x2D80] =	vst v63  }
0xaf: {  	s12 =	sld [smem:$0x7EF]  }
0xb0: {  	[spmem:s2] =	stream.indirect.scatter.add.f32 [tilespmem:s7], [sflag:$0x1], $0x1, s11, s6, $0xb8;
	[tilespmem:$0x2D80] =	vst v63  }
0xb1: {  	s13 =	sld [smem:$0x7F0]  }
0xb2: {  	[spmem:s2] =	stream.indirect.scatter.add.f32 [tilespmem:s7], [sflag:$0x1], $0x1, s12, s6, $0xb8;
	[tilespmem:$0x2D80] =	vst v63  }
0xb3: {  	s14 =	sld [smem:$0x7F1]  }
0xb4: {  	[spmem:s2] =	stream.indirect.scatter.add.f32 [tilespmem:s7], [sflag:$0x1], $0x1, s13, s6, $0xb8;
	[tilespmem:$0x2D80] =	vst v63  }
0xb5: {  	s15 =	sld [smem:$0x7F2]  }
0xb6: {  	[spmem:s2] =	stream.indirect.scatter.add.f32 [tilespmem:s7], [sflag:$0x1], $0x1, s14, s6, $0xb8;
	[tilespmem:$0x2D80] =	vst v63  }
0xb7: {  	s16 =	sld [smem:$0x7F3]  }
0xb8: {  	[spmem:s2] =	stream.indirect.scatter.add.f32 [tilespmem:s7], [sflag:$0x1], $0x1, s15, s6, $0xb8;
	[tilespmem:$0x2D80] =	vst v63  }
0xb9: {  	s17 =	sld [smem:$0x7F4]  }
0xba: {  	[spmem:s2] =	stream.indirect.scatter.add.f32 [tilespmem:s7], [sflag:$0x1], $0x1, s16, s6, $0xb8;
	[tilespmem:$0x2D80] =	vst v63  }
0xbb: {  	s18 =	sld [smem:$0x7F5]  }
0xbc: {  	[spmem:s2] =	stream.indirect.scatter.add.f32 [tilespmem:s7], [sflag:$0x1], $0x1, s17, s6, $0xb8;
	[tilespmem:$0x2D80] =	vst v63  }
0xbd: {  	s19 =	sld [smem:$0x7F6]  }
0xbe: {  	[spmem:s2] =	stream.indirect.scatter.add.f32 [tilespmem:s7], [sflag:$0x1], $0x1, s18, s6, $0xb8;
	[tilespmem:$0x2D80] =	vst v63  }
0xbf: {  	s20 =	sld [smem:$0x7F7]  }
0xc0: {  	[spmem:s2] =	stream.indirect.scatter.add.f32 [tilespmem:s7], [sflag:$0x1], $0x1, s19, s6, $0xb8;
	[tilespmem:$0x2D80] =	vst v63  }
0xc1: {  	s21 =	sld [smem:$0x7F8]  }
0xc2: {  	[spmem:s2] =	stream.indirect.scatter.add.f32 [tilespmem:s7], [sflag:$0x1], $0x1, s20, s6, $0xb8;
	[tilespmem:$0x2D80] =	vst v63  }
0xc3: {  	s22 =	sld [smem:$0x7F9]  }
0xc4: {  	[spmem:s2] =	stream.indirect.scatter.add.f32 [tilespmem:s7], [sflag:$0x1], $0x1, s21, s6, $0xb8;
	[tilespmem:$0x2D80] =	vst v63  }
0xc5: {  	s23 =	sld [smem:$0x7FA]  }
0xc6: {  	[spmem:s2] =	stream.indirect.scatter.add.f32 [tilespmem:s7], [sflag:$0x1], $0x1, s22, s6, $0xb8;
	[tilespmem:$0x2D80] =	vst v63  }
0xc7: {  	s24 =	sld [smem:$0x7FB]  }
0xc8: {  	[spmem:s2] =	stream.indirect.scatter.add.f32 [tilespmem:s7], [sflag:$0x1], $0x1, s23, s6, $0xb8;
	[tilespmem:$0x2D80] =	vst v63  }
0xc9: {  	s26 =	sld [smem:$0x7FC]  }
0xca: {  	[spmem:s2] =	stream.indirect.scatter.add.f32 [tilespmem:s7], [sflag:$0x1], $0x1, s24, s6, $0xb8;
	[tilespmem:$0x2D80] =	vst v63  }
0xcb: {  	s31 =	sld [smem:$0x7FD]  }
0xcc: {  	[spmem:s2] =	stream.indirect.scatter.add.f32 [tilespmem:s7], [sflag:$0x1], $0x1, s26, s6, $0xb8;
	[tilespmem:$0x2D80] =	vst v63  }
0xcd: {  	_ = 	snop  }
0xce: {  	[spmem:s2] =	stream.indirect.scatter.add.f32 [tilespmem:s7], [sflag:$0x1], $0x1, s31, s6, $0xb8;
	[tilespmem:$0x2D80] =	vst v63  }
0xcf: {  	s8 =	simm.s32 $0x2000  }
0xd0: {  	[spmem:s2] =	stream.indirect.scatter.add.f32 [tilespmem:s7], [sflag:$0x1], $0x1, s8, s6, $0xb8;
	[tilespmem:$0x2D80] =	vst v63  }
0xd1: {  	s9 =	simm.s32 $0x2080  }
0xd2: {  	[spmem:s2] =	stream.indirect.scatter.add.f32 [tilespmem:s7], [sflag:$0x1], $0x1, s9, s6, $0xb8;
	[tilespmem:$0x2D80] =	vst v63  }
0xd3: {  	s10 =	simm.s32 $0x2100  }
0xd4: {  	[spmem:s2] =	stream.indirect.scatter.add.f32 [tilespmem:s7], [sflag:$0x1], $0x1, s10, s6, $0xb8;
	[tilespmem:$0x2D80] =	vst v63  }
0xd5: {  	s11 =	simm.s32 $0x2180  }
0xd6: {  	[spmem:s2] =	stream.indirect.scatter.add.f32 [tilespmem:s7], [sflag:$0x1], $0x1, s11, s6, $0xb8;
	[tilespmem:$0x2D80] =	vst v63  }
0xd7: {  	s12 =	simm.s32 $0x2200  }
0xd8: {  	[spmem:s2] =	stream.indirect.scatter.add.f32 [tilespmem:s7], [sflag:$0x1], $0x1, s12, s6, $0xb8;
	[tilespmem:$0x2D80] =	vst v63  }
0xd9: {  	s13 =	simm.s32 $0x2280  }
0xda: {  	[spmem:s2] =	stream.indirect.scatter.add.f32 [tilespmem:s7], [sflag:$0x1], $0x1, s13, s6, $0xb8;
	[tilespmem:$0x2D80] =	vst v63  }
0xdb: {  	s14 =	simm.s32 $0x2300  }
0xdc: {  	[spmem:s2] =	stream.indirect.scatter.add.f32 [tilespmem:s7], [sflag:$0x1], $0x1, s14, s6, $0xb8;
	[tilespmem:$0x2D80] =	vst v63  }
0xdd: {  	s15 =	simm.s32 $0x2380  }
0xde: {  	[spmem:s2] =	stream.indirect.scatter.add.f32 [tilespmem:s7], [sflag:$0x1], $0x1, s15, s6, $0xb8;
	[tilespmem:$0x2D80] =	vst v63  }
0xdf: {  	s16 =	simm.s32 $0x2400  }
0xe0: {  	[spmem:s2] =	stream.indirect.scatter.add.f32 [tilespmem:s7], [sflag:$0x1], $0x1, s16, s6, $0xb8;
	[tilespmem:$0x2D80] =	vst v63  }
0xe1: {  	s17 =	simm.s32 $0x2480  }
0xe2: {  	[spmem:s2] =	stream.indirect.scatter.add.f32 [tilespmem:s7], [sflag:$0x1], $0x1, s17, s6, $0xb8;
	[tilespmem:$0x2D80] =	vst v63  }
0xe3: {  	s18 =	simm.s32 $0x2500  }
0xe4: {  	[spmem:s2] =	stream.indirect.scatter.add.f32 [tilespmem:s7], [sflag:$0x1], $0x1, s18, s6, $0xb8;
	[tilespmem:$0x2D80] =	vst v63  }
0xe5: {  	s19 =	simm.s32 $0x2580  }
0xe6: {  	[spmem:s2] =	stream.indirect.scatter.add.f32 [tilespmem:s7], [sflag:$0x1], $0x1, s19, s6, $0xb8;
	[tilespmem:$0x2D80] =	vst v63  }
0xe7: {  	s20 =	simm.s32 $0x2600  }
0xe8: {  	[spmem:s2] =	stream.indirect.scatter.add.f32 [tilespmem:s7], [sflag:$0x1], $0x1, s20, s6, $0xb8;
	[tilespmem:$0x2D80] =	vst v63  }
0xe9: {  	s21 =	simm.s32 $0x2680  }
0xea: {  	[spmem:s2] =	stream.indirect.scatter.add.f32 [tilespmem:s7], [sflag:$0x1], $0x1, s21, s6, $0xb8;
	[tilespmem:$0x2D80] =	vst v63  }
0xeb: {  	s22 =	simm.s32 $0x2700  }
0xec: {  	[spmem:s2] =	stream.indirect.scatter.add.f32 [tilespmem:s7], [sflag:$0x1], $0x1, s22, s6, $0xb8;
	[tilespmem:$0x2D80] =	vst v63  }
0xed: {  	s23 =	simm.s32 $0x2780;
	s24 =	simm.s32 $0x1  }
0xee: {  	[spmem:s2] =	stream.indirect.scatter.add.f32 [tilespmem:s7], [sflag:$0x1], $0x1, s23, s6, $0xb8;
	[tilespmem:$0x2D80] =	vst v63  }
0xef: {  	_ =	swait.ge [sflag:s24], $0x2800  }
0xf0: {  	s28 =	sshll.u32 s0, $0x6;
	s25 =	ssub.s32 $0x2, s25;
	[sflag:s24] =	ssyncset.done $0x0  }
0xf1: {  	s29 =	sshrl.u32 s5, $0x3;
	s26 =	sshrl.u32 s25, $0x1;
	[sflag:s24] =	ssyncadd.s32 $0xFFFFD800  }
0xf2: {  	s31 =	ssub.s32 s25, s26;
	s25 =	sor.u32 $0x1C02, s28;
	[bflag:$0x0] =	sbarrier.arrive $0xFFFF  }
0xf3: {  	s26 =	simm.s32 $0x20;
	s28 =	simm.s32 $0x10;
	s30 =	rddreg [dreg:$0x5]  }
0xf4: {  	[hbm:s30@s26], [sflag:s25] =	dma.strided [spmem:s29@s28], $0x50, s24, $0x10   }
0xf5: {  	s30 =	smax.u32 s31, $0x1  }
0xf6: {  	p0 =	sne.s32 s30, $0x1  }
.Ltmp0:
0xf7: {  	_ = 	snop;
	(pc) =	sbr.rel @!p0 .LBB2_2-.Ltmp0, $3  }
0xf8: {  	_ =	sdelay $0x1  }
0xf9: {  	_ =	swait.ge [sflag:s4], $0x50  }
0xfa: {  	s30 =	sadd.s32 $0xFFFFFFFF, s30;
	[sflag:s4] =	ssyncset.done $0x0  }
.LBB2_1:
0xfb: {  	[sflag:s4] =	ssyncadd.s32 $0xFFFFFFB0  }
0xfc: {  	[tilespmem:$0x2800] =	vst v0  }
0xfd: {  	[tilespmem:$0x2AF0] =	vst v1  }
0xfe: {  	[tilespmem:$0x2AE0] =	vst v1  }
0xff: {  	[tilespmem:$0x2AD0] =	vst v1  }
0x100: {  	[tilespmem:$0x2AC0] =	vst v1  }
0x101: {  	[tilespmem:$0x2AB0] =	vst v1  }
0x102: {  	[tilespmem:$0x2AA0] =	vst v1  }
0x103: {  	[tilespmem:$0x2A90] =	vst v1  }
0x104: {  	[tilespmem:$0x2A80] =	vst v1  }
0x105: {  	[tilespmem:$0x2A70] =	vst v1  }
0x106: {  	[tilespmem:$0x2A60] =	vst v1  }
0x107: {  	[tilespmem:$0x2A50] =	vst v1  }
0x108: {  	[tilespmem:$0x2A40] =	vst v1  }
0x109: {  	[tilespmem:$0x2A30] =	vst v1  }
0x10a: {  	[tilespmem:$0x2A20] =	vst v1  }
0x10b: {  	[tilespmem:$0x2A10] =	vst v1  }
0x10c: {  	[tilespmem:$0x2A00] =	vst v1  }
0x10d: {  	[tilespmem:$0x29F0] =	vst v1  }
0x10e: {  	[tilespmem:$0x29E0] =	vst v1  }
0x10f: {  	[tilespmem:$0x29D0] =	vst v1  }
0x110: {  	[tilespmem:$0x29C0] =	vst v1  }
0x111: {  	[tilespmem:$0x29B0] =	vst v1  }
0x112: {  	[tilespmem:$0x29A0] =	vst v1  }
0x113: {  	[tilespmem:$0x2990] =	vst v1  }
0x114: {  	[tilespmem:$0x2980] =	vst v1  }
0x115: {  	[tilespmem:$0x2970] =	vst v1  }
0x116: {  	[tilespmem:$0x2960] =	vst v1  }
0x117: {  	[tilespmem:$0x2950] =	vst v1  }
0x118: {  	[tilespmem:$0x2940] =	vst v1  }
0x119: {  	[tilespmem:$0x2930] =	vst v1  }
0x11a: {  	[tilespmem:$0x2920] =	vst v1  }
0x11b: {  	[tilespmem:$0x2910] =	vst v1  }
0x11c: {  	[tilespmem:$0x2900] =	vst v1  }
0x11d: {  	[tilespmem:$0x28F0] =	vst v1  }
0x11e: {  	[tilespmem:$0x28E0] =	vst v1  }
0x11f: {  	[tilespmem:$0x28D0] =	vst v1  }
0x120: {  	[tilespmem:$0x28C0] =	vst v1  }
0x121: {  	[tilespmem:$0x28B0] =	vst v1  }
0x122: {  	[tilespmem:$0x28A0] =	vst v1  }
0x123: {  	[tilespmem:$0x2890] =	vst v1  }
0x124: {  	[tilespmem:$0x2880] =	vst v1  }
0x125: {  	[tilespmem:$0x2870] =	vst v0  }
0x126: {  	[tilespmem:$0x2860] =	vst v0  }
0x127: {  	[tilespmem:$0x2850] =	vst v0  }
0x128: {  	[tilespmem:$0x2840] =	vst v0  }
0x129: {  	[tilespmem:$0x2830] =	vst v0  }
0x12a: {  	[tilespmem:$0x2820] =	vst v0  }
0x12b: {  	s31 =	rddreg [dreg:$0x4];
	[tilespmem:$0x2810] =	vst v0  }
0x12c: {  	[tilespmem:s3], [sflag:$0x2] =	stream.linear.gather [hbm4b:s31+s3], $0x2800, $0x38;
	[tilespmem:$0x2D80] =	vst v63  }
0x12d: {  	_ =	swait.ge [sflag:s4], $0x2800  }
0x12e: {  	[sflag:s4] =	ssyncset.done $0x0  }
0x12f: {  	s1 =	rddreg [dreg:$0x6];
	[sflag:s4] =	ssyncadd.s32 $0xFFFFD800  }
0x130: {  	[spmem:s5] =	stream.linear.scatter [tilespmem:s1], [sflag:$0x2], $0x280, $0x38;
	[tilespmem:$0x2D80] =	vst v63  }
0x131: {  	_ =	swait.ge [sflag:s4], $0x280  }
0x132: {  	[sflag:s4] =	ssyncset.done $0x0  }
0x133: {  	[sflag:s4] =	ssyncadd.s32 $0xFFFFFD80  }
0x134: {  	[bflag:$0x0] =	sbarrier.arrive $0xFFFF  }
0x135: {  	[spmem:s2] =	stream.indirect.scatter.add.f32 [tilespmem:s7], [sflag:$0x1], $0x1, s3, s6, $0xb8;
	[tilespmem:$0x2D80] =	vst v63  }
0x136: {  	s31 =	rddreg [dreg:$0x7]  }
0x137: {  	[spmem:s2] =	stream.indirect.scatter.add.f32 [tilespmem:s7], [sflag:$0x1], $0x1, s6, s6, $0xb8;
	[tilespmem:$0x2D80] =	vst v63  }
0x138: {  	s1 =	rddreg [dreg:$0x8]  }
0x139: {  	[spmem:s2] =	stream.indirect.scatter.add.f32 [tilespmem:s7], [sflag:$0x1], $0x1, s31, s6, $0xb8;
	[tilespmem:$0x2D80] =	vst v63  }
0x13a: {  	s31 =	rddreg [dreg:$0x9]  }
0x13b: {  	[spmem:s2] =	stream.indirect.scatter.add.f32 [tilespmem:s7], [sflag:$0x1], $0x1, s1, s6, $0xb8;
	[tilespmem:$0x2D80] =	vst v63  }
0x13c: {  	s1 =	rddreg [dreg:$0xa]  }
0x13d: {  	[spmem:s2] =	stream.indirect.scatter.add.f32 [tilespmem:s7], [sflag:$0x1], $0x1, s31, s6, $0xb8;
	[tilespmem:$0x2D80] =	vst v63  }
0x13e: {  	s31 =	rddreg [dreg:$0xb]  }
0x13f: {  	[spmem:s2] =	stream.indirect.scatter.add.f32 [tilespmem:s7], [sflag:$0x1], $0x1, s1, s6, $0xb8;
	[tilespmem:$0x2D80] =	vst v63  }
0x140: {  	s1 =	rddreg [dreg:$0xc]  }
0x141: {  	[spmem:s2] =	stream.indirect.scatter.add.f32 [tilespmem:s7], [sflag:$0x1], $0x1, s31, s6, $0xb8;
	[tilespmem:$0x2D80] =	vst v63  }
0x142: {  	s31 =	rddreg [dreg:$0xd]  }
0x143: {  	[spmem:s2] =	stream.indirect.scatter.add.f32 [tilespmem:s7], [sflag:$0x1], $0x1, s1, s6, $0xb8;
	[tilespmem:$0x2D80] =	vst v63  }
0x144: {  	s1 =	rddreg [dreg:$0xe]  }
0x145: {  	[spmem:s2] =	stream.indirect.scatter.add.f32 [tilespmem:s7], [sflag:$0x1], $0x1, s31, s6, $0xb8;
	[tilespmem:$0x2D80] =	vst v63  }
0x146: {  	s31 =	rddreg [dreg:$0xf]  }
0x147: {  	[spmem:s2] =	stream.indirect.scatter.add.f32 [tilespmem:s7], [sflag:$0x1], $0x1, s1, s6, $0xb8;
	[tilespmem:$0x2D80] =	vst v63  }
0x148: {  	s1 =	rddreg [dreg:$0x10]  }
0x149: {  	[spmem:s2] =	stream.indirect.scatter.add.f32 [tilespmem:s7], [sflag:$0x1], $0x1, s31, s6, $0xb8;
	[tilespmem:$0x2D80] =	vst v63  }
0x14a: {  	s31 =	rddreg [dreg:$0x11]  }
0x14b: {  	[spmem:s2] =	stream.indirect.scatter.add.f32 [tilespmem:s7], [sflag:$0x1], $0x1, s1, s6, $0xb8;
	[tilespmem:$0x2D80] =	vst v63  }
0x14c: {  	s1 =	rddreg [dreg:$0x12]  }
0x14d: {  	[spmem:s2] =	stream.indirect.scatter.add.f32 [tilespmem:s7], [sflag:$0x1], $0x1, s31, s6, $0xb8;
	[tilespmem:$0x2D80] =	vst v63  }
0x14e: {  	s31 =	rddreg [dreg:$0x13]  }
0x14f: {  	[spmem:s2] =	stream.indirect.scatter.add.f32 [tilespmem:s7], [sflag:$0x1], $0x1, s1, s6, $0xb8;
	[tilespmem:$0x2D80] =	vst v63  }
0x150: {  	s1 =	rddreg [dreg:$0x14]  }
0x151: {  	[spmem:s2] =	stream.indirect.scatter.add.f32 [tilespmem:s7], [sflag:$0x1], $0x1, s31, s6, $0xb8;
	[tilespmem:$0x2D80] =	vst v63  }
0x152: {  	s31 =	rddreg [dreg:$0x15]  }
0x153: {  	[spmem:s2] =	stream.indirect.scatter.add.f32 [tilespmem:s7], [sflag:$0x1], $0x1, s1, s6, $0xb8;
	[tilespmem:$0x2D80] =	vst v63  }
0x154: {  	s1 =	rddreg [dreg:$0x16]  }
0x155: {  	[spmem:s2] =	stream.indirect.scatter.add.f32 [tilespmem:s7], [sflag:$0x1], $0x1, s31, s6, $0xb8;
	[tilespmem:$0x2D80] =	vst v63  }
0x156: {  	s31 =	rddreg [dreg:$0x17]  }
0x157: {  	[spmem:s2] =	stream.indirect.scatter.add.f32 [tilespmem:s7], [sflag:$0x1], $0x1, s1, s6, $0xb8;
	[tilespmem:$0x2D80] =	vst v63  }
0x158: {  	s1 =	rddreg [dreg:$0x18]  }
0x159: {  	[spmem:s2] =	stream.indirect.scatter.add.f32 [tilespmem:s7], [sflag:$0x1], $0x1, s31, s6, $0xb8;
	[tilespmem:$0x2D80] =	vst v63  }
0x15a: {  	s31 =	rddreg [dreg:$0x19]  }
0x15b: {  	[spmem:s2] =	stream.indirect.scatter.add.f32 [tilespmem:s7], [sflag:$0x1], $0x1, s1, s6, $0xb8;
	[tilespmem:$0x2D80] =	vst v63  }
0x15c: {  	s1 =	rddreg [dreg:$0x1a]  }
0x15d: {  	[spmem:s2] =	stream.indirect.scatter.add.f32 [tilespmem:s7], [sflag:$0x1], $0x1, s31, s6, $0xb8;
	[tilespmem:$0x2D80] =	vst v63  }
0x15e: {  	s31 =	rddreg [dreg:$0x1b]  }
0x15f: {  	[spmem:s2] =	stream.indirect.scatter.add.f32 [tilespmem:s7], [sflag:$0x1], $0x1, s1, s6, $0xb8;
	[tilespmem:$0x2D80] =	vst v63  }
0x160: {  	s1 =	rddreg [dreg:$0x1c]  }
0x161: {  	[spmem:s2] =	stream.indirect.scatter.add.f32 [tilespmem:s7], [sflag:$0x1], $0x1, s31, s6, $0xb8;
	[tilespmem:$0x2D80] =	vst v63  }
0x162: {  	s31 =	rddreg [dreg:$0x1d]  }
0x163: {  	[spmem:s2] =	stream.indirect.scatter.add.f32 [tilespmem:s7], [sflag:$0x1], $0x1, s1, s6, $0xb8;
	[tilespmem:$0x2D80] =	vst v63  }
0x164: {  	s1 =	rddreg [dreg:$0x1e]  }
0x165: {  	[spmem:s2] =	stream.indirect.scatter.add.f32 [tilespmem:s7], [sflag:$0x1], $0x1, s31, s6, $0xb8;
	[tilespmem:$0x2D80] =	vst v63  }
0x166: {  	s31 =	rddreg [dreg:$0x1f]  }
0x167: {  	[spmem:s2] =	stream.indirect.scatter.add.f32 [tilespmem:s7], [sflag:$0x1], $0x1, s1, s6, $0xb8;
	[tilespmem:$0x2D80] =	vst v63  }
0x168: {  	s1 =	sld [smem:$0x7D9]  }
0x169: {  	[spmem:s2] =	stream.indirect.scatter.add.f32 [tilespmem:s7], [sflag:$0x1], $0x1, s31, s6, $0xb8;
	[tilespmem:$0x2D80] =	vst v63  }
0x16a: {  	s31 =	sld [smem:$0x7DA]  }
0x16b: {  	[spmem:s2] =	stream.indirect.scatter.add.f32 [tilespmem:s7], [sflag:$0x1], $0x1, s1, s6, $0xb8;
	[tilespmem:$0x2D80] =	vst v63  }
0x16c: {  	s1 =	sld [smem:$0x7DB]  }
0x16d: {  	[spmem:s2] =	stream.indirect.scatter.add.f32 [tilespmem:s7], [sflag:$0x1], $0x1, s31, s6, $0xb8;
	[tilespmem:$0x2D80] =	vst v63  }
0x16e: {  	s31 =	sld [smem:$0x7DC]  }
0x16f: {  	[spmem:s2] =	stream.indirect.scatter.add.f32 [tilespmem:s7], [sflag:$0x1], $0x1, s1, s6, $0xb8;
	[tilespmem:$0x2D80] =	vst v63  }
0x170: {  	s1 =	sld [smem:$0x7DD]  }
0x171: {  	[spmem:s2] =	stream.indirect.scatter.add.f32 [tilespmem:s7], [sflag:$0x1], $0x1, s31, s6, $0xb8;
	[tilespmem:$0x2D80] =	vst v63  }
0x172: {  	s31 =	sld [smem:$0x7DE]  }
0x173: {  	[spmem:s2] =	stream.indirect.scatter.add.f32 [tilespmem:s7], [sflag:$0x1], $0x1, s1, s6, $0xb8;
	[tilespmem:$0x2D80] =	vst v63  }
0x174: {  	s1 =	sld [smem:$0x7DF]  }
0x175: {  	[spmem:s2] =	stream.indirect.scatter.add.f32 [tilespmem:s7], [sflag:$0x1], $0x1, s31, s6, $0xb8;
	[tilespmem:$0x2D80] =	vst v63  }
0x176: {  	s31 =	sld [smem:$0x7E0]  }
0x177: {  	[spmem:s2] =	stream.indirect.scatter.add.f32 [tilespmem:s7], [sflag:$0x1], $0x1, s1, s6, $0xb8;
	[tilespmem:$0x2D80] =	vst v63  }
0x178: {  	s1 =	sld [smem:$0x7E1]  }
0x179: {  	[spmem:s2] =	stream.indirect.scatter.add.f32 [tilespmem:s7], [sflag:$0x1], $0x1, s31, s6, $0xb8;
	[tilespmem:$0x2D80] =	vst v63  }
0x17a: {  	s31 =	sld [smem:$0x7E2]  }
0x17b: {  	[spmem:s2] =	stream.indirect.scatter.add.f32 [tilespmem:s7], [sflag:$0x1], $0x1, s1, s6, $0xb8;
	[tilespmem:$0x2D80] =	vst v63  }
0x17c: {  	s1 =	sld [smem:$0x7E3]  }
0x17d: {  	[spmem:s2] =	stream.indirect.scatter.add.f32 [tilespmem:s7], [sflag:$0x1], $0x1, s31, s6, $0xb8;
	[tilespmem:$0x2D80] =	vst v63  }
0x17e: {  	s31 =	sld [smem:$0x7E4]  }
0x17f: {  	[spmem:s2] =	stream.indirect.scatter.add.f32 [tilespmem:s7], [sflag:$0x1], $0x1, s1, s6, $0xb8;
	[tilespmem:$0x2D80] =	vst v63  }
0x180: {  	s1 =	sld [smem:$0x7E5]  }
0x181: {  	[spmem:s2] =	stream.indirect.scatter.add.f32 [tilespmem:s7], [sflag:$0x1], $0x1, s31, s6, $0xb8;
	[tilespmem:$0x2D80] =	vst v63  }
0x182: {  	s31 =	sld [smem:$0x7E6]  }
0x183: {  	[spmem:s2] =	stream.indirect.scatter.add.f32 [tilespmem:s7], [sflag:$0x1], $0x1, s1, s6, $0xb8;
	[tilespmem:$0x2D80] =	vst v63  }
0x184: {  	s1 =	sld [smem:$0x7E7]  }
0x185: {  	[spmem:s2] =	stream.indirect.scatter.add.f32 [tilespmem:s7], [sflag:$0x1], $0x1, s31, s6, $0xb8;
	[tilespmem:$0x2D80] =	vst v63  }
0x186: {  	s31 =	sld [smem:$0x7E8]  }
0x187: {  	[spmem:s2] =	stream.indirect.scatter.add.f32 [tilespmem:s7], [sflag:$0x1], $0x1, s1, s6, $0xb8;
	[tilespmem:$0x2D80] =	vst v63  }
0x188: {  	s1 =	sld [smem:$0x7E9]  }
0x189: {  	[spmem:s2] =	stream.indirect.scatter.add.f32 [tilespmem:s7], [sflag:$0x1], $0x1, s31, s6, $0xb8;
	[tilespmem:$0x2D80] =	vst v63  }
0x18a: {  	s31 =	sld [smem:$0x7EA]  }
0x18b: {  	[spmem:s2] =	stream.indirect.scatter.add.f32 [tilespmem:s7], [sflag:$0x1], $0x1, s1, s6, $0xb8;
	[tilespmem:$0x2D80] =	vst v63  }
0x18c: {  	s1 =	sld [smem:$0x7EB]  }
0x18d: {  	[spmem:s2] =	stream.indirect.scatter.add.f32 [tilespmem:s7], [sflag:$0x1], $0x1, s31, s6, $0xb8;
	[tilespmem:$0x2D80] =	vst v63  }
0x18e: {  	s31 =	sld [smem:$0x7EC]  }
0x18f: {  	[spmem:s2] =	stream.indirect.scatter.add.f32 [tilespmem:s7], [sflag:$0x1], $0x1, s1, s6, $0xb8;
	[tilespmem:$0x2D80] =	vst v63  }
0x190: {  	s1 =	sld [smem:$0x7ED]  }
0x191: {  	[spmem:s2] =	stream.indirect.scatter.add.f32 [tilespmem:s7], [sflag:$0x1], $0x1, s31, s6, $0xb8;
	[tilespmem:$0x2D80] =	vst v63  }
0x192: {  	s31 =	sld [smem:$0x7EE]  }
0x193: {  	[spmem:s2] =	stream.indirect.scatter.add.f32 [tilespmem:s7], [sflag:$0x1], $0x1, s1, s6, $0xb8;
	[tilespmem:$0x2D80] =	vst v63  }
0x194: {  	s1 =	sld [smem:$0x7EF]  }
0x195: {  	[spmem:s2] =	stream.indirect.scatter.add.f32 [tilespmem:s7], [sflag:$0x1], $0x1, s31, s6, $0xb8;
	[tilespmem:$0x2D80] =	vst v63  }
0x196: {  	s31 =	sld [smem:$0x7F0]  }
0x197: {  	[spmem:s2] =	stream.indirect.scatter.add.f32 [tilespmem:s7], [sflag:$0x1], $0x1, s1, s6, $0xb8;
	[tilespmem:$0x2D80] =	vst v63  }
0x198: {  	s1 =	sld [smem:$0x7F1]  }
0x199: {  	[spmem:s2] =	stream.indirect.scatter.add.f32 [tilespmem:s7], [sflag:$0x1], $0x1, s31, s6, $0xb8;
	[tilespmem:$0x2D80] =	vst v63  }
0x19a: {  	s31 =	sld [smem:$0x7F2]  }
0x19b: {  	[spmem:s2] =	stream.indirect.scatter.add.f32 [tilespmem:s7], [sflag:$0x1], $0x1, s1, s6, $0xb8;
	[tilespmem:$0x2D80] =	vst v63  }
0x19c: {  	s1 =	sld [smem:$0x7F3]  }
0x19d: {  	[spmem:s2] =	stream.indirect.scatter.add.f32 [tilespmem:s7], [sflag:$0x1], $0x1, s31, s6, $0xb8;
	[tilespmem:$0x2D80] =	vst v63  }
0x19e: {  	s31 =	sld [smem:$0x7F4]  }
0x19f: {  	[spmem:s2] =	stream.indirect.scatter.add.f32 [tilespmem:s7], [sflag:$0x1], $0x1, s1, s6, $0xb8;
	[tilespmem:$0x2D80] =	vst v63  }
0x1a0: {  	s1 =	sld [smem:$0x7F5]  }
0x1a1: {  	[spmem:s2] =	stream.indirect.scatter.add.f32 [tilespmem:s7], [sflag:$0x1], $0x1, s31, s6, $0xb8;
	[tilespmem:$0x2D80] =	vst v63  }
0x1a2: {  	s31 =	sld [smem:$0x7F6]  }
0x1a3: {  	[spmem:s2] =	stream.indirect.scatter.add.f32 [tilespmem:s7], [sflag:$0x1], $0x1, s1, s6, $0xb8;
	[tilespmem:$0x2D80] =	vst v63  }
0x1a4: {  	s1 =	sld [smem:$0x7F7]  }
0x1a5: {  	[spmem:s2] =	stream.indirect.scatter.add.f32 [tilespmem:s7], [sflag:$0x1], $0x1, s31, s6, $0xb8;
	[tilespmem:$0x2D80] =	vst v63  }
0x1a6: {  	s31 =	sld [smem:$0x7F8]  }
0x1a7: {  	[spmem:s2] =	stream.indirect.scatter.add.f32 [tilespmem:s7], [sflag:$0x1], $0x1, s1, s6, $0xb8;
	[tilespmem:$0x2D80] =	vst v63  }
0x1a8: {  	s1 =	sld [smem:$0x7F9]  }
0x1a9: {  	[spmem:s2] =	stream.indirect.scatter.add.f32 [tilespmem:s7], [sflag:$0x1], $0x1, s31, s6, $0xb8;
	[tilespmem:$0x2D80] =	vst v63  }
0x1aa: {  	s31 =	sld [smem:$0x7FA]  }
0x1ab: {  	[spmem:s2] =	stream.indirect.scatter.add.f32 [tilespmem:s7], [sflag:$0x1], $0x1, s1, s6, $0xb8;
	[tilespmem:$0x2D80] =	vst v63  }
0x1ac: {  	s1 =	sld [smem:$0x7FB]  }
0x1ad: {  	[spmem:s2] =	stream.indirect.scatter.add.f32 [tilespmem:s7], [sflag:$0x1], $0x1, s31, s6, $0xb8;
	[tilespmem:$0x2D80] =	vst v63  }
0x1ae: {  	s31 =	sld [smem:$0x7FC]  }
0x1af: {  	[spmem:s2] =	stream.indirect.scatter.add.f32 [tilespmem:s7], [sflag:$0x1], $0x1, s1, s6, $0xb8;
	[tilespmem:$0x2D80] =	vst v63  }
0x1b0: {  	s1 =	sld [smem:$0x7FD]  }
0x1b1: {  	[spmem:s2] =	stream.indirect.scatter.add.f32 [tilespmem:s7], [sflag:$0x1], $0x1, s31, s6, $0xb8;
	[tilespmem:$0x2D80] =	vst v63  }
0x1b2: {  	_ = 	snop  }
0x1b3: {  	[spmem:s2] =	stream.indirect.scatter.add.f32 [tilespmem:s7], [sflag:$0x1], $0x1, s1, s6, $0xb8;
	[tilespmem:$0x2D80] =	vst v63  }
0x1b4: {  	_ = 	snop  }
0x1b5: {  	[spmem:s2] =	stream.indirect.scatter.add.f32 [tilespmem:s7], [sflag:$0x1], $0x1, s8, s6, $0xb8;
	[tilespmem:$0x2D80] =	vst v63  }
0x1b6: {  	_ = 	snop  }
0x1b7: {  	[spmem:s2] =	stream.indirect.scatter.add.f32 [tilespmem:s7], [sflag:$0x1], $0x1, s9, s6, $0xb8;
	[tilespmem:$0x2D80] =	vst v63  }
0x1b8: {  	_ = 	snop  }
0x1b9: {  	[spmem:s2] =	stream.indirect.scatter.add.f32 [tilespmem:s7], [sflag:$0x1], $0x1, s10, s6, $0xb8;
	[tilespmem:$0x2D80] =	vst v63  }
0x1ba: {  	_ = 	snop  }
0x1bb: {  	[spmem:s2] =	stream.indirect.scatter.add.f32 [tilespmem:s7], [sflag:$0x1], $0x1, s11, s6, $0xb8;
	[tilespmem:$0x2D80] =	vst v63  }
0x1bc: {  	_ = 	snop  }
0x1bd: {  	[spmem:s2] =	stream.indirect.scatter.add.f32 [tilespmem:s7], [sflag:$0x1], $0x1, s12, s6, $0xb8;
	[tilespmem:$0x2D80] =	vst v63  }
0x1be: {  	_ = 	snop  }
0x1bf: {  	[spmem:s2] =	stream.indirect.scatter.add.f32 [tilespmem:s7], [sflag:$0x1], $0x1, s13, s6, $0xb8;
	[tilespmem:$0x2D80] =	vst v63  }
0x1c0: {  	_ = 	snop  }
0x1c1: {  	[spmem:s2] =	stream.indirect.scatter.add.f32 [tilespmem:s7], [sflag:$0x1], $0x1, s14, s6, $0xb8;
	[tilespmem:$0x2D80] =	vst v63  }
0x1c2: {  	_ = 	snop  }
0x1c3: {  	[spmem:s2] =	stream.indirect.scatter.add.f32 [tilespmem:s7], [sflag:$0x1], $0x1, s15, s6, $0xb8;
	[tilespmem:$0x2D80] =	vst v63  }
0x1c4: {  	_ = 	snop  }
0x1c5: {  	[spmem:s2] =	stream.indirect.scatter.add.f32 [tilespmem:s7], [sflag:$0x1], $0x1, s16, s6, $0xb8;
	[tilespmem:$0x2D80] =	vst v63  }
0x1c6: {  	_ = 	snop  }
0x1c7: {  	[spmem:s2] =	stream.indirect.scatter.add.f32 [tilespmem:s7], [sflag:$0x1], $0x1, s17, s6, $0xb8;
	[tilespmem:$0x2D80] =	vst v63  }
0x1c8: {  	_ = 	snop  }
0x1c9: {  	[spmem:s2] =	stream.indirect.scatter.add.f32 [tilespmem:s7], [sflag:$0x1], $0x1, s18, s6, $0xb8;
	[tilespmem:$0x2D80] =	vst v63  }
0x1ca: {  	_ = 	snop  }
0x1cb: {  	[spmem:s2] =	stream.indirect.scatter.add.f32 [tilespmem:s7], [sflag:$0x1], $0x1, s19, s6, $0xb8;
	[tilespmem:$0x2D80] =	vst v63  }
0x1cc: {  	_ = 	snop  }
0x1cd: {  	[spmem:s2] =	stream.indirect.scatter.add.f32 [tilespmem:s7], [sflag:$0x1], $0x1, s20, s6, $0xb8;
	[tilespmem:$0x2D80] =	vst v63  }
0x1ce: {  	_ = 	snop  }
0x1cf: {  	[spmem:s2] =	stream.indirect.scatter.add.f32 [tilespmem:s7], [sflag:$0x1], $0x1, s21, s6, $0xb8;
	[tilespmem:$0x2D80] =	vst v63  }
0x1d0: {  	_ = 	snop  }
0x1d1: {  	[spmem:s2] =	stream.indirect.scatter.add.f32 [tilespmem:s7], [sflag:$0x1], $0x1, s22, s6, $0xb8;
	[tilespmem:$0x2D80] =	vst v63  }
0x1d2: {  	_ = 	snop  }
0x1d3: {  	[spmem:s2] =	stream.indirect.scatter.add.f32 [tilespmem:s7], [sflag:$0x1], $0x1, s23, s6, $0xb8;
	[tilespmem:$0x2D80] =	vst v63  }
0x1d4: {  	_ =	swait.ge [sflag:s24], $0x2800  }
0x1d5: {  	[sflag:s24] =	ssyncset.done $0x0  }
0x1d6: {  	p0 =	sne.s32 s30, $0x1;
	[sflag:s24] =	ssyncadd.s32 $0xFFFFD800  }
.Ltmp1:
0x1d7: {  	[bflag:$0x0] =	sbarrier.arrive $0xFFFF;
	(pc) =	sbr.rel @p0 .LBB2_1-.Ltmp1, $4  }
0x1d8: {  	s31 =	rddreg [dreg:$0x5]  }
0x1d9: {  	[hbm:s31@s26], [sflag:s25] =	dma.strided [spmem:s29@s28], $0x50, s24, $0x10   }
0x1da: {  	_ =	swait.ge [sflag:s4], $0x50  }
0x1db: {  	s30 =	sadd.s32 $0xFFFFFFFF, s30;
	[sflag:s4] =	ssyncset.done $0x0  }
.LBB2_2:
0x1dc: {  	[sflag:s4] =	ssyncadd.s32 $0xFFFFFFB0  }
0x1dd: {  	_ =	sfence.sel $0x180000  }
0x1de: {  	[bflag:$0x0] =	sbarrier.arrive $0xFFFF  }
0x1df: {  	_ =	strace $0x90000047  }
0x1e0: {  	[bflag:$0x2] =	sbarrier.arrive $0xFFFF  }
0x1e1: {  	p0 =	sne.s32 s0, $0x0;
	s0 =	rddreg [dreg:$0x3]  }
0x1e2: {  	s0 =	sadd.s32 @!p0 $0x100000, s0  }
0x1e3: {  	[sflag:s0] =	ssyncadd.tile.s32 @!p0 $0x1;
	_ =	shalt  }
.Lfunc_end2:
_tile_overlayer_lowered:
.L_overlay_start_2:
0x1e4: {  	(tag) =	ssettag $0x2  }
0x1e5: {  	s0 =	rddreg [dreg:$0x0];
	s2 =	stileid.u32  }
0x1e6: {  	s1 =	rddreg [dreg:$0x1];
	p0 =	sne.s32 s2, $0x0  }
0x1e7: {  	s3 =	rddreg [dreg:$0x2];
	[bflag:$0x3] =	sbarrier.arrive $0xFFFF;
	s2 =	simm.s32 @!p0 $0x1C02  }
0x1e8: {  	[timem:s3], [sflag:s2] =	dma.local @!p0 [hbm:s0], s1  }
0x1e9: {  	s0 =	simm.s32 @!p0 $0x2  }
0x1ea: {  	_ =	swait.ge @!p0 [sflag:s0], s1  }
0x1eb: {  	s1 =	ssub.s32 @!p0 $0x0, s1;
	[sflag:s0] =	ssyncset.done @!p0 $0x0  }
0x1ec: {  	[sflag:s0] =	ssyncadd.s32 @!p0 s1  }
0x1ed: {  	[bflag:$0x3] =	sbarrier.arrive $0xFFFF  }
0x1ee: {  	_ =	shalt  }

</sc_bundles>
